<compile_context>
chip_gen: v7x
topology: tpu7x:2x2x1
jax: 0.10.2.dev20260603
libtpu: 0.0.44.dev20260713+nightly
codegen_flags: <defaults>
</compile_context>

<pallas_src>
import functools

import jax
import jax.numpy as jnp
from jax import lax
from jax.experimental import pallas as pl
from jax.experimental.pallas import tpu as pltpu
from jax.experimental.pallas import tpu_sc as plsc

_V, _D, _F, _K = 10000, 4, 128, 32
_L = 16
_CH = 8
_NCH = _V // _CH
_NC, _NS = 2, 16
_NW = _NC * _NS
_NOFF = 9
_FC = _F // _L
_FO = _NOFF * _F
_NMAX = 40


def _splat_i32(x):
    return jnp.full((_L,), x, dtype=jnp.int32)


def _sc_body(coords_hbm, feats_hbm, nbr_hbm, out_hbm,
             coords_v, idx_v, rows_v, outbuf_v, sem_g, sem_o):
    wid = lax.axis_index("s") * _NC + lax.axis_index("c")
    start = wid * 39 + jnp.minimum(wid, 2)
    n = jnp.where(wid < 2, 40, 39)

    pltpu.sync_copy(coords_hbm, coords_v)

    @pl.when(wid < 2)
    def _():
        pltpu.sync_copy(nbr_hbm.at[pl.ds(start, 40)], idx_v)

    @pl.when(wid >= 2)
    def _():
        pltpu.sync_copy(nbr_hbm.at[pl.ds(start, 39)],
                        idx_v.at[pl.ds(0, 39)])

    def body(i, carry):
        s = jnp.bitwise_and(i, 1)
        sp = jnp.bitwise_and(i + 1, 1)

        @pl.when(i < n)
        def _fire_gathers():
            pltpu.async_copy(feats_hbm.at[idx_v.at[i, 0]],
                             rows_v.at[s, pl.ds(0, 128)], sem_g)
            pltpu.async_copy(feats_hbm.at[idx_v.at[i, 1]],
                             rows_v.at[s, pl.ds(128, 128)], sem_g)

        @pl.when(i >= 1)
        def _consume():
            im1 = i - 1
            v0 = (start + im1) * _CH

            pltpu.make_async_copy(feats_hbm.at[idx_v.at[im1, 0]],
                                  rows_v.at[sp, pl.ds(0, 128)], sem_g).wait()
            pltpu.make_async_copy(feats_hbm.at[idx_v.at[im1, 1]],
                                  rows_v.at[sp, pl.ds(128, 128)], sem_g).wait()

            @pl.when(i >= 3)
            def _():
                for _o in range(_NOFF):
                    pltpu.make_async_copy(
                        outbuf_v.at[sp],
                        out_hbm.at[pl.ds(0, _CH), pl.ds(_o * _F, _F)],
                        sem_o).wait()

            def vert_body(v, carry):
                cc = [plsc.load_gather(coords_v,
                                       [_splat_i32((v0 + v) * _D + d)])
                      for d in range(_D)]
                row_r = v // 4
                whalves = []
                for h in range(_K // _L):
                    col = (v % 4) * _K + h * _L
                    nidx = idx_v[im1, row_r, pl.ds(col, _L)] * _D
                    dsq = jnp.zeros((_L,), jnp.float32)
                    for d in range(_D):
                        df = plsc.load_gather(coords_v, [nidx + d]) - cc[d]
                        dsq = dsq + df * df
                    whalves.append(jnp.exp(dsq * -10.0) * (1.0 / _K))

                acc = [jnp.zeros((_L,), jnp.float32) for _ in range(_FC)]
                for k in range(_K):
                    wk = jnp.take_along_axis(
                        whalves[k // _L],
                        jnp.full((_L,), k % _L, dtype=jnp.int32),
                        axis=0, mode='promise_in_bounds')
                    row = v * _K + k
                    for j in range(_FC):
                        acc[j] = acc[j] + wk * rows_v[sp, row,
                                                      pl.ds(j * _L, _L)]
                for j in range(_FC):
                    outbuf_v[sp, v, pl.ds(j * _L, _L)] = acc[j]
                return carry

            lax.fori_loop(0, _CH, vert_body, 0)

            for _o in range(_NOFF):
                pltpu.async_copy(
                    outbuf_v.at[sp],
                    out_hbm.at[pl.ds(v0, _CH), pl.ds(_o * _F, _F)],
                    sem_o)

        return carry

    lax.fori_loop(0, n + 1, body, 0)

    for _ in range(2 * _NOFF):
        pltpu.make_async_copy(outbuf_v.at[0],
                              out_hbm.at[pl.ds(0, _CH), pl.ds(0, _F)],
                              sem_o).wait()


_sc_kernel = functools.partial(
    pl.kernel,
    out_type=jax.ShapeDtypeStruct((_V, _FO), jnp.float32),
    mesh=plsc.VectorSubcoreMesh(core_axis_name="c", subcore_axis_name="s"),
    compiler_params=pltpu.CompilerParams(needs_layout_passes=False),
    scratch_types=[
        pltpu.VMEM((_V * _D,), jnp.float32),
        pltpu.VMEM((_NMAX, 2, 128), jnp.int32),
        pltpu.VMEM((2, _CH * _K, _F), jnp.float32),
        pltpu.VMEM((2, _CH, _F), jnp.float32),
        pltpu.SemaphoreType.DMA,
        pltpu.SemaphoreType.DMA,
    ],
)(_sc_body)


@jax.jit
def kernel(coordinates, features, distsq, neighbour_indices):
    del distsq
    nbr = neighbour_indices.reshape(_NCH, 2, 128)
    return _sc_kernel(coordinates.reshape(-1), features, nbr)

# --- scband reference (transcript-rebuilt; emitter-appended) ---
"""Pipeline reference for scband-soft-pixel-cnn-36094905155950 (READ-ONLY COPY).

The authoritative reference and input builder live on the scoring server;
editing this copy changes nothing except your own understanding.
"""

import jax, jax.numpy as jnp
import numpy as np


def create_offsets(D, subdivision):
    length_scale = 1
    temp = [np.linspace(-length_scale, length_scale, subdivision) for _ in range(D)]
    res_to_unpack = np.meshgrid(*temp, indexing='xy')
    a = [np.expand_dims(b, axis=D) for b in res_to_unpack]
    a = np.concatenate(a, axis=-1)
    a = np.reshape(a, [-1, D])
    a = np.array(a, dtype='float32')
    a = a[np.sqrt(np.sum(a ** 2, axis=-1)) <= length_scale]
    b = a[np.prod(a, axis=-1) == 0]
    onlyaxis = b[np.count_nonzero(b, axis=-1) == 0]
    onlyaxis = np.concatenate([onlyaxis, b[np.count_nonzero(b, axis=-1) == 1]], axis=0)
    return a, b, onlyaxis


def setup_inputs(seed: int = 0) -> dict:
    key = jax.random.key(seed)
    k1, k2, k3, k4 = jax.random.split(key, 4)
    V, D, F, K = 10000, 4, 128, 32
    coordinates = jax.random.normal(k1, (V, D), dtype=jnp.float32)
    features = jax.random.normal(k2, (V, F), dtype=jnp.float32)
    distsq = jax.random.uniform(k3, (V, K), dtype=jnp.float32)
    neighbour_indices = jax.random.randint(k4, (V, K), 0, V, dtype=jnp.int32)
    return {"coordinates": coordinates, "features": features, "distsq": distsq,
            "neighbour_indices": neighbour_indices}


def reference(coordinates, features, distsq, neighbour_indices):
    # SoftPixelCNN forward (inference: length_scale stays at its init value 1.0;
    # the EMA update of length_scale is a non-trainable statistic update that only
    # runs in the train phase, and distsq is stop_gradient'ed anyway).
    D = coordinates.shape[1]
    F = features.shape[1]
    K = neighbour_indices.shape[1]
    _, _, offsets = create_offsets(D, 3)  # mode='onlyaxes', subdivisions=3 -> 2*D+1 = 9 offsets
    length_scale = jnp.float32(1.0)
    distsq = jax.lax.stop_gradient(distsq)
    # gather neighbour features once: [V, K, F]
    nfeats = jnp.take(features, neighbour_indices, axis=0)
    out = []
    for o in offsets:
        coords = coordinates + jnp.asarray(o)                      # shift by soft-pixel offset
        ncoords = jnp.take(coords, neighbour_indices, axis=0)      # [V, K, D] gather
        # LocalDistance: squared euclidean distance vertex -> each neighbour
        dsq = jnp.sum((coords[:, None, :] - ncoords) ** 2, axis=-1)  # [V, K]
        # AccumulateKnn with distance = length_scale * dsq: gaussian-style weighting
        w = jnp.exp(-10.0 * (length_scale * dsq))                  # [V, K]
        f_mean = jnp.sum(w[:, :, None] * nfeats, axis=1) / K       # mean part, [V, F]
        f = f_mean[:, :F]
        f = jnp.reshape(f, (-1, F))
        out.append(f)
    return jnp.concatenate(out, axis=-1)  # [V, 9*F]

if __name__ == "__main__":
    import jax
    _d = setup_inputs()
    print(jax.jit(kernel)(*tuple(_d.values())))

</pallas_src>

<mosaic_0001>
#map = affine_map<(d0, d1) -> (0)>
#map1 = affine_map<(d0, d1) -> (0, 0)>
#map2 = affine_map<(d0, d1) -> (0, 0, 0)>
module attributes {stable_mosaic.version = 14 : i64} {
  func.func @_sc_body(%arg0: i32, %arg1: i32, %arg2: memref<40000xf32, #tpu.memory_space<hbm>>, %arg3: memref<10000x128xf32, #tpu.memory_space<hbm>>, %arg4: memref<1250x2x128xi32, #tpu.memory_space<hbm>>, %arg5: memref<10000x1152xf32, #tpu.memory_space<hbm>>, %arg6: memref<40000xf32, #tpu.memory_space<vmem>>, %arg7: memref<40x2x128xi32, #tpu.memory_space<vmem>>, %arg8: memref<2x256x128xf32, #tpu.memory_space<vmem>>, %arg9: memref<2x8x128xf32, #tpu.memory_space<vmem>>, %arg10: memref<!tpu.dma_semaphore, #tpu.memory_space<semaphore_mem>>, %arg11: memref<!tpu.dma_semaphore, #tpu.memory_space<semaphore_mem>>) attributes {dimension_semantics = [#tpu.dimension_semantics<core_parallel>, #tpu.dimension_semantics<subcore_parallel>], iteration_bounds = array<i64: 2, 16>, scalar_prefetch = 0 : i64, scratch_operands = 6 : i64, tpu.core_type = #tpu.core_type<sc_vector_subcore>, window_params = [{transform_indices = #map}, {transform_indices = #map1}, {transform_indices = #map2}, {transform_indices = #map1}]} {
    %mul3A = arith.constant 2 : i32
    %mul3A_0 = arith.muli %arg1, %mul3A : i32
    %add3A = arith.addi %mul3A_0, %arg0 : i32
    %mul3A_1 = arith.constant 39 : i32
    %mul3A_2 = arith.muli %add3A, %mul3A_1 : i32
    %min3A = arith.constant 2 : i32
    %min3A_3 = arith.minsi %add3A, %min3A : i32
    %add3A_4 = arith.addi %mul3A_2, %min3A_3 : i32
    %lt3A = arith.constant 2 : i32
    %lt3A_5 = arith.cmpi slt, %add3A, %lt3A : i32
    %jit3A = arith.constant 40 : i32
    %jit3A_6 = arith.constant 39 : i32
    %select_n3A = arith.select %lt3A_5, %jit3A, %jit3A_6 : i32
    "tpu.region"() ({
      %run_scoped3A = tpu.sem_alloc : memref<!tpu.dma_semaphore, #tpu.memory_space<semaphore_mem>>
      tpu.enqueue_dma source(%arg2 : memref<40000xf32, #tpu.memory_space<hbm>>) target(%arg6 : memref<40000xf32, #tpu.memory_space<vmem>>) target_semaphore(%run_scoped3A : memref<!tpu.dma_semaphore, #tpu.memory_space<semaphore_mem>>)
      tpu.wait_dma2 semaphore(%run_scoped3A : memref<!tpu.dma_semaphore, #tpu.memory_space<semaphore_mem>>) src(%arg2 : memref<40000xf32, #tpu.memory_space<hbm>>) dst(%arg6 : memref<40000xf32, #tpu.memory_space<vmem>>)
      tpu.yield
    }) : () -> ()
    %lt3A_7 = arith.constant 2 : i32
    %lt3A_8 = arith.cmpi slt, %add3A, %lt3A_7 : i32
    %convert_element_type3A = arith.extui %lt3A_8 : i1 to i32
    %cond3A = arith.constant 0 : i32
    %cond3A_9 = arith.cmpi ne, %convert_element_type3A, %cond3A : i32
    scf.if %cond3A_9 {
      "tpu.region"() ({
        %run_scoped3A = tpu.sem_alloc : memref<!tpu.dma_semaphore, #tpu.memory_space<semaphore_mem>>
        %dma_start3A = arith.constant 0 : i32
        %dma_start3A_294 = arith.constant 0 : i32
        %dma_start3A_295 = tpu.memref_slice %arg4[%add3A_4, %dma_start3A, %dma_start3A_294] : memref<1250x2x128xi32, #tpu.memory_space<hbm>> -> memref<40x2x128xi32, #tpu.memory_space<hbm>>
        %dma_start3A_296 = arith.constant 0 : i32
        %dma_start3A_297 = arith.constant 0 : i32
        %dma_start3A_298 = tpu.memref_slice %arg4[%add3A_4, %dma_start3A_296, %dma_start3A_297] : memref<1250x2x128xi32, #tpu.memory_space<hbm>> -> memref<40x2x128xi32, #tpu.memory_space<hbm>>
        tpu.enqueue_dma source(%dma_start3A_298 : memref<40x2x128xi32, #tpu.memory_space<hbm>>) target(%arg7 : memref<40x2x128xi32, #tpu.memory_space<vmem>>) target_semaphore(%run_scoped3A : memref<!tpu.dma_semaphore, #tpu.memory_space<semaphore_mem>>)
        %dma_wait3A_299 = arith.constant 0 : i32
        %dma_wait3A_300 = arith.constant 0 : i32
        %dma_wait3A_301 = tpu.memref_slice %arg4[%add3A_4, %dma_wait3A_299, %dma_wait3A_300] : memref<1250x2x128xi32, #tpu.memory_space<hbm>> -> memref<40x2x128xi32, #tpu.memory_space<hbm>>
        %dma_wait3A_302 = arith.constant 0 : i32
        %dma_wait3A_303 = arith.constant 0 : i32
        %dma_wait3A_304 = tpu.memref_slice %arg4[%add3A_4, %dma_wait3A_302, %dma_wait3A_303] : memref<1250x2x128xi32, #tpu.memory_space<hbm>> -> memref<40x2x128xi32, #tpu.memory_space<hbm>>
        tpu.wait_dma2 semaphore(%run_scoped3A : memref<!tpu.dma_semaphore, #tpu.memory_space<semaphore_mem>>) src(%dma_wait3A_304 : memref<40x2x128xi32, #tpu.memory_space<hbm>>) dst(%arg7 : memref<40x2x128xi32, #tpu.memory_space<vmem>>)
        tpu.yield
      }) : () -> ()
    } else {
    }
    %ge3A = arith.constant 2 : i32
    %ge3A_10 = arith.cmpi sge, %add3A, %ge3A : i32
    %convert_element_type3A_11 = arith.extui %ge3A_10 : i1 to i32
    %cond3A_12 = arith.constant 0 : i32
    %cond3A_13 = arith.cmpi ne, %convert_element_type3A_11, %cond3A_12 : i32
    scf.if %cond3A_13 {
      "tpu.region"() ({
        %run_scoped3A = tpu.sem_alloc : memref<!tpu.dma_semaphore, #tpu.memory_space<semaphore_mem>>
        %dma_start3A = arith.constant 0 : i32
        %dma_start3A_294 = arith.constant 0 : i32
        %dma_start3A_295 = arith.constant 0 : i32
        %dma_start3A_296 = tpu.memref_slice %arg7[%dma_start3A, %dma_start3A_294, %dma_start3A_295] : memref<40x2x128xi32, #tpu.memory_space<vmem>> -> memref<39x2x128xi32, #tpu.memory_space<vmem>>
        %dma_start3A_297 = arith.constant 0 : i32
        %dma_start3A_298 = arith.constant 0 : i32
        %dma_start3A_299 = tpu.memref_slice %arg4[%add3A_4, %dma_start3A_297, %dma_start3A_298] : memref<1250x2x128xi32, #tpu.memory_space<hbm>> -> memref<39x2x128xi32, #tpu.memory_space<hbm>>
        %dma_start3A_300 = arith.constant 0 : i32
        %dma_start3A_301 = arith.constant 0 : i32
        %dma_start3A_302 = arith.constant 0 : i32
        %dma_start3A_303 = tpu.memref_slice %arg7[%dma_start3A_300, %dma_start3A_301, %dma_start3A_302] : memref<40x2x128xi32, #tpu.memory_space<vmem>> -> memref<39x2x128xi32, #tpu.memory_space<vmem>>
        %dma_start3A_304 = arith.constant 0 : i32
        %dma_start3A_305 = arith.constant 0 : i32
        %dma_start3A_306 = tpu.memref_slice %arg4[%add3A_4, %dma_start3A_304, %dma_start3A_305] : memref<1250x2x128xi32, #tpu.memory_space<hbm>> -> memref<39x2x128xi32, #tpu.memory_space<hbm>>
        tpu.enqueue_dma source(%dma_start3A_306 : memref<39x2x128xi32, #tpu.memory_space<hbm>>) target(%dma_start3A_303 : memref<39x2x128xi32, #tpu.memory_space<vmem>>) target_semaphore(%run_scoped3A : memref<!tpu.dma_semaphore, #tpu.memory_space<semaphore_mem>>)
        %dma_wait3A_307 = arith.constant 0 : i32
        %dma_wait3A_308 = arith.constant 0 : i32
        %dma_wait3A_309 = arith.constant 0 : i32
        %dma_wait3A_310 = tpu.memref_slice %arg7[%dma_wait3A_307, %dma_wait3A_308, %dma_wait3A_309] : memref<40x2x128xi32, #tpu.memory_space<vmem>> -> memref<39x2x128xi32, #tpu.memory_space<vmem>>
        %dma_wait3A_311 = arith.constant 0 : i32
        %dma_wait3A_312 = arith.constant 0 : i32
        %dma_wait3A_313 = tpu.memref_slice %arg4[%add3A_4, %dma_wait3A_311, %dma_wait3A_312] : memref<1250x2x128xi32, #tpu.memory_space<hbm>> -> memref<39x2x128xi32, #tpu.memory_space<hbm>>
        %dma_wait3A_314 = arith.constant 0 : i32
        %dma_wait3A_315 = arith.constant 0 : i32
        %dma_wait3A_316 = arith.constant 0 : i32
        %dma_wait3A_317 = tpu.memref_slice %arg7[%dma_wait3A_314, %dma_wait3A_315, %dma_wait3A_316] : memref<40x2x128xi32, #tpu.memory_space<vmem>> -> memref<39x2x128xi32, #tpu.memory_space<vmem>>
        %dma_wait3A_318 = arith.constant 0 : i32
        %dma_wait3A_319 = arith.constant 0 : i32
        %dma_wait3A_320 = tpu.memref_slice %arg4[%add3A_4, %dma_wait3A_318, %dma_wait3A_319] : memref<1250x2x128xi32, #tpu.memory_space<hbm>> -> memref<39x2x128xi32, #tpu.memory_space<hbm>>
        tpu.wait_dma2 semaphore(%run_scoped3A : memref<!tpu.dma_semaphore, #tpu.memory_space<semaphore_mem>>) src(%dma_wait3A_320 : memref<39x2x128xi32, #tpu.memory_space<hbm>>) dst(%dma_wait3A_317 : memref<39x2x128xi32, #tpu.memory_space<vmem>>)
        tpu.yield
      }) : () -> ()
    } else {
    }
    %add3A_14 = arith.constant 1 : i32
    %add3A_15 = arith.addi %select_n3A, %add3A_14 : i32
    %while3A = arith.constant 0 : i32
    %while3A_16 = arith.constant 0 : i32
    %while3A_17 = arith.subi %add3A_15, %while3A_16 : i32
    %while3A_18 = arith.addi %while3A_16, %while3A_17 : i32
    %while3A_19 = arith.constant 1 : i32
    %while3A_20 = arith.divsi %while3A_17, %while3A_19 : i32
    %while3A_21 = arith.muli %while3A_20, %while3A_19 : i32
    %while3A_22 = arith.addi %while3A_16, %while3A_21 : i32
    %while3A_23 = arith.constant 1 : i32
    scf.for %while3A_294 = %while3A_16 to %while3A_22 step %while3A_23  : i32 {
      %and3A = arith.constant 1 : i32
      %and3A_295 = arith.andi %while3A_294, %and3A : i32
      %add3A_296 = arith.constant 1 : i32
      %add3A_297 = arith.addi %while3A_294, %add3A_296 : i32
      %and3A_298 = arith.constant 1 : i32
      %and3A_299 = arith.andi %add3A_297, %and3A_298 : i32
      %lt3A_300 = arith.cmpi slt, %while3A_294, %select_n3A : i32
      %convert_element_type3A_301 = arith.extui %lt3A_300 : i1 to i32
      %cond3A_302 = arith.constant 0 : i32
      %cond3A_303 = arith.cmpi ne, %convert_element_type3A_301, %cond3A_302 : i32
      scf.if %cond3A_303 {
        %dma_start3A = arith.constant 0 : i32
        %dma_start3A_309 = arith.constant 0 : i32
        %dma_start3A_310 = arith.constant 0 : i32
        %dma_start3A_311 = tpu.memref_slice %arg8[%and3A_295, %dma_start3A_309, %dma_start3A_310] : memref<2x256x128xf32, #tpu.memory_space<vmem>> -> memref<1x128x128xf32, #tpu.memory_space<vmem>>
        %dma_start3A_312 = tpu.memref_squeeze %dma_start3A_311 : memref<1x128x128xf32, #tpu.memory_space<vmem>> -> memref<128x128xf32, #tpu.memory_space<vmem>>
        %dma_start3A_313 = arith.constant 0 : i32
        %dma_start3A_314 = tpu.memref_slice %arg7[%while3A_294, %dma_start3A, %dma_start3A_313] : memref<40x2x128xi32, #tpu.memory_space<vmem>> -> memref<1x1x128xi32, #tpu.memory_space<vmem>>
        %dma_start3A_315 = tpu.memref_squeeze %dma_start3A_314 : memref<1x1x128xi32, #tpu.memory_space<vmem>> -> memref<128xi32, #tpu.memory_space<vmem>>
        %dma_start3A_316 = arith.constant 0 : i32
        %dma_start3A_317 = arith.constant 0 : i32
        %dma_start3A_318 = tpu.memref_slice %arg3[%dma_start3A_316, %dma_start3A_317] : memref<10000x128xf32, #tpu.memory_space<hbm>> -> memref<10000x128xf32, #tpu.memory_space<hbm>>
        tpu.enqueue_indirect_dma source(%dma_start3A_318 : memref<10000x128xf32, #tpu.memory_space<hbm>>) target(%dma_start3A_312 : memref<128x128xf32, #tpu.memory_space<vmem>>) offsets(%dma_start3A_315 : memref<128xi32, #tpu.memory_space<vmem>>) semaphore(%arg10 : memref<!tpu.dma_semaphore, #tpu.memory_space<semaphore_mem>>)
        %dma_start3A_319 = arith.constant 1 : i32
        %dma_start3A_320 = arith.constant 128 : i32
        %dma_start3A_321 = arith.constant 0 : i32
        %dma_start3A_322 = tpu.memref_slice %arg8[%and3A_295, %dma_start3A_320, %dma_start3A_321] : memref<2x256x128xf32, #tpu.memory_space<vmem>> -> memref<1x128x128xf32, #tpu.memory_space<vmem>>
        %dma_start3A_323 = tpu.memref_squeeze %dma_start3A_322 : memref<1x128x128xf32, #tpu.memory_space<vmem>> -> memref<128x128xf32, #tpu.memory_space<vmem>>
        %dma_start3A_324 = arith.constant 0 : i32
        %dma_start3A_325 = tpu.memref_slice %arg7[%while3A_294, %dma_start3A_319, %dma_start3A_324] : memref<40x2x128xi32, #tpu.memory_space<vmem>> -> memref<1x1x128xi32, #tpu.memory_space<vmem>>
        %dma_start3A_326 = tpu.memref_squeeze %dma_start3A_325 : memref<1x1x128xi32, #tpu.memory_space<vmem>> -> memref<128xi32, #tpu.memory_space<vmem>>
        %dma_start3A_327 = arith.constant 0 : i32
        %dma_start3A_328 = arith.constant 0 : i32
        %dma_start3A_329 = tpu.memref_slice %arg3[%dma_start3A_327, %dma_start3A_328] : memref<10000x128xf32, #tpu.memory_space<hbm>> -> memref<10000x128xf32, #tpu.memory_space<hbm>>
        tpu.enqueue_indirect_dma source(%dma_start3A_329 : memref<10000x128xf32, #tpu.memory_space<hbm>>) target(%dma_start3A_323 : memref<128x128xf32, #tpu.memory_space<vmem>>) offsets(%dma_start3A_326 : memref<128xi32, #tpu.memory_space<vmem>>) semaphore(%arg10 : memref<!tpu.dma_semaphore, #tpu.memory_space<semaphore_mem>>)
      } else {
      }
      %ge3A_304 = arith.constant 1 : i32
      %ge3A_305 = arith.cmpi sge, %while3A_294, %ge3A_304 : i32
      %convert_element_type3A_306 = arith.extui %ge3A_305 : i1 to i32
      %cond3A_307 = arith.constant 0 : i32
      %cond3A_308 = arith.cmpi ne, %convert_element_type3A_306, %cond3A_307 : i32
      scf.if %cond3A_308 {
        %sub3A = arith.constant 1 : i32
        %sub3A_309 = arith.subi %while3A_294, %sub3A : i32
        %add3A_310 = arith.addi %add3A_4, %sub3A_309 : i32
        %mul3A_311 = arith.constant 8 : i32
        %mul3A_312 = arith.muli %add3A_310, %mul3A_311 : i32
        %dma_wait3A_313 = arith.constant 0 : i32
        %dma_wait3A_314 = arith.constant 0 : i32
        %dma_wait3A_315 = arith.constant 0 : i32
        %dma_wait3A_316 = tpu.memref_slice %arg8[%and3A_299, %dma_wait3A_314, %dma_wait3A_315] : memref<2x256x128xf32, #tpu.memory_space<vmem>> -> memref<1x128x128xf32, #tpu.memory_space<vmem>>
        %dma_wait3A_317 = tpu.memref_squeeze %dma_wait3A_316 : memref<1x128x128xf32, #tpu.memory_space<vmem>> -> memref<128x128xf32, #tpu.memory_space<vmem>>
        %dma_wait3A_318 = arith.constant 0 : i32
        %dma_wait3A_319 = tpu.memref_slice %arg7[%sub3A_309, %dma_wait3A_313, %dma_wait3A_318] : memref<40x2x128xi32, #tpu.memory_space<vmem>> -> memref<1x1x128xi32, #tpu.memory_space<vmem>>
        %dma_wait3A_320 = tpu.memref_squeeze %dma_wait3A_319 : memref<1x1x128xi32, #tpu.memory_space<vmem>> -> memref<128xi32, #tpu.memory_space<vmem>>
        %dma_wait3A_321 = arith.constant 0 : i32
        %dma_wait3A_322 = arith.constant 0 : i32
        %dma_wait3A_323 = tpu.memref_slice %arg3[%dma_wait3A_321, %dma_wait3A_322] : memref<10000x128xf32, #tpu.memory_space<hbm>> -> memref<10000x128xf32, #tpu.memory_space<hbm>>
        tpu.wait_indirect_dma semaphore(%arg10 : memref<!tpu.dma_semaphore, #tpu.memory_space<semaphore_mem>>) src(%dma_wait3A_323 : memref<10000x128xf32, #tpu.memory_space<hbm>>) dst(%dma_wait3A_317 : memref<128x128xf32, #tpu.memory_space<vmem>>)
        %dma_wait3A_324 = arith.constant 1 : i32
        %dma_wait3A_325 = arith.constant 128 : i32
        %dma_wait3A_326 = arith.constant 0 : i32
        %dma_wait3A_327 = tpu.memref_slice %arg8[%and3A_299, %dma_wait3A_325, %dma_wait3A_326] : memref<2x256x128xf32, #tpu.memory_space<vmem>> -> memref<1x128x128xf32, #tpu.memory_space<vmem>>
        %dma_wait3A_328 = tpu.memref_squeeze %dma_wait3A_327 : memref<1x128x128xf32, #tpu.memory_space<vmem>> -> memref<128x128xf32, #tpu.memory_space<vmem>>
        %dma_wait3A_329 = arith.constant 0 : i32
        %dma_wait3A_330 = tpu.memref_slice %arg7[%sub3A_309, %dma_wait3A_324, %dma_wait3A_329] : memref<40x2x128xi32, #tpu.memory_space<vmem>> -> memref<1x1x128xi32, #tpu.memory_space<vmem>>
        %dma_wait3A_331 = tpu.memref_squeeze %dma_wait3A_330 : memref<1x1x128xi32, #tpu.memory_space<vmem>> -> memref<128xi32, #tpu.memory_space<vmem>>
        %dma_wait3A_332 = arith.constant 0 : i32
        %dma_wait3A_333 = arith.constant 0 : i32
        %dma_wait3A_334 = tpu.memref_slice %arg3[%dma_wait3A_332, %dma_wait3A_333] : memref<10000x128xf32, #tpu.memory_space<hbm>> -> memref<10000x128xf32, #tpu.memory_space<hbm>>
        tpu.wait_indirect_dma semaphore(%arg10 : memref<!tpu.dma_semaphore, #tpu.memory_space<semaphore_mem>>) src(%dma_wait3A_334 : memref<10000x128xf32, #tpu.memory_space<hbm>>) dst(%dma_wait3A_328 : memref<128x128xf32, #tpu.memory_space<vmem>>)
        %ge3A_335 = arith.constant 3 : i32
        %ge3A_336 = arith.cmpi sge, %while3A_294, %ge3A_335 : i32
        %convert_element_type3A_337 = arith.extui %ge3A_336 : i1 to i32
        %cond3A_338 = arith.constant 0 : i32
        %cond3A_339 = arith.cmpi ne, %convert_element_type3A_337, %cond3A_338 : i32
        scf.if %cond3A_339 {
          %dma_wait3A_452 = arith.constant 0 : i32
          %dma_wait3A_453 = arith.constant 0 : i32
          %dma_wait3A_454 = tpu.memref_slice %arg9[%and3A_299, %dma_wait3A_452, %dma_wait3A_453] : memref<2x8x128xf32, #tpu.memory_space<vmem>> -> memref<1x8x128xf32, #tpu.memory_space<vmem>>
          %dma_wait3A_455 = tpu.memref_squeeze %dma_wait3A_454 : memref<1x8x128xf32, #tpu.memory_space<vmem>> -> memref<8x128xf32, #tpu.memory_space<vmem>>
          %dma_wait3A_456 = arith.constant 0 : i32
          %dma_wait3A_457 = arith.constant 0 : i32
          %dma_wait3A_458 = tpu.memref_slice %arg5[%dma_wait3A_456, %dma_wait3A_457] : memref<10000x1152xf32, #tpu.memory_space<hbm>> -> memref<8x128xf32, #tpu.memory_space<hbm>>
          %dma_wait3A_459 = arith.constant 0 : i32
          %dma_wait3A_460 = arith.constant 0 : i32
          %dma_wait3A_461 = tpu.memref_slice %arg5[%dma_wait3A_459, %dma_wait3A_460] : memref<10000x1152xf32, #tpu.memory_space<hbm>> -> memref<8x128xf32, #tpu.memory_space<hbm>>
          %dma_wait3A_462 = arith.constant 0 : i32
          %dma_wait3A_463 = arith.constant 0 : i32
          %dma_wait3A_464 = tpu.memref_slice %arg9[%and3A_299, %dma_wait3A_462, %dma_wait3A_463] : memref<2x8x128xf32, #tpu.memory_space<vmem>> -> memref<1x8x128xf32, #tpu.memory_space<vmem>>
          %dma_wait3A_465 = tpu.memref_squeeze %dma_wait3A_464 : memref<1x8x128xf32, #tpu.memory_space<vmem>> -> memref<8x128xf32, #tpu.memory_space<vmem>>
          tpu.wait_dma2 semaphore(%arg11 : memref<!tpu.dma_semaphore, #tpu.memory_space<semaphore_mem>>) src(%dma_wait3A_465 : memref<8x128xf32, #tpu.memory_space<vmem>>) dst(%dma_wait3A_461 : memref<8x128xf32, #tpu.memory_space<hbm>>)
          %dma_wait3A_466 = arith.constant 0 : i32
          %dma_wait3A_467 = arith.constant 0 : i32
          %dma_wait3A_468 = tpu.memref_slice %arg9[%and3A_299, %dma_wait3A_466, %dma_wait3A_467] : memref<2x8x128xf32, #tpu.memory_space<vmem>> -> memref<1x8x128xf32, #tpu.memory_space<vmem>>
          %dma_wait3A_469 = tpu.memref_squeeze %dma_wait3A_468 : memref<1x8x128xf32, #tpu.memory_space<vmem>> -> memref<8x128xf32, #tpu.memory_space<vmem>>
          %dma_wait3A_470 = arith.constant 0 : i32
          %dma_wait3A_471 = arith.constant 128 : i32
          %dma_wait3A_472 = tpu.memref_slice %arg5[%dma_wait3A_470, %dma_wait3A_471] : memref<10000x1152xf32, #tpu.memory_space<hbm>> -> memref<8x128xf32, #tpu.memory_space<hbm>>
          %dma_wait3A_473 = arith.constant 0 : i32
          %dma_wait3A_474 = arith.constant 128 : i32
          %dma_wait3A_475 = tpu.memref_slice %arg5[%dma_wait3A_473, %dma_wait3A_474] : memref<10000x1152xf32, #tpu.memory_space<hbm>> -> memref<8x128xf32, #tpu.memory_space<hbm>>
          %dma_wait3A_476 = arith.constant 0 : i32
          %dma_wait3A_477 = arith.constant 0 : i32
          %dma_wait3A_478 = tpu.memref_slice %arg9[%and3A_299, %dma_wait3A_476, %dma_wait3A_477] : memref<2x8x128xf32, #tpu.memory_space<vmem>> -> memref<1x8x128xf32, #tpu.memory_space<vmem>>
          %dma_wait3A_479 = tpu.memref_squeeze %dma_wait3A_478 : memref<1x8x128xf32, #tpu.memory_space<vmem>> -> memref<8x128xf32, #tpu.memory_space<vmem>>
          tpu.wait_dma2 semaphore(%arg11 : memref<!tpu.dma_semaphore, #tpu.memory_space<semaphore_mem>>) src(%dma_wait3A_479 : memref<8x128xf32, #tpu.memory_space<vmem>>) dst(%dma_wait3A_475 : memref<8x128xf32, #tpu.memory_space<hbm>>)
          %dma_wait3A_480 = arith.constant 0 : i32
          %dma_wait3A_481 = arith.constant 0 : i32
          %dma_wait3A_482 = tpu.memref_slice %arg9[%and3A_299, %dma_wait3A_480, %dma_wait3A_481] : memref<2x8x128xf32, #tpu.memory_space<vmem>> -> memref<1x8x128xf32, #tpu.memory_space<vmem>>
          %dma_wait3A_483 = tpu.memref_squeeze %dma_wait3A_482 : memref<1x8x128xf32, #tpu.memory_space<vmem>> -> memref<8x128xf32, #tpu.memory_space<vmem>>
          %dma_wait3A_484 = arith.constant 0 : i32
          %dma_wait3A_485 = arith.constant 256 : i32
          %dma_wait3A_486 = tpu.memref_slice %arg5[%dma_wait3A_484, %dma_wait3A_485] : memref<10000x1152xf32, #tpu.memory_space<hbm>> -> memref<8x128xf32, #tpu.memory_space<hbm>>
          %dma_wait3A_487 = arith.constant 0 : i32
          %dma_wait3A_488 = arith.constant 256 : i32
          %dma_wait3A_489 = tpu.memref_slice %arg5[%dma_wait3A_487, %dma_wait3A_488] : memref<10000x1152xf32, #tpu.memory_space<hbm>> -> memref<8x128xf32, #tpu.memory_space<hbm>>
          %dma_wait3A_490 = arith.constant 0 : i32
          %dma_wait3A_491 = arith.constant 0 : i32
          %dma_wait3A_492 = tpu.memref_slice %arg9[%and3A_299, %dma_wait3A_490, %dma_wait3A_491] : memref<2x8x128xf32, #tpu.memory_space<vmem>> -> memref<1x8x128xf32, #tpu.memory_space<vmem>>
          %dma_wait3A_493 = tpu.memref_squeeze %dma_wait3A_492 : memref<1x8x128xf32, #tpu.memory_space<vmem>> -> memref<8x128xf32, #tpu.memory_space<vmem>>
          tpu.wait_dma2 semaphore(%arg11 : memref<!tpu.dma_semaphore, #tpu.memory_space<semaphore_mem>>) src(%dma_wait3A_493 : memref<8x128xf32, #tpu.memory_space<vmem>>) dst(%dma_wait3A_489 : memref<8x128xf32, #tpu.memory_space<hbm>>)
          %dma_wait3A_494 = arith.constant 0 : i32
          %dma_wait3A_495 = arith.constant 0 : i32
          %dma_wait3A_496 = tpu.memref_slice %arg9[%and3A_299, %dma_wait3A_494, %dma_wait3A_495] : memref<2x8x128xf32, #tpu.memory_space<vmem>> -> memref<1x8x128xf32, #tpu.memory_space<vmem>>
          %dma_wait3A_497 = tpu.memref_squeeze %dma_wait3A_496 : memref<1x8x128xf32, #tpu.memory_space<vmem>> -> memref<8x128xf32, #tpu.memory_space<vmem>>
          %dma_wait3A_498 = arith.constant 0 : i32
          %dma_wait3A_499 = arith.constant 384 : i32
          %dma_wait3A_500 = tpu.memref_slice %arg5[%dma_wait3A_498, %dma_wait3A_499] : memref<10000x1152xf32, #tpu.memory_space<hbm>> -> memref<8x128xf32, #tpu.memory_space<hbm>>
          %dma_wait3A_501 = arith.constant 0 : i32
          %dma_wait3A_502 = arith.constant 384 : i32
          %dma_wait3A_503 = tpu.memref_slice %arg5[%dma_wait3A_501, %dma_wait3A_502] : memref<10000x1152xf32, #tpu.memory_space<hbm>> -> memref<8x128xf32, #tpu.memory_space<hbm>>
          %dma_wait3A_504 = arith.constant 0 : i32
          %dma_wait3A_505 = arith.constant 0 : i32
          %dma_wait3A_506 = tpu.memref_slice %arg9[%and3A_299, %dma_wait3A_504, %dma_wait3A_505] : memref<2x8x128xf32, #tpu.memory_space<vmem>> -> memref<1x8x128xf32, #tpu.memory_space<vmem>>
          %dma_wait3A_507 = tpu.memref_squeeze %dma_wait3A_506 : memref<1x8x128xf32, #tpu.memory_space<vmem>> -> memref<8x128xf32, #tpu.memory_space<vmem>>
          tpu.wait_dma2 semaphore(%arg11 : memref<!tpu.dma_semaphore, #tpu.memory_space<semaphore_mem>>) src(%dma_wait3A_507 : memref<8x128xf32, #tpu.memory_space<vmem>>) dst(%dma_wait3A_503 : memref<8x128xf32, #tpu.memory_space<hbm>>)
          %dma_wait3A_508 = arith.constant 0 : i32
          %dma_wait3A_509 = arith.constant 0 : i32
          %dma_wait3A_510 = tpu.memref_slice %arg9[%and3A_299, %dma_wait3A_508, %dma_wait3A_509] : memref<2x8x128xf32, #tpu.memory_space<vmem>> -> memref<1x8x128xf32, #tpu.memory_space<vmem>>
          %dma_wait3A_511 = tpu.memref_squeeze %dma_wait3A_510 : memref<1x8x128xf32, #tpu.memory_space<vmem>> -> memref<8x128xf32, #tpu.memory_space<vmem>>
          %dma_wait3A_512 = arith.constant 0 : i32
          %dma_wait3A_513 = arith.constant 512 : i32
          %dma_wait3A_514 = tpu.memref_slice %arg5[%dma_wait3A_512, %dma_wait3A_513] : memref<10000x1152xf32, #tpu.memory_space<hbm>> -> memref<8x128xf32, #tpu.memory_space<hbm>>
          %dma_wait3A_515 = arith.constant 0 : i32
          %dma_wait3A_516 = arith.constant 512 : i32
          %dma_wait3A_517 = tpu.memref_slice %arg5[%dma_wait3A_515, %dma_wait3A_516] : memref<10000x1152xf32, #tpu.memory_space<hbm>> -> memref<8x128xf32, #tpu.memory_space<hbm>>
          %dma_wait3A_518 = arith.constant 0 : i32
          %dma_wait3A_519 = arith.constant 0 : i32
          %dma_wait3A_520 = tpu.memref_slice %arg9[%and3A_299, %dma_wait3A_518, %dma_wait3A_519] : memref<2x8x128xf32, #tpu.memory_space<vmem>> -> memref<1x8x128xf32, #tpu.memory_space<vmem>>
          %dma_wait3A_521 = tpu.memref_squeeze %dma_wait3A_520 : memref<1x8x128xf32, #tpu.memory_space<vmem>> -> memref<8x128xf32, #tpu.memory_space<vmem>>
          tpu.wait_dma2 semaphore(%arg11 : memref<!tpu.dma_semaphore, #tpu.memory_space<semaphore_mem>>) src(%dma_wait3A_521 : memref<8x128xf32, #tpu.memory_space<vmem>>) dst(%dma_wait3A_517 : memref<8x128xf32, #tpu.memory_space<hbm>>)
          %dma_wait3A_522 = arith.constant 0 : i32
          %dma_wait3A_523 = arith.constant 0 : i32
          %dma_wait3A_524 = tpu.memref_slice %arg9[%and3A_299, %dma_wait3A_522, %dma_wait3A_523] : memref<2x8x128xf32, #tpu.memory_space<vmem>> -> memref<1x8x128xf32, #tpu.memory_space<vmem>>
          %dma_wait3A_525 = tpu.memref_squeeze %dma_wait3A_524 : memref<1x8x128xf32, #tpu.memory_space<vmem>> -> memref<8x128xf32, #tpu.memory_space<vmem>>
          %dma_wait3A_526 = arith.constant 0 : i32
          %dma_wait3A_527 = arith.constant 640 : i32
          %dma_wait3A_528 = tpu.memref_slice %arg5[%dma_wait3A_526, %dma_wait3A_527] : memref<10000x1152xf32, #tpu.memory_space<hbm>> -> memref<8x128xf32, #tpu.memory_space<hbm>>
          %dma_wait3A_529 = arith.constant 0 : i32
          %dma_wait3A_530 = arith.constant 640 : i32
          %dma_wait3A_531 = tpu.memref_slice %arg5[%dma_wait3A_529, %dma_wait3A_530] : memref<10000x1152xf32, #tpu.memory_space<hbm>> -> memref<8x128xf32, #tpu.memory_space<hbm>>
          %dma_wait3A_532 = arith.constant 0 : i32
          %dma_wait3A_533 = arith.constant 0 : i32
          %dma_wait3A_534 = tpu.memref_slice %arg9[%and3A_299, %dma_wait3A_532, %dma_wait3A_533] : memref<2x8x128xf32, #tpu.memory_space<vmem>> -> memref<1x8x128xf32, #tpu.memory_space<vmem>>
          %dma_wait3A_535 = tpu.memref_squeeze %dma_wait3A_534 : memref<1x8x128xf32, #tpu.memory_space<vmem>> -> memref<8x128xf32, #tpu.memory_space<vmem>>
          tpu.wait_dma2 semaphore(%arg11 : memref<!tpu.dma_semaphore, #tpu.memory_space<semaphore_mem>>) src(%dma_wait3A_535 : memref<8x128xf32, #tpu.memory_space<vmem>>) dst(%dma_wait3A_531 : memref<8x128xf32, #tpu.memory_space<hbm>>)
          %dma_wait3A_536 = arith.constant 0 : i32
          %dma_wait3A_537 = arith.constant 0 : i32
          %dma_wait3A_538 = tpu.memref_slice %arg9[%and3A_299, %dma_wait3A_536, %dma_wait3A_537] : memref<2x8x128xf32, #tpu.memory_space<vmem>> -> memref<1x8x128xf32, #tpu.memory_space<vmem>>
          %dma_wait3A_539 = tpu.memref_squeeze %dma_wait3A_538 : memref<1x8x128xf32, #tpu.memory_space<vmem>> -> memref<8x128xf32, #tpu.memory_space<vmem>>
          %dma_wait3A_540 = arith.constant 0 : i32
          %dma_wait3A_541 = arith.constant 768 : i32
          %dma_wait3A_542 = tpu.memref_slice %arg5[%dma_wait3A_540, %dma_wait3A_541] : memref<10000x1152xf32, #tpu.memory_space<hbm>> -> memref<8x128xf32, #tpu.memory_space<hbm>>
          %dma_wait3A_543 = arith.constant 0 : i32
          %dma_wait3A_544 = arith.constant 768 : i32
          %dma_wait3A_545 = tpu.memref_slice %arg5[%dma_wait3A_543, %dma_wait3A_544] : memref<10000x1152xf32, #tpu.memory_space<hbm>> -> memref<8x128xf32, #tpu.memory_space<hbm>>
          %dma_wait3A_546 = arith.constant 0 : i32
          %dma_wait3A_547 = arith.constant 0 : i32
          %dma_wait3A_548 = tpu.memref_slice %arg9[%and3A_299, %dma_wait3A_546, %dma_wait3A_547] : memref<2x8x128xf32, #tpu.memory_space<vmem>> -> memref<1x8x128xf32, #tpu.memory_space<vmem>>
          %dma_wait3A_549 = tpu.memref_squeeze %dma_wait3A_548 : memref<1x8x128xf32, #tpu.memory_space<vmem>> -> memref<8x128xf32, #tpu.memory_space<vmem>>
          tpu.wait_dma2 semaphore(%arg11 : memref<!tpu.dma_semaphore, #tpu.memory_space<semaphore_mem>>) src(%dma_wait3A_549 : memref<8x128xf32, #tpu.memory_space<vmem>>) dst(%dma_wait3A_545 : memref<8x128xf32, #tpu.memory_space<hbm>>)
          %dma_wait3A_550 = arith.constant 0 : i32
          %dma_wait3A_551 = arith.constant 0 : i32
          %dma_wait3A_552 = tpu.memref_slice %arg9[%and3A_299, %dma_wait3A_550, %dma_wait3A_551] : memref<2x8x128xf32, #tpu.memory_space<vmem>> -> memref<1x8x128xf32, #tpu.memory_space<vmem>>
          %dma_wait3A_553 = tpu.memref_squeeze %dma_wait3A_552 : memref<1x8x128xf32, #tpu.memory_space<vmem>> -> memref<8x128xf32, #tpu.memory_space<vmem>>
          %dma_wait3A_554 = arith.constant 0 : i32
          %dma_wait3A_555 = arith.constant 896 : i32
          %dma_wait3A_556 = tpu.memref_slice %arg5[%dma_wait3A_554, %dma_wait3A_555] : memref<10000x1152xf32, #tpu.memory_space<hbm>> -> memref<8x128xf32, #tpu.memory_space<hbm>>
          %dma_wait3A_557 = arith.constant 0 : i32
          %dma_wait3A_558 = arith.constant 896 : i32
          %dma_wait3A_559 = tpu.memref_slice %arg5[%dma_wait3A_557, %dma_wait3A_558] : memref<10000x1152xf32, #tpu.memory_space<hbm>> -> memref<8x128xf32, #tpu.memory_space<hbm>>
          %dma_wait3A_560 = arith.constant 0 : i32
          %dma_wait3A_561 = arith.constant 0 : i32
          %dma_wait3A_562 = tpu.memref_slice %arg9[%and3A_299, %dma_wait3A_560, %dma_wait3A_561] : memref<2x8x128xf32, #tpu.memory_space<vmem>> -> memref<1x8x128xf32, #tpu.memory_space<vmem>>
          %dma_wait3A_563 = tpu.memref_squeeze %dma_wait3A_562 : memref<1x8x128xf32, #tpu.memory_space<vmem>> -> memref<8x128xf32, #tpu.memory_space<vmem>>
          tpu.wait_dma2 semaphore(%arg11 : memref<!tpu.dma_semaphore, #tpu.memory_space<semaphore_mem>>) src(%dma_wait3A_563 : memref<8x128xf32, #tpu.memory_space<vmem>>) dst(%dma_wait3A_559 : memref<8x128xf32, #tpu.memory_space<hbm>>)
          %dma_wait3A_564 = arith.constant 0 : i32
          %dma_wait3A_565 = arith.constant 0 : i32
          %dma_wait3A_566 = tpu.memref_slice %arg9[%and3A_299, %dma_wait3A_564, %dma_wait3A_565] : memref<2x8x128xf32, #tpu.memory_space<vmem>> -> memref<1x8x128xf32, #tpu.memory_space<vmem>>
          %dma_wait3A_567 = tpu.memref_squeeze %dma_wait3A_566 : memref<1x8x128xf32, #tpu.memory_space<vmem>> -> memref<8x128xf32, #tpu.memory_space<vmem>>
          %dma_wait3A_568 = arith.constant 0 : i32
          %dma_wait3A_569 = arith.constant 1024 : i32
          %dma_wait3A_570 = tpu.memref_slice %arg5[%dma_wait3A_568, %dma_wait3A_569] : memref<10000x1152xf32, #tpu.memory_space<hbm>> -> memref<8x128xf32, #tpu.memory_space<hbm>>
          %dma_wait3A_571 = arith.constant 0 : i32
          %dma_wait3A_572 = arith.constant 1024 : i32
          %dma_wait3A_573 = tpu.memref_slice %arg5[%dma_wait3A_571, %dma_wait3A_572] : memref<10000x1152xf32, #tpu.memory_space<hbm>> -> memref<8x128xf32, #tpu.memory_space<hbm>>
          %dma_wait3A_574 = arith.constant 0 : i32
          %dma_wait3A_575 = arith.constant 0 : i32
          %dma_wait3A_576 = tpu.memref_slice %arg9[%and3A_299, %dma_wait3A_574, %dma_wait3A_575] : memref<2x8x128xf32, #tpu.memory_space<vmem>> -> memref<1x8x128xf32, #tpu.memory_space<vmem>>
          %dma_wait3A_577 = tpu.memref_squeeze %dma_wait3A_576 : memref<1x8x128xf32, #tpu.memory_space<vmem>> -> memref<8x128xf32, #tpu.memory_space<vmem>>
          tpu.wait_dma2 semaphore(%arg11 : memref<!tpu.dma_semaphore, #tpu.memory_space<semaphore_mem>>) src(%dma_wait3A_577 : memref<8x128xf32, #tpu.memory_space<vmem>>) dst(%dma_wait3A_573 : memref<8x128xf32, #tpu.memory_space<hbm>>)
        } else {
        }
        %scan3A = arith.constant 0 : i32
        %scan3A_340 = arith.constant 0 : i32
        %scan3A_341 = arith.constant 8 : i32
        %scan3A_342 = arith.addi %scan3A_340, %scan3A_341 : i32
        %scan3A_343 = arith.constant 1 : i32
        scf.for %scan3A_452 = %scan3A_340 to %scan3A_342 step %scan3A_343  : i32 {
          %add3A_453 = arith.addi %mul3A_312, %scan3A_452 : i32
          %mul3A_454 = arith.constant 4 : i32
          %mul3A_455 = arith.muli %add3A_453, %mul3A_454 : i32
          %add3A_456 = arith.constant 0 : i32
          %add3A_457 = arith.addi %mul3A_455, %add3A_456 : i32
          %broadcast_in_dim3A = vector.broadcast %add3A_457 : i32 to vector<16xi32>
          %gather3A = tpu.vector_load_idx %arg6[%broadcast_in_dim3A] : memref<40000xf32, #tpu.memory_space<vmem>>[vector<16xi32>], vector<16xf32>,
          %add3A_458 = arith.addi %mul3A_312, %scan3A_452 : i32
          %mul3A_459 = arith.constant 4 : i32
          %mul3A_460 = arith.muli %add3A_458, %mul3A_459 : i32
          %add3A_461 = arith.constant 1 : i32
          %add3A_462 = arith.addi %mul3A_460, %add3A_461 : i32
          %broadcast_in_dim3A_463 = vector.broadcast %add3A_462 : i32 to vector<16xi32>
          %gather3A_464 = tpu.vector_load_idx %arg6[%broadcast_in_dim3A_463] : memref<40000xf32, #tpu.memory_space<vmem>>[vector<16xi32>], vector<16xf32>,
          %add3A_465 = arith.addi %mul3A_312, %scan3A_452 : i32
          %mul3A_466 = arith.constant 4 : i32
          %mul3A_467 = arith.muli %add3A_465, %mul3A_466 : i32
          %add3A_468 = arith.constant 2 : i32
          %add3A_469 = arith.addi %mul3A_467, %add3A_468 : i32
          %broadcast_in_dim3A_470 = vector.broadcast %add3A_469 : i32 to vector<16xi32>
          %gather3A_471 = tpu.vector_load_idx %arg6[%broadcast_in_dim3A_470] : memref<40000xf32, #tpu.memory_space<vmem>>[vector<16xi32>], vector<16xf32>,
          %add3A_472 = arith.addi %mul3A_312, %scan3A_452 : i32
          %mul3A_473 = arith.constant 4 : i32
          %mul3A_474 = arith.muli %add3A_472, %mul3A_473 : i32
          %add3A_475 = arith.constant 3 : i32
          %add3A_476 = arith.addi %mul3A_474, %add3A_475 : i32
          %broadcast_in_dim3A_477 = vector.broadcast %add3A_476 : i32 to vector<16xi32>
          %gather3A_478 = tpu.vector_load_idx %arg6[%broadcast_in_dim3A_477] : memref<40000xf32, #tpu.memory_space<vmem>>[vector<16xi32>], vector<16xf32>,
          %jit3A_479 = arith.constant 4 : i32
          %div3A = arith.divsi %scan3A_452, %jit3A_479 : i32
          %sign3A = arith.constant 0 : i32
          %sign3A_480 = arith.cmpi sgt, %scan3A_452, %sign3A : i32
          %sign3A_481 = arith.extui %sign3A_480 : i1 to i32
          %sign3A_482 = arith.constant 0 : i32
          %sign3A_483 = arith.cmpi slt, %scan3A_452, %sign3A_482 : i32
          %sign3A_484 = arith.extui %sign3A_483 : i1 to i32
          %sign3A_485 = arith.subi %sign3A_481, %sign3A_484 : i32
          %sign3A_486 = arith.constant 0 : i32
          %sign3A_487 = arith.cmpi sgt, %jit3A_479, %sign3A_486 : i32
          %sign3A_488 = arith.extui %sign3A_487 : i1 to i32
          %sign3A_489 = arith.constant 0 : i32
          %sign3A_490 = arith.cmpi slt, %jit3A_479, %sign3A_489 : i32
          %sign3A_491 = arith.extui %sign3A_490 : i1 to i32
          %sign3A_492 = arith.subi %sign3A_488, %sign3A_491 : i32
          %ne3A = arith.cmpi ne, %sign3A_485, %sign3A_492 : i32
          %rem3A = arith.remsi %scan3A_452, %jit3A_479 : i32
          %ne3A_493 = arith.constant 0 : i32
          %ne3A_494 = arith.cmpi ne, %rem3A, %ne3A_493 : i32
          %and3A_495 = arith.andi %ne3A, %ne3A_494 : i1
          %sub3A_496 = arith.constant 1 : i32
          %sub3A_497 = arith.subi %div3A, %sub3A_496 : i32
          %select_n3A_498 = arith.select %and3A_495, %sub3A_497, %div3A : i32
          %jit3A_499 = arith.constant 4 : i32
          %eq3A = arith.constant 0 : i32
          %eq3A_500 = arith.cmpi eq, %jit3A_499, %eq3A : i32
          %jit3A_501 = arith.constant 1 : i32
          %select_n3A_502 = arith.select %eq3A_500, %jit3A_501, %jit3A_499 : i32
          %rem3A_503 = arith.remsi %scan3A_452, %select_n3A_502 : i32
          %ne3A_504 = arith.constant 0 : i32
          %ne3A_505 = arith.cmpi ne, %rem3A_503, %ne3A_504 : i32
          %lt3A_506 = arith.constant 0 : i32
          %lt3A_507 = arith.cmpi slt, %rem3A_503, %lt3A_506 : i32
          %lt3A_508 = arith.constant 0 : i32
          %lt3A_509 = arith.cmpi slt, %select_n3A_502, %lt3A_508 : i32
          %ne3A_510 = arith.xori %lt3A_507, %lt3A_509 : i1
          %and3A_511 = arith.andi %ne3A_510, %ne3A_505 : i1
          %add3A_512 = arith.addi %rem3A_503, %select_n3A_502 : i32
          %select_n3A_513 = arith.select %and3A_511, %add3A_512, %rem3A_503 : i32
          %mul3A_514 = arith.constant 32 : i32
          %mul3A_515 = arith.muli %select_n3A_513, %mul3A_514 : i32
          %add3A_516 = arith.constant 0 : i32
          %add3A_517 = arith.addi %mul3A_515, %add3A_516 : i32
          %get3A = arith.index_cast %sub3A_309 : i32 to index
          %get3A_518 = arith.index_cast %select_n3A_498 : i32 to index
          %get3A_519 = arith.index_cast %add3A_517 : i32 to index
          %get3A_520 = tpu.vector_load %arg7[%get3A, %get3A_518, %get3A_519] {strides = array<i32>} : memref<40x2x128xi32, #tpu.memory_space<vmem>>, vector<16xi32>,
          %mul3A_521 = arith.constant 4 : i32
          %mul3A_522 = vector.broadcast %mul3A_521 : i32 to vector<16xi32>
          %mul3A_523 = arith.muli %get3A_520, %mul3A_522 : vector<16xi32>
          %broadcast_in_dim3A_524 = arith.constant 0.000000e+00 : f32
          %broadcast_in_dim3A_525 = vector.broadcast %broadcast_in_dim3A_524 : f32 to vector<16xf32>
          %add3A_526 = arith.constant 0 : i32
          %add3A_527 = vector.broadcast %add3A_526 : i32 to vector<16xi32>
          %add3A_528 = arith.addi %mul3A_523, %add3A_527 : vector<16xi32>
          %gather3A_529 = tpu.vector_load_idx %arg6[%add3A_528] : memref<40000xf32, #tpu.memory_space<vmem>>[vector<16xi32>], vector<16xf32>,
          %sub3A_530 = arith.subf %gather3A_529, %gather3A : vector<16xf32>
          %mul3A_531 = arith.mulf %sub3A_530, %sub3A_530 : vector<16xf32>
          %add3A_532 = arith.addf %broadcast_in_dim3A_525, %mul3A_531 : vector<16xf32>
          %add3A_533 = arith.constant 1 : i32
          %add3A_534 = vector.broadcast %add3A_533 : i32 to vector<16xi32>
          %add3A_535 = arith.addi %mul3A_523, %add3A_534 : vector<16xi32>
          %gather3A_536 = tpu.vector_load_idx %arg6[%add3A_535] : memref<40000xf32, #tpu.memory_space<vmem>>[vector<16xi32>], vector<16xf32>,
          %sub3A_537 = arith.subf %gather3A_536, %gather3A_464 : vector<16xf32>
          %mul3A_538 = arith.mulf %sub3A_537, %sub3A_537 : vector<16xf32>
          %add3A_539 = arith.addf %add3A_532, %mul3A_538 : vector<16xf32>
          %add3A_540 = arith.constant 2 : i32
          %add3A_541 = vector.broadcast %add3A_540 : i32 to vector<16xi32>
          %add3A_542 = arith.addi %mul3A_523, %add3A_541 : vector<16xi32>
          %gather3A_543 = tpu.vector_load_idx %arg6[%add3A_542] : memref<40000xf32, #tpu.memory_space<vmem>>[vector<16xi32>], vector<16xf32>,
          %sub3A_544 = arith.subf %gather3A_543, %gather3A_471 : vector<16xf32>
          %mul3A_545 = arith.mulf %sub3A_544, %sub3A_544 : vector<16xf32>
          %add3A_546 = arith.addf %add3A_539, %mul3A_545 : vector<16xf32>
          %add3A_547 = arith.constant 3 : i32
          %add3A_548 = vector.broadcast %add3A_547 : i32 to vector<16xi32>
          %add3A_549 = arith.addi %mul3A_523, %add3A_548 : vector<16xi32>
          %gather3A_550 = tpu.vector_load_idx %arg6[%add3A_549] : memref<40000xf32, #tpu.memory_space<vmem>>[vector<16xi32>], vector<16xf32>,
          %sub3A_551 = arith.subf %gather3A_550, %gather3A_478 : vector<16xf32>
          %mul3A_552 = arith.mulf %sub3A_551, %sub3A_551 : vector<16xf32>
          %add3A_553 = arith.addf %add3A_546, %mul3A_552 : vector<16xf32>
          %mul3A_554 = arith.constant -1.000000e+01 : f32
          %mul3A_555 = vector.broadcast %mul3A_554 : f32 to vector<16xf32>
          %mul3A_556 = arith.mulf %add3A_553, %mul3A_555 : vector<16xf32>
          %exp3A = math.exp %mul3A_556 : vector<16xf32>
          %mul3A_557 = arith.constant 3.125000e-02 : f32
          %mul3A_558 = vector.broadcast %mul3A_557 : f32 to vector<16xf32>
          %mul3A_559 = arith.mulf %exp3A, %mul3A_558 : vector<16xf32>
          %jit3A_560 = arith.constant 4 : i32
          %eq3A_561 = arith.constant 0 : i32
          %eq3A_562 = arith.cmpi eq, %jit3A_560, %eq3A_561 : i32
          %jit3A_563 = arith.constant 1 : i32
          %select_n3A_564 = arith.select %eq3A_562, %jit3A_563, %jit3A_560 : i32
          %rem3A_565 = arith.remsi %scan3A_452, %select_n3A_564 : i32
          %ne3A_566 = arith.constant 0 : i32
          %ne3A_567 = arith.cmpi ne, %rem3A_565, %ne3A_566 : i32
          %lt3A_568 = arith.constant 0 : i32
          %lt3A_569 = arith.cmpi slt, %rem3A_565, %lt3A_568 : i32
          %lt3A_570 = arith.constant 0 : i32
          %lt3A_571 = arith.cmpi slt, %select_n3A_564, %lt3A_570 : i32
          %ne3A_572 = arith.xori %lt3A_569, %lt3A_571 : i1
          %and3A_573 = arith.andi %ne3A_572, %ne3A_567 : i1
          %add3A_574 = arith.addi %rem3A_565, %select_n3A_564 : i32
          %select_n3A_575 = arith.select %and3A_573, %add3A_574, %rem3A_565 : i32
          %mul3A_576 = arith.constant 32 : i32
          %mul3A_577 = arith.muli %select_n3A_575, %mul3A_576 : i32
          %add3A_578 = arith.constant 16 : i32
          %add3A_579 = arith.addi %mul3A_577, %add3A_578 : i32
          %get3A_580 = arith.index_cast %sub3A_309 : i32 to index
          %get3A_581 = arith.index_cast %select_n3A_498 : i32 to index
          %get3A_582 = arith.index_cast %add3A_579 : i32 to index
          %get3A_583 = tpu.vector_load %arg7[%get3A_580, %get3A_581, %get3A_582] {strides = array<i32>} : memref<40x2x128xi32, #tpu.memory_space<vmem>>, vector<16xi32>,
          %mul3A_584 = arith.constant 4 : i32
          %mul3A_585 = vector.broadcast %mul3A_584 : i32 to vector<16xi32>
          %mul3A_586 = arith.muli %get3A_583, %mul3A_585 : vector<16xi32>
          %broadcast_in_dim3A_587 = arith.constant 0.000000e+00 : f32
          %broadcast_in_dim3A_588 = vector.broadcast %broadcast_in_dim3A_587 : f32 to vector<16xf32>
          %add3A_589 = arith.constant 0 : i32
          %add3A_590 = vector.broadcast %add3A_589 : i32 to vector<16xi32>
          %add3A_591 = arith.addi %mul3A_586, %add3A_590 : vector<16xi32>
          %gather3A_592 = tpu.vector_load_idx %arg6[%add3A_591] : memref<40000xf32, #tpu.memory_space<vmem>>[vector<16xi32>], vector<16xf32>,
          %sub3A_593 = arith.subf %gather3A_592, %gather3A : vector<16xf32>
          %mul3A_594 = arith.mulf %sub3A_593, %sub3A_593 : vector<16xf32>
          %add3A_595 = arith.addf %broadcast_in_dim3A_588, %mul3A_594 : vector<16xf32>
          %add3A_596 = arith.constant 1 : i32
          %add3A_597 = vector.broadcast %add3A_596 : i32 to vector<16xi32>
          %add3A_598 = arith.addi %mul3A_586, %add3A_597 : vector<16xi32>
          %gather3A_599 = tpu.vector_load_idx %arg6[%add3A_598] : memref<40000xf32, #tpu.memory_space<vmem>>[vector<16xi32>], vector<16xf32>,
          %sub3A_600 = arith.subf %gather3A_599, %gather3A_464 : vector<16xf32>
          %mul3A_601 = arith.mulf %sub3A_600, %sub3A_600 : vector<16xf32>
          %add3A_602 = arith.addf %add3A_595, %mul3A_601 : vector<16xf32>
          %add3A_603 = arith.constant 2 : i32
          %add3A_604 = vector.broadcast %add3A_603 : i32 to vector<16xi32>
          %add3A_605 = arith.addi %mul3A_586, %add3A_604 : vector<16xi32>
          %gather3A_606 = tpu.vector_load_idx %arg6[%add3A_605] : memref<40000xf32, #tpu.memory_space<vmem>>[vector<16xi32>], vector<16xf32>,
          %sub3A_607 = arith.subf %gather3A_606, %gather3A_471 : vector<16xf32>
          %mul3A_608 = arith.mulf %sub3A_607, %sub3A_607 : vector<16xf32>
          %add3A_609 = arith.addf %add3A_602, %mul3A_608 : vector<16xf32>
          %add3A_610 = arith.constant 3 : i32
          %add3A_611 = vector.broadcast %add3A_610 : i32 to vector<16xi32>
          %add3A_612 = arith.addi %mul3A_586, %add3A_611 : vector<16xi32>
          %gather3A_613 = tpu.vector_load_idx %arg6[%add3A_612] : memref<40000xf32, #tpu.memory_space<vmem>>[vector<16xi32>], vector<16xf32>,
          %sub3A_614 = arith.subf %gather3A_613, %gather3A_478 : vector<16xf32>
          %mul3A_615 = arith.mulf %sub3A_614, %sub3A_614 : vector<16xf32>
          %add3A_616 = arith.addf %add3A_609, %mul3A_615 : vector<16xf32>
          %mul3A_617 = arith.constant -1.000000e+01 : f32
          %mul3A_618 = vector.broadcast %mul3A_617 : f32 to vector<16xf32>
          %mul3A_619 = arith.mulf %add3A_616, %mul3A_618 : vector<16xf32>
          %exp3A_620 = math.exp %mul3A_619 : vector<16xf32>
          %mul3A_621 = arith.constant 3.125000e-02 : f32
          %mul3A_622 = vector.broadcast %mul3A_621 : f32 to vector<16xf32>
          %mul3A_623 = arith.mulf %exp3A_620, %mul3A_622 : vector<16xf32>
          %broadcast_in_dim3A_624 = arith.constant 0.000000e+00 : f32
          %broadcast_in_dim3A_625 = vector.broadcast %broadcast_in_dim3A_624 : f32 to vector<16xf32>
          %broadcast_in_dim3A_626 = arith.constant 0.000000e+00 : f32
          %broadcast_in_dim3A_627 = vector.broadcast %broadcast_in_dim3A_626 : f32 to vector<16xf32>
          %broadcast_in_dim3A_628 = arith.constant 0.000000e+00 : f32
          %broadcast_in_dim3A_629 = vector.broadcast %broadcast_in_dim3A_628 : f32 to vector<16xf32>
          %broadcast_in_dim3A_630 = arith.constant 0.000000e+00 : f32
          %broadcast_in_dim3A_631 = vector.broadcast %broadcast_in_dim3A_630 : f32 to vector<16xf32>
          %broadcast_in_dim3A_632 = arith.constant 0.000000e+00 : f32
          %broadcast_in_dim3A_633 = vector.broadcast %broadcast_in_dim3A_632 : f32 to vector<16xf32>
          %broadcast_in_dim3A_634 = arith.constant 0.000000e+00 : f32
          %broadcast_in_dim3A_635 = vector.broadcast %broadcast_in_dim3A_634 : f32 to vector<16xf32>
          %broadcast_in_dim3A_636 = arith.constant 0.000000e+00 : f32
          %broadcast_in_dim3A_637 = vector.broadcast %broadcast_in_dim3A_636 : f32 to vector<16xf32>
          %broadcast_in_dim3A_638 = arith.constant 0.000000e+00 : f32
          %broadcast_in_dim3A_639 = vector.broadcast %broadcast_in_dim3A_638 : f32 to vector<16xf32>
          %broadcast_in_dim3A_640 = arith.constant 0 : i32
          %broadcast_in_dim3A_641 = vector.broadcast %broadcast_in_dim3A_640 : i32 to vector<16xi32>
          %reshape3A = vector.shape_cast %broadcast_in_dim3A_641 : vector<16xi32> to vector<16x1xi32>
          %gather3A_642 = vector.shape_cast %reshape3A : vector<16x1xi32> to vector<16xi32>
          %gather3A_643 = tpu.dynamic_gather %mul3A_559[%gather3A_642] in [0] : vector<16xf32>, vector<16xi32> -> vector<16xf32>
          %mul3A_644 = arith.constant 32 : i32
          %mul3A_645 = arith.muli %scan3A_452, %mul3A_644 : i32
          %add3A_646 = arith.constant 0 : i32
          %add3A_647 = arith.addi %mul3A_645, %add3A_646 : i32
          %get3A_648 = arith.index_cast %and3A_299 : i32 to index
          %get3A_649 = arith.index_cast %add3A_647 : i32 to index
          %get3A_650 = arith.constant 0 : index
          %get3A_651 = tpu.vector_load %arg8[%get3A_648, %get3A_649, %get3A_650] {strides = array<i32>} : memref<2x256x128xf32, #tpu.memory_space<vmem>>, vector<16xf32>,
          %mul3A_652 = arith.mulf %gather3A_643, %get3A_651 : vector<16xf32>
          %add3A_653 = arith.addf %broadcast_in_dim3A_625, %mul3A_652 : vector<16xf32>
          %get3A_654 = arith.index_cast %and3A_299 : i32 to index
          %get3A_655 = arith.index_cast %add3A_647 : i32 to index
          %get3A_656 = arith.constant 16 : index
          %get3A_657 = tpu.vector_load %arg8[%get3A_654, %get3A_655, %get3A_656] {strides = array<i32>} : memref<2x256x128xf32, #tpu.memory_space<vmem>>, vector<16xf32>,
          %mul3A_658 = arith.mulf %gather3A_643, %get3A_657 : vector<16xf32>
          %add3A_659 = arith.addf %broadcast_in_dim3A_627, %mul3A_658 : vector<16xf32>
          %get3A_660 = arith.index_cast %and3A_299 : i32 to index
          %get3A_661 = arith.index_cast %add3A_647 : i32 to index
          %get3A_662 = arith.constant 32 : index
          %get3A_663 = tpu.vector_load %arg8[%get3A_660, %get3A_661, %get3A_662] {strides = array<i32>} : memref<2x256x128xf32, #tpu.memory_space<vmem>>, vector<16xf32>,
          %mul3A_664 = arith.mulf %gather3A_643, %get3A_663 : vector<16xf32>
          %add3A_665 = arith.addf %broadcast_in_dim3A_629, %mul3A_664 : vector<16xf32>
          %get3A_666 = arith.index_cast %and3A_299 : i32 to index
          %get3A_667 = arith.index_cast %add3A_647 : i32 to index
          %get3A_668 = arith.constant 48 : index
          %get3A_669 = tpu.vector_load %arg8[%get3A_666, %get3A_667, %get3A_668] {strides = array<i32>} : memref<2x256x128xf32, #tpu.memory_space<vmem>>, vector<16xf32>,
          %mul3A_670 = arith.mulf %gather3A_643, %get3A_669 : vector<16xf32>
          %add3A_671 = arith.addf %broadcast_in_dim3A_631, %mul3A_670 : vector<16xf32>
          %get3A_672 = arith.index_cast %and3A_299 : i32 to index
          %get3A_673 = arith.index_cast %add3A_647 : i32 to index
          %get3A_674 = arith.constant 64 : index
          %get3A_675 = tpu.vector_load %arg8[%get3A_672, %get3A_673, %get3A_674] {strides = array<i32>} : memref<2x256x128xf32, #tpu.memory_space<vmem>>, vector<16xf32>,
          %mul3A_676 = arith.mulf %gather3A_643, %get3A_675 : vector<16xf32>
          %add3A_677 = arith.addf %broadcast_in_dim3A_633, %mul3A_676 : vector<16xf32>
          %get3A_678 = arith.index_cast %and3A_299 : i32 to index
          %get3A_679 = arith.index_cast %add3A_647 : i32 to index
          %get3A_680 = arith.constant 80 : index
          %get3A_681 = tpu.vector_load %arg8[%get3A_678, %get3A_679, %get3A_680] {strides = array<i32>} : memref<2x256x128xf32, #tpu.memory_space<vmem>>, vector<16xf32>,
          %mul3A_682 = arith.mulf %gather3A_643, %get3A_681 : vector<16xf32>
          %add3A_683 = arith.addf %broadcast_in_dim3A_635, %mul3A_682 : vector<16xf32>
          %get3A_684 = arith.index_cast %and3A_299 : i32 to index
          %get3A_685 = arith.index_cast %add3A_647 : i32 to index
          %get3A_686 = arith.constant 96 : index
          %get3A_687 = tpu.vector_load %arg8[%get3A_684, %get3A_685, %get3A_686] {strides = array<i32>} : memref<2x256x128xf32, #tpu.memory_space<vmem>>, vector<16xf32>,
          %mul3A_688 = arith.mulf %gather3A_643, %get3A_687 : vector<16xf32>
          %add3A_689 = arith.addf %broadcast_in_dim3A_637, %mul3A_688 : vector<16xf32>
          %get3A_690 = arith.index_cast %and3A_299 : i32 to index
          %get3A_691 = arith.index_cast %add3A_647 : i32 to index
          %get3A_692 = arith.constant 112 : index
          %get3A_693 = tpu.vector_load %arg8[%get3A_690, %get3A_691, %get3A_692] {strides = array<i32>} : memref<2x256x128xf32, #tpu.memory_space<vmem>>, vector<16xf32>,
          %mul3A_694 = arith.mulf %gather3A_643, %get3A_693 : vector<16xf32>
          %add3A_695 = arith.addf %broadcast_in_dim3A_639, %mul3A_694 : vector<16xf32>
          %broadcast_in_dim3A_696 = arith.constant 1 : i32
          %broadcast_in_dim3A_697 = vector.broadcast %broadcast_in_dim3A_696 : i32 to vector<16xi32>
          %reshape3A_698 = vector.shape_cast %broadcast_in_dim3A_697 : vector<16xi32> to vector<16x1xi32>
          %gather3A_699 = vector.shape_cast %reshape3A_698 : vector<16x1xi32> to vector<16xi32>
          %gather3A_700 = tpu.dynamic_gather %mul3A_559[%gather3A_699] in [0] : vector<16xf32>, vector<16xi32> -> vector<16xf32>
          %mul3A_701 = arith.constant 32 : i32
          %mul3A_702 = arith.muli %scan3A_452, %mul3A_701 : i32
          %add3A_703 = arith.constant 1 : i32
          %add3A_704 = arith.addi %mul3A_702, %add3A_703 : i32
          %get3A_705 = arith.index_cast %and3A_299 : i32 to index
          %get3A_706 = arith.index_cast %add3A_704 : i32 to index
          %get3A_707 = arith.constant 0 : index
          %get3A_708 = tpu.vector_load %arg8[%get3A_705, %get3A_706, %get3A_707] {strides = array<i32>} : memref<2x256x128xf32, #tpu.memory_space<vmem>>, vector<16xf32>,
          %mul3A_709 = arith.mulf %gather3A_700, %get3A_708 : vector<16xf32>
          %add3A_710 = arith.addf %add3A_653, %mul3A_709 : vector<16xf32>
          %get3A_711 = arith.index_cast %and3A_299 : i32 to index
          %get3A_712 = arith.index_cast %add3A_704 : i32 to index
          %get3A_713 = arith.constant 16 : index
          %get3A_714 = tpu.vector_load %arg8[%get3A_711, %get3A_712, %get3A_713] {strides = array<i32>} : memref<2x256x128xf32, #tpu.memory_space<vmem>>, vector<16xf32>,
          %mul3A_715 = arith.mulf %gather3A_700, %get3A_714 : vector<16xf32>
          %add3A_716 = arith.addf %add3A_659, %mul3A_715 : vector<16xf32>
          %get3A_717 = arith.index_cast %and3A_299 : i32 to index
          %get3A_718 = arith.index_cast %add3A_704 : i32 to index
          %get3A_719 = arith.constant 32 : index
          %get3A_720 = tpu.vector_load %arg8[%get3A_717, %get3A_718, %get3A_719] {strides = array<i32>} : memref<2x256x128xf32, #tpu.memory_space<vmem>>, vector<16xf32>,
          %mul3A_721 = arith.mulf %gather3A_700, %get3A_720 : vector<16xf32>
          %add3A_722 = arith.addf %add3A_665, %mul3A_721 : vector<16xf32>
          %get3A_723 = arith.index_cast %and3A_299 : i32 to index
          %get3A_724 = arith.index_cast %add3A_704 : i32 to index
          %get3A_725 = arith.constant 48 : index
          %get3A_726 = tpu.vector_load %arg8[%get3A_723, %get3A_724, %get3A_725] {strides = array<i32>} : memref<2x256x128xf32, #tpu.memory_space<vmem>>, vector<16xf32>,
          %mul3A_727 = arith.mulf %gather3A_700, %get3A_726 : vector<16xf32>
          %add3A_728 = arith.addf %add3A_671, %mul3A_727 : vector<16xf32>
          %get3A_729 = arith.index_cast %and3A_299 : i32 to index
          %get3A_730 = arith.index_cast %add3A_704 : i32 to index
          %get3A_731 = arith.constant 64 : index
          %get3A_732 = tpu.vector_load %arg8[%get3A_729, %get3A_730, %get3A_731] {strides = array<i32>} : memref<2x256x128xf32, #tpu.memory_space<vmem>>, vector<16xf32>,
          %mul3A_733 = arith.mulf %gather3A_700, %get3A_732 : vector<16xf32>
          %add3A_734 = arith.addf %add3A_677, %mul3A_733 : vector<16xf32>
          %get3A_735 = arith.index_cast %and3A_299 : i32 to index
          %get3A_736 = arith.index_cast %add3A_704 : i32 to index
          %get3A_737 = arith.constant 80 : index
          %get3A_738 = tpu.vector_load %arg8[%get3A_735, %get3A_736, %get3A_737] {strides = array<i32>} : memref<2x256x128xf32, #tpu.memory_space<vmem>>, vector<16xf32>,
          %mul3A_739 = arith.mulf %gather3A_700, %get3A_738 : vector<16xf32>
          %add3A_740 = arith.addf %add3A_683, %mul3A_739 : vector<16xf32>
          %get3A_741 = arith.index_cast %and3A_299 : i32 to index
          %get3A_742 = arith.index_cast %add3A_704 : i32 to index
          %get3A_743 = arith.constant 96 : index
          %get3A_744 = tpu.vector_load %arg8[%get3A_741, %get3A_742, %get3A_743] {strides = array<i32>} : memref<2x256x128xf32, #tpu.memory_space<vmem>>, vector<16xf32>,
          %mul3A_745 = arith.mulf %gather3A_700, %get3A_744 : vector<16xf32>
          %add3A_746 = arith.addf %add3A_689, %mul3A_745 : vector<16xf32>
          %get3A_747 = arith.index_cast %and3A_299 : i32 to index
          %get3A_748 = arith.index_cast %add3A_704 : i32 to index
          %get3A_749 = arith.constant 112 : index
          %get3A_750 = tpu.vector_load %arg8[%get3A_747, %get3A_748, %get3A_749] {strides = array<i32>} : memref<2x256x128xf32, #tpu.memory_space<vmem>>, vector<16xf32>,
          %mul3A_751 = arith.mulf %gather3A_700, %get3A_750 : vector<16xf32>
          %add3A_752 = arith.addf %add3A_695, %mul3A_751 : vector<16xf32>
          %broadcast_in_dim3A_753 = arith.constant 2 : i32
          %broadcast_in_dim3A_754 = vector.broadcast %broadcast_in_dim3A_753 : i32 to vector<16xi32>
          %reshape3A_755 = vector.shape_cast %broadcast_in_dim3A_754 : vector<16xi32> to vector<16x1xi32>
          %gather3A_756 = vector.shape_cast %reshape3A_755 : vector<16x1xi32> to vector<16xi32>
          %gather3A_757 = tpu.dynamic_gather %mul3A_559[%gather3A_756] in [0] : vector<16xf32>, vector<16xi32> -> vector<16xf32>
          %mul3A_758 = arith.constant 32 : i32
          %mul3A_759 = arith.muli %scan3A_452, %mul3A_758 : i32
          %add3A_760 = arith.constant 2 : i32
          %add3A_761 = arith.addi %mul3A_759, %add3A_760 : i32
          %get3A_762 = arith.index_cast %and3A_299 : i32 to index
          %get3A_763 = arith.index_cast %add3A_761 : i32 to index
          %get3A_764 = arith.constant 0 : index
          %get3A_765 = tpu.vector_load %arg8[%get3A_762, %get3A_763, %get3A_764] {strides = array<i32>} : memref<2x256x128xf32, #tpu.memory_space<vmem>>, vector<16xf32>,
          %mul3A_766 = arith.mulf %gather3A_757, %get3A_765 : vector<16xf32>
          %add3A_767 = arith.addf %add3A_710, %mul3A_766 : vector<16xf32>
          %get3A_768 = arith.index_cast %and3A_299 : i32 to index
          %get3A_769 = arith.index_cast %add3A_761 : i32 to index
          %get3A_770 = arith.constant 16 : index
          %get3A_771 = tpu.vector_load %arg8[%get3A_768, %get3A_769, %get3A_770] {strides = array<i32>} : memref<2x256x128xf32, #tpu.memory_space<vmem>>, vector<16xf32>,
          %mul3A_772 = arith.mulf %gather3A_757, %get3A_771 : vector<16xf32>
          %add3A_773 = arith.addf %add3A_716, %mul3A_772 : vector<16xf32>
          %get3A_774 = arith.index_cast %and3A_299 : i32 to index
          %get3A_775 = arith.index_cast %add3A_761 : i32 to index
          %get3A_776 = arith.constant 32 : index
          %get3A_777 = tpu.vector_load %arg8[%get3A_774, %get3A_775, %get3A_776] {strides = array<i32>} : memref<2x256x128xf32, #tpu.memory_space<vmem>>, vector<16xf32>,
          %mul3A_778 = arith.mulf %gather3A_757, %get3A_777 : vector<16xf32>
          %add3A_779 = arith.addf %add3A_722, %mul3A_778 : vector<16xf32>
          %get3A_780 = arith.index_cast %and3A_299 : i32 to index
          %get3A_781 = arith.index_cast %add3A_761 : i32 to index
          %get3A_782 = arith.constant 48 : index
          %get3A_783 = tpu.vector_load %arg8[%get3A_780, %get3A_781, %get3A_782] {strides = array<i32>} : memref<2x256x128xf32, #tpu.memory_space<vmem>>, vector<16xf32>,
          %mul3A_784 = arith.mulf %gather3A_757, %get3A_783 : vector<16xf32>
          %add3A_785 = arith.addf %add3A_728, %mul3A_784 : vector<16xf32>
          %get3A_786 = arith.index_cast %and3A_299 : i32 to index
          %get3A_787 = arith.index_cast %add3A_761 : i32 to index
          %get3A_788 = arith.constant 64 : index
          %get3A_789 = tpu.vector_load %arg8[%get3A_786, %get3A_787, %get3A_788] {strides = array<i32>} : memref<2x256x128xf32, #tpu.memory_space<vmem>>, vector<16xf32>,
          %mul3A_790 = arith.mulf %gather3A_757, %get3A_789 : vector<16xf32>
          %add3A_791 = arith.addf %add3A_734, %mul3A_790 : vector<16xf32>
          %get3A_792 = arith.index_cast %and3A_299 : i32 to index
          %get3A_793 = arith.index_cast %add3A_761 : i32 to index
          %get3A_794 = arith.constant 80 : index
          %get3A_795 = tpu.vector_load %arg8[%get3A_792, %get3A_793, %get3A_794] {strides = array<i32>} : memref<2x256x128xf32, #tpu.memory_space<vmem>>, vector<16xf32>,
          %mul3A_796 = arith.mulf %gather3A_757, %get3A_795 : vector<16xf32>
          %add3A_797 = arith.addf %add3A_740, %mul3A_796 : vector<16xf32>
          %get3A_798 = arith.index_cast %and3A_299 : i32 to index
          %get3A_799 = arith.index_cast %add3A_761 : i32 to index
          %get3A_800 = arith.constant 96 : index
          %get3A_801 = tpu.vector_load %arg8[%get3A_798, %get3A_799, %get3A_800] {strides = array<i32>} : memref<2x256x128xf32, #tpu.memory_space<vmem>>, vector<16xf32>,
          %mul3A_802 = arith.mulf %gather3A_757, %get3A_801 : vector<16xf32>
          %add3A_803 = arith.addf %add3A_746, %mul3A_802 : vector<16xf32>
          %get3A_804 = arith.index_cast %and3A_299 : i32 to index
          %get3A_805 = arith.index_cast %add3A_761 : i32 to index
          %get3A_806 = arith.constant 112 : index
          %get3A_807 = tpu.vector_load %arg8[%get3A_804, %get3A_805, %get3A_806] {strides = array<i32>} : memref<2x256x128xf32, #tpu.memory_space<vmem>>, vector<16xf32>,
          %mul3A_808 = arith.mulf %gather3A_757, %get3A_807 : vector<16xf32>
          %add3A_809 = arith.addf %add3A_752, %mul3A_808 : vector<16xf32>
          %broadcast_in_dim3A_810 = arith.constant 3 : i32
          %broadcast_in_dim3A_811 = vector.broadcast %broadcast_in_dim3A_810 : i32 to vector<16xi32>
          %reshape3A_812 = vector.shape_cast %broadcast_in_dim3A_811 : vector<16xi32> to vector<16x1xi32>
          %gather3A_813 = vector.shape_cast %reshape3A_812 : vector<16x1xi32> to vector<16xi32>
          %gather3A_814 = tpu.dynamic_gather %mul3A_559[%gather3A_813] in [0] : vector<16xf32>, vector<16xi32> -> vector<16xf32>
          %mul3A_815 = arith.constant 32 : i32
          %mul3A_816 = arith.muli %scan3A_452, %mul3A_815 : i32
          %add3A_817 = arith.constant 3 : i32
          %add3A_818 = arith.addi %mul3A_816, %add3A_817 : i32
          %get3A_819 = arith.index_cast %and3A_299 : i32 to index
          %get3A_820 = arith.index_cast %add3A_818 : i32 to index
          %get3A_821 = arith.constant 0 : index
          %get3A_822 = tpu.vector_load %arg8[%get3A_819, %get3A_820, %get3A_821] {strides = array<i32>} : memref<2x256x128xf32, #tpu.memory_space<vmem>>, vector<16xf32>,
          %mul3A_823 = arith.mulf %gather3A_814, %get3A_822 : vector<16xf32>
          %add3A_824 = arith.addf %add3A_767, %mul3A_823 : vector<16xf32>
          %get3A_825 = arith.index_cast %and3A_299 : i32 to index
          %get3A_826 = arith.index_cast %add3A_818 : i32 to index
          %get3A_827 = arith.constant 16 : index
          %get3A_828 = tpu.vector_load %arg8[%get3A_825, %get3A_826, %get3A_827] {strides = array<i32>} : memref<2x256x128xf32, #tpu.memory_space<vmem>>, vector<16xf32>,
          %mul3A_829 = arith.mulf %gather3A_814, %get3A_828 : vector<16xf32>
          %add3A_830 = arith.addf %add3A_773, %mul3A_829 : vector<16xf32>
          %get3A_831 = arith.index_cast %and3A_299 : i32 to index
          %get3A_832 = arith.index_cast %add3A_818 : i32 to index
          %get3A_833 = arith.constant 32 : index
          %get3A_834 = tpu.vector_load %arg8[%get3A_831, %get3A_832, %get3A_833] {strides = array<i32>} : memref<2x256x128xf32, #tpu.memory_space<vmem>>, vector<16xf32>,
          %mul3A_835 = arith.mulf %gather3A_814, %get3A_834 : vector<16xf32>
          %add3A_836 = arith.addf %add3A_779, %mul3A_835 : vector<16xf32>
          %get3A_837 = arith.index_cast %and3A_299 : i32 to index
          %get3A_838 = arith.index_cast %add3A_818 : i32 to index
          %get3A_839 = arith.constant 48 : index
          %get3A_840 = tpu.vector_load %arg8[%get3A_837, %get3A_838, %get3A_839] {strides = array<i32>} : memref<2x256x128xf32, #tpu.memory_space<vmem>>, vector<16xf32>,
          %mul3A_841 = arith.mulf %gather3A_814, %get3A_840 : vector<16xf32>
          %add3A_842 = arith.addf %add3A_785, %mul3A_841 : vector<16xf32>
          %get3A_843 = arith.index_cast %and3A_299 : i32 to index
          %get3A_844 = arith.index_cast %add3A_818 : i32 to index
          %get3A_845 = arith.constant 64 : index
          %get3A_846 = tpu.vector_load %arg8[%get3A_843, %get3A_844, %get3A_845] {strides = array<i32>} : memref<2x256x128xf32, #tpu.memory_space<vmem>>, vector<16xf32>,
          %mul3A_847 = arith.mulf %gather3A_814, %get3A_846 : vector<16xf32>
          %add3A_848 = arith.addf %add3A_791, %mul3A_847 : vector<16xf32>
          %get3A_849 = arith.index_cast %and3A_299 : i32 to index
          %get3A_850 = arith.index_cast %add3A_818 : i32 to index
          %get3A_851 = arith.constant 80 : index
          %get3A_852 = tpu.vector_load %arg8[%get3A_849, %get3A_850, %get3A_851] {strides = array<i32>} : memref<2x256x128xf32, #tpu.memory_space<vmem>>, vector<16xf32>,
          %mul3A_853 = arith.mulf %gather3A_814, %get3A_852 : vector<16xf32>
          %add3A_854 = arith.addf %add3A_797, %mul3A_853 : vector<16xf32>
          %get3A_855 = arith.index_cast %and3A_299 : i32 to index
          %get3A_856 = arith.index_cast %add3A_818 : i32 to index
          %get3A_857 = arith.constant 96 : index
          %get3A_858 = tpu.vector_load %arg8[%get3A_855, %get3A_856, %get3A_857] {strides = array<i32>} : memref<2x256x128xf32, #tpu.memory_space<vmem>>, vector<16xf32>,
          %mul3A_859 = arith.mulf %gather3A_814, %get3A_858 : vector<16xf32>
          %add3A_860 = arith.addf %add3A_803, %mul3A_859 : vector<16xf32>
          %get3A_861 = arith.index_cast %and3A_299 : i32 to index
          %get3A_862 = arith.index_cast %add3A_818 : i32 to index
          %get3A_863 = arith.constant 112 : index
          %get3A_864 = tpu.vector_load %arg8[%get3A_861, %get3A_862, %get3A_863] {strides = array<i32>} : memref<2x256x128xf32, #tpu.memory_space<vmem>>, vector<16xf32>,
          %mul3A_865 = arith.mulf %gather3A_814, %get3A_864 : vector<16xf32>
          %add3A_866 = arith.addf %add3A_809, %mul3A_865 : vector<16xf32>
          %broadcast_in_dim3A_867 = arith.constant 4 : i32
          %broadcast_in_dim3A_868 = vector.broadcast %broadcast_in_dim3A_867 : i32 to vector<16xi32>
          %reshape3A_869 = vector.shape_cast %broadcast_in_dim3A_868 : vector<16xi32> to vector<16x1xi32>
          %gather3A_870 = vector.shape_cast %reshape3A_869 : vector<16x1xi32> to vector<16xi32>
          %gather3A_871 = tpu.dynamic_gather %mul3A_559[%gather3A_870] in [0] : vector<16xf32>, vector<16xi32> -> vector<16xf32>
          %mul3A_872 = arith.constant 32 : i32
          %mul3A_873 = arith.muli %scan3A_452, %mul3A_872 : i32
          %add3A_874 = arith.constant 4 : i32
          %add3A_875 = arith.addi %mul3A_873, %add3A_874 : i32
          %get3A_876 = arith.index_cast %and3A_299 : i32 to index
          %get3A_877 = arith.index_cast %add3A_875 : i32 to index
          %get3A_878 = arith.constant 0 : index
          %get3A_879 = tpu.vector_load %arg8[%get3A_876, %get3A_877, %get3A_878] {strides = array<i32>} : memref<2x256x128xf32, #tpu.memory_space<vmem>>, vector<16xf32>,
          %mul3A_880 = arith.mulf %gather3A_871, %get3A_879 : vector<16xf32>
          %add3A_881 = arith.addf %add3A_824, %mul3A_880 : vector<16xf32>
          %get3A_882 = arith.index_cast %and3A_299 : i32 to index
          %get3A_883 = arith.index_cast %add3A_875 : i32 to index
          %get3A_884 = arith.constant 16 : index
          %get3A_885 = tpu.vector_load %arg8[%get3A_882, %get3A_883, %get3A_884] {strides = array<i32>} : memref<2x256x128xf32, #tpu.memory_space<vmem>>, vector<16xf32>,
          %mul3A_886 = arith.mulf %gather3A_871, %get3A_885 : vector<16xf32>
          %add3A_887 = arith.addf %add3A_830, %mul3A_886 : vector<16xf32>
          %get3A_888 = arith.index_cast %and3A_299 : i32 to index
          %get3A_889 = arith.index_cast %add3A_875 : i32 to index
          %get3A_890 = arith.constant 32 : index
          %get3A_891 = tpu.vector_load %arg8[%get3A_888, %get3A_889, %get3A_890] {strides = array<i32>} : memref<2x256x128xf32, #tpu.memory_space<vmem>>, vector<16xf32>,
          %mul3A_892 = arith.mulf %gather3A_871, %get3A_891 : vector<16xf32>
          %add3A_893 = arith.addf %add3A_836, %mul3A_892 : vector<16xf32>
          %get3A_894 = arith.index_cast %and3A_299 : i32 to index
          %get3A_895 = arith.index_cast %add3A_875 : i32 to index
          %get3A_896 = arith.constant 48 : index
          %get3A_897 = tpu.vector_load %arg8[%get3A_894, %get3A_895, %get3A_896] {strides = array<i32>} : memref<2x256x128xf32, #tpu.memory_space<vmem>>, vector<16xf32>,
          %mul3A_898 = arith.mulf %gather3A_871, %get3A_897 : vector<16xf32>
          %add3A_899 = arith.addf %add3A_842, %mul3A_898 : vector<16xf32>
          %get3A_900 = arith.index_cast %and3A_299 : i32 to index
          %get3A_901 = arith.index_cast %add3A_875 : i32 to index
          %get3A_902 = arith.constant 64 : index
          %get3A_903 = tpu.vector_load %arg8[%get3A_900, %get3A_901, %get3A_902] {strides = array<i32>} : memref<2x256x128xf32, #tpu.memory_space<vmem>>, vector<16xf32>,
          %mul3A_904 = arith.mulf %gather3A_871, %get3A_903 : vector<16xf32>
          %add3A_905 = arith.addf %add3A_848, %mul3A_904 : vector<16xf32>
          %get3A_906 = arith.index_cast %and3A_299 : i32 to index
          %get3A_907 = arith.index_cast %add3A_875 : i32 to index
          %get3A_908 = arith.constant 80 : index
          %get3A_909 = tpu.vector_load %arg8[%get3A_906, %get3A_907, %get3A_908] {strides = array<i32>} : memref<2x256x128xf32, #tpu.memory_space<vmem>>, vector<16xf32>,
          %mul3A_910 = arith.mulf %gather3A_871, %get3A_909 : vector<16xf32>
          %add3A_911 = arith.addf %add3A_854, %mul3A_910 : vector<16xf32>
          %get3A_912 = arith.index_cast %and3A_299 : i32 to index
          %get3A_913 = arith.index_cast %add3A_875 : i32 to index
          %get3A_914 = arith.constant 96 : index
          %get3A_915 = tpu.vector_load %arg8[%get3A_912, %get3A_913, %get3A_914] {strides = array<i32>} : memref<2x256x128xf32, #tpu.memory_space<vmem>>, vector<16xf32>,
          %mul3A_916 = arith.mulf %gather3A_871, %get3A_915 : vector<16xf32>
          %add3A_917 = arith.addf %add3A_860, %mul3A_916 : vector<16xf32>
          %get3A_918 = arith.index_cast %and3A_299 : i32 to index
          %get3A_919 = arith.index_cast %add3A_875 : i32 to index
          %get3A_920 = arith.constant 112 : index
          %get3A_921 = tpu.vector_load %arg8[%get3A_918, %get3A_919, %get3A_920] {strides = array<i32>} : memref<2x256x128xf32, #tpu.memory_space<vmem>>, vector<16xf32>,
          %mul3A_922 = arith.mulf %gather3A_871, %get3A_921 : vector<16xf32>
          %add3A_923 = arith.addf %add3A_866, %mul3A_922 : vector<16xf32>
          %broadcast_in_dim3A_924 = arith.constant 5 : i32
          %broadcast_in_dim3A_925 = vector.broadcast %broadcast_in_dim3A_924 : i32 to vector<16xi32>
          %reshape3A_926 = vector.shape_cast %broadcast_in_dim3A_925 : vector<16xi32> to vector<16x1xi32>
          %gather3A_927 = vector.shape_cast %reshape3A_926 : vector<16x1xi32> to vector<16xi32>
          %gather3A_928 = tpu.dynamic_gather %mul3A_559[%gather3A_927] in [0] : vector<16xf32>, vector<16xi32> -> vector<16xf32>
          %mul3A_929 = arith.constant 32 : i32
          %mul3A_930 = arith.muli %scan3A_452, %mul3A_929 : i32
          %add3A_931 = arith.constant 5 : i32
          %add3A_932 = arith.addi %mul3A_930, %add3A_931 : i32
          %get3A_933 = arith.index_cast %and3A_299 : i32 to index
          %get3A_934 = arith.index_cast %add3A_932 : i32 to index
          %get3A_935 = arith.constant 0 : index
          %get3A_936 = tpu.vector_load %arg8[%get3A_933, %get3A_934, %get3A_935] {strides = array<i32>} : memref<2x256x128xf32, #tpu.memory_space<vmem>>, vector<16xf32>,
          %mul3A_937 = arith.mulf %gather3A_928, %get3A_936 : vector<16xf32>
          %add3A_938 = arith.addf %add3A_881, %mul3A_937 : vector<16xf32>
          %get3A_939 = arith.index_cast %and3A_299 : i32 to index
          %get3A_940 = arith.index_cast %add3A_932 : i32 to index
          %get3A_941 = arith.constant 16 : index
          %get3A_942 = tpu.vector_load %arg8[%get3A_939, %get3A_940, %get3A_941] {strides = array<i32>} : memref<2x256x128xf32, #tpu.memory_space<vmem>>, vector<16xf32>,
          %mul3A_943 = arith.mulf %gather3A_928, %get3A_942 : vector<16xf32>
          %add3A_944 = arith.addf %add3A_887, %mul3A_943 : vector<16xf32>
          %get3A_945 = arith.index_cast %and3A_299 : i32 to index
          %get3A_946 = arith.index_cast %add3A_932 : i32 to index
          %get3A_947 = arith.constant 32 : index
          %get3A_948 = tpu.vector_load %arg8[%get3A_945, %get3A_946, %get3A_947] {strides = array<i32>} : memref<2x256x128xf32, #tpu.memory_space<vmem>>, vector<16xf32>,
          %mul3A_949 = arith.mulf %gather3A_928, %get3A_948 : vector<16xf32>
          %add3A_950 = arith.addf %add3A_893, %mul3A_949 : vector<16xf32>
          %get3A_951 = arith.index_cast %and3A_299 : i32 to index
          %get3A_952 = arith.index_cast %add3A_932 : i32 to index
          %get3A_953 = arith.constant 48 : index
          %get3A_954 = tpu.vector_load %arg8[%get3A_951, %get3A_952, %get3A_953] {strides = array<i32>} : memref<2x256x128xf32, #tpu.memory_space<vmem>>, vector<16xf32>,
          %mul3A_955 = arith.mulf %gather3A_928, %get3A_954 : vector<16xf32>
          %add3A_956 = arith.addf %add3A_899, %mul3A_955 : vector<16xf32>
          %get3A_957 = arith.index_cast %and3A_299 : i32 to index
          %get3A_958 = arith.index_cast %add3A_932 : i32 to index
          %get3A_959 = arith.constant 64 : index
          %get3A_960 = tpu.vector_load %arg8[%get3A_957, %get3A_958, %get3A_959] {strides = array<i32>} : memref<2x256x128xf32, #tpu.memory_space<vmem>>, vector<16xf32>,
          %mul3A_961 = arith.mulf %gather3A_928, %get3A_960 : vector<16xf32>
          %add3A_962 = arith.addf %add3A_905, %mul3A_961 : vector<16xf32>
          %get3A_963 = arith.index_cast %and3A_299 : i32 to index
          %get3A_964 = arith.index_cast %add3A_932 : i32 to index
          %get3A_965 = arith.constant 80 : index
          %get3A_966 = tpu.vector_load %arg8[%get3A_963, %get3A_964, %get3A_965] {strides = array<i32>} : memref<2x256x128xf32, #tpu.memory_space<vmem>>, vector<16xf32>,
          %mul3A_967 = arith.mulf %gather3A_928, %get3A_966 : vector<16xf32>
          %add3A_968 = arith.addf %add3A_911, %mul3A_967 : vector<16xf32>
          %get3A_969 = arith.index_cast %and3A_299 : i32 to index
          %get3A_970 = arith.index_cast %add3A_932 : i32 to index
          %get3A_971 = arith.constant 96 : index
          %get3A_972 = tpu.vector_load %arg8[%get3A_969, %get3A_970, %get3A_971] {strides = array<i32>} : memref<2x256x128xf32, #tpu.memory_space<vmem>>, vector<16xf32>,
          %mul3A_973 = arith.mulf %gather3A_928, %get3A_972 : vector<16xf32>
          %add3A_974 = arith.addf %add3A_917, %mul3A_973 : vector<16xf32>
          %get3A_975 = arith.index_cast %and3A_299 : i32 to index
          %get3A_976 = arith.index_cast %add3A_932 : i32 to index
          %get3A_977 = arith.constant 112 : index
          %get3A_978 = tpu.vector_load %arg8[%get3A_975, %get3A_976, %get3A_977] {strides = array<i32>} : memref<2x256x128xf32, #tpu.memory_space<vmem>>, vector<16xf32>,
          %mul3A_979 = arith.mulf %gather3A_928, %get3A_978 : vector<16xf32>
          %add3A_980 = arith.addf %add3A_923, %mul3A_979 : vector<16xf32>
          %broadcast_in_dim3A_981 = arith.constant 6 : i32
          %broadcast_in_dim3A_982 = vector.broadcast %broadcast_in_dim3A_981 : i32 to vector<16xi32>
          %reshape3A_983 = vector.shape_cast %broadcast_in_dim3A_982 : vector<16xi32> to vector<16x1xi32>
          %gather3A_984 = vector.shape_cast %reshape3A_983 : vector<16x1xi32> to vector<16xi32>
          %gather3A_985 = tpu.dynamic_gather %mul3A_559[%gather3A_984] in [0] : vector<16xf32>, vector<16xi32> -> vector<16xf32>
          %mul3A_986 = arith.constant 32 : i32
          %mul3A_987 = arith.muli %scan3A_452, %mul3A_986 : i32
          %add3A_988 = arith.constant 6 : i32
          %add3A_989 = arith.addi %mul3A_987, %add3A_988 : i32
          %get3A_990 = arith.index_cast %and3A_299 : i32 to index
          %get3A_991 = arith.index_cast %add3A_989 : i32 to index
          %get3A_992 = arith.constant 0 : index
          %get3A_993 = tpu.vector_load %arg8[%get3A_990, %get3A_991, %get3A_992] {strides = array<i32>} : memref<2x256x128xf32, #tpu.memory_space<vmem>>, vector<16xf32>,
          %mul3A_994 = arith.mulf %gather3A_985, %get3A_993 : vector<16xf32>
          %add3A_995 = arith.addf %add3A_938, %mul3A_994 : vector<16xf32>
          %get3A_996 = arith.index_cast %and3A_299 : i32 to index
          %get3A_997 = arith.index_cast %add3A_989 : i32 to index
          %get3A_998 = arith.constant 16 : index
          %get3A_999 = tpu.vector_load %arg8[%get3A_996, %get3A_997, %get3A_998] {strides = array<i32>} : memref<2x256x128xf32, #tpu.memory_space<vmem>>, vector<16xf32>,
          %mul3A_1000 = arith.mulf %gather3A_985, %get3A_999 : vector<16xf32>
          %add3A_1001 = arith.addf %add3A_944, %mul3A_1000 : vector<16xf32>
          %get3A_1002 = arith.index_cast %and3A_299 : i32 to index
          %get3A_1003 = arith.index_cast %add3A_989 : i32 to index
          %get3A_1004 = arith.constant 32 : index
          %get3A_1005 = tpu.vector_load %arg8[%get3A_1002, %get3A_1003, %get3A_1004] {strides = array<i32>} : memref<2x256x128xf32, #tpu.memory_space<vmem>>, vector<16xf32>,
          %mul3A_1006 = arith.mulf %gather3A_985, %get3A_1005 : vector<16xf32>
          %add3A_1007 = arith.addf %add3A_950, %mul3A_1006 : vector<16xf32>
          %get3A_1008 = arith.index_cast %and3A_299 : i32 to index
          %get3A_1009 = arith.index_cast %add3A_989 : i32 to index
          %get3A_1010 = arith.constant 48 : index
          %get3A_1011 = tpu.vector_load %arg8[%get3A_1008, %get3A_1009, %get3A_1010] {strides = array<i32>} : memref<2x256x128xf32, #tpu.memory_space<vmem>>, vector<16xf32>,
          %mul3A_1012 = arith.mulf %gather3A_985, %get3A_1011 : vector<16xf32>
          %add3A_1013 = arith.addf %add3A_956, %mul3A_1012 : vector<16xf32>
          %get3A_1014 = arith.index_cast %and3A_299 : i32 to index
          %get3A_1015 = arith.index_cast %add3A_989 : i32 to index
          %get3A_1016 = arith.constant 64 : index
          %get3A_1017 = tpu.vector_load %arg8[%get3A_1014, %get3A_1015, %get3A_1016] {strides = array<i32>} : memref<2x256x128xf32, #tpu.memory_space<vmem>>, vector<16xf32>,
          %mul3A_1018 = arith.mulf %gather3A_985, %get3A_1017 : vector<16xf32>
          %add3A_1019 = arith.addf %add3A_962, %mul3A_1018 : vector<16xf32>
          %get3A_1020 = arith.index_cast %and3A_299 : i32 to index
          %get3A_1021 = arith.index_cast %add3A_989 : i32 to index
          %get3A_1022 = arith.constant 80 : index
          %get3A_1023 = tpu.vector_load %arg8[%get3A_1020, %get3A_1021, %get3A_1022] {strides = array<i32>} : memref<2x256x128xf32, #tpu.memory_space<vmem>>, vector<16xf32>,
          %mul3A_1024 = arith.mulf %gather3A_985, %get3A_1023 : vector<16xf32>
          %add3A_1025 = arith.addf %add3A_968, %mul3A_1024 : vector<16xf32>
          %get3A_1026 = arith.index_cast %and3A_299 : i32 to index
          %get3A_1027 = arith.index_cast %add3A_989 : i32 to index
          %get3A_1028 = arith.constant 96 : index
          %get3A_1029 = tpu.vector_load %arg8[%get3A_1026, %get3A_1027, %get3A_1028] {strides = array<i32>} : memref<2x256x128xf32, #tpu.memory_space<vmem>>, vector<16xf32>,
          %mul3A_1030 = arith.mulf %gather3A_985, %get3A_1029 : vector<16xf32>
          %add3A_1031 = arith.addf %add3A_974, %mul3A_1030 : vector<16xf32>
          %get3A_1032 = arith.index_cast %and3A_299 : i32 to index
          %get3A_1033 = arith.index_cast %add3A_989 : i32 to index
          %get3A_1034 = arith.constant 112 : index
          %get3A_1035 = tpu.vector_load %arg8[%get3A_1032, %get3A_1033, %get3A_1034] {strides = array<i32>} : memref<2x256x128xf32, #tpu.memory_space<vmem>>, vector<16xf32>,
          %mul3A_1036 = arith.mulf %gather3A_985, %get3A_1035 : vector<16xf32>
          %add3A_1037 = arith.addf %add3A_980, %mul3A_1036 : vector<16xf32>
          %broadcast_in_dim3A_1038 = arith.constant 7 : i32
          %broadcast_in_dim3A_1039 = vector.broadcast %broadcast_in_dim3A_1038 : i32 to vector<16xi32>
          %reshape3A_1040 = vector.shape_cast %broadcast_in_dim3A_1039 : vector<16xi32> to vector<16x1xi32>
          %gather3A_1041 = vector.shape_cast %reshape3A_1040 : vector<16x1xi32> to vector<16xi32>
          %gather3A_1042 = tpu.dynamic_gather %mul3A_559[%gather3A_1041] in [0] : vector<16xf32>, vector<16xi32> -> vector<16xf32>
          %mul3A_1043 = arith.constant 32 : i32
          %mul3A_1044 = arith.muli %scan3A_452, %mul3A_1043 : i32
          %add3A_1045 = arith.constant 7 : i32
          %add3A_1046 = arith.addi %mul3A_1044, %add3A_1045 : i32
          %get3A_1047 = arith.index_cast %and3A_299 : i32 to index
          %get3A_1048 = arith.index_cast %add3A_1046 : i32 to index
          %get3A_1049 = arith.constant 0 : index
          %get3A_1050 = tpu.vector_load %arg8[%get3A_1047, %get3A_1048, %get3A_1049] {strides = array<i32>} : memref<2x256x128xf32, #tpu.memory_space<vmem>>, vector<16xf32>,
          %mul3A_1051 = arith.mulf %gather3A_1042, %get3A_1050 : vector<16xf32>
          %add3A_1052 = arith.addf %add3A_995, %mul3A_1051 : vector<16xf32>
          %get3A_1053 = arith.index_cast %and3A_299 : i32 to index
          %get3A_1054 = arith.index_cast %add3A_1046 : i32 to index
          %get3A_1055 = arith.constant 16 : index
          %get3A_1056 = tpu.vector_load %arg8[%get3A_1053, %get3A_1054, %get3A_1055] {strides = array<i32>} : memref<2x256x128xf32, #tpu.memory_space<vmem>>, vector<16xf32>,
          %mul3A_1057 = arith.mulf %gather3A_1042, %get3A_1056 : vector<16xf32>
          %add3A_1058 = arith.addf %add3A_1001, %mul3A_1057 : vector<16xf32>
          %get3A_1059 = arith.index_cast %and3A_299 : i32 to index
          %get3A_1060 = arith.index_cast %add3A_1046 : i32 to index
          %get3A_1061 = arith.constant 32 : index
          %get3A_1062 = tpu.vector_load %arg8[%get3A_1059, %get3A_1060, %get3A_1061] {strides = array<i32>} : memref<2x256x128xf32, #tpu.memory_space<vmem>>, vector<16xf32>,
          %mul3A_1063 = arith.mulf %gather3A_1042, %get3A_1062 : vector<16xf32>
          %add3A_1064 = arith.addf %add3A_1007, %mul3A_1063 : vector<16xf32>
          %get3A_1065 = arith.index_cast %and3A_299 : i32 to index
          %get3A_1066 = arith.index_cast %add3A_1046 : i32 to index
          %get3A_1067 = arith.constant 48 : index
          %get3A_1068 = tpu.vector_load %arg8[%get3A_1065, %get3A_1066, %get3A_1067] {strides = array<i32>} : memref<2x256x128xf32, #tpu.memory_space<vmem>>, vector<16xf32>,
          %mul3A_1069 = arith.mulf %gather3A_1042, %get3A_1068 : vector<16xf32>
          %add3A_1070 = arith.addf %add3A_1013, %mul3A_1069 : vector<16xf32>
          %get3A_1071 = arith.index_cast %and3A_299 : i32 to index
          %get3A_1072 = arith.index_cast %add3A_1046 : i32 to index
          %get3A_1073 = arith.constant 64 : index
          %get3A_1074 = tpu.vector_load %arg8[%get3A_1071, %get3A_1072, %get3A_1073] {strides = array<i32>} : memref<2x256x128xf32, #tpu.memory_space<vmem>>, vector<16xf32>,
          %mul3A_1075 = arith.mulf %gather3A_1042, %get3A_1074 : vector<16xf32>
          %add3A_1076 = arith.addf %add3A_1019, %mul3A_1075 : vector<16xf32>
          %get3A_1077 = arith.index_cast %and3A_299 : i32 to index
          %get3A_1078 = arith.index_cast %add3A_1046 : i32 to index
          %get3A_1079 = arith.constant 80 : index
          %get3A_1080 = tpu.vector_load %arg8[%get3A_1077, %get3A_1078, %get3A_1079] {strides = array<i32>} : memref<2x256x128xf32, #tpu.memory_space<vmem>>, vector<16xf32>,
          %mul3A_1081 = arith.mulf %gather3A_1042, %get3A_1080 : vector<16xf32>
          %add3A_1082 = arith.addf %add3A_1025, %mul3A_1081 : vector<16xf32>
          %get3A_1083 = arith.index_cast %and3A_299 : i32 to index
          %get3A_1084 = arith.index_cast %add3A_1046 : i32 to index
          %get3A_1085 = arith.constant 96 : index
          %get3A_1086 = tpu.vector_load %arg8[%get3A_1083, %get3A_1084, %get3A_1085] {strides = array<i32>} : memref<2x256x128xf32, #tpu.memory_space<vmem>>, vector<16xf32>,
          %mul3A_1087 = arith.mulf %gather3A_1042, %get3A_1086 : vector<16xf32>
          %add3A_1088 = arith.addf %add3A_1031, %mul3A_1087 : vector<16xf32>
          %get3A_1089 = arith.index_cast %and3A_299 : i32 to index
          %get3A_1090 = arith.index_cast %add3A_1046 : i32 to index
          %get3A_1091 = arith.constant 112 : index
          %get3A_1092 = tpu.vector_load %arg8[%get3A_1089, %get3A_1090, %get3A_1091] {strides = array<i32>} : memref<2x256x128xf32, #tpu.memory_space<vmem>>, vector<16xf32>,
          %mul3A_1093 = arith.mulf %gather3A_1042, %get3A_1092 : vector<16xf32>
          %add3A_1094 = arith.addf %add3A_1037, %mul3A_1093 : vector<16xf32>
          %broadcast_in_dim3A_1095 = arith.constant 8 : i32
          %broadcast_in_dim3A_1096 = vector.broadcast %broadcast_in_dim3A_1095 : i32 to vector<16xi32>
          %reshape3A_1097 = vector.shape_cast %broadcast_in_dim3A_1096 : vector<16xi32> to vector<16x1xi32>
          %gather3A_1098 = vector.shape_cast %reshape3A_1097 : vector<16x1xi32> to vector<16xi32>
          %gather3A_1099 = tpu.dynamic_gather %mul3A_559[%gather3A_1098] in [0] : vector<16xf32>, vector<16xi32> -> vector<16xf32>
          %mul3A_1100 = arith.constant 32 : i32
          %mul3A_1101 = arith.muli %scan3A_452, %mul3A_1100 : i32
          %add3A_1102 = arith.constant 8 : i32
          %add3A_1103 = arith.addi %mul3A_1101, %add3A_1102 : i32
          %get3A_1104 = arith.index_cast %and3A_299 : i32 to index
          %get3A_1105 = arith.index_cast %add3A_1103 : i32 to index
          %get3A_1106 = arith.constant 0 : index
          %get3A_1107 = tpu.vector_load %arg8[%get3A_1104, %get3A_1105, %get3A_1106] {strides = array<i32>} : memref<2x256x128xf32, #tpu.memory_space<vmem>>, vector<16xf32>,
          %mul3A_1108 = arith.mulf %gather3A_1099, %get3A_1107 : vector<16xf32>
          %add3A_1109 = arith.addf %add3A_1052, %mul3A_1108 : vector<16xf32>
          %get3A_1110 = arith.index_cast %and3A_299 : i32 to index
          %get3A_1111 = arith.index_cast %add3A_1103 : i32 to index
          %get3A_1112 = arith.constant 16 : index
          %get3A_1113 = tpu.vector_load %arg8[%get3A_1110, %get3A_1111, %get3A_1112] {strides = array<i32>} : memref<2x256x128xf32, #tpu.memory_space<vmem>>, vector<16xf32>,
          %mul3A_1114 = arith.mulf %gather3A_1099, %get3A_1113 : vector<16xf32>
          %add3A_1115 = arith.addf %add3A_1058, %mul3A_1114 : vector<16xf32>
          %get3A_1116 = arith.index_cast %and3A_299 : i32 to index
          %get3A_1117 = arith.index_cast %add3A_1103 : i32 to index
          %get3A_1118 = arith.constant 32 : index
          %get3A_1119 = tpu.vector_load %arg8[%get3A_1116, %get3A_1117, %get3A_1118] {strides = array<i32>} : memref<2x256x128xf32, #tpu.memory_space<vmem>>, vector<16xf32>,
          %mul3A_1120 = arith.mulf %gather3A_1099, %get3A_1119 : vector<16xf32>
          %add3A_1121 = arith.addf %add3A_1064, %mul3A_1120 : vector<16xf32>
          %get3A_1122 = arith.index_cast %and3A_299 : i32 to index
          %get3A_1123 = arith.index_cast %add3A_1103 : i32 to index
          %get3A_1124 = arith.constant 48 : index
          %get3A_1125 = tpu.vector_load %arg8[%get3A_1122, %get3A_1123, %get3A_1124] {strides = array<i32>} : memref<2x256x128xf32, #tpu.memory_space<vmem>>, vector<16xf32>,
          %mul3A_1126 = arith.mulf %gather3A_1099, %get3A_1125 : vector<16xf32>
          %add3A_1127 = arith.addf %add3A_1070, %mul3A_1126 : vector<16xf32>
          %get3A_1128 = arith.index_cast %and3A_299 : i32 to index
          %get3A_1129 = arith.index_cast %add3A_1103 : i32 to index
          %get3A_1130 = arith.constant 64 : index
          %get3A_1131 = tpu.vector_load %arg8[%get3A_1128, %get3A_1129, %get3A_1130] {strides = array<i32>} : memref<2x256x128xf32, #tpu.memory_space<vmem>>, vector<16xf32>,
          %mul3A_1132 = arith.mulf %gather3A_1099, %get3A_1131 : vector<16xf32>
          %add3A_1133 = arith.addf %add3A_1076, %mul3A_1132 : vector<16xf32>
          %get3A_1134 = arith.index_cast %and3A_299 : i32 to index
          %get3A_1135 = arith.index_cast %add3A_1103 : i32 to index
          %get3A_1136 = arith.constant 80 : index
          %get3A_1137 = tpu.vector_load %arg8[%get3A_1134, %get3A_1135, %get3A_1136] {strides = array<i32>} : memref<2x256x128xf32, #tpu.memory_space<vmem>>, vector<16xf32>,
          %mul3A_1138 = arith.mulf %gather3A_1099, %get3A_1137 : vector<16xf32>
          %add3A_1139 = arith.addf %add3A_1082, %mul3A_1138 : vector<16xf32>
          %get3A_1140 = arith.index_cast %and3A_299 : i32 to index
          %get3A_1141 = arith.index_cast %add3A_1103 : i32 to index
          %get3A_1142 = arith.constant 96 : index
          %get3A_1143 = tpu.vector_load %arg8[%get3A_1140, %get3A_1141, %get3A_1142] {strides = array<i32>} : memref<2x256x128xf32, #tpu.memory_space<vmem>>, vector<16xf32>,
          %mul3A_1144 = arith.mulf %gather3A_1099, %get3A_1143 : vector<16xf32>
          %add3A_1145 = arith.addf %add3A_1088, %mul3A_1144 : vector<16xf32>
          %get3A_1146 = arith.index_cast %and3A_299 : i32 to index
          %get3A_1147 = arith.index_cast %add3A_1103 : i32 to index
          %get3A_1148 = arith.constant 112 : index
          %get3A_1149 = tpu.vector_load %arg8[%get3A_1146, %get3A_1147, %get3A_1148] {strides = array<i32>} : memref<2x256x128xf32, #tpu.memory_space<vmem>>, vector<16xf32>,
          %mul3A_1150 = arith.mulf %gather3A_1099, %get3A_1149 : vector<16xf32>
          %add3A_1151 = arith.addf %add3A_1094, %mul3A_1150 : vector<16xf32>
          %broadcast_in_dim3A_1152 = arith.constant 9 : i32
          %broadcast_in_dim3A_1153 = vector.broadcast %broadcast_in_dim3A_1152 : i32 to vector<16xi32>
          %reshape3A_1154 = vector.shape_cast %broadcast_in_dim3A_1153 : vector<16xi32> to vector<16x1xi32>
          %gather3A_1155 = vector.shape_cast %reshape3A_1154 : vector<16x1xi32> to vector<16xi32>
          %gather3A_1156 = tpu.dynamic_gather %mul3A_559[%gather3A_1155] in [0] : vector<16xf32>, vector<16xi32> -> vector<16xf32>
          %mul3A_1157 = arith.constant 32 : i32
          %mul3A_1158 = arith.muli %scan3A_452, %mul3A_1157 : i32
          %add3A_1159 = arith.constant 9 : i32
          %add3A_1160 = arith.addi %mul3A_1158, %add3A_1159 : i32
          %get3A_1161 = arith.index_cast %and3A_299 : i32 to index
          %get3A_1162 = arith.index_cast %add3A_1160 : i32 to index
          %get3A_1163 = arith.constant 0 : index
          %get3A_1164 = tpu.vector_load %arg8[%get3A_1161, %get3A_1162, %get3A_1163] {strides = array<i32>} : memref<2x256x128xf32, #tpu.memory_space<vmem>>, vector<16xf32>,
          %mul3A_1165 = arith.mulf %gather3A_1156, %get3A_1164 : vector<16xf32>
          %add3A_1166 = arith.addf %add3A_1109, %mul3A_1165 : vector<16xf32>
          %get3A_1167 = arith.index_cast %and3A_299 : i32 to index
          %get3A_1168 = arith.index_cast %add3A_1160 : i32 to index
          %get3A_1169 = arith.constant 16 : index
          %get3A_1170 = tpu.vector_load %arg8[%get3A_1167, %get3A_1168, %get3A_1169] {strides = array<i32>} : memref<2x256x128xf32, #tpu.memory_space<vmem>>, vector<16xf32>,
          %mul3A_1171 = arith.mulf %gather3A_1156, %get3A_1170 : vector<16xf32>
          %add3A_1172 = arith.addf %add3A_1115, %mul3A_1171 : vector<16xf32>
          %get3A_1173 = arith.index_cast %and3A_299 : i32 to index
          %get3A_1174 = arith.index_cast %add3A_1160 : i32 to index
          %get3A_1175 = arith.constant 32 : index
          %get3A_1176 = tpu.vector_load %arg8[%get3A_1173, %get3A_1174, %get3A_1175] {strides = array<i32>} : memref<2x256x128xf32, #tpu.memory_space<vmem>>, vector<16xf32>,
          %mul3A_1177 = arith.mulf %gather3A_1156, %get3A_1176 : vector<16xf32>
          %add3A_1178 = arith.addf %add3A_1121, %mul3A_1177 : vector<16xf32>
          %get3A_1179 = arith.index_cast %and3A_299 : i32 to index
          %get3A_1180 = arith.index_cast %add3A_1160 : i32 to index
          %get3A_1181 = arith.constant 48 : index
          %get3A_1182 = tpu.vector_load %arg8[%get3A_1179, %get3A_1180, %get3A_1181] {strides = array<i32>} : memref<2x256x128xf32, #tpu.memory_space<vmem>>, vector<16xf32>,
          %mul3A_1183 = arith.mulf %gather3A_1156, %get3A_1182 : vector<16xf32>
          %add3A_1184 = arith.addf %add3A_1127, %mul3A_1183 : vector<16xf32>
          %get3A_1185 = arith.index_cast %and3A_299 : i32 to index
          %get3A_1186 = arith.index_cast %add3A_1160 : i32 to index
          %get3A_1187 = arith.constant 64 : index
          %get3A_1188 = tpu.vector_load %arg8[%get3A_1185, %get3A_1186, %get3A_1187] {strides = array<i32>} : memref<2x256x128xf32, #tpu.memory_space<vmem>>, vector<16xf32>,
          %mul3A_1189 = arith.mulf %gather3A_1156, %get3A_1188 : vector<16xf32>
          %add3A_1190 = arith.addf %add3A_1133, %mul3A_1189 : vector<16xf32>
          %get3A_1191 = arith.index_cast %and3A_299 : i32 to index
          %get3A_1192 = arith.index_cast %add3A_1160 : i32 to index
          %get3A_1193 = arith.constant 80 : index
          %get3A_1194 = tpu.vector_load %arg8[%get3A_1191, %get3A_1192, %get3A_1193] {strides = array<i32>} : memref<2x256x128xf32, #tpu.memory_space<vmem>>, vector<16xf32>,
          %mul3A_1195 = arith.mulf %gather3A_1156, %get3A_1194 : vector<16xf32>
          %add3A_1196 = arith.addf %add3A_1139, %mul3A_1195 : vector<16xf32>
          %get3A_1197 = arith.index_cast %and3A_299 : i32 to index
          %get3A_1198 = arith.index_cast %add3A_1160 : i32 to index
          %get3A_1199 = arith.constant 96 : index
          %get3A_1200 = tpu.vector_load %arg8[%get3A_1197, %get3A_1198, %get3A_1199] {strides = array<i32>} : memref<2x256x128xf32, #tpu.memory_space<vmem>>, vector<16xf32>,
          %mul3A_1201 = arith.mulf %gather3A_1156, %get3A_1200 : vector<16xf32>
          %add3A_1202 = arith.addf %add3A_1145, %mul3A_1201 : vector<16xf32>
          %get3A_1203 = arith.index_cast %and3A_299 : i32 to index
          %get3A_1204 = arith.index_cast %add3A_1160 : i32 to index
          %get3A_1205 = arith.constant 112 : index
          %get3A_1206 = tpu.vector_load %arg8[%get3A_1203, %get3A_1204, %get3A_1205] {strides = array<i32>} : memref<2x256x128xf32, #tpu.memory_space<vmem>>, vector<16xf32>,
          %mul3A_1207 = arith.mulf %gather3A_1156, %get3A_1206 : vector<16xf32>
          %add3A_1208 = arith.addf %add3A_1151, %mul3A_1207 : vector<16xf32>
          %broadcast_in_dim3A_1209 = arith.constant 10 : i32
          %broadcast_in_dim3A_1210 = vector.broadcast %broadcast_in_dim3A_1209 : i32 to vector<16xi32>
          %reshape3A_1211 = vector.shape_cast %broadcast_in_dim3A_1210 : vector<16xi32> to vector<16x1xi32>
          %gather3A_1212 = vector.shape_cast %reshape3A_1211 : vector<16x1xi32> to vector<16xi32>
          %gather3A_1213 = tpu.dynamic_gather %mul3A_559[%gather3A_1212] in [0] : vector<16xf32>, vector<16xi32> -> vector<16xf32>
          %mul3A_1214 = arith.constant 32 : i32
          %mul3A_1215 = arith.muli %scan3A_452, %mul3A_1214 : i32
          %add3A_1216 = arith.constant 10 : i32
          %add3A_1217 = arith.addi %mul3A_1215, %add3A_1216 : i32
          %get3A_1218 = arith.index_cast %and3A_299 : i32 to index
          %get3A_1219 = arith.index_cast %add3A_1217 : i32 to index
          %get3A_1220 = arith.constant 0 : index
          %get3A_1221 = tpu.vector_load %arg8[%get3A_1218, %get3A_1219, %get3A_1220] {strides = array<i32>} : memref<2x256x128xf32, #tpu.memory_space<vmem>>, vector<16xf32>,
          %mul3A_1222 = arith.mulf %gather3A_1213, %get3A_1221 : vector<16xf32>
          %add3A_1223 = arith.addf %add3A_1166, %mul3A_1222 : vector<16xf32>
          %get3A_1224 = arith.index_cast %and3A_299 : i32 to index
          %get3A_1225 = arith.index_cast %add3A_1217 : i32 to index
          %get3A_1226 = arith.constant 16 : index
          %get3A_1227 = tpu.vector_load %arg8[%get3A_1224, %get3A_1225, %get3A_1226] {strides = array<i32>} : memref<2x256x128xf32, #tpu.memory_space<vmem>>, vector<16xf32>,
          %mul3A_1228 = arith.mulf %gather3A_1213, %get3A_1227 : vector<16xf32>
          %add3A_1229 = arith.addf %add3A_1172, %mul3A_1228 : vector<16xf32>
          %get3A_1230 = arith.index_cast %and3A_299 : i32 to index
          %get3A_1231 = arith.index_cast %add3A_1217 : i32 to index
          %get3A_1232 = arith.constant 32 : index
          %get3A_1233 = tpu.vector_load %arg8[%get3A_1230, %get3A_1231, %get3A_1232] {strides = array<i32>} : memref<2x256x128xf32, #tpu.memory_space<vmem>>, vector<16xf32>,
          %mul3A_1234 = arith.mulf %gather3A_1213, %get3A_1233 : vector<16xf32>
          %add3A_1235 = arith.addf %add3A_1178, %mul3A_1234 : vector<16xf32>
          %get3A_1236 = arith.index_cast %and3A_299 : i32 to index
          %get3A_1237 = arith.index_cast %add3A_1217 : i32 to index
          %get3A_1238 = arith.constant 48 : index
          %get3A_1239 = tpu.vector_load %arg8[%get3A_1236, %get3A_1237, %get3A_1238] {strides = array<i32>} : memref<2x256x128xf32, #tpu.memory_space<vmem>>, vector<16xf32>,
          %mul3A_1240 = arith.mulf %gather3A_1213, %get3A_1239 : vector<16xf32>
          %add3A_1241 = arith.addf %add3A_1184, %mul3A_1240 : vector<16xf32>
          %get3A_1242 = arith.index_cast %and3A_299 : i32 to index
          %get3A_1243 = arith.index_cast %add3A_1217 : i32 to index
          %get3A_1244 = arith.constant 64 : index
          %get3A_1245 = tpu.vector_load %arg8[%get3A_1242, %get3A_1243, %get3A_1244] {strides = array<i32>} : memref<2x256x128xf32, #tpu.memory_space<vmem>>, vector<16xf32>,
          %mul3A_1246 = arith.mulf %gather3A_1213, %get3A_1245 : vector<16xf32>
          %add3A_1247 = arith.addf %add3A_1190, %mul3A_1246 : vector<16xf32>
          %get3A_1248 = arith.index_cast %and3A_299 : i32 to index
          %get3A_1249 = arith.index_cast %add3A_1217 : i32 to index
          %get3A_1250 = arith.constant 80 : index
          %get3A_1251 = tpu.vector_load %arg8[%get3A_1248, %get3A_1249, %get3A_1250] {strides = array<i32>} : memref<2x256x128xf32, #tpu.memory_space<vmem>>, vector<16xf32>,
          %mul3A_1252 = arith.mulf %gather3A_1213, %get3A_1251 : vector<16xf32>
          %add3A_1253 = arith.addf %add3A_1196, %mul3A_1252 : vector<16xf32>
          %get3A_1254 = arith.index_cast %and3A_299 : i32 to index
          %get3A_1255 = arith.index_cast %add3A_1217 : i32 to index
          %get3A_1256 = arith.constant 96 : index
          %get3A_1257 = tpu.vector_load %arg8[%get3A_1254, %get3A_1255, %get3A_1256] {strides = array<i32>} : memref<2x256x128xf32, #tpu.memory_space<vmem>>, vector<16xf32>,
          %mul3A_1258 = arith.mulf %gather3A_1213, %get3A_1257 : vector<16xf32>
          %add3A_1259 = arith.addf %add3A_1202, %mul3A_1258 : vector<16xf32>
          %get3A_1260 = arith.index_cast %and3A_299 : i32 to index
          %get3A_1261 = arith.index_cast %add3A_1217 : i32 to index
          %get3A_1262 = arith.constant 112 : index
          %get3A_1263 = tpu.vector_load %arg8[%get3A_1260, %get3A_1261, %get3A_1262] {strides = array<i32>} : memref<2x256x128xf32, #tpu.memory_space<vmem>>, vector<16xf32>,
          %mul3A_1264 = arith.mulf %gather3A_1213, %get3A_1263 : vector<16xf32>
          %add3A_1265 = arith.addf %add3A_1208, %mul3A_1264 : vector<16xf32>
          %broadcast_in_dim3A_1266 = arith.constant 11 : i32
          %broadcast_in_dim3A_1267 = vector.broadcast %broadcast_in_dim3A_1266 : i32 to vector<16xi32>
          %reshape3A_1268 = vector.shape_cast %broadcast_in_dim3A_1267 : vector<16xi32> to vector<16x1xi32>
          %gather3A_1269 = vector.shape_cast %reshape3A_1268 : vector<16x1xi32> to vector<16xi32>
          %gather3A_1270 = tpu.dynamic_gather %mul3A_559[%gather3A_1269] in [0] : vector<16xf32>, vector<16xi32> -> vector<16xf32>
          %mul3A_1271 = arith.constant 32 : i32
          %mul3A_1272 = arith.muli %scan3A_452, %mul3A_1271 : i32
          %add3A_1273 = arith.constant 11 : i32
          %add3A_1274 = arith.addi %mul3A_1272, %add3A_1273 : i32
          %get3A_1275 = arith.index_cast %and3A_299 : i32 to index
          %get3A_1276 = arith.index_cast %add3A_1274 : i32 to index
          %get3A_1277 = arith.constant 0 : index
          %get3A_1278 = tpu.vector_load %arg8[%get3A_1275, %get3A_1276, %get3A_1277] {strides = array<i32>} : memref<2x256x128xf32, #tpu.memory_space<vmem>>, vector<16xf32>,
          %mul3A_1279 = arith.mulf %gather3A_1270, %get3A_1278 : vector<16xf32>
          %add3A_1280 = arith.addf %add3A_1223, %mul3A_1279 : vector<16xf32>
          %get3A_1281 = arith.index_cast %and3A_299 : i32 to index
          %get3A_1282 = arith.index_cast %add3A_1274 : i32 to index
          %get3A_1283 = arith.constant 16 : index
          %get3A_1284 = tpu.vector_load %arg8[%get3A_1281, %get3A_1282, %get3A_1283] {strides = array<i32>} : memref<2x256x128xf32, #tpu.memory_space<vmem>>, vector<16xf32>,
          %mul3A_1285 = arith.mulf %gather3A_1270, %get3A_1284 : vector<16xf32>
          %add3A_1286 = arith.addf %add3A_1229, %mul3A_1285 : vector<16xf32>
          %get3A_1287 = arith.index_cast %and3A_299 : i32 to index
          %get3A_1288 = arith.index_cast %add3A_1274 : i32 to index
          %get3A_1289 = arith.constant 32 : index
          %get3A_1290 = tpu.vector_load %arg8[%get3A_1287, %get3A_1288, %get3A_1289] {strides = array<i32>} : memref<2x256x128xf32, #tpu.memory_space<vmem>>, vector<16xf32>,
          %mul3A_1291 = arith.mulf %gather3A_1270, %get3A_1290 : vector<16xf32>
          %add3A_1292 = arith.addf %add3A_1235, %mul3A_1291 : vector<16xf32>
          %get3A_1293 = arith.index_cast %and3A_299 : i32 to index
          %get3A_1294 = arith.index_cast %add3A_1274 : i32 to index
          %get3A_1295 = arith.constant 48 : index
          %get3A_1296 = tpu.vector_load %arg8[%get3A_1293, %get3A_1294, %get3A_1295] {strides = array<i32>} : memref<2x256x128xf32, #tpu.memory_space<vmem>>, vector<16xf32>,
          %mul3A_1297 = arith.mulf %gather3A_1270, %get3A_1296 : vector<16xf32>
          %add3A_1298 = arith.addf %add3A_1241, %mul3A_1297 : vector<16xf32>
          %get3A_1299 = arith.index_cast %and3A_299 : i32 to index
          %get3A_1300 = arith.index_cast %add3A_1274 : i32 to index
          %get3A_1301 = arith.constant 64 : index
          %get3A_1302 = tpu.vector_load %arg8[%get3A_1299, %get3A_1300, %get3A_1301] {strides = array<i32>} : memref<2x256x128xf32, #tpu.memory_space<vmem>>, vector<16xf32>,
          %mul3A_1303 = arith.mulf %gather3A_1270, %get3A_1302 : vector<16xf32>
          %add3A_1304 = arith.addf %add3A_1247, %mul3A_1303 : vector<16xf32>
          %get3A_1305 = arith.index_cast %and3A_299 : i32 to index
          %get3A_1306 = arith.index_cast %add3A_1274 : i32 to index
          %get3A_1307 = arith.constant 80 : index
          %get3A_1308 = tpu.vector_load %arg8[%get3A_1305, %get3A_1306, %get3A_1307] {strides = array<i32>} : memref<2x256x128xf32, #tpu.memory_space<vmem>>, vector<16xf32>,
          %mul3A_1309 = arith.mulf %gather3A_1270, %get3A_1308 : vector<16xf32>
          %add3A_1310 = arith.addf %add3A_1253, %mul3A_1309 : vector<16xf32>
          %get3A_1311 = arith.index_cast %and3A_299 : i32 to index
          %get3A_1312 = arith.index_cast %add3A_1274 : i32 to index
          %get3A_1313 = arith.constant 96 : index
          %get3A_1314 = tpu.vector_load %arg8[%get3A_1311, %get3A_1312, %get3A_1313] {strides = array<i32>} : memref<2x256x128xf32, #tpu.memory_space<vmem>>, vector<16xf32>,
          %mul3A_1315 = arith.mulf %gather3A_1270, %get3A_1314 : vector<16xf32>
          %add3A_1316 = arith.addf %add3A_1259, %mul3A_1315 : vector<16xf32>
          %get3A_1317 = arith.index_cast %and3A_299 : i32 to index
          %get3A_1318 = arith.index_cast %add3A_1274 : i32 to index
          %get3A_1319 = arith.constant 112 : index
          %get3A_1320 = tpu.vector_load %arg8[%get3A_1317, %get3A_1318, %get3A_1319] {strides = array<i32>} : memref<2x256x128xf32, #tpu.memory_space<vmem>>, vector<16xf32>,
          %mul3A_1321 = arith.mulf %gather3A_1270, %get3A_1320 : vector<16xf32>
          %add3A_1322 = arith.addf %add3A_1265, %mul3A_1321 : vector<16xf32>
          %broadcast_in_dim3A_1323 = arith.constant 12 : i32
          %broadcast_in_dim3A_1324 = vector.broadcast %broadcast_in_dim3A_1323 : i32 to vector<16xi32>
          %reshape3A_1325 = vector.shape_cast %broadcast_in_dim3A_1324 : vector<16xi32> to vector<16x1xi32>
          %gather3A_1326 = vector.shape_cast %reshape3A_1325 : vector<16x1xi32> to vector<16xi32>
          %gather3A_1327 = tpu.dynamic_gather %mul3A_559[%gather3A_1326] in [0] : vector<16xf32>, vector<16xi32> -> vector<16xf32>
          %mul3A_1328 = arith.constant 32 : i32
          %mul3A_1329 = arith.muli %scan3A_452, %mul3A_1328 : i32
          %add3A_1330 = arith.constant 12 : i32
          %add3A_1331 = arith.addi %mul3A_1329, %add3A_1330 : i32
          %get3A_1332 = arith.index_cast %and3A_299 : i32 to index
          %get3A_1333 = arith.index_cast %add3A_1331 : i32 to index
          %get3A_1334 = arith.constant 0 : index
          %get3A_1335 = tpu.vector_load %arg8[%get3A_1332, %get3A_1333, %get3A_1334] {strides = array<i32>} : memref<2x256x128xf32, #tpu.memory_space<vmem>>, vector<16xf32>,
          %mul3A_1336 = arith.mulf %gather3A_1327, %get3A_1335 : vector<16xf32>
          %add3A_1337 = arith.addf %add3A_1280, %mul3A_1336 : vector<16xf32>
          %get3A_1338 = arith.index_cast %and3A_299 : i32 to index
          %get3A_1339 = arith.index_cast %add3A_1331 : i32 to index
          %get3A_1340 = arith.constant 16 : index
          %get3A_1341 = tpu.vector_load %arg8[%get3A_1338, %get3A_1339, %get3A_1340] {strides = array<i32>} : memref<2x256x128xf32, #tpu.memory_space<vmem>>, vector<16xf32>,
          %mul3A_1342 = arith.mulf %gather3A_1327, %get3A_1341 : vector<16xf32>
          %add3A_1343 = arith.addf %add3A_1286, %mul3A_1342 : vector<16xf32>
          %get3A_1344 = arith.index_cast %and3A_299 : i32 to index
          %get3A_1345 = arith.index_cast %add3A_1331 : i32 to index
          %get3A_1346 = arith.constant 32 : index
          %get3A_1347 = tpu.vector_load %arg8[%get3A_1344, %get3A_1345, %get3A_1346] {strides = array<i32>} : memref<2x256x128xf32, #tpu.memory_space<vmem>>, vector<16xf32>,
          %mul3A_1348 = arith.mulf %gather3A_1327, %get3A_1347 : vector<16xf32>
          %add3A_1349 = arith.addf %add3A_1292, %mul3A_1348 : vector<16xf32>
          %get3A_1350 = arith.index_cast %and3A_299 : i32 to index
          %get3A_1351 = arith.index_cast %add3A_1331 : i32 to index
          %get3A_1352 = arith.constant 48 : index
          %get3A_1353 = tpu.vector_load %arg8[%get3A_1350, %get3A_1351, %get3A_1352] {strides = array<i32>} : memref<2x256x128xf32, #tpu.memory_space<vmem>>, vector<16xf32>,
          %mul3A_1354 = arith.mulf %gather3A_1327, %get3A_1353 : vector<16xf32>
          %add3A_1355 = arith.addf %add3A_1298, %mul3A_1354 : vector<16xf32>
          %get3A_1356 = arith.index_cast %and3A_299 : i32 to index
          %get3A_1357 = arith.index_cast %add3A_1331 : i32 to index
          %get3A_1358 = arith.constant 64 : index
          %get3A_1359 = tpu.vector_load %arg8[%get3A_1356, %get3A_1357, %get3A_1358] {strides = array<i32>} : memref<2x256x128xf32, #tpu.memory_space<vmem>>, vector<16xf32>,
          %mul3A_1360 = arith.mulf %gather3A_1327, %get3A_1359 : vector<16xf32>
          %add3A_1361 = arith.addf %add3A_1304, %mul3A_1360 : vector<16xf32>
          %get3A_1362 = arith.index_cast %and3A_299 : i32 to index
          %get3A_1363 = arith.index_cast %add3A_1331 : i32 to index
          %get3A_1364 = arith.constant 80 : index
          %get3A_1365 = tpu.vector_load %arg8[%get3A_1362, %get3A_1363, %get3A_1364] {strides = array<i32>} : memref<2x256x128xf32, #tpu.memory_space<vmem>>, vector<16xf32>,
          %mul3A_1366 = arith.mulf %gather3A_1327, %get3A_1365 : vector<16xf32>
          %add3A_1367 = arith.addf %add3A_1310, %mul3A_1366 : vector<16xf32>
          %get3A_1368 = arith.index_cast %and3A_299 : i32 to index
          %get3A_1369 = arith.index_cast %add3A_1331 : i32 to index
          %get3A_1370 = arith.constant 96 : index
          %get3A_1371 = tpu.vector_load %arg8[%get3A_1368, %get3A_1369, %get3A_1370] {strides = array<i32>} : memref<2x256x128xf32, #tpu.memory_space<vmem>>, vector<16xf32>,
          %mul3A_1372 = arith.mulf %gather3A_1327, %get3A_1371 : vector<16xf32>
          %add3A_1373 = arith.addf %add3A_1316, %mul3A_1372 : vector<16xf32>
          %get3A_1374 = arith.index_cast %and3A_299 : i32 to index
          %get3A_1375 = arith.index_cast %add3A_1331 : i32 to index
          %get3A_1376 = arith.constant 112 : index
          %get3A_1377 = tpu.vector_load %arg8[%get3A_1374, %get3A_1375, %get3A_1376] {strides = array<i32>} : memref<2x256x128xf32, #tpu.memory_space<vmem>>, vector<16xf32>,
          %mul3A_1378 = arith.mulf %gather3A_1327, %get3A_1377 : vector<16xf32>
          %add3A_1379 = arith.addf %add3A_1322, %mul3A_1378 : vector<16xf32>
          %broadcast_in_dim3A_1380 = arith.constant 13 : i32
          %broadcast_in_dim3A_1381 = vector.broadcast %broadcast_in_dim3A_1380 : i32 to vector<16xi32>
          %reshape3A_1382 = vector.shape_cast %broadcast_in_dim3A_1381 : vector<16xi32> to vector<16x1xi32>
          %gather3A_1383 = vector.shape_cast %reshape3A_1382 : vector<16x1xi32> to vector<16xi32>
          %gather3A_1384 = tpu.dynamic_gather %mul3A_559[%gather3A_1383] in [0] : vector<16xf32>, vector<16xi32> -> vector<16xf32>
          %mul3A_1385 = arith.constant 32 : i32
          %mul3A_1386 = arith.muli %scan3A_452, %mul3A_1385 : i32
          %add3A_1387 = arith.constant 13 : i32
          %add3A_1388 = arith.addi %mul3A_1386, %add3A_1387 : i32
          %get3A_1389 = arith.index_cast %and3A_299 : i32 to index
          %get3A_1390 = arith.index_cast %add3A_1388 : i32 to index
          %get3A_1391 = arith.constant 0 : index
          %get3A_1392 = tpu.vector_load %arg8[%get3A_1389, %get3A_1390, %get3A_1391] {strides = array<i32>} : memref<2x256x128xf32, #tpu.memory_space<vmem>>, vector<16xf32>,
          %mul3A_1393 = arith.mulf %gather3A_1384, %get3A_1392 : vector<16xf32>
          %add3A_1394 = arith.addf %add3A_1337, %mul3A_1393 : vector<16xf32>
          %get3A_1395 = arith.index_cast %and3A_299 : i32 to index
          %get3A_1396 = arith.index_cast %add3A_1388 : i32 to index
          %get3A_1397 = arith.constant 16 : index
          %get3A_1398 = tpu.vector_load %arg8[%get3A_1395, %get3A_1396, %get3A_1397] {strides = array<i32>} : memref<2x256x128xf32, #tpu.memory_space<vmem>>, vector<16xf32>,
          %mul3A_1399 = arith.mulf %gather3A_1384, %get3A_1398 : vector<16xf32>
          %add3A_1400 = arith.addf %add3A_1343, %mul3A_1399 : vector<16xf32>
          %get3A_1401 = arith.index_cast %and3A_299 : i32 to index
          %get3A_1402 = arith.index_cast %add3A_1388 : i32 to index
          %get3A_1403 = arith.constant 32 : index
          %get3A_1404 = tpu.vector_load %arg8[%get3A_1401, %get3A_1402, %get3A_1403] {strides = array<i32>} : memref<2x256x128xf32, #tpu.memory_space<vmem>>, vector<16xf32>,
          %mul3A_1405 = arith.mulf %gather3A_1384, %get3A_1404 : vector<16xf32>
          %add3A_1406 = arith.addf %add3A_1349, %mul3A_1405 : vector<16xf32>
          %get3A_1407 = arith.index_cast %and3A_299 : i32 to index
          %get3A_1408 = arith.index_cast %add3A_1388 : i32 to index
          %get3A_1409 = arith.constant 48 : index
          %get3A_1410 = tpu.vector_load %arg8[%get3A_1407, %get3A_1408, %get3A_1409] {strides = array<i32>} : memref<2x256x128xf32, #tpu.memory_space<vmem>>, vector<16xf32>,
          %mul3A_1411 = arith.mulf %gather3A_1384, %get3A_1410 : vector<16xf32>
          %add3A_1412 = arith.addf %add3A_1355, %mul3A_1411 : vector<16xf32>
          %get3A_1413 = arith.index_cast %and3A_299 : i32 to index
          %get3A_1414 = arith.index_cast %add3A_1388 : i32 to index
          %get3A_1415 = arith.constant 64 : index
          %get3A_1416 = tpu.vector_load %arg8[%get3A_1413, %get3A_1414, %get3A_1415] {strides = array<i32>} : memref<2x256x128xf32, #tpu.memory_space<vmem>>, vector<16xf32>,
          %mul3A_1417 = arith.mulf %gather3A_1384, %get3A_1416 : vector<16xf32>
          %add3A_1418 = arith.addf %add3A_1361, %mul3A_1417 : vector<16xf32>
          %get3A_1419 = arith.index_cast %and3A_299 : i32 to index
          %get3A_1420 = arith.index_cast %add3A_1388 : i32 to index
          %get3A_1421 = arith.constant 80 : index
          %get3A_1422 = tpu.vector_load %arg8[%get3A_1419, %get3A_1420, %get3A_1421] {strides = array<i32>} : memref<2x256x128xf32, #tpu.memory_space<vmem>>, vector<16xf32>,
          %mul3A_1423 = arith.mulf %gather3A_1384, %get3A_1422 : vector<16xf32>
          %add3A_1424 = arith.addf %add3A_1367, %mul3A_1423 : vector<16xf32>
          %get3A_1425 = arith.index_cast %and3A_299 : i32 to index
          %get3A_1426 = arith.index_cast %add3A_1388 : i32 to index
          %get3A_1427 = arith.constant 96 : index
          %get3A_1428 = tpu.vector_load %arg8[%get3A_1425, %get3A_1426, %get3A_1427] {strides = array<i32>} : memref<2x256x128xf32, #tpu.memory_space<vmem>>, vector<16xf32>,
          %mul3A_1429 = arith.mulf %gather3A_1384, %get3A_1428 : vector<16xf32>
          %add3A_1430 = arith.addf %add3A_1373, %mul3A_1429 : vector<16xf32>
          %get3A_1431 = arith.index_cast %and3A_299 : i32 to index
          %get3A_1432 = arith.index_cast %add3A_1388 : i32 to index
          %get3A_1433 = arith.constant 112 : index
          %get3A_1434 = tpu.vector_load %arg8[%get3A_1431, %get3A_1432, %get3A_1433] {strides = array<i32>} : memref<2x256x128xf32, #tpu.memory_space<vmem>>, vector<16xf32>,
          %mul3A_1435 = arith.mulf %gather3A_1384, %get3A_1434 : vector<16xf32>
          %add3A_1436 = arith.addf %add3A_1379, %mul3A_1435 : vector<16xf32>
          %broadcast_in_dim3A_1437 = arith.constant 14 : i32
          %broadcast_in_dim3A_1438 = vector.broadcast %broadcast_in_dim3A_1437 : i32 to vector<16xi32>
          %reshape3A_1439 = vector.shape_cast %broadcast_in_dim3A_1438 : vector<16xi32> to vector<16x1xi32>
          %gather3A_1440 = vector.shape_cast %reshape3A_1439 : vector<16x1xi32> to vector<16xi32>
          %gather3A_1441 = tpu.dynamic_gather %mul3A_559[%gather3A_1440] in [0] : vector<16xf32>, vector<16xi32> -> vector<16xf32>
          %mul3A_1442 = arith.constant 32 : i32
          %mul3A_1443 = arith.muli %scan3A_452, %mul3A_1442 : i32
          %add3A_1444 = arith.constant 14 : i32
          %add3A_1445 = arith.addi %mul3A_1443, %add3A_1444 : i32
          %get3A_1446 = arith.index_cast %and3A_299 : i32 to index
          %get3A_1447 = arith.index_cast %add3A_1445 : i32 to index
          %get3A_1448 = arith.constant 0 : index
          %get3A_1449 = tpu.vector_load %arg8[%get3A_1446, %get3A_1447, %get3A_1448] {strides = array<i32>} : memref<2x256x128xf32, #tpu.memory_space<vmem>>, vector<16xf32>,
          %mul3A_1450 = arith.mulf %gather3A_1441, %get3A_1449 : vector<16xf32>
          %add3A_1451 = arith.addf %add3A_1394, %mul3A_1450 : vector<16xf32>
          %get3A_1452 = arith.index_cast %and3A_299 : i32 to index
          %get3A_1453 = arith.index_cast %add3A_1445 : i32 to index
          %get3A_1454 = arith.constant 16 : index
          %get3A_1455 = tpu.vector_load %arg8[%get3A_1452, %get3A_1453, %get3A_1454] {strides = array<i32>} : memref<2x256x128xf32, #tpu.memory_space<vmem>>, vector<16xf32>,
          %mul3A_1456 = arith.mulf %gather3A_1441, %get3A_1455 : vector<16xf32>
          %add3A_1457 = arith.addf %add3A_1400, %mul3A_1456 : vector<16xf32>
          %get3A_1458 = arith.index_cast %and3A_299 : i32 to index
          %get3A_1459 = arith.index_cast %add3A_1445 : i32 to index
          %get3A_1460 = arith.constant 32 : index
          %get3A_1461 = tpu.vector_load %arg8[%get3A_1458, %get3A_1459, %get3A_1460] {strides = array<i32>} : memref<2x256x128xf32, #tpu.memory_space<vmem>>, vector<16xf32>,
          %mul3A_1462 = arith.mulf %gather3A_1441, %get3A_1461 : vector<16xf32>
          %add3A_1463 = arith.addf %add3A_1406, %mul3A_1462 : vector<16xf32>
          %get3A_1464 = arith.index_cast %and3A_299 : i32 to index
          %get3A_1465 = arith.index_cast %add3A_1445 : i32 to index
          %get3A_1466 = arith.constant 48 : index
          %get3A_1467 = tpu.vector_load %arg8[%get3A_1464, %get3A_1465, %get3A_1466] {strides = array<i32>} : memref<2x256x128xf32, #tpu.memory_space<vmem>>, vector<16xf32>,
          %mul3A_1468 = arith.mulf %gather3A_1441, %get3A_1467 : vector<16xf32>
          %add3A_1469 = arith.addf %add3A_1412, %mul3A_1468 : vector<16xf32>
          %get3A_1470 = arith.index_cast %and3A_299 : i32 to index
          %get3A_1471 = arith.index_cast %add3A_1445 : i32 to index
          %get3A_1472 = arith.constant 64 : index
          %get3A_1473 = tpu.vector_load %arg8[%get3A_1470, %get3A_1471, %get3A_1472] {strides = array<i32>} : memref<2x256x128xf32, #tpu.memory_space<vmem>>, vector<16xf32>,
          %mul3A_1474 = arith.mulf %gather3A_1441, %get3A_1473 : vector<16xf32>
          %add3A_1475 = arith.addf %add3A_1418, %mul3A_1474 : vector<16xf32>
          %get3A_1476 = arith.index_cast %and3A_299 : i32 to index
          %get3A_1477 = arith.index_cast %add3A_1445 : i32 to index
          %get3A_1478 = arith.constant 80 : index
          %get3A_1479 = tpu.vector_load %arg8[%get3A_1476, %get3A_1477, %get3A_1478] {strides = array<i32>} : memref<2x256x128xf32, #tpu.memory_space<vmem>>, vector<16xf32>,
          %mul3A_1480 = arith.mulf %gather3A_1441, %get3A_1479 : vector<16xf32>
          %add3A_1481 = arith.addf %add3A_1424, %mul3A_1480 : vector<16xf32>
          %get3A_1482 = arith.index_cast %and3A_299 : i32 to index
          %get3A_1483 = arith.index_cast %add3A_1445 : i32 to index
          %get3A_1484 = arith.constant 96 : index
          %get3A_1485 = tpu.vector_load %arg8[%get3A_1482, %get3A_1483, %get3A_1484] {strides = array<i32>} : memref<2x256x128xf32, #tpu.memory_space<vmem>>, vector<16xf32>,
          %mul3A_1486 = arith.mulf %gather3A_1441, %get3A_1485 : vector<16xf32>
          %add3A_1487 = arith.addf %add3A_1430, %mul3A_1486 : vector<16xf32>
          %get3A_1488 = arith.index_cast %and3A_299 : i32 to index
          %get3A_1489 = arith.index_cast %add3A_1445 : i32 to index
          %get3A_1490 = arith.constant 112 : index
          %get3A_1491 = tpu.vector_load %arg8[%get3A_1488, %get3A_1489, %get3A_1490] {strides = array<i32>} : memref<2x256x128xf32, #tpu.memory_space<vmem>>, vector<16xf32>,
          %mul3A_1492 = arith.mulf %gather3A_1441, %get3A_1491 : vector<16xf32>
          %add3A_1493 = arith.addf %add3A_1436, %mul3A_1492 : vector<16xf32>
          %broadcast_in_dim3A_1494 = arith.constant 15 : i32
          %broadcast_in_dim3A_1495 = vector.broadcast %broadcast_in_dim3A_1494 : i32 to vector<16xi32>
          %reshape3A_1496 = vector.shape_cast %broadcast_in_dim3A_1495 : vector<16xi32> to vector<16x1xi32>
          %gather3A_1497 = vector.shape_cast %reshape3A_1496 : vector<16x1xi32> to vector<16xi32>
          %gather3A_1498 = tpu.dynamic_gather %mul3A_559[%gather3A_1497] in [0] : vector<16xf32>, vector<16xi32> -> vector<16xf32>
          %mul3A_1499 = arith.constant 32 : i32
          %mul3A_1500 = arith.muli %scan3A_452, %mul3A_1499 : i32
          %add3A_1501 = arith.constant 15 : i32
          %add3A_1502 = arith.addi %mul3A_1500, %add3A_1501 : i32
          %get3A_1503 = arith.index_cast %and3A_299 : i32 to index
          %get3A_1504 = arith.index_cast %add3A_1502 : i32 to index
          %get3A_1505 = arith.constant 0 : index
          %get3A_1506 = tpu.vector_load %arg8[%get3A_1503, %get3A_1504, %get3A_1505] {strides = array<i32>} : memref<2x256x128xf32, #tpu.memory_space<vmem>>, vector<16xf32>,
          %mul3A_1507 = arith.mulf %gather3A_1498, %get3A_1506 : vector<16xf32>
          %add3A_1508 = arith.addf %add3A_1451, %mul3A_1507 : vector<16xf32>
          %get3A_1509 = arith.index_cast %and3A_299 : i32 to index
          %get3A_1510 = arith.index_cast %add3A_1502 : i32 to index
          %get3A_1511 = arith.constant 16 : index
          %get3A_1512 = tpu.vector_load %arg8[%get3A_1509, %get3A_1510, %get3A_1511] {strides = array<i32>} : memref<2x256x128xf32, #tpu.memory_space<vmem>>, vector<16xf32>,
          %mul3A_1513 = arith.mulf %gather3A_1498, %get3A_1512 : vector<16xf32>
          %add3A_1514 = arith.addf %add3A_1457, %mul3A_1513 : vector<16xf32>
          %get3A_1515 = arith.index_cast %and3A_299 : i32 to index
          %get3A_1516 = arith.index_cast %add3A_1502 : i32 to index
          %get3A_1517 = arith.constant 32 : index
          %get3A_1518 = tpu.vector_load %arg8[%get3A_1515, %get3A_1516, %get3A_1517] {strides = array<i32>} : memref<2x256x128xf32, #tpu.memory_space<vmem>>, vector<16xf32>,
          %mul3A_1519 = arith.mulf %gather3A_1498, %get3A_1518 : vector<16xf32>
          %add3A_1520 = arith.addf %add3A_1463, %mul3A_1519 : vector<16xf32>
          %get3A_1521 = arith.index_cast %and3A_299 : i32 to index
          %get3A_1522 = arith.index_cast %add3A_1502 : i32 to index
          %get3A_1523 = arith.constant 48 : index
          %get3A_1524 = tpu.vector_load %arg8[%get3A_1521, %get3A_1522, %get3A_1523] {strides = array<i32>} : memref<2x256x128xf32, #tpu.memory_space<vmem>>, vector<16xf32>,
          %mul3A_1525 = arith.mulf %gather3A_1498, %get3A_1524 : vector<16xf32>
          %add3A_1526 = arith.addf %add3A_1469, %mul3A_1525 : vector<16xf32>
          %get3A_1527 = arith.index_cast %and3A_299 : i32 to index
          %get3A_1528 = arith.index_cast %add3A_1502 : i32 to index
          %get3A_1529 = arith.constant 64 : index
          %get3A_1530 = tpu.vector_load %arg8[%get3A_1527, %get3A_1528, %get3A_1529] {strides = array<i32>} : memref<2x256x128xf32, #tpu.memory_space<vmem>>, vector<16xf32>,
          %mul3A_1531 = arith.mulf %gather3A_1498, %get3A_1530 : vector<16xf32>
          %add3A_1532 = arith.addf %add3A_1475, %mul3A_1531 : vector<16xf32>
          %get3A_1533 = arith.index_cast %and3A_299 : i32 to index
          %get3A_1534 = arith.index_cast %add3A_1502 : i32 to index
          %get3A_1535 = arith.constant 80 : index
          %get3A_1536 = tpu.vector_load %arg8[%get3A_1533, %get3A_1534, %get3A_1535] {strides = array<i32>} : memref<2x256x128xf32, #tpu.memory_space<vmem>>, vector<16xf32>,
          %mul3A_1537 = arith.mulf %gather3A_1498, %get3A_1536 : vector<16xf32>
          %add3A_1538 = arith.addf %add3A_1481, %mul3A_1537 : vector<16xf32>
          %get3A_1539 = arith.index_cast %and3A_299 : i32 to index
          %get3A_1540 = arith.index_cast %add3A_1502 : i32 to index
          %get3A_1541 = arith.constant 96 : index
          %get3A_1542 = tpu.vector_load %arg8[%get3A_1539, %get3A_1540, %get3A_1541] {strides = array<i32>} : memref<2x256x128xf32, #tpu.memory_space<vmem>>, vector<16xf32>,
          %mul3A_1543 = arith.mulf %gather3A_1498, %get3A_1542 : vector<16xf32>
          %add3A_1544 = arith.addf %add3A_1487, %mul3A_1543 : vector<16xf32>
          %get3A_1545 = arith.index_cast %and3A_299 : i32 to index
          %get3A_1546 = arith.index_cast %add3A_1502 : i32 to index
          %get3A_1547 = arith.constant 112 : index
          %get3A_1548 = tpu.vector_load %arg8[%get3A_1545, %get3A_1546, %get3A_1547] {strides = array<i32>} : memref<2x256x128xf32, #tpu.memory_space<vmem>>, vector<16xf32>,
          %mul3A_1549 = arith.mulf %gather3A_1498, %get3A_1548 : vector<16xf32>
          %add3A_1550 = arith.addf %add3A_1493, %mul3A_1549 : vector<16xf32>
          %broadcast_in_dim3A_1551 = arith.constant 0 : i32
          %broadcast_in_dim3A_1552 = vector.broadcast %broadcast_in_dim3A_1551 : i32 to vector<16xi32>
          %reshape3A_1553 = vector.shape_cast %broadcast_in_dim3A_1552 : vector<16xi32> to vector<16x1xi32>
          %gather3A_1554 = vector.shape_cast %reshape3A_1553 : vector<16x1xi32> to vector<16xi32>
          %gather3A_1555 = tpu.dynamic_gather %mul3A_623[%gather3A_1554] in [0] : vector<16xf32>, vector<16xi32> -> vector<16xf32>
          %mul3A_1556 = arith.constant 32 : i32
          %mul3A_1557 = arith.muli %scan3A_452, %mul3A_1556 : i32
          %add3A_1558 = arith.constant 16 : i32
          %add3A_1559 = arith.addi %mul3A_1557, %add3A_1558 : i32
          %get3A_1560 = arith.index_cast %and3A_299 : i32 to index
          %get3A_1561 = arith.index_cast %add3A_1559 : i32 to index
          %get3A_1562 = arith.constant 0 : index
          %get3A_1563 = tpu.vector_load %arg8[%get3A_1560, %get3A_1561, %get3A_1562] {strides = array<i32>} : memref<2x256x128xf32, #tpu.memory_space<vmem>>, vector<16xf32>,
          %mul3A_1564 = arith.mulf %gather3A_1555, %get3A_1563 : vector<16xf32>
          %add3A_1565 = arith.addf %add3A_1508, %mul3A_1564 : vector<16xf32>
          %get3A_1566 = arith.index_cast %and3A_299 : i32 to index
          %get3A_1567 = arith.index_cast %add3A_1559 : i32 to index
          %get3A_1568 = arith.constant 16 : index
          %get3A_1569 = tpu.vector_load %arg8[%get3A_1566, %get3A_1567, %get3A_1568] {strides = array<i32>} : memref<2x256x128xf32, #tpu.memory_space<vmem>>, vector<16xf32>,
          %mul3A_1570 = arith.mulf %gather3A_1555, %get3A_1569 : vector<16xf32>
          %add3A_1571 = arith.addf %add3A_1514, %mul3A_1570 : vector<16xf32>
          %get3A_1572 = arith.index_cast %and3A_299 : i32 to index
          %get3A_1573 = arith.index_cast %add3A_1559 : i32 to index
          %get3A_1574 = arith.constant 32 : index
          %get3A_1575 = tpu.vector_load %arg8[%get3A_1572, %get3A_1573, %get3A_1574] {strides = array<i32>} : memref<2x256x128xf32, #tpu.memory_space<vmem>>, vector<16xf32>,
          %mul3A_1576 = arith.mulf %gather3A_1555, %get3A_1575 : vector<16xf32>
          %add3A_1577 = arith.addf %add3A_1520, %mul3A_1576 : vector<16xf32>
          %get3A_1578 = arith.index_cast %and3A_299 : i32 to index
          %get3A_1579 = arith.index_cast %add3A_1559 : i32 to index
          %get3A_1580 = arith.constant 48 : index
          %get3A_1581 = tpu.vector_load %arg8[%get3A_1578, %get3A_1579, %get3A_1580] {strides = array<i32>} : memref<2x256x128xf32, #tpu.memory_space<vmem>>, vector<16xf32>,
          %mul3A_1582 = arith.mulf %gather3A_1555, %get3A_1581 : vector<16xf32>
          %add3A_1583 = arith.addf %add3A_1526, %mul3A_1582 : vector<16xf32>
          %get3A_1584 = arith.index_cast %and3A_299 : i32 to index
          %get3A_1585 = arith.index_cast %add3A_1559 : i32 to index
          %get3A_1586 = arith.constant 64 : index
          %get3A_1587 = tpu.vector_load %arg8[%get3A_1584, %get3A_1585, %get3A_1586] {strides = array<i32>} : memref<2x256x128xf32, #tpu.memory_space<vmem>>, vector<16xf32>,
          %mul3A_1588 = arith.mulf %gather3A_1555, %get3A_1587 : vector<16xf32>
          %add3A_1589 = arith.addf %add3A_1532, %mul3A_1588 : vector<16xf32>
          %get3A_1590 = arith.index_cast %and3A_299 : i32 to index
          %get3A_1591 = arith.index_cast %add3A_1559 : i32 to index
          %get3A_1592 = arith.constant 80 : index
          %get3A_1593 = tpu.vector_load %arg8[%get3A_1590, %get3A_1591, %get3A_1592] {strides = array<i32>} : memref<2x256x128xf32, #tpu.memory_space<vmem>>, vector<16xf32>,
          %mul3A_1594 = arith.mulf %gather3A_1555, %get3A_1593 : vector<16xf32>
          %add3A_1595 = arith.addf %add3A_1538, %mul3A_1594 : vector<16xf32>
          %get3A_1596 = arith.index_cast %and3A_299 : i32 to index
          %get3A_1597 = arith.index_cast %add3A_1559 : i32 to index
          %get3A_1598 = arith.constant 96 : index
          %get3A_1599 = tpu.vector_load %arg8[%get3A_1596, %get3A_1597, %get3A_1598] {strides = array<i32>} : memref<2x256x128xf32, #tpu.memory_space<vmem>>, vector<16xf32>,
          %mul3A_1600 = arith.mulf %gather3A_1555, %get3A_1599 : vector<16xf32>
          %add3A_1601 = arith.addf %add3A_1544, %mul3A_1600 : vector<16xf32>
          %get3A_1602 = arith.index_cast %and3A_299 : i32 to index
          %get3A_1603 = arith.index_cast %add3A_1559 : i32 to index
          %get3A_1604 = arith.constant 112 : index
          %get3A_1605 = tpu.vector_load %arg8[%get3A_1602, %get3A_1603, %get3A_1604] {strides = array<i32>} : memref<2x256x128xf32, #tpu.memory_space<vmem>>, vector<16xf32>,
          %mul3A_1606 = arith.mulf %gather3A_1555, %get3A_1605 : vector<16xf32>
          %add3A_1607 = arith.addf %add3A_1550, %mul3A_1606 : vector<16xf32>
          %broadcast_in_dim3A_1608 = arith.constant 1 : i32
          %broadcast_in_dim3A_1609 = vector.broadcast %broadcast_in_dim3A_1608 : i32 to vector<16xi32>
          %reshape3A_1610 = vector.shape_cast %broadcast_in_dim3A_1609 : vector<16xi32> to vector<16x1xi32>
          %gather3A_1611 = vector.shape_cast %reshape3A_1610 : vector<16x1xi32> to vector<16xi32>
          %gather3A_1612 = tpu.dynamic_gather %mul3A_623[%gather3A_1611] in [0] : vector<16xf32>, vector<16xi32> -> vector<16xf32>
          %mul3A_1613 = arith.constant 32 : i32
          %mul3A_1614 = arith.muli %scan3A_452, %mul3A_1613 : i32
          %add3A_1615 = arith.constant 17 : i32
          %add3A_1616 = arith.addi %mul3A_1614, %add3A_1615 : i32
          %get3A_1617 = arith.index_cast %and3A_299 : i32 to index
          %get3A_1618 = arith.index_cast %add3A_1616 : i32 to index
          %get3A_1619 = arith.constant 0 : index
          %get3A_1620 = tpu.vector_load %arg8[%get3A_1617, %get3A_1618, %get3A_1619] {strides = array<i32>} : memref<2x256x128xf32, #tpu.memory_space<vmem>>, vector<16xf32>,
          %mul3A_1621 = arith.mulf %gather3A_1612, %get3A_1620 : vector<16xf32>
          %add3A_1622 = arith.addf %add3A_1565, %mul3A_1621 : vector<16xf32>
          %get3A_1623 = arith.index_cast %and3A_299 : i32 to index
          %get3A_1624 = arith.index_cast %add3A_1616 : i32 to index
          %get3A_1625 = arith.constant 16 : index
          %get3A_1626 = tpu.vector_load %arg8[%get3A_1623, %get3A_1624, %get3A_1625] {strides = array<i32>} : memref<2x256x128xf32, #tpu.memory_space<vmem>>, vector<16xf32>,
          %mul3A_1627 = arith.mulf %gather3A_1612, %get3A_1626 : vector<16xf32>
          %add3A_1628 = arith.addf %add3A_1571, %mul3A_1627 : vector<16xf32>
          %get3A_1629 = arith.index_cast %and3A_299 : i32 to index
          %get3A_1630 = arith.index_cast %add3A_1616 : i32 to index
          %get3A_1631 = arith.constant 32 : index
          %get3A_1632 = tpu.vector_load %arg8[%get3A_1629, %get3A_1630, %get3A_1631] {strides = array<i32>} : memref<2x256x128xf32, #tpu.memory_space<vmem>>, vector<16xf32>,
          %mul3A_1633 = arith.mulf %gather3A_1612, %get3A_1632 : vector<16xf32>
          %add3A_1634 = arith.addf %add3A_1577, %mul3A_1633 : vector<16xf32>
          %get3A_1635 = arith.index_cast %and3A_299 : i32 to index
          %get3A_1636 = arith.index_cast %add3A_1616 : i32 to index
          %get3A_1637 = arith.constant 48 : index
          %get3A_1638 = tpu.vector_load %arg8[%get3A_1635, %get3A_1636, %get3A_1637] {strides = array<i32>} : memref<2x256x128xf32, #tpu.memory_space<vmem>>, vector<16xf32>,
          %mul3A_1639 = arith.mulf %gather3A_1612, %get3A_1638 : vector<16xf32>
          %add3A_1640 = arith.addf %add3A_1583, %mul3A_1639 : vector<16xf32>
          %get3A_1641 = arith.index_cast %and3A_299 : i32 to index
          %get3A_1642 = arith.index_cast %add3A_1616 : i32 to index
          %get3A_1643 = arith.constant 64 : index
          %get3A_1644 = tpu.vector_load %arg8[%get3A_1641, %get3A_1642, %get3A_1643] {strides = array<i32>} : memref<2x256x128xf32, #tpu.memory_space<vmem>>, vector<16xf32>,
          %mul3A_1645 = arith.mulf %gather3A_1612, %get3A_1644 : vector<16xf32>
          %add3A_1646 = arith.addf %add3A_1589, %mul3A_1645 : vector<16xf32>
          %get3A_1647 = arith.index_cast %and3A_299 : i32 to index
          %get3A_1648 = arith.index_cast %add3A_1616 : i32 to index
          %get3A_1649 = arith.constant 80 : index
          %get3A_1650 = tpu.vector_load %arg8[%get3A_1647, %get3A_1648, %get3A_1649] {strides = array<i32>} : memref<2x256x128xf32, #tpu.memory_space<vmem>>, vector<16xf32>,
          %mul3A_1651 = arith.mulf %gather3A_1612, %get3A_1650 : vector<16xf32>
          %add3A_1652 = arith.addf %add3A_1595, %mul3A_1651 : vector<16xf32>
          %get3A_1653 = arith.index_cast %and3A_299 : i32 to index
          %get3A_1654 = arith.index_cast %add3A_1616 : i32 to index
          %get3A_1655 = arith.constant 96 : index
          %get3A_1656 = tpu.vector_load %arg8[%get3A_1653, %get3A_1654, %get3A_1655] {strides = array<i32>} : memref<2x256x128xf32, #tpu.memory_space<vmem>>, vector<16xf32>,
          %mul3A_1657 = arith.mulf %gather3A_1612, %get3A_1656 : vector<16xf32>
          %add3A_1658 = arith.addf %add3A_1601, %mul3A_1657 : vector<16xf32>
          %get3A_1659 = arith.index_cast %and3A_299 : i32 to index
          %get3A_1660 = arith.index_cast %add3A_1616 : i32 to index
          %get3A_1661 = arith.constant 112 : index
          %get3A_1662 = tpu.vector_load %arg8[%get3A_1659, %get3A_1660, %get3A_1661] {strides = array<i32>} : memref<2x256x128xf32, #tpu.memory_space<vmem>>, vector<16xf32>,
          %mul3A_1663 = arith.mulf %gather3A_1612, %get3A_1662 : vector<16xf32>
          %add3A_1664 = arith.addf %add3A_1607, %mul3A_1663 : vector<16xf32>
          %broadcast_in_dim3A_1665 = arith.constant 2 : i32
          %broadcast_in_dim3A_1666 = vector.broadcast %broadcast_in_dim3A_1665 : i32 to vector<16xi32>
          %reshape3A_1667 = vector.shape_cast %broadcast_in_dim3A_1666 : vector<16xi32> to vector<16x1xi32>
          %gather3A_1668 = vector.shape_cast %reshape3A_1667 : vector<16x1xi32> to vector<16xi32>
          %gather3A_1669 = tpu.dynamic_gather %mul3A_623[%gather3A_1668] in [0] : vector<16xf32>, vector<16xi32> -> vector<16xf32>
          %mul3A_1670 = arith.constant 32 : i32
          %mul3A_1671 = arith.muli %scan3A_452, %mul3A_1670 : i32
          %add3A_1672 = arith.constant 18 : i32
          %add3A_1673 = arith.addi %mul3A_1671, %add3A_1672 : i32
          %get3A_1674 = arith.index_cast %and3A_299 : i32 to index
          %get3A_1675 = arith.index_cast %add3A_1673 : i32 to index
          %get3A_1676 = arith.constant 0 : index
          %get3A_1677 = tpu.vector_load %arg8[%get3A_1674, %get3A_1675, %get3A_1676] {strides = array<i32>} : memref<2x256x128xf32, #tpu.memory_space<vmem>>, vector<16xf32>,
          %mul3A_1678 = arith.mulf %gather3A_1669, %get3A_1677 : vector<16xf32>
          %add3A_1679 = arith.addf %add3A_1622, %mul3A_1678 : vector<16xf32>
          %get3A_1680 = arith.index_cast %and3A_299 : i32 to index
          %get3A_1681 = arith.index_cast %add3A_1673 : i32 to index
          %get3A_1682 = arith.constant 16 : index
          %get3A_1683 = tpu.vector_load %arg8[%get3A_1680, %get3A_1681, %get3A_1682] {strides = array<i32>} : memref<2x256x128xf32, #tpu.memory_space<vmem>>, vector<16xf32>,
          %mul3A_1684 = arith.mulf %gather3A_1669, %get3A_1683 : vector<16xf32>
          %add3A_1685 = arith.addf %add3A_1628, %mul3A_1684 : vector<16xf32>
          %get3A_1686 = arith.index_cast %and3A_299 : i32 to index
          %get3A_1687 = arith.index_cast %add3A_1673 : i32 to index
          %get3A_1688 = arith.constant 32 : index
          %get3A_1689 = tpu.vector_load %arg8[%get3A_1686, %get3A_1687, %get3A_1688] {strides = array<i32>} : memref<2x256x128xf32, #tpu.memory_space<vmem>>, vector<16xf32>,
          %mul3A_1690 = arith.mulf %gather3A_1669, %get3A_1689 : vector<16xf32>
          %add3A_1691 = arith.addf %add3A_1634, %mul3A_1690 : vector<16xf32>
          %get3A_1692 = arith.index_cast %and3A_299 : i32 to index
          %get3A_1693 = arith.index_cast %add3A_1673 : i32 to index
          %get3A_1694 = arith.constant 48 : index
          %get3A_1695 = tpu.vector_load %arg8[%get3A_1692, %get3A_1693, %get3A_1694] {strides = array<i32>} : memref<2x256x128xf32, #tpu.memory_space<vmem>>, vector<16xf32>,
          %mul3A_1696 = arith.mulf %gather3A_1669, %get3A_1695 : vector<16xf32>
          %add3A_1697 = arith.addf %add3A_1640, %mul3A_1696 : vector<16xf32>
          %get3A_1698 = arith.index_cast %and3A_299 : i32 to index
          %get3A_1699 = arith.index_cast %add3A_1673 : i32 to index
          %get3A_1700 = arith.constant 64 : index
          %get3A_1701 = tpu.vector_load %arg8[%get3A_1698, %get3A_1699, %get3A_1700] {strides = array<i32>} : memref<2x256x128xf32, #tpu.memory_space<vmem>>, vector<16xf32>,
          %mul3A_1702 = arith.mulf %gather3A_1669, %get3A_1701 : vector<16xf32>
          %add3A_1703 = arith.addf %add3A_1646, %mul3A_1702 : vector<16xf32>
          %get3A_1704 = arith.index_cast %and3A_299 : i32 to index
          %get3A_1705 = arith.index_cast %add3A_1673 : i32 to index
          %get3A_1706 = arith.constant 80 : index
          %get3A_1707 = tpu.vector_load %arg8[%get3A_1704, %get3A_1705, %get3A_1706] {strides = array<i32>} : memref<2x256x128xf32, #tpu.memory_space<vmem>>, vector<16xf32>,
          %mul3A_1708 = arith.mulf %gather3A_1669, %get3A_1707 : vector<16xf32>
          %add3A_1709 = arith.addf %add3A_1652, %mul3A_1708 : vector<16xf32>
          %get3A_1710 = arith.index_cast %and3A_299 : i32 to index
          %get3A_1711 = arith.index_cast %add3A_1673 : i32 to index
          %get3A_1712 = arith.constant 96 : index
          %get3A_1713 = tpu.vector_load %arg8[%get3A_1710, %get3A_1711, %get3A_1712] {strides = array<i32>} : memref<2x256x128xf32, #tpu.memory_space<vmem>>, vector<16xf32>,
          %mul3A_1714 = arith.mulf %gather3A_1669, %get3A_1713 : vector<16xf32>
          %add3A_1715 = arith.addf %add3A_1658, %mul3A_1714 : vector<16xf32>
          %get3A_1716 = arith.index_cast %and3A_299 : i32 to index
          %get3A_1717 = arith.index_cast %add3A_1673 : i32 to index
          %get3A_1718 = arith.constant 112 : index
          %get3A_1719 = tpu.vector_load %arg8[%get3A_1716, %get3A_1717, %get3A_1718] {strides = array<i32>} : memref<2x256x128xf32, #tpu.memory_space<vmem>>, vector<16xf32>,
          %mul3A_1720 = arith.mulf %gather3A_1669, %get3A_1719 : vector<16xf32>
          %add3A_1721 = arith.addf %add3A_1664, %mul3A_1720 : vector<16xf32>
          %broadcast_in_dim3A_1722 = arith.constant 3 : i32
          %broadcast_in_dim3A_1723 = vector.broadcast %broadcast_in_dim3A_1722 : i32 to vector<16xi32>
          %reshape3A_1724 = vector.shape_cast %broadcast_in_dim3A_1723 : vector<16xi32> to vector<16x1xi32>
          %gather3A_1725 = vector.shape_cast %reshape3A_1724 : vector<16x1xi32> to vector<16xi32>
          %gather3A_1726 = tpu.dynamic_gather %mul3A_623[%gather3A_1725] in [0] : vector<16xf32>, vector<16xi32> -> vector<16xf32>
          %mul3A_1727 = arith.constant 32 : i32
          %mul3A_1728 = arith.muli %scan3A_452, %mul3A_1727 : i32
          %add3A_1729 = arith.constant 19 : i32
          %add3A_1730 = arith.addi %mul3A_1728, %add3A_1729 : i32
          %get3A_1731 = arith.index_cast %and3A_299 : i32 to index
          %get3A_1732 = arith.index_cast %add3A_1730 : i32 to index
          %get3A_1733 = arith.constant 0 : index
          %get3A_1734 = tpu.vector_load %arg8[%get3A_1731, %get3A_1732, %get3A_1733] {strides = array<i32>} : memref<2x256x128xf32, #tpu.memory_space<vmem>>, vector<16xf32>,
          %mul3A_1735 = arith.mulf %gather3A_1726, %get3A_1734 : vector<16xf32>
          %add3A_1736 = arith.addf %add3A_1679, %mul3A_1735 : vector<16xf32>
          %get3A_1737 = arith.index_cast %and3A_299 : i32 to index
          %get3A_1738 = arith.index_cast %add3A_1730 : i32 to index
          %get3A_1739 = arith.constant 16 : index
          %get3A_1740 = tpu.vector_load %arg8[%get3A_1737, %get3A_1738, %get3A_1739] {strides = array<i32>} : memref<2x256x128xf32, #tpu.memory_space<vmem>>, vector<16xf32>,
          %mul3A_1741 = arith.mulf %gather3A_1726, %get3A_1740 : vector<16xf32>
          %add3A_1742 = arith.addf %add3A_1685, %mul3A_1741 : vector<16xf32>
          %get3A_1743 = arith.index_cast %and3A_299 : i32 to index
          %get3A_1744 = arith.index_cast %add3A_1730 : i32 to index
          %get3A_1745 = arith.constant 32 : index
          %get3A_1746 = tpu.vector_load %arg8[%get3A_1743, %get3A_1744, %get3A_1745] {strides = array<i32>} : memref<2x256x128xf32, #tpu.memory_space<vmem>>, vector<16xf32>,
          %mul3A_1747 = arith.mulf %gather3A_1726, %get3A_1746 : vector<16xf32>
          %add3A_1748 = arith.addf %add3A_1691, %mul3A_1747 : vector<16xf32>
          %get3A_1749 = arith.index_cast %and3A_299 : i32 to index
          %get3A_1750 = arith.index_cast %add3A_1730 : i32 to index
          %get3A_1751 = arith.constant 48 : index
          %get3A_1752 = tpu.vector_load %arg8[%get3A_1749, %get3A_1750, %get3A_1751] {strides = array<i32>} : memref<2x256x128xf32, #tpu.memory_space<vmem>>, vector<16xf32>,
          %mul3A_1753 = arith.mulf %gather3A_1726, %get3A_1752 : vector<16xf32>
          %add3A_1754 = arith.addf %add3A_1697, %mul3A_1753 : vector<16xf32>
          %get3A_1755 = arith.index_cast %and3A_299 : i32 to index
          %get3A_1756 = arith.index_cast %add3A_1730 : i32 to index
          %get3A_1757 = arith.constant 64 : index
          %get3A_1758 = tpu.vector_load %arg8[%get3A_1755, %get3A_1756, %get3A_1757] {strides = array<i32>} : memref<2x256x128xf32, #tpu.memory_space<vmem>>, vector<16xf32>,
          %mul3A_1759 = arith.mulf %gather3A_1726, %get3A_1758 : vector<16xf32>
          %add3A_1760 = arith.addf %add3A_1703, %mul3A_1759 : vector<16xf32>
          %get3A_1761 = arith.index_cast %and3A_299 : i32 to index
          %get3A_1762 = arith.index_cast %add3A_1730 : i32 to index
          %get3A_1763 = arith.constant 80 : index
          %get3A_1764 = tpu.vector_load %arg8[%get3A_1761, %get3A_1762, %get3A_1763] {strides = array<i32>} : memref<2x256x128xf32, #tpu.memory_space<vmem>>, vector<16xf32>,
          %mul3A_1765 = arith.mulf %gather3A_1726, %get3A_1764 : vector<16xf32>
          %add3A_1766 = arith.addf %add3A_1709, %mul3A_1765 : vector<16xf32>
          %get3A_1767 = arith.index_cast %and3A_299 : i32 to index
          %get3A_1768 = arith.index_cast %add3A_1730 : i32 to index
          %get3A_1769 = arith.constant 96 : index
          %get3A_1770 = tpu.vector_load %arg8[%get3A_1767, %get3A_1768, %get3A_1769] {strides = array<i32>} : memref<2x256x128xf32, #tpu.memory_space<vmem>>, vector<16xf32>,
          %mul3A_1771 = arith.mulf %gather3A_1726, %get3A_1770 : vector<16xf32>
          %add3A_1772 = arith.addf %add3A_1715, %mul3A_1771 : vector<16xf32>
          %get3A_1773 = arith.index_cast %and3A_299 : i32 to index
          %get3A_1774 = arith.index_cast %add3A_1730 : i32 to index
          %get3A_1775 = arith.constant 112 : index
          %get3A_1776 = tpu.vector_load %arg8[%get3A_1773, %get3A_1774, %get3A_1775] {strides = array<i32>} : memref<2x256x128xf32, #tpu.memory_space<vmem>>, vector<16xf32>,
          %mul3A_1777 = arith.mulf %gather3A_1726, %get3A_1776 : vector<16xf32>
          %add3A_1778 = arith.addf %add3A_1721, %mul3A_1777 : vector<16xf32>
          %broadcast_in_dim3A_1779 = arith.constant 4 : i32
          %broadcast_in_dim3A_1780 = vector.broadcast %broadcast_in_dim3A_1779 : i32 to vector<16xi32>
          %reshape3A_1781 = vector.shape_cast %broadcast_in_dim3A_1780 : vector<16xi32> to vector<16x1xi32>
          %gather3A_1782 = vector.shape_cast %reshape3A_1781 : vector<16x1xi32> to vector<16xi32>
          %gather3A_1783 = tpu.dynamic_gather %mul3A_623[%gather3A_1782] in [0] : vector<16xf32>, vector<16xi32> -> vector<16xf32>
          %mul3A_1784 = arith.constant 32 : i32
          %mul3A_1785 = arith.muli %scan3A_452, %mul3A_1784 : i32
          %add3A_1786 = arith.constant 20 : i32
          %add3A_1787 = arith.addi %mul3A_1785, %add3A_1786 : i32
          %get3A_1788 = arith.index_cast %and3A_299 : i32 to index
          %get3A_1789 = arith.index_cast %add3A_1787 : i32 to index
          %get3A_1790 = arith.constant 0 : index
          %get3A_1791 = tpu.vector_load %arg8[%get3A_1788, %get3A_1789, %get3A_1790] {strides = array<i32>} : memref<2x256x128xf32, #tpu.memory_space<vmem>>, vector<16xf32>,
          %mul3A_1792 = arith.mulf %gather3A_1783, %get3A_1791 : vector<16xf32>
          %add3A_1793 = arith.addf %add3A_1736, %mul3A_1792 : vector<16xf32>
          %get3A_1794 = arith.index_cast %and3A_299 : i32 to index
          %get3A_1795 = arith.index_cast %add3A_1787 : i32 to index
          %get3A_1796 = arith.constant 16 : index
          %get3A_1797 = tpu.vector_load %arg8[%get3A_1794, %get3A_1795, %get3A_1796] {strides = array<i32>} : memref<2x256x128xf32, #tpu.memory_space<vmem>>, vector<16xf32>,
          %mul3A_1798 = arith.mulf %gather3A_1783, %get3A_1797 : vector<16xf32>
          %add3A_1799 = arith.addf %add3A_1742, %mul3A_1798 : vector<16xf32>
          %get3A_1800 = arith.index_cast %and3A_299 : i32 to index
          %get3A_1801 = arith.index_cast %add3A_1787 : i32 to index
          %get3A_1802 = arith.constant 32 : index
          %get3A_1803 = tpu.vector_load %arg8[%get3A_1800, %get3A_1801, %get3A_1802] {strides = array<i32>} : memref<2x256x128xf32, #tpu.memory_space<vmem>>, vector<16xf32>,
          %mul3A_1804 = arith.mulf %gather3A_1783, %get3A_1803 : vector<16xf32>
          %add3A_1805 = arith.addf %add3A_1748, %mul3A_1804 : vector<16xf32>
          %get3A_1806 = arith.index_cast %and3A_299 : i32 to index
          %get3A_1807 = arith.index_cast %add3A_1787 : i32 to index
          %get3A_1808 = arith.constant 48 : index
          %get3A_1809 = tpu.vector_load %arg8[%get3A_1806, %get3A_1807, %get3A_1808] {strides = array<i32>} : memref<2x256x128xf32, #tpu.memory_space<vmem>>, vector<16xf32>,
          %mul3A_1810 = arith.mulf %gather3A_1783, %get3A_1809 : vector<16xf32>
          %add3A_1811 = arith.addf %add3A_1754, %mul3A_1810 : vector<16xf32>
          %get3A_1812 = arith.index_cast %and3A_299 : i32 to index
          %get3A_1813 = arith.index_cast %add3A_1787 : i32 to index
          %get3A_1814 = arith.constant 64 : index
          %get3A_1815 = tpu.vector_load %arg8[%get3A_1812, %get3A_1813, %get3A_1814] {strides = array<i32>} : memref<2x256x128xf32, #tpu.memory_space<vmem>>, vector<16xf32>,
          %mul3A_1816 = arith.mulf %gather3A_1783, %get3A_1815 : vector<16xf32>
          %add3A_1817 = arith.addf %add3A_1760, %mul3A_1816 : vector<16xf32>
          %get3A_1818 = arith.index_cast %and3A_299 : i32 to index
          %get3A_1819 = arith.index_cast %add3A_1787 : i32 to index
          %get3A_1820 = arith.constant 80 : index
          %get3A_1821 = tpu.vector_load %arg8[%get3A_1818, %get3A_1819, %get3A_1820] {strides = array<i32>} : memref<2x256x128xf32, #tpu.memory_space<vmem>>, vector<16xf32>,
          %mul3A_1822 = arith.mulf %gather3A_1783, %get3A_1821 : vector<16xf32>
          %add3A_1823 = arith.addf %add3A_1766, %mul3A_1822 : vector<16xf32>
          %get3A_1824 = arith.index_cast %and3A_299 : i32 to index
          %get3A_1825 = arith.index_cast %add3A_1787 : i32 to index
          %get3A_1826 = arith.constant 96 : index
          %get3A_1827 = tpu.vector_load %arg8[%get3A_1824, %get3A_1825, %get3A_1826] {strides = array<i32>} : memref<2x256x128xf32, #tpu.memory_space<vmem>>, vector<16xf32>,
          %mul3A_1828 = arith.mulf %gather3A_1783, %get3A_1827 : vector<16xf32>
          %add3A_1829 = arith.addf %add3A_1772, %mul3A_1828 : vector<16xf32>
          %get3A_1830 = arith.index_cast %and3A_299 : i32 to index
          %get3A_1831 = arith.index_cast %add3A_1787 : i32 to index
          %get3A_1832 = arith.constant 112 : index
          %get3A_1833 = tpu.vector_load %arg8[%get3A_1830, %get3A_1831, %get3A_1832] {strides = array<i32>} : memref<2x256x128xf32, #tpu.memory_space<vmem>>, vector<16xf32>,
          %mul3A_1834 = arith.mulf %gather3A_1783, %get3A_1833 : vector<16xf32>
          %add3A_1835 = arith.addf %add3A_1778, %mul3A_1834 : vector<16xf32>
          %broadcast_in_dim3A_1836 = arith.constant 5 : i32
          %broadcast_in_dim3A_1837 = vector.broadcast %broadcast_in_dim3A_1836 : i32 to vector<16xi32>
          %reshape3A_1838 = vector.shape_cast %broadcast_in_dim3A_1837 : vector<16xi32> to vector<16x1xi32>
          %gather3A_1839 = vector.shape_cast %reshape3A_1838 : vector<16x1xi32> to vector<16xi32>
          %gather3A_1840 = tpu.dynamic_gather %mul3A_623[%gather3A_1839] in [0] : vector<16xf32>, vector<16xi32> -> vector<16xf32>
          %mul3A_1841 = arith.constant 32 : i32
          %mul3A_1842 = arith.muli %scan3A_452, %mul3A_1841 : i32
          %add3A_1843 = arith.constant 21 : i32
          %add3A_1844 = arith.addi %mul3A_1842, %add3A_1843 : i32
          %get3A_1845 = arith.index_cast %and3A_299 : i32 to index
          %get3A_1846 = arith.index_cast %add3A_1844 : i32 to index
          %get3A_1847 = arith.constant 0 : index
          %get3A_1848 = tpu.vector_load %arg8[%get3A_1845, %get3A_1846, %get3A_1847] {strides = array<i32>} : memref<2x256x128xf32, #tpu.memory_space<vmem>>, vector<16xf32>,
          %mul3A_1849 = arith.mulf %gather3A_1840, %get3A_1848 : vector<16xf32>
          %add3A_1850 = arith.addf %add3A_1793, %mul3A_1849 : vector<16xf32>
          %get3A_1851 = arith.index_cast %and3A_299 : i32 to index
          %get3A_1852 = arith.index_cast %add3A_1844 : i32 to index
          %get3A_1853 = arith.constant 16 : index
          %get3A_1854 = tpu.vector_load %arg8[%get3A_1851, %get3A_1852, %get3A_1853] {strides = array<i32>} : memref<2x256x128xf32, #tpu.memory_space<vmem>>, vector<16xf32>,
          %mul3A_1855 = arith.mulf %gather3A_1840, %get3A_1854 : vector<16xf32>
          %add3A_1856 = arith.addf %add3A_1799, %mul3A_1855 : vector<16xf32>
          %get3A_1857 = arith.index_cast %and3A_299 : i32 to index
          %get3A_1858 = arith.index_cast %add3A_1844 : i32 to index
          %get3A_1859 = arith.constant 32 : index
          %get3A_1860 = tpu.vector_load %arg8[%get3A_1857, %get3A_1858, %get3A_1859] {strides = array<i32>} : memref<2x256x128xf32, #tpu.memory_space<vmem>>, vector<16xf32>,
          %mul3A_1861 = arith.mulf %gather3A_1840, %get3A_1860 : vector<16xf32>
          %add3A_1862 = arith.addf %add3A_1805, %mul3A_1861 : vector<16xf32>
          %get3A_1863 = arith.index_cast %and3A_299 : i32 to index
          %get3A_1864 = arith.index_cast %add3A_1844 : i32 to index
          %get3A_1865 = arith.constant 48 : index
          %get3A_1866 = tpu.vector_load %arg8[%get3A_1863, %get3A_1864, %get3A_1865] {strides = array<i32>} : memref<2x256x128xf32, #tpu.memory_space<vmem>>, vector<16xf32>,
          %mul3A_1867 = arith.mulf %gather3A_1840, %get3A_1866 : vector<16xf32>
          %add3A_1868 = arith.addf %add3A_1811, %mul3A_1867 : vector<16xf32>
          %get3A_1869 = arith.index_cast %and3A_299 : i32 to index
          %get3A_1870 = arith.index_cast %add3A_1844 : i32 to index
          %get3A_1871 = arith.constant 64 : index
          %get3A_1872 = tpu.vector_load %arg8[%get3A_1869, %get3A_1870, %get3A_1871] {strides = array<i32>} : memref<2x256x128xf32, #tpu.memory_space<vmem>>, vector<16xf32>,
          %mul3A_1873 = arith.mulf %gather3A_1840, %get3A_1872 : vector<16xf32>
          %add3A_1874 = arith.addf %add3A_1817, %mul3A_1873 : vector<16xf32>
          %get3A_1875 = arith.index_cast %and3A_299 : i32 to index
          %get3A_1876 = arith.index_cast %add3A_1844 : i32 to index
          %get3A_1877 = arith.constant 80 : index
          %get3A_1878 = tpu.vector_load %arg8[%get3A_1875, %get3A_1876, %get3A_1877] {strides = array<i32>} : memref<2x256x128xf32, #tpu.memory_space<vmem>>, vector<16xf32>,
          %mul3A_1879 = arith.mulf %gather3A_1840, %get3A_1878 : vector<16xf32>
          %add3A_1880 = arith.addf %add3A_1823, %mul3A_1879 : vector<16xf32>
          %get3A_1881 = arith.index_cast %and3A_299 : i32 to index
          %get3A_1882 = arith.index_cast %add3A_1844 : i32 to index
          %get3A_1883 = arith.constant 96 : index
          %get3A_1884 = tpu.vector_load %arg8[%get3A_1881, %get3A_1882, %get3A_1883] {strides = array<i32>} : memref<2x256x128xf32, #tpu.memory_space<vmem>>, vector<16xf32>,
          %mul3A_1885 = arith.mulf %gather3A_1840, %get3A_1884 : vector<16xf32>
          %add3A_1886 = arith.addf %add3A_1829, %mul3A_1885 : vector<16xf32>
          %get3A_1887 = arith.index_cast %and3A_299 : i32 to index
          %get3A_1888 = arith.index_cast %add3A_1844 : i32 to index
          %get3A_1889 = arith.constant 112 : index
          %get3A_1890 = tpu.vector_load %arg8[%get3A_1887, %get3A_1888, %get3A_1889] {strides = array<i32>} : memref<2x256x128xf32, #tpu.memory_space<vmem>>, vector<16xf32>,
          %mul3A_1891 = arith.mulf %gather3A_1840, %get3A_1890 : vector<16xf32>
          %add3A_1892 = arith.addf %add3A_1835, %mul3A_1891 : vector<16xf32>
          %broadcast_in_dim3A_1893 = arith.constant 6 : i32
          %broadcast_in_dim3A_1894 = vector.broadcast %broadcast_in_dim3A_1893 : i32 to vector<16xi32>
          %reshape3A_1895 = vector.shape_cast %broadcast_in_dim3A_1894 : vector<16xi32> to vector<16x1xi32>
          %gather3A_1896 = vector.shape_cast %reshape3A_1895 : vector<16x1xi32> to vector<16xi32>
          %gather3A_1897 = tpu.dynamic_gather %mul3A_623[%gather3A_1896] in [0] : vector<16xf32>, vector<16xi32> -> vector<16xf32>
          %mul3A_1898 = arith.constant 32 : i32
          %mul3A_1899 = arith.muli %scan3A_452, %mul3A_1898 : i32
          %add3A_1900 = arith.constant 22 : i32
          %add3A_1901 = arith.addi %mul3A_1899, %add3A_1900 : i32
          %get3A_1902 = arith.index_cast %and3A_299 : i32 to index
          %get3A_1903 = arith.index_cast %add3A_1901 : i32 to index
          %get3A_1904 = arith.constant 0 : index
          %get3A_1905 = tpu.vector_load %arg8[%get3A_1902, %get3A_1903, %get3A_1904] {strides = array<i32>} : memref<2x256x128xf32, #tpu.memory_space<vmem>>, vector<16xf32>,
          %mul3A_1906 = arith.mulf %gather3A_1897, %get3A_1905 : vector<16xf32>
          %add3A_1907 = arith.addf %add3A_1850, %mul3A_1906 : vector<16xf32>
          %get3A_1908 = arith.index_cast %and3A_299 : i32 to index
          %get3A_1909 = arith.index_cast %add3A_1901 : i32 to index
          %get3A_1910 = arith.constant 16 : index
          %get3A_1911 = tpu.vector_load %arg8[%get3A_1908, %get3A_1909, %get3A_1910] {strides = array<i32>} : memref<2x256x128xf32, #tpu.memory_space<vmem>>, vector<16xf32>,
          %mul3A_1912 = arith.mulf %gather3A_1897, %get3A_1911 : vector<16xf32>
          %add3A_1913 = arith.addf %add3A_1856, %mul3A_1912 : vector<16xf32>
          %get3A_1914 = arith.index_cast %and3A_299 : i32 to index
          %get3A_1915 = arith.index_cast %add3A_1901 : i32 to index
          %get3A_1916 = arith.constant 32 : index
          %get3A_1917 = tpu.vector_load %arg8[%get3A_1914, %get3A_1915, %get3A_1916] {strides = array<i32>} : memref<2x256x128xf32, #tpu.memory_space<vmem>>, vector<16xf32>,
          %mul3A_1918 = arith.mulf %gather3A_1897, %get3A_1917 : vector<16xf32>
          %add3A_1919 = arith.addf %add3A_1862, %mul3A_1918 : vector<16xf32>
          %get3A_1920 = arith.index_cast %and3A_299 : i32 to index
          %get3A_1921 = arith.index_cast %add3A_1901 : i32 to index
          %get3A_1922 = arith.constant 48 : index
          %get3A_1923 = tpu.vector_load %arg8[%get3A_1920, %get3A_1921, %get3A_1922] {strides = array<i32>} : memref<2x256x128xf32, #tpu.memory_space<vmem>>, vector<16xf32>,
          %mul3A_1924 = arith.mulf %gather3A_1897, %get3A_1923 : vector<16xf32>
          %add3A_1925 = arith.addf %add3A_1868, %mul3A_1924 : vector<16xf32>
          %get3A_1926 = arith.index_cast %and3A_299 : i32 to index
          %get3A_1927 = arith.index_cast %add3A_1901 : i32 to index
          %get3A_1928 = arith.constant 64 : index
          %get3A_1929 = tpu.vector_load %arg8[%get3A_1926, %get3A_1927, %get3A_1928] {strides = array<i32>} : memref<2x256x128xf32, #tpu.memory_space<vmem>>, vector<16xf32>,
          %mul3A_1930 = arith.mulf %gather3A_1897, %get3A_1929 : vector<16xf32>
          %add3A_1931 = arith.addf %add3A_1874, %mul3A_1930 : vector<16xf32>
          %get3A_1932 = arith.index_cast %and3A_299 : i32 to index
          %get3A_1933 = arith.index_cast %add3A_1901 : i32 to index
          %get3A_1934 = arith.constant 80 : index
          %get3A_1935 = tpu.vector_load %arg8[%get3A_1932, %get3A_1933, %get3A_1934] {strides = array<i32>} : memref<2x256x128xf32, #tpu.memory_space<vmem>>, vector<16xf32>,
          %mul3A_1936 = arith.mulf %gather3A_1897, %get3A_1935 : vector<16xf32>
          %add3A_1937 = arith.addf %add3A_1880, %mul3A_1936 : vector<16xf32>
          %get3A_1938 = arith.index_cast %and3A_299 : i32 to index
          %get3A_1939 = arith.index_cast %add3A_1901 : i32 to index
          %get3A_1940 = arith.constant 96 : index
          %get3A_1941 = tpu.vector_load %arg8[%get3A_1938, %get3A_1939, %get3A_1940] {strides = array<i32>} : memref<2x256x128xf32, #tpu.memory_space<vmem>>, vector<16xf32>,
          %mul3A_1942 = arith.mulf %gather3A_1897, %get3A_1941 : vector<16xf32>
          %add3A_1943 = arith.addf %add3A_1886, %mul3A_1942 : vector<16xf32>
          %get3A_1944 = arith.index_cast %and3A_299 : i32 to index
          %get3A_1945 = arith.index_cast %add3A_1901 : i32 to index
          %get3A_1946 = arith.constant 112 : index
          %get3A_1947 = tpu.vector_load %arg8[%get3A_1944, %get3A_1945, %get3A_1946] {strides = array<i32>} : memref<2x256x128xf32, #tpu.memory_space<vmem>>, vector<16xf32>,
          %mul3A_1948 = arith.mulf %gather3A_1897, %get3A_1947 : vector<16xf32>
          %add3A_1949 = arith.addf %add3A_1892, %mul3A_1948 : vector<16xf32>
          %broadcast_in_dim3A_1950 = arith.constant 7 : i32
          %broadcast_in_dim3A_1951 = vector.broadcast %broadcast_in_dim3A_1950 : i32 to vector<16xi32>
          %reshape3A_1952 = vector.shape_cast %broadcast_in_dim3A_1951 : vector<16xi32> to vector<16x1xi32>
          %gather3A_1953 = vector.shape_cast %reshape3A_1952 : vector<16x1xi32> to vector<16xi32>
          %gather3A_1954 = tpu.dynamic_gather %mul3A_623[%gather3A_1953] in [0] : vector<16xf32>, vector<16xi32> -> vector<16xf32>
          %mul3A_1955 = arith.constant 32 : i32
          %mul3A_1956 = arith.muli %scan3A_452, %mul3A_1955 : i32
          %add3A_1957 = arith.constant 23 : i32
          %add3A_1958 = arith.addi %mul3A_1956, %add3A_1957 : i32
          %get3A_1959 = arith.index_cast %and3A_299 : i32 to index
          %get3A_1960 = arith.index_cast %add3A_1958 : i32 to index
          %get3A_1961 = arith.constant 0 : index
          %get3A_1962 = tpu.vector_load %arg8[%get3A_1959, %get3A_1960, %get3A_1961] {strides = array<i32>} : memref<2x256x128xf32, #tpu.memory_space<vmem>>, vector<16xf32>,
          %mul3A_1963 = arith.mulf %gather3A_1954, %get3A_1962 : vector<16xf32>
          %add3A_1964 = arith.addf %add3A_1907, %mul3A_1963 : vector<16xf32>
          %get3A_1965 = arith.index_cast %and3A_299 : i32 to index
          %get3A_1966 = arith.index_cast %add3A_1958 : i32 to index
          %get3A_1967 = arith.constant 16 : index
          %get3A_1968 = tpu.vector_load %arg8[%get3A_1965, %get3A_1966, %get3A_1967] {strides = array<i32>} : memref<2x256x128xf32, #tpu.memory_space<vmem>>, vector<16xf32>,
          %mul3A_1969 = arith.mulf %gather3A_1954, %get3A_1968 : vector<16xf32>
          %add3A_1970 = arith.addf %add3A_1913, %mul3A_1969 : vector<16xf32>
          %get3A_1971 = arith.index_cast %and3A_299 : i32 to index
          %get3A_1972 = arith.index_cast %add3A_1958 : i32 to index
          %get3A_1973 = arith.constant 32 : index
          %get3A_1974 = tpu.vector_load %arg8[%get3A_1971, %get3A_1972, %get3A_1973] {strides = array<i32>} : memref<2x256x128xf32, #tpu.memory_space<vmem>>, vector<16xf32>,
          %mul3A_1975 = arith.mulf %gather3A_1954, %get3A_1974 : vector<16xf32>
          %add3A_1976 = arith.addf %add3A_1919, %mul3A_1975 : vector<16xf32>
          %get3A_1977 = arith.index_cast %and3A_299 : i32 to index
          %get3A_1978 = arith.index_cast %add3A_1958 : i32 to index
          %get3A_1979 = arith.constant 48 : index
          %get3A_1980 = tpu.vector_load %arg8[%get3A_1977, %get3A_1978, %get3A_1979] {strides = array<i32>} : memref<2x256x128xf32, #tpu.memory_space<vmem>>, vector<16xf32>,
          %mul3A_1981 = arith.mulf %gather3A_1954, %get3A_1980 : vector<16xf32>
          %add3A_1982 = arith.addf %add3A_1925, %mul3A_1981 : vector<16xf32>
          %get3A_1983 = arith.index_cast %and3A_299 : i32 to index
          %get3A_1984 = arith.index_cast %add3A_1958 : i32 to index
          %get3A_1985 = arith.constant 64 : index
          %get3A_1986 = tpu.vector_load %arg8[%get3A_1983, %get3A_1984, %get3A_1985] {strides = array<i32>} : memref<2x256x128xf32, #tpu.memory_space<vmem>>, vector<16xf32>,
          %mul3A_1987 = arith.mulf %gather3A_1954, %get3A_1986 : vector<16xf32>
          %add3A_1988 = arith.addf %add3A_1931, %mul3A_1987 : vector<16xf32>
          %get3A_1989 = arith.index_cast %and3A_299 : i32 to index
          %get3A_1990 = arith.index_cast %add3A_1958 : i32 to index
          %get3A_1991 = arith.constant 80 : index
          %get3A_1992 = tpu.vector_load %arg8[%get3A_1989, %get3A_1990, %get3A_1991] {strides = array<i32>} : memref<2x256x128xf32, #tpu.memory_space<vmem>>, vector<16xf32>,
          %mul3A_1993 = arith.mulf %gather3A_1954, %get3A_1992 : vector<16xf32>
          %add3A_1994 = arith.addf %add3A_1937, %mul3A_1993 : vector<16xf32>
          %get3A_1995 = arith.index_cast %and3A_299 : i32 to index
          %get3A_1996 = arith.index_cast %add3A_1958 : i32 to index
          %get3A_1997 = arith.constant 96 : index
          %get3A_1998 = tpu.vector_load %arg8[%get3A_1995, %get3A_1996, %get3A_1997] {strides = array<i32>} : memref<2x256x128xf32, #tpu.memory_space<vmem>>, vector<16xf32>,
          %mul3A_1999 = arith.mulf %gather3A_1954, %get3A_1998 : vector<16xf32>
          %add3A_2000 = arith.addf %add3A_1943, %mul3A_1999 : vector<16xf32>
          %get3A_2001 = arith.index_cast %and3A_299 : i32 to index
          %get3A_2002 = arith.index_cast %add3A_1958 : i32 to index
          %get3A_2003 = arith.constant 112 : index
          %get3A_2004 = tpu.vector_load %arg8[%get3A_2001, %get3A_2002, %get3A_2003] {strides = array<i32>} : memref<2x256x128xf32, #tpu.memory_space<vmem>>, vector<16xf32>,
          %mul3A_2005 = arith.mulf %gather3A_1954, %get3A_2004 : vector<16xf32>
          %add3A_2006 = arith.addf %add3A_1949, %mul3A_2005 : vector<16xf32>
          %broadcast_in_dim3A_2007 = arith.constant 8 : i32
          %broadcast_in_dim3A_2008 = vector.broadcast %broadcast_in_dim3A_2007 : i32 to vector<16xi32>
          %reshape3A_2009 = vector.shape_cast %broadcast_in_dim3A_2008 : vector<16xi32> to vector<16x1xi32>
          %gather3A_2010 = vector.shape_cast %reshape3A_2009 : vector<16x1xi32> to vector<16xi32>
          %gather3A_2011 = tpu.dynamic_gather %mul3A_623[%gather3A_2010] in [0] : vector<16xf32>, vector<16xi32> -> vector<16xf32>
          %mul3A_2012 = arith.constant 32 : i32
          %mul3A_2013 = arith.muli %scan3A_452, %mul3A_2012 : i32
          %add3A_2014 = arith.constant 24 : i32
          %add3A_2015 = arith.addi %mul3A_2013, %add3A_2014 : i32
          %get3A_2016 = arith.index_cast %and3A_299 : i32 to index
          %get3A_2017 = arith.index_cast %add3A_2015 : i32 to index
          %get3A_2018 = arith.constant 0 : index
          %get3A_2019 = tpu.vector_load %arg8[%get3A_2016, %get3A_2017, %get3A_2018] {strides = array<i32>} : memref<2x256x128xf32, #tpu.memory_space<vmem>>, vector<16xf32>,
          %mul3A_2020 = arith.mulf %gather3A_2011, %get3A_2019 : vector<16xf32>
          %add3A_2021 = arith.addf %add3A_1964, %mul3A_2020 : vector<16xf32>
          %get3A_2022 = arith.index_cast %and3A_299 : i32 to index
          %get3A_2023 = arith.index_cast %add3A_2015 : i32 to index
          %get3A_2024 = arith.constant 16 : index
          %get3A_2025 = tpu.vector_load %arg8[%get3A_2022, %get3A_2023, %get3A_2024] {strides = array<i32>} : memref<2x256x128xf32, #tpu.memory_space<vmem>>, vector<16xf32>,
          %mul3A_2026 = arith.mulf %gather3A_2011, %get3A_2025 : vector<16xf32>
          %add3A_2027 = arith.addf %add3A_1970, %mul3A_2026 : vector<16xf32>
          %get3A_2028 = arith.index_cast %and3A_299 : i32 to index
          %get3A_2029 = arith.index_cast %add3A_2015 : i32 to index
          %get3A_2030 = arith.constant 32 : index
          %get3A_2031 = tpu.vector_load %arg8[%get3A_2028, %get3A_2029, %get3A_2030] {strides = array<i32>} : memref<2x256x128xf32, #tpu.memory_space<vmem>>, vector<16xf32>,
          %mul3A_2032 = arith.mulf %gather3A_2011, %get3A_2031 : vector<16xf32>
          %add3A_2033 = arith.addf %add3A_1976, %mul3A_2032 : vector<16xf32>
          %get3A_2034 = arith.index_cast %and3A_299 : i32 to index
          %get3A_2035 = arith.index_cast %add3A_2015 : i32 to index
          %get3A_2036 = arith.constant 48 : index
          %get3A_2037 = tpu.vector_load %arg8[%get3A_2034, %get3A_2035, %get3A_2036] {strides = array<i32>} : memref<2x256x128xf32, #tpu.memory_space<vmem>>, vector<16xf32>,
          %mul3A_2038 = arith.mulf %gather3A_2011, %get3A_2037 : vector<16xf32>
          %add3A_2039 = arith.addf %add3A_1982, %mul3A_2038 : vector<16xf32>
          %get3A_2040 = arith.index_cast %and3A_299 : i32 to index
          %get3A_2041 = arith.index_cast %add3A_2015 : i32 to index
          %get3A_2042 = arith.constant 64 : index
          %get3A_2043 = tpu.vector_load %arg8[%get3A_2040, %get3A_2041, %get3A_2042] {strides = array<i32>} : memref<2x256x128xf32, #tpu.memory_space<vmem>>, vector<16xf32>,
          %mul3A_2044 = arith.mulf %gather3A_2011, %get3A_2043 : vector<16xf32>
          %add3A_2045 = arith.addf %add3A_1988, %mul3A_2044 : vector<16xf32>
          %get3A_2046 = arith.index_cast %and3A_299 : i32 to index
          %get3A_2047 = arith.index_cast %add3A_2015 : i32 to index
          %get3A_2048 = arith.constant 80 : index
          %get3A_2049 = tpu.vector_load %arg8[%get3A_2046, %get3A_2047, %get3A_2048] {strides = array<i32>} : memref<2x256x128xf32, #tpu.memory_space<vmem>>, vector<16xf32>,
          %mul3A_2050 = arith.mulf %gather3A_2011, %get3A_2049 : vector<16xf32>
          %add3A_2051 = arith.addf %add3A_1994, %mul3A_2050 : vector<16xf32>
          %get3A_2052 = arith.index_cast %and3A_299 : i32 to index
          %get3A_2053 = arith.index_cast %add3A_2015 : i32 to index
          %get3A_2054 = arith.constant 96 : index
          %get3A_2055 = tpu.vector_load %arg8[%get3A_2052, %get3A_2053, %get3A_2054] {strides = array<i32>} : memref<2x256x128xf32, #tpu.memory_space<vmem>>, vector<16xf32>,
          %mul3A_2056 = arith.mulf %gather3A_2011, %get3A_2055 : vector<16xf32>
          %add3A_2057 = arith.addf %add3A_2000, %mul3A_2056 : vector<16xf32>
          %get3A_2058 = arith.index_cast %and3A_299 : i32 to index
          %get3A_2059 = arith.index_cast %add3A_2015 : i32 to index
          %get3A_2060 = arith.constant 112 : index
          %get3A_2061 = tpu.vector_load %arg8[%get3A_2058, %get3A_2059, %get3A_2060] {strides = array<i32>} : memref<2x256x128xf32, #tpu.memory_space<vmem>>, vector<16xf32>,
          %mul3A_2062 = arith.mulf %gather3A_2011, %get3A_2061 : vector<16xf32>
          %add3A_2063 = arith.addf %add3A_2006, %mul3A_2062 : vector<16xf32>
          %broadcast_in_dim3A_2064 = arith.constant 9 : i32
          %broadcast_in_dim3A_2065 = vector.broadcast %broadcast_in_dim3A_2064 : i32 to vector<16xi32>
          %reshape3A_2066 = vector.shape_cast %broadcast_in_dim3A_2065 : vector<16xi32> to vector<16x1xi32>
          %gather3A_2067 = vector.shape_cast %reshape3A_2066 : vector<16x1xi32> to vector<16xi32>
          %gather3A_2068 = tpu.dynamic_gather %mul3A_623[%gather3A_2067] in [0] : vector<16xf32>, vector<16xi32> -> vector<16xf32>
          %mul3A_2069 = arith.constant 32 : i32
          %mul3A_2070 = arith.muli %scan3A_452, %mul3A_2069 : i32
          %add3A_2071 = arith.constant 25 : i32
          %add3A_2072 = arith.addi %mul3A_2070, %add3A_2071 : i32
          %get3A_2073 = arith.index_cast %and3A_299 : i32 to index
          %get3A_2074 = arith.index_cast %add3A_2072 : i32 to index
          %get3A_2075 = arith.constant 0 : index
          %get3A_2076 = tpu.vector_load %arg8[%get3A_2073, %get3A_2074, %get3A_2075] {strides = array<i32>} : memref<2x256x128xf32, #tpu.memory_space<vmem>>, vector<16xf32>,
          %mul3A_2077 = arith.mulf %gather3A_2068, %get3A_2076 : vector<16xf32>
          %add3A_2078 = arith.addf %add3A_2021, %mul3A_2077 : vector<16xf32>
          %get3A_2079 = arith.index_cast %and3A_299 : i32 to index
          %get3A_2080 = arith.index_cast %add3A_2072 : i32 to index
          %get3A_2081 = arith.constant 16 : index
          %get3A_2082 = tpu.vector_load %arg8[%get3A_2079, %get3A_2080, %get3A_2081] {strides = array<i32>} : memref<2x256x128xf32, #tpu.memory_space<vmem>>, vector<16xf32>,
          %mul3A_2083 = arith.mulf %gather3A_2068, %get3A_2082 : vector<16xf32>
          %add3A_2084 = arith.addf %add3A_2027, %mul3A_2083 : vector<16xf32>
          %get3A_2085 = arith.index_cast %and3A_299 : i32 to index
          %get3A_2086 = arith.index_cast %add3A_2072 : i32 to index
          %get3A_2087 = arith.constant 32 : index
          %get3A_2088 = tpu.vector_load %arg8[%get3A_2085, %get3A_2086, %get3A_2087] {strides = array<i32>} : memref<2x256x128xf32, #tpu.memory_space<vmem>>, vector<16xf32>,
          %mul3A_2089 = arith.mulf %gather3A_2068, %get3A_2088 : vector<16xf32>
          %add3A_2090 = arith.addf %add3A_2033, %mul3A_2089 : vector<16xf32>
          %get3A_2091 = arith.index_cast %and3A_299 : i32 to index
          %get3A_2092 = arith.index_cast %add3A_2072 : i32 to index
          %get3A_2093 = arith.constant 48 : index
          %get3A_2094 = tpu.vector_load %arg8[%get3A_2091, %get3A_2092, %get3A_2093] {strides = array<i32>} : memref<2x256x128xf32, #tpu.memory_space<vmem>>, vector<16xf32>,
          %mul3A_2095 = arith.mulf %gather3A_2068, %get3A_2094 : vector<16xf32>
          %add3A_2096 = arith.addf %add3A_2039, %mul3A_2095 : vector<16xf32>
          %get3A_2097 = arith.index_cast %and3A_299 : i32 to index
          %get3A_2098 = arith.index_cast %add3A_2072 : i32 to index
          %get3A_2099 = arith.constant 64 : index
          %get3A_2100 = tpu.vector_load %arg8[%get3A_2097, %get3A_2098, %get3A_2099] {strides = array<i32>} : memref<2x256x128xf32, #tpu.memory_space<vmem>>, vector<16xf32>,
          %mul3A_2101 = arith.mulf %gather3A_2068, %get3A_2100 : vector<16xf32>
          %add3A_2102 = arith.addf %add3A_2045, %mul3A_2101 : vector<16xf32>
          %get3A_2103 = arith.index_cast %and3A_299 : i32 to index
          %get3A_2104 = arith.index_cast %add3A_2072 : i32 to index
          %get3A_2105 = arith.constant 80 : index
          %get3A_2106 = tpu.vector_load %arg8[%get3A_2103, %get3A_2104, %get3A_2105] {strides = array<i32>} : memref<2x256x128xf32, #tpu.memory_space<vmem>>, vector<16xf32>,
          %mul3A_2107 = arith.mulf %gather3A_2068, %get3A_2106 : vector<16xf32>
          %add3A_2108 = arith.addf %add3A_2051, %mul3A_2107 : vector<16xf32>
          %get3A_2109 = arith.index_cast %and3A_299 : i32 to index
          %get3A_2110 = arith.index_cast %add3A_2072 : i32 to index
          %get3A_2111 = arith.constant 96 : index
          %get3A_2112 = tpu.vector_load %arg8[%get3A_2109, %get3A_2110, %get3A_2111] {strides = array<i32>} : memref<2x256x128xf32, #tpu.memory_space<vmem>>, vector<16xf32>,
          %mul3A_2113 = arith.mulf %gather3A_2068, %get3A_2112 : vector<16xf32>
          %add3A_2114 = arith.addf %add3A_2057, %mul3A_2113 : vector<16xf32>
          %get3A_2115 = arith.index_cast %and3A_299 : i32 to index
          %get3A_2116 = arith.index_cast %add3A_2072 : i32 to index
          %get3A_2117 = arith.constant 112 : index
          %get3A_2118 = tpu.vector_load %arg8[%get3A_2115, %get3A_2116, %get3A_2117] {strides = array<i32>} : memref<2x256x128xf32, #tpu.memory_space<vmem>>, vector<16xf32>,
          %mul3A_2119 = arith.mulf %gather3A_2068, %get3A_2118 : vector<16xf32>
          %add3A_2120 = arith.addf %add3A_2063, %mul3A_2119 : vector<16xf32>
          %broadcast_in_dim3A_2121 = arith.constant 10 : i32
          %broadcast_in_dim3A_2122 = vector.broadcast %broadcast_in_dim3A_2121 : i32 to vector<16xi32>
          %reshape3A_2123 = vector.shape_cast %broadcast_in_dim3A_2122 : vector<16xi32> to vector<16x1xi32>
          %gather3A_2124 = vector.shape_cast %reshape3A_2123 : vector<16x1xi32> to vector<16xi32>
          %gather3A_2125 = tpu.dynamic_gather %mul3A_623[%gather3A_2124] in [0] : vector<16xf32>, vector<16xi32> -> vector<16xf32>
          %mul3A_2126 = arith.constant 32 : i32
          %mul3A_2127 = arith.muli %scan3A_452, %mul3A_2126 : i32
          %add3A_2128 = arith.constant 26 : i32
          %add3A_2129 = arith.addi %mul3A_2127, %add3A_2128 : i32
          %get3A_2130 = arith.index_cast %and3A_299 : i32 to index
          %get3A_2131 = arith.index_cast %add3A_2129 : i32 to index
          %get3A_2132 = arith.constant 0 : index
          %get3A_2133 = tpu.vector_load %arg8[%get3A_2130, %get3A_2131, %get3A_2132] {strides = array<i32>} : memref<2x256x128xf32, #tpu.memory_space<vmem>>, vector<16xf32>,
          %mul3A_2134 = arith.mulf %gather3A_2125, %get3A_2133 : vector<16xf32>
          %add3A_2135 = arith.addf %add3A_2078, %mul3A_2134 : vector<16xf32>
          %get3A_2136 = arith.index_cast %and3A_299 : i32 to index
          %get3A_2137 = arith.index_cast %add3A_2129 : i32 to index
          %get3A_2138 = arith.constant 16 : index
          %get3A_2139 = tpu.vector_load %arg8[%get3A_2136, %get3A_2137, %get3A_2138] {strides = array<i32>} : memref<2x256x128xf32, #tpu.memory_space<vmem>>, vector<16xf32>,
          %mul3A_2140 = arith.mulf %gather3A_2125, %get3A_2139 : vector<16xf32>
          %add3A_2141 = arith.addf %add3A_2084, %mul3A_2140 : vector<16xf32>
          %get3A_2142 = arith.index_cast %and3A_299 : i32 to index
          %get3A_2143 = arith.index_cast %add3A_2129 : i32 to index
          %get3A_2144 = arith.constant 32 : index
          %get3A_2145 = tpu.vector_load %arg8[%get3A_2142, %get3A_2143, %get3A_2144] {strides = array<i32>} : memref<2x256x128xf32, #tpu.memory_space<vmem>>, vector<16xf32>,
          %mul3A_2146 = arith.mulf %gather3A_2125, %get3A_2145 : vector<16xf32>
          %add3A_2147 = arith.addf %add3A_2090, %mul3A_2146 : vector<16xf32>
          %get3A_2148 = arith.index_cast %and3A_299 : i32 to index
          %get3A_2149 = arith.index_cast %add3A_2129 : i32 to index
          %get3A_2150 = arith.constant 48 : index
          %get3A_2151 = tpu.vector_load %arg8[%get3A_2148, %get3A_2149, %get3A_2150] {strides = array<i32>} : memref<2x256x128xf32, #tpu.memory_space<vmem>>, vector<16xf32>,
          %mul3A_2152 = arith.mulf %gather3A_2125, %get3A_2151 : vector<16xf32>
          %add3A_2153 = arith.addf %add3A_2096, %mul3A_2152 : vector<16xf32>
          %get3A_2154 = arith.index_cast %and3A_299 : i32 to index
          %get3A_2155 = arith.index_cast %add3A_2129 : i32 to index
          %get3A_2156 = arith.constant 64 : index
          %get3A_2157 = tpu.vector_load %arg8[%get3A_2154, %get3A_2155, %get3A_2156] {strides = array<i32>} : memref<2x256x128xf32, #tpu.memory_space<vmem>>, vector<16xf32>,
          %mul3A_2158 = arith.mulf %gather3A_2125, %get3A_2157 : vector<16xf32>
          %add3A_2159 = arith.addf %add3A_2102, %mul3A_2158 : vector<16xf32>
          %get3A_2160 = arith.index_cast %and3A_299 : i32 to index
          %get3A_2161 = arith.index_cast %add3A_2129 : i32 to index
          %get3A_2162 = arith.constant 80 : index
          %get3A_2163 = tpu.vector_load %arg8[%get3A_2160, %get3A_2161, %get3A_2162] {strides = array<i32>} : memref<2x256x128xf32, #tpu.memory_space<vmem>>, vector<16xf32>,
          %mul3A_2164 = arith.mulf %gather3A_2125, %get3A_2163 : vector<16xf32>
          %add3A_2165 = arith.addf %add3A_2108, %mul3A_2164 : vector<16xf32>
          %get3A_2166 = arith.index_cast %and3A_299 : i32 to index
          %get3A_2167 = arith.index_cast %add3A_2129 : i32 to index
          %get3A_2168 = arith.constant 96 : index
          %get3A_2169 = tpu.vector_load %arg8[%get3A_2166, %get3A_2167, %get3A_2168] {strides = array<i32>} : memref<2x256x128xf32, #tpu.memory_space<vmem>>, vector<16xf32>,
          %mul3A_2170 = arith.mulf %gather3A_2125, %get3A_2169 : vector<16xf32>
          %add3A_2171 = arith.addf %add3A_2114, %mul3A_2170 : vector<16xf32>
          %get3A_2172 = arith.index_cast %and3A_299 : i32 to index
          %get3A_2173 = arith.index_cast %add3A_2129 : i32 to index
          %get3A_2174 = arith.constant 112 : index
          %get3A_2175 = tpu.vector_load %arg8[%get3A_2172, %get3A_2173, %get3A_2174] {strides = array<i32>} : memref<2x256x128xf32, #tpu.memory_space<vmem>>, vector<16xf32>,
          %mul3A_2176 = arith.mulf %gather3A_2125, %get3A_2175 : vector<16xf32>
          %add3A_2177 = arith.addf %add3A_2120, %mul3A_2176 : vector<16xf32>
          %broadcast_in_dim3A_2178 = arith.constant 11 : i32
          %broadcast_in_dim3A_2179 = vector.broadcast %broadcast_in_dim3A_2178 : i32 to vector<16xi32>
          %reshape3A_2180 = vector.shape_cast %broadcast_in_dim3A_2179 : vector<16xi32> to vector<16x1xi32>
          %gather3A_2181 = vector.shape_cast %reshape3A_2180 : vector<16x1xi32> to vector<16xi32>
          %gather3A_2182 = tpu.dynamic_gather %mul3A_623[%gather3A_2181] in [0] : vector<16xf32>, vector<16xi32> -> vector<16xf32>
          %mul3A_2183 = arith.constant 32 : i32
          %mul3A_2184 = arith.muli %scan3A_452, %mul3A_2183 : i32
          %add3A_2185 = arith.constant 27 : i32
          %add3A_2186 = arith.addi %mul3A_2184, %add3A_2185 : i32
          %get3A_2187 = arith.index_cast %and3A_299 : i32 to index
          %get3A_2188 = arith.index_cast %add3A_2186 : i32 to index
          %get3A_2189 = arith.constant 0 : index
          %get3A_2190 = tpu.vector_load %arg8[%get3A_2187, %get3A_2188, %get3A_2189] {strides = array<i32>} : memref<2x256x128xf32, #tpu.memory_space<vmem>>, vector<16xf32>,
          %mul3A_2191 = arith.mulf %gather3A_2182, %get3A_2190 : vector<16xf32>
          %add3A_2192 = arith.addf %add3A_2135, %mul3A_2191 : vector<16xf32>
          %get3A_2193 = arith.index_cast %and3A_299 : i32 to index
          %get3A_2194 = arith.index_cast %add3A_2186 : i32 to index
          %get3A_2195 = arith.constant 16 : index
          %get3A_2196 = tpu.vector_load %arg8[%get3A_2193, %get3A_2194, %get3A_2195] {strides = array<i32>} : memref<2x256x128xf32, #tpu.memory_space<vmem>>, vector<16xf32>,
          %mul3A_2197 = arith.mulf %gather3A_2182, %get3A_2196 : vector<16xf32>
          %add3A_2198 = arith.addf %add3A_2141, %mul3A_2197 : vector<16xf32>
          %get3A_2199 = arith.index_cast %and3A_299 : i32 to index
          %get3A_2200 = arith.index_cast %add3A_2186 : i32 to index
          %get3A_2201 = arith.constant 32 : index
          %get3A_2202 = tpu.vector_load %arg8[%get3A_2199, %get3A_2200, %get3A_2201] {strides = array<i32>} : memref<2x256x128xf32, #tpu.memory_space<vmem>>, vector<16xf32>,
          %mul3A_2203 = arith.mulf %gather3A_2182, %get3A_2202 : vector<16xf32>
          %add3A_2204 = arith.addf %add3A_2147, %mul3A_2203 : vector<16xf32>
          %get3A_2205 = arith.index_cast %and3A_299 : i32 to index
          %get3A_2206 = arith.index_cast %add3A_2186 : i32 to index
          %get3A_2207 = arith.constant 48 : index
          %get3A_2208 = tpu.vector_load %arg8[%get3A_2205, %get3A_2206, %get3A_2207] {strides = array<i32>} : memref<2x256x128xf32, #tpu.memory_space<vmem>>, vector<16xf32>,
          %mul3A_2209 = arith.mulf %gather3A_2182, %get3A_2208 : vector<16xf32>
          %add3A_2210 = arith.addf %add3A_2153, %mul3A_2209 : vector<16xf32>
          %get3A_2211 = arith.index_cast %and3A_299 : i32 to index
          %get3A_2212 = arith.index_cast %add3A_2186 : i32 to index
          %get3A_2213 = arith.constant 64 : index
          %get3A_2214 = tpu.vector_load %arg8[%get3A_2211, %get3A_2212, %get3A_2213] {strides = array<i32>} : memref<2x256x128xf32, #tpu.memory_space<vmem>>, vector<16xf32>,
          %mul3A_2215 = arith.mulf %gather3A_2182, %get3A_2214 : vector<16xf32>
          %add3A_2216 = arith.addf %add3A_2159, %mul3A_2215 : vector<16xf32>
          %get3A_2217 = arith.index_cast %and3A_299 : i32 to index
          %get3A_2218 = arith.index_cast %add3A_2186 : i32 to index
          %get3A_2219 = arith.constant 80 : index
          %get3A_2220 = tpu.vector_load %arg8[%get3A_2217, %get3A_2218, %get3A_2219] {strides = array<i32>} : memref<2x256x128xf32, #tpu.memory_space<vmem>>, vector<16xf32>,
          %mul3A_2221 = arith.mulf %gather3A_2182, %get3A_2220 : vector<16xf32>
          %add3A_2222 = arith.addf %add3A_2165, %mul3A_2221 : vector<16xf32>
          %get3A_2223 = arith.index_cast %and3A_299 : i32 to index
          %get3A_2224 = arith.index_cast %add3A_2186 : i32 to index
          %get3A_2225 = arith.constant 96 : index
          %get3A_2226 = tpu.vector_load %arg8[%get3A_2223, %get3A_2224, %get3A_2225] {strides = array<i32>} : memref<2x256x128xf32, #tpu.memory_space<vmem>>, vector<16xf32>,
          %mul3A_2227 = arith.mulf %gather3A_2182, %get3A_2226 : vector<16xf32>
          %add3A_2228 = arith.addf %add3A_2171, %mul3A_2227 : vector<16xf32>
          %get3A_2229 = arith.index_cast %and3A_299 : i32 to index
          %get3A_2230 = arith.index_cast %add3A_2186 : i32 to index
          %get3A_2231 = arith.constant 112 : index
          %get3A_2232 = tpu.vector_load %arg8[%get3A_2229, %get3A_2230, %get3A_2231] {strides = array<i32>} : memref<2x256x128xf32, #tpu.memory_space<vmem>>, vector<16xf32>,
          %mul3A_2233 = arith.mulf %gather3A_2182, %get3A_2232 : vector<16xf32>
          %add3A_2234 = arith.addf %add3A_2177, %mul3A_2233 : vector<16xf32>
          %broadcast_in_dim3A_2235 = arith.constant 12 : i32
          %broadcast_in_dim3A_2236 = vector.broadcast %broadcast_in_dim3A_2235 : i32 to vector<16xi32>
          %reshape3A_2237 = vector.shape_cast %broadcast_in_dim3A_2236 : vector<16xi32> to vector<16x1xi32>
          %gather3A_2238 = vector.shape_cast %reshape3A_2237 : vector<16x1xi32> to vector<16xi32>
          %gather3A_2239 = tpu.dynamic_gather %mul3A_623[%gather3A_2238] in [0] : vector<16xf32>, vector<16xi32> -> vector<16xf32>
          %mul3A_2240 = arith.constant 32 : i32
          %mul3A_2241 = arith.muli %scan3A_452, %mul3A_2240 : i32
          %add3A_2242 = arith.constant 28 : i32
          %add3A_2243 = arith.addi %mul3A_2241, %add3A_2242 : i32
          %get3A_2244 = arith.index_cast %and3A_299 : i32 to index
          %get3A_2245 = arith.index_cast %add3A_2243 : i32 to index
          %get3A_2246 = arith.constant 0 : index
          %get3A_2247 = tpu.vector_load %arg8[%get3A_2244, %get3A_2245, %get3A_2246] {strides = array<i32>} : memref<2x256x128xf32, #tpu.memory_space<vmem>>, vector<16xf32>,
          %mul3A_2248 = arith.mulf %gather3A_2239, %get3A_2247 : vector<16xf32>
          %add3A_2249 = arith.addf %add3A_2192, %mul3A_2248 : vector<16xf32>
          %get3A_2250 = arith.index_cast %and3A_299 : i32 to index
          %get3A_2251 = arith.index_cast %add3A_2243 : i32 to index
          %get3A_2252 = arith.constant 16 : index
          %get3A_2253 = tpu.vector_load %arg8[%get3A_2250, %get3A_2251, %get3A_2252] {strides = array<i32>} : memref<2x256x128xf32, #tpu.memory_space<vmem>>, vector<16xf32>,
          %mul3A_2254 = arith.mulf %gather3A_2239, %get3A_2253 : vector<16xf32>
          %add3A_2255 = arith.addf %add3A_2198, %mul3A_2254 : vector<16xf32>
          %get3A_2256 = arith.index_cast %and3A_299 : i32 to index
          %get3A_2257 = arith.index_cast %add3A_2243 : i32 to index
          %get3A_2258 = arith.constant 32 : index
          %get3A_2259 = tpu.vector_load %arg8[%get3A_2256, %get3A_2257, %get3A_2258] {strides = array<i32>} : memref<2x256x128xf32, #tpu.memory_space<vmem>>, vector<16xf32>,
          %mul3A_2260 = arith.mulf %gather3A_2239, %get3A_2259 : vector<16xf32>
          %add3A_2261 = arith.addf %add3A_2204, %mul3A_2260 : vector<16xf32>
          %get3A_2262 = arith.index_cast %and3A_299 : i32 to index
          %get3A_2263 = arith.index_cast %add3A_2243 : i32 to index
          %get3A_2264 = arith.constant 48 : index
          %get3A_2265 = tpu.vector_load %arg8[%get3A_2262, %get3A_2263, %get3A_2264] {strides = array<i32>} : memref<2x256x128xf32, #tpu.memory_space<vmem>>, vector<16xf32>,
          %mul3A_2266 = arith.mulf %gather3A_2239, %get3A_2265 : vector<16xf32>
          %add3A_2267 = arith.addf %add3A_2210, %mul3A_2266 : vector<16xf32>
          %get3A_2268 = arith.index_cast %and3A_299 : i32 to index
          %get3A_2269 = arith.index_cast %add3A_2243 : i32 to index
          %get3A_2270 = arith.constant 64 : index
          %get3A_2271 = tpu.vector_load %arg8[%get3A_2268, %get3A_2269, %get3A_2270] {strides = array<i32>} : memref<2x256x128xf32, #tpu.memory_space<vmem>>, vector<16xf32>,
          %mul3A_2272 = arith.mulf %gather3A_2239, %get3A_2271 : vector<16xf32>
          %add3A_2273 = arith.addf %add3A_2216, %mul3A_2272 : vector<16xf32>
          %get3A_2274 = arith.index_cast %and3A_299 : i32 to index
          %get3A_2275 = arith.index_cast %add3A_2243 : i32 to index
          %get3A_2276 = arith.constant 80 : index
          %get3A_2277 = tpu.vector_load %arg8[%get3A_2274, %get3A_2275, %get3A_2276] {strides = array<i32>} : memref<2x256x128xf32, #tpu.memory_space<vmem>>, vector<16xf32>,
          %mul3A_2278 = arith.mulf %gather3A_2239, %get3A_2277 : vector<16xf32>
          %add3A_2279 = arith.addf %add3A_2222, %mul3A_2278 : vector<16xf32>
          %get3A_2280 = arith.index_cast %and3A_299 : i32 to index
          %get3A_2281 = arith.index_cast %add3A_2243 : i32 to index
          %get3A_2282 = arith.constant 96 : index
          %get3A_2283 = tpu.vector_load %arg8[%get3A_2280, %get3A_2281, %get3A_2282] {strides = array<i32>} : memref<2x256x128xf32, #tpu.memory_space<vmem>>, vector<16xf32>,
          %mul3A_2284 = arith.mulf %gather3A_2239, %get3A_2283 : vector<16xf32>
          %add3A_2285 = arith.addf %add3A_2228, %mul3A_2284 : vector<16xf32>
          %get3A_2286 = arith.index_cast %and3A_299 : i32 to index
          %get3A_2287 = arith.index_cast %add3A_2243 : i32 to index
          %get3A_2288 = arith.constant 112 : index
          %get3A_2289 = tpu.vector_load %arg8[%get3A_2286, %get3A_2287, %get3A_2288] {strides = array<i32>} : memref<2x256x128xf32, #tpu.memory_space<vmem>>, vector<16xf32>,
          %mul3A_2290 = arith.mulf %gather3A_2239, %get3A_2289 : vector<16xf32>
          %add3A_2291 = arith.addf %add3A_2234, %mul3A_2290 : vector<16xf32>
          %broadcast_in_dim3A_2292 = arith.constant 13 : i32
          %broadcast_in_dim3A_2293 = vector.broadcast %broadcast_in_dim3A_2292 : i32 to vector<16xi32>
          %reshape3A_2294 = vector.shape_cast %broadcast_in_dim3A_2293 : vector<16xi32> to vector<16x1xi32>
          %gather3A_2295 = vector.shape_cast %reshape3A_2294 : vector<16x1xi32> to vector<16xi32>
          %gather3A_2296 = tpu.dynamic_gather %mul3A_623[%gather3A_2295] in [0] : vector<16xf32>, vector<16xi32> -> vector<16xf32>
          %mul3A_2297 = arith.constant 32 : i32
          %mul3A_2298 = arith.muli %scan3A_452, %mul3A_2297 : i32
          %add3A_2299 = arith.constant 29 : i32
          %add3A_2300 = arith.addi %mul3A_2298, %add3A_2299 : i32
          %get3A_2301 = arith.index_cast %and3A_299 : i32 to index
          %get3A_2302 = arith.index_cast %add3A_2300 : i32 to index
          %get3A_2303 = arith.constant 0 : index
          %get3A_2304 = tpu.vector_load %arg8[%get3A_2301, %get3A_2302, %get3A_2303] {strides = array<i32>} : memref<2x256x128xf32, #tpu.memory_space<vmem>>, vector<16xf32>,
          %mul3A_2305 = arith.mulf %gather3A_2296, %get3A_2304 : vector<16xf32>
          %add3A_2306 = arith.addf %add3A_2249, %mul3A_2305 : vector<16xf32>
          %get3A_2307 = arith.index_cast %and3A_299 : i32 to index
          %get3A_2308 = arith.index_cast %add3A_2300 : i32 to index
          %get3A_2309 = arith.constant 16 : index
          %get3A_2310 = tpu.vector_load %arg8[%get3A_2307, %get3A_2308, %get3A_2309] {strides = array<i32>} : memref<2x256x128xf32, #tpu.memory_space<vmem>>, vector<16xf32>,
          %mul3A_2311 = arith.mulf %gather3A_2296, %get3A_2310 : vector<16xf32>
          %add3A_2312 = arith.addf %add3A_2255, %mul3A_2311 : vector<16xf32>
          %get3A_2313 = arith.index_cast %and3A_299 : i32 to index
          %get3A_2314 = arith.index_cast %add3A_2300 : i32 to index
          %get3A_2315 = arith.constant 32 : index
          %get3A_2316 = tpu.vector_load %arg8[%get3A_2313, %get3A_2314, %get3A_2315] {strides = array<i32>} : memref<2x256x128xf32, #tpu.memory_space<vmem>>, vector<16xf32>,
          %mul3A_2317 = arith.mulf %gather3A_2296, %get3A_2316 : vector<16xf32>
          %add3A_2318 = arith.addf %add3A_2261, %mul3A_2317 : vector<16xf32>
          %get3A_2319 = arith.index_cast %and3A_299 : i32 to index
          %get3A_2320 = arith.index_cast %add3A_2300 : i32 to index
          %get3A_2321 = arith.constant 48 : index
          %get3A_2322 = tpu.vector_load %arg8[%get3A_2319, %get3A_2320, %get3A_2321] {strides = array<i32>} : memref<2x256x128xf32, #tpu.memory_space<vmem>>, vector<16xf32>,
          %mul3A_2323 = arith.mulf %gather3A_2296, %get3A_2322 : vector<16xf32>
          %add3A_2324 = arith.addf %add3A_2267, %mul3A_2323 : vector<16xf32>
          %get3A_2325 = arith.index_cast %and3A_299 : i32 to index
          %get3A_2326 = arith.index_cast %add3A_2300 : i32 to index
          %get3A_2327 = arith.constant 64 : index
          %get3A_2328 = tpu.vector_load %arg8[%get3A_2325, %get3A_2326, %get3A_2327] {strides = array<i32>} : memref<2x256x128xf32, #tpu.memory_space<vmem>>, vector<16xf32>,
          %mul3A_2329 = arith.mulf %gather3A_2296, %get3A_2328 : vector<16xf32>
          %add3A_2330 = arith.addf %add3A_2273, %mul3A_2329 : vector<16xf32>
          %get3A_2331 = arith.index_cast %and3A_299 : i32 to index
          %get3A_2332 = arith.index_cast %add3A_2300 : i32 to index
          %get3A_2333 = arith.constant 80 : index
          %get3A_2334 = tpu.vector_load %arg8[%get3A_2331, %get3A_2332, %get3A_2333] {strides = array<i32>} : memref<2x256x128xf32, #tpu.memory_space<vmem>>, vector<16xf32>,
          %mul3A_2335 = arith.mulf %gather3A_2296, %get3A_2334 : vector<16xf32>
          %add3A_2336 = arith.addf %add3A_2279, %mul3A_2335 : vector<16xf32>
          %get3A_2337 = arith.index_cast %and3A_299 : i32 to index
          %get3A_2338 = arith.index_cast %add3A_2300 : i32 to index
          %get3A_2339 = arith.constant 96 : index
          %get3A_2340 = tpu.vector_load %arg8[%get3A_2337, %get3A_2338, %get3A_2339] {strides = array<i32>} : memref<2x256x128xf32, #tpu.memory_space<vmem>>, vector<16xf32>,
          %mul3A_2341 = arith.mulf %gather3A_2296, %get3A_2340 : vector<16xf32>
          %add3A_2342 = arith.addf %add3A_2285, %mul3A_2341 : vector<16xf32>
          %get3A_2343 = arith.index_cast %and3A_299 : i32 to index
          %get3A_2344 = arith.index_cast %add3A_2300 : i32 to index
          %get3A_2345 = arith.constant 112 : index
          %get3A_2346 = tpu.vector_load %arg8[%get3A_2343, %get3A_2344, %get3A_2345] {strides = array<i32>} : memref<2x256x128xf32, #tpu.memory_space<vmem>>, vector<16xf32>,
          %mul3A_2347 = arith.mulf %gather3A_2296, %get3A_2346 : vector<16xf32>
          %add3A_2348 = arith.addf %add3A_2291, %mul3A_2347 : vector<16xf32>
          %broadcast_in_dim3A_2349 = arith.constant 14 : i32
          %broadcast_in_dim3A_2350 = vector.broadcast %broadcast_in_dim3A_2349 : i32 to vector<16xi32>
          %reshape3A_2351 = vector.shape_cast %broadcast_in_dim3A_2350 : vector<16xi32> to vector<16x1xi32>
          %gather3A_2352 = vector.shape_cast %reshape3A_2351 : vector<16x1xi32> to vector<16xi32>
          %gather3A_2353 = tpu.dynamic_gather %mul3A_623[%gather3A_2352] in [0] : vector<16xf32>, vector<16xi32> -> vector<16xf32>
          %mul3A_2354 = arith.constant 32 : i32
          %mul3A_2355 = arith.muli %scan3A_452, %mul3A_2354 : i32
          %add3A_2356 = arith.constant 30 : i32
          %add3A_2357 = arith.addi %mul3A_2355, %add3A_2356 : i32
          %get3A_2358 = arith.index_cast %and3A_299 : i32 to index
          %get3A_2359 = arith.index_cast %add3A_2357 : i32 to index
          %get3A_2360 = arith.constant 0 : index
          %get3A_2361 = tpu.vector_load %arg8[%get3A_2358, %get3A_2359, %get3A_2360] {strides = array<i32>} : memref<2x256x128xf32, #tpu.memory_space<vmem>>, vector<16xf32>,
          %mul3A_2362 = arith.mulf %gather3A_2353, %get3A_2361 : vector<16xf32>
          %add3A_2363 = arith.addf %add3A_2306, %mul3A_2362 : vector<16xf32>
          %get3A_2364 = arith.index_cast %and3A_299 : i32 to index
          %get3A_2365 = arith.index_cast %add3A_2357 : i32 to index
          %get3A_2366 = arith.constant 16 : index
          %get3A_2367 = tpu.vector_load %arg8[%get3A_2364, %get3A_2365, %get3A_2366] {strides = array<i32>} : memref<2x256x128xf32, #tpu.memory_space<vmem>>, vector<16xf32>,
          %mul3A_2368 = arith.mulf %gather3A_2353, %get3A_2367 : vector<16xf32>
          %add3A_2369 = arith.addf %add3A_2312, %mul3A_2368 : vector<16xf32>
          %get3A_2370 = arith.index_cast %and3A_299 : i32 to index
          %get3A_2371 = arith.index_cast %add3A_2357 : i32 to index
          %get3A_2372 = arith.constant 32 : index
          %get3A_2373 = tpu.vector_load %arg8[%get3A_2370, %get3A_2371, %get3A_2372] {strides = array<i32>} : memref<2x256x128xf32, #tpu.memory_space<vmem>>, vector<16xf32>,
          %mul3A_2374 = arith.mulf %gather3A_2353, %get3A_2373 : vector<16xf32>
          %add3A_2375 = arith.addf %add3A_2318, %mul3A_2374 : vector<16xf32>
          %get3A_2376 = arith.index_cast %and3A_299 : i32 to index
          %get3A_2377 = arith.index_cast %add3A_2357 : i32 to index
          %get3A_2378 = arith.constant 48 : index
          %get3A_2379 = tpu.vector_load %arg8[%get3A_2376, %get3A_2377, %get3A_2378] {strides = array<i32>} : memref<2x256x128xf32, #tpu.memory_space<vmem>>, vector<16xf32>,
          %mul3A_2380 = arith.mulf %gather3A_2353, %get3A_2379 : vector<16xf32>
          %add3A_2381 = arith.addf %add3A_2324, %mul3A_2380 : vector<16xf32>
          %get3A_2382 = arith.index_cast %and3A_299 : i32 to index
          %get3A_2383 = arith.index_cast %add3A_2357 : i32 to index
          %get3A_2384 = arith.constant 64 : index
          %get3A_2385 = tpu.vector_load %arg8[%get3A_2382, %get3A_2383, %get3A_2384] {strides = array<i32>} : memref<2x256x128xf32, #tpu.memory_space<vmem>>, vector<16xf32>,
          %mul3A_2386 = arith.mulf %gather3A_2353, %get3A_2385 : vector<16xf32>
          %add3A_2387 = arith.addf %add3A_2330, %mul3A_2386 : vector<16xf32>
          %get3A_2388 = arith.index_cast %and3A_299 : i32 to index
          %get3A_2389 = arith.index_cast %add3A_2357 : i32 to index
          %get3A_2390 = arith.constant 80 : index
          %get3A_2391 = tpu.vector_load %arg8[%get3A_2388, %get3A_2389, %get3A_2390] {strides = array<i32>} : memref<2x256x128xf32, #tpu.memory_space<vmem>>, vector<16xf32>,
          %mul3A_2392 = arith.mulf %gather3A_2353, %get3A_2391 : vector<16xf32>
          %add3A_2393 = arith.addf %add3A_2336, %mul3A_2392 : vector<16xf32>
          %get3A_2394 = arith.index_cast %and3A_299 : i32 to index
          %get3A_2395 = arith.index_cast %add3A_2357 : i32 to index
          %get3A_2396 = arith.constant 96 : index
          %get3A_2397 = tpu.vector_load %arg8[%get3A_2394, %get3A_2395, %get3A_2396] {strides = array<i32>} : memref<2x256x128xf32, #tpu.memory_space<vmem>>, vector<16xf32>,
          %mul3A_2398 = arith.mulf %gather3A_2353, %get3A_2397 : vector<16xf32>
          %add3A_2399 = arith.addf %add3A_2342, %mul3A_2398 : vector<16xf32>
          %get3A_2400 = arith.index_cast %and3A_299 : i32 to index
          %get3A_2401 = arith.index_cast %add3A_2357 : i32 to index
          %get3A_2402 = arith.constant 112 : index
          %get3A_2403 = tpu.vector_load %arg8[%get3A_2400, %get3A_2401, %get3A_2402] {strides = array<i32>} : memref<2x256x128xf32, #tpu.memory_space<vmem>>, vector<16xf32>,
          %mul3A_2404 = arith.mulf %gather3A_2353, %get3A_2403 : vector<16xf32>
          %add3A_2405 = arith.addf %add3A_2348, %mul3A_2404 : vector<16xf32>
          %broadcast_in_dim3A_2406 = arith.constant 15 : i32
          %broadcast_in_dim3A_2407 = vector.broadcast %broadcast_in_dim3A_2406 : i32 to vector<16xi32>
          %reshape3A_2408 = vector.shape_cast %broadcast_in_dim3A_2407 : vector<16xi32> to vector<16x1xi32>
          %gather3A_2409 = vector.shape_cast %reshape3A_2408 : vector<16x1xi32> to vector<16xi32>
          %gather3A_2410 = tpu.dynamic_gather %mul3A_623[%gather3A_2409] in [0] : vector<16xf32>, vector<16xi32> -> vector<16xf32>
          %mul3A_2411 = arith.constant 32 : i32
          %mul3A_2412 = arith.muli %scan3A_452, %mul3A_2411 : i32
          %add3A_2413 = arith.constant 31 : i32
          %add3A_2414 = arith.addi %mul3A_2412, %add3A_2413 : i32
          %get3A_2415 = arith.index_cast %and3A_299 : i32 to index
          %get3A_2416 = arith.index_cast %add3A_2414 : i32 to index
          %get3A_2417 = arith.constant 0 : index
          %get3A_2418 = tpu.vector_load %arg8[%get3A_2415, %get3A_2416, %get3A_2417] {strides = array<i32>} : memref<2x256x128xf32, #tpu.memory_space<vmem>>, vector<16xf32>,
          %mul3A_2419 = arith.mulf %gather3A_2410, %get3A_2418 : vector<16xf32>
          %add3A_2420 = arith.addf %add3A_2363, %mul3A_2419 : vector<16xf32>
          %get3A_2421 = arith.index_cast %and3A_299 : i32 to index
          %get3A_2422 = arith.index_cast %add3A_2414 : i32 to index
          %get3A_2423 = arith.constant 16 : index
          %get3A_2424 = tpu.vector_load %arg8[%get3A_2421, %get3A_2422, %get3A_2423] {strides = array<i32>} : memref<2x256x128xf32, #tpu.memory_space<vmem>>, vector<16xf32>,
          %mul3A_2425 = arith.mulf %gather3A_2410, %get3A_2424 : vector<16xf32>
          %add3A_2426 = arith.addf %add3A_2369, %mul3A_2425 : vector<16xf32>
          %get3A_2427 = arith.index_cast %and3A_299 : i32 to index
          %get3A_2428 = arith.index_cast %add3A_2414 : i32 to index
          %get3A_2429 = arith.constant 32 : index
          %get3A_2430 = tpu.vector_load %arg8[%get3A_2427, %get3A_2428, %get3A_2429] {strides = array<i32>} : memref<2x256x128xf32, #tpu.memory_space<vmem>>, vector<16xf32>,
          %mul3A_2431 = arith.mulf %gather3A_2410, %get3A_2430 : vector<16xf32>
          %add3A_2432 = arith.addf %add3A_2375, %mul3A_2431 : vector<16xf32>
          %get3A_2433 = arith.index_cast %and3A_299 : i32 to index
          %get3A_2434 = arith.index_cast %add3A_2414 : i32 to index
          %get3A_2435 = arith.constant 48 : index
          %get3A_2436 = tpu.vector_load %arg8[%get3A_2433, %get3A_2434, %get3A_2435] {strides = array<i32>} : memref<2x256x128xf32, #tpu.memory_space<vmem>>, vector<16xf32>,
          %mul3A_2437 = arith.mulf %gather3A_2410, %get3A_2436 : vector<16xf32>
          %add3A_2438 = arith.addf %add3A_2381, %mul3A_2437 : vector<16xf32>
          %get3A_2439 = arith.index_cast %and3A_299 : i32 to index
          %get3A_2440 = arith.index_cast %add3A_2414 : i32 to index
          %get3A_2441 = arith.constant 64 : index
          %get3A_2442 = tpu.vector_load %arg8[%get3A_2439, %get3A_2440, %get3A_2441] {strides = array<i32>} : memref<2x256x128xf32, #tpu.memory_space<vmem>>, vector<16xf32>,
          %mul3A_2443 = arith.mulf %gather3A_2410, %get3A_2442 : vector<16xf32>
          %add3A_2444 = arith.addf %add3A_2387, %mul3A_2443 : vector<16xf32>
          %get3A_2445 = arith.index_cast %and3A_299 : i32 to index
          %get3A_2446 = arith.index_cast %add3A_2414 : i32 to index
          %get3A_2447 = arith.constant 80 : index
          %get3A_2448 = tpu.vector_load %arg8[%get3A_2445, %get3A_2446, %get3A_2447] {strides = array<i32>} : memref<2x256x128xf32, #tpu.memory_space<vmem>>, vector<16xf32>,
          %mul3A_2449 = arith.mulf %gather3A_2410, %get3A_2448 : vector<16xf32>
          %add3A_2450 = arith.addf %add3A_2393, %mul3A_2449 : vector<16xf32>
          %get3A_2451 = arith.index_cast %and3A_299 : i32 to index
          %get3A_2452 = arith.index_cast %add3A_2414 : i32 to index
          %get3A_2453 = arith.constant 96 : index
          %get3A_2454 = tpu.vector_load %arg8[%get3A_2451, %get3A_2452, %get3A_2453] {strides = array<i32>} : memref<2x256x128xf32, #tpu.memory_space<vmem>>, vector<16xf32>,
          %mul3A_2455 = arith.mulf %gather3A_2410, %get3A_2454 : vector<16xf32>
          %add3A_2456 = arith.addf %add3A_2399, %mul3A_2455 : vector<16xf32>
          %get3A_2457 = arith.index_cast %and3A_299 : i32 to index
          %get3A_2458 = arith.index_cast %add3A_2414 : i32 to index
          %get3A_2459 = arith.constant 112 : index
          %get3A_2460 = tpu.vector_load %arg8[%get3A_2457, %get3A_2458, %get3A_2459] {strides = array<i32>} : memref<2x256x128xf32, #tpu.memory_space<vmem>>, vector<16xf32>,
          %mul3A_2461 = arith.mulf %gather3A_2410, %get3A_2460 : vector<16xf32>
          %add3A_2462 = arith.addf %add3A_2405, %mul3A_2461 : vector<16xf32>
          %swap3A = arith.index_cast %and3A_299 : i32 to index
          %swap3A_2463 = arith.index_cast %scan3A_452 : i32 to index
          %swap3A_2464 = arith.constant 0 : index
          %swap3A_2465 = tpu.vector_load %arg9[%swap3A, %swap3A_2463, %swap3A_2464] {strides = array<i32>} : memref<2x8x128xf32, #tpu.memory_space<vmem>>, vector<16xf32>,
          tpu.vector_store %arg9[%swap3A, %swap3A_2463, %swap3A_2464], %add3A_2420 {strides = array<i32>} : memref<2x8x128xf32, #tpu.memory_space<vmem>>, vector<16xf32>,
          %swap3A_2466 = arith.index_cast %and3A_299 : i32 to index
          %swap3A_2467 = arith.index_cast %scan3A_452 : i32 to index
          %swap3A_2468 = arith.constant 16 : index
          %swap3A_2469 = tpu.vector_load %arg9[%swap3A_2466, %swap3A_2467, %swap3A_2468] {strides = array<i32>} : memref<2x8x128xf32, #tpu.memory_space<vmem>>, vector<16xf32>,
          tpu.vector_store %arg9[%swap3A_2466, %swap3A_2467, %swap3A_2468], %add3A_2426 {strides = array<i32>} : memref<2x8x128xf32, #tpu.memory_space<vmem>>, vector<16xf32>,
          %swap3A_2470 = arith.index_cast %and3A_299 : i32 to index
          %swap3A_2471 = arith.index_cast %scan3A_452 : i32 to index
          %swap3A_2472 = arith.constant 32 : index
          %swap3A_2473 = tpu.vector_load %arg9[%swap3A_2470, %swap3A_2471, %swap3A_2472] {strides = array<i32>} : memref<2x8x128xf32, #tpu.memory_space<vmem>>, vector<16xf32>,
          tpu.vector_store %arg9[%swap3A_2470, %swap3A_2471, %swap3A_2472], %add3A_2432 {strides = array<i32>} : memref<2x8x128xf32, #tpu.memory_space<vmem>>, vector<16xf32>,
          %swap3A_2474 = arith.index_cast %and3A_299 : i32 to index
          %swap3A_2475 = arith.index_cast %scan3A_452 : i32 to index
          %swap3A_2476 = arith.constant 48 : index
          %swap3A_2477 = tpu.vector_load %arg9[%swap3A_2474, %swap3A_2475, %swap3A_2476] {strides = array<i32>} : memref<2x8x128xf32, #tpu.memory_space<vmem>>, vector<16xf32>,
          tpu.vector_store %arg9[%swap3A_2474, %swap3A_2475, %swap3A_2476], %add3A_2438 {strides = array<i32>} : memref<2x8x128xf32, #tpu.memory_space<vmem>>, vector<16xf32>,
          %swap3A_2478 = arith.index_cast %and3A_299 : i32 to index
          %swap3A_2479 = arith.index_cast %scan3A_452 : i32 to index
          %swap3A_2480 = arith.constant 64 : index
          %swap3A_2481 = tpu.vector_load %arg9[%swap3A_2478, %swap3A_2479, %swap3A_2480] {strides = array<i32>} : memref<2x8x128xf32, #tpu.memory_space<vmem>>, vector<16xf32>,
          tpu.vector_store %arg9[%swap3A_2478, %swap3A_2479, %swap3A_2480], %add3A_2444 {strides = array<i32>} : memref<2x8x128xf32, #tpu.memory_space<vmem>>, vector<16xf32>,
          %swap3A_2482 = arith.index_cast %and3A_299 : i32 to index
          %swap3A_2483 = arith.index_cast %scan3A_452 : i32 to index
          %swap3A_2484 = arith.constant 80 : index
          %swap3A_2485 = tpu.vector_load %arg9[%swap3A_2482, %swap3A_2483, %swap3A_2484] {strides = array<i32>} : memref<2x8x128xf32, #tpu.memory_space<vmem>>, vector<16xf32>,
          tpu.vector_store %arg9[%swap3A_2482, %swap3A_2483, %swap3A_2484], %add3A_2450 {strides = array<i32>} : memref<2x8x128xf32, #tpu.memory_space<vmem>>, vector<16xf32>,
          %swap3A_2486 = arith.index_cast %and3A_299 : i32 to index
          %swap3A_2487 = arith.index_cast %scan3A_452 : i32 to index
          %swap3A_2488 = arith.constant 96 : index
          %swap3A_2489 = tpu.vector_load %arg9[%swap3A_2486, %swap3A_2487, %swap3A_2488] {strides = array<i32>} : memref<2x8x128xf32, #tpu.memory_space<vmem>>, vector<16xf32>,
          tpu.vector_store %arg9[%swap3A_2486, %swap3A_2487, %swap3A_2488], %add3A_2456 {strides = array<i32>} : memref<2x8x128xf32, #tpu.memory_space<vmem>>, vector<16xf32>,
          %swap3A_2490 = arith.index_cast %and3A_299 : i32 to index
          %swap3A_2491 = arith.index_cast %scan3A_452 : i32 to index
          %swap3A_2492 = arith.constant 112 : index
          %swap3A_2493 = tpu.vector_load %arg9[%swap3A_2490, %swap3A_2491, %swap3A_2492] {strides = array<i32>} : memref<2x8x128xf32, #tpu.memory_space<vmem>>, vector<16xf32>,
          tpu.vector_store %arg9[%swap3A_2490, %swap3A_2491, %swap3A_2492], %add3A_2462 {strides = array<i32>} : memref<2x8x128xf32, #tpu.memory_space<vmem>>, vector<16xf32>,
        }
        %scan3A_344 = arith.constant 8 : i32
        %dma_start3A = arith.constant 0 : i32
        %dma_start3A_345 = arith.constant 0 : i32
        %dma_start3A_346 = tpu.memref_slice %arg9[%and3A_299, %dma_start3A, %dma_start3A_345] : memref<2x8x128xf32, #tpu.memory_space<vmem>> -> memref<1x8x128xf32, #tpu.memory_space<vmem>>
        %dma_start3A_347 = tpu.memref_squeeze %dma_start3A_346 : memref<1x8x128xf32, #tpu.memory_space<vmem>> -> memref<8x128xf32, #tpu.memory_space<vmem>>
        %dma_start3A_348 = arith.constant 0 : i32
        %dma_start3A_349 = tpu.memref_slice %arg5[%mul3A_312, %dma_start3A_348] : memref<10000x1152xf32, #tpu.memory_space<hbm>> -> memref<8x128xf32, #tpu.memory_space<hbm>>
        %dma_start3A_350 = arith.constant 0 : i32
        %dma_start3A_351 = tpu.memref_slice %arg5[%mul3A_312, %dma_start3A_350] : memref<10000x1152xf32, #tpu.memory_space<hbm>> -> memref<8x128xf32, #tpu.memory_space<hbm>>
        %dma_start3A_352 = arith.constant 0 : i32
        %dma_start3A_353 = arith.constant 0 : i32
        %dma_start3A_354 = tpu.memref_slice %arg9[%and3A_299, %dma_start3A_352, %dma_start3A_353] : memref<2x8x128xf32, #tpu.memory_space<vmem>> -> memref<1x8x128xf32, #tpu.memory_space<vmem>>
        %dma_start3A_355 = tpu.memref_squeeze %dma_start3A_354 : memref<1x8x128xf32, #tpu.memory_space<vmem>> -> memref<8x128xf32, #tpu.memory_space<vmem>>
        tpu.enqueue_dma source(%dma_start3A_355 : memref<8x128xf32, #tpu.memory_space<vmem>>) target(%dma_start3A_351 : memref<8x128xf32, #tpu.memory_space<hbm>>) target_semaphore(%arg11 : memref<!tpu.dma_semaphore, #tpu.memory_space<semaphore_mem>>)
        %dma_start3A_356 = arith.constant 0 : i32
        %dma_start3A_357 = arith.constant 0 : i32
        %dma_start3A_358 = tpu.memref_slice %arg9[%and3A_299, %dma_start3A_356, %dma_start3A_357] : memref<2x8x128xf32, #tpu.memory_space<vmem>> -> memref<1x8x128xf32, #tpu.memory_space<vmem>>
        %dma_start3A_359 = tpu.memref_squeeze %dma_start3A_358 : memref<1x8x128xf32, #tpu.memory_space<vmem>> -> memref<8x128xf32, #tpu.memory_space<vmem>>
        %dma_start3A_360 = arith.constant 128 : i32
        %dma_start3A_361 = tpu.memref_slice %arg5[%mul3A_312, %dma_start3A_360] : memref<10000x1152xf32, #tpu.memory_space<hbm>> -> memref<8x128xf32, #tpu.memory_space<hbm>>
        %dma_start3A_362 = arith.constant 128 : i32
        %dma_start3A_363 = tpu.memref_slice %arg5[%mul3A_312, %dma_start3A_362] : memref<10000x1152xf32, #tpu.memory_space<hbm>> -> memref<8x128xf32, #tpu.memory_space<hbm>>
        %dma_start3A_364 = arith.constant 0 : i32
        %dma_start3A_365 = arith.constant 0 : i32
        %dma_start3A_366 = tpu.memref_slice %arg9[%and3A_299, %dma_start3A_364, %dma_start3A_365] : memref<2x8x128xf32, #tpu.memory_space<vmem>> -> memref<1x8x128xf32, #tpu.memory_space<vmem>>
        %dma_start3A_367 = tpu.memref_squeeze %dma_start3A_366 : memref<1x8x128xf32, #tpu.memory_space<vmem>> -> memref<8x128xf32, #tpu.memory_space<vmem>>
        tpu.enqueue_dma source(%dma_start3A_367 : memref<8x128xf32, #tpu.memory_space<vmem>>) target(%dma_start3A_363 : memref<8x128xf32, #tpu.memory_space<hbm>>) target_semaphore(%arg11 : memref<!tpu.dma_semaphore, #tpu.memory_space<semaphore_mem>>)
        %dma_start3A_368 = arith.constant 0 : i32
        %dma_start3A_369 = arith.constant 0 : i32
        %dma_start3A_370 = tpu.memref_slice %arg9[%and3A_299, %dma_start3A_368, %dma_start3A_369] : memref<2x8x128xf32, #tpu.memory_space<vmem>> -> memref<1x8x128xf32, #tpu.memory_space<vmem>>
        %dma_start3A_371 = tpu.memref_squeeze %dma_start3A_370 : memref<1x8x128xf32, #tpu.memory_space<vmem>> -> memref<8x128xf32, #tpu.memory_space<vmem>>
        %dma_start3A_372 = arith.constant 256 : i32
        %dma_start3A_373 = tpu.memref_slice %arg5[%mul3A_312, %dma_start3A_372] : memref<10000x1152xf32, #tpu.memory_space<hbm>> -> memref<8x128xf32, #tpu.memory_space<hbm>>
        %dma_start3A_374 = arith.constant 256 : i32
        %dma_start3A_375 = tpu.memref_slice %arg5[%mul3A_312, %dma_start3A_374] : memref<10000x1152xf32, #tpu.memory_space<hbm>> -> memref<8x128xf32, #tpu.memory_space<hbm>>
        %dma_start3A_376 = arith.constant 0 : i32
        %dma_start3A_377 = arith.constant 0 : i32
        %dma_start3A_378 = tpu.memref_slice %arg9[%and3A_299, %dma_start3A_376, %dma_start3A_377] : memref<2x8x128xf32, #tpu.memory_space<vmem>> -> memref<1x8x128xf32, #tpu.memory_space<vmem>>
        %dma_start3A_379 = tpu.memref_squeeze %dma_start3A_378 : memref<1x8x128xf32, #tpu.memory_space<vmem>> -> memref<8x128xf32, #tpu.memory_space<vmem>>
        tpu.enqueue_dma source(%dma_start3A_379 : memref<8x128xf32, #tpu.memory_space<vmem>>) target(%dma_start3A_375 : memref<8x128xf32, #tpu.memory_space<hbm>>) target_semaphore(%arg11 : memref<!tpu.dma_semaphore, #tpu.memory_space<semaphore_mem>>)
        %dma_start3A_380 = arith.constant 0 : i32
        %dma_start3A_381 = arith.constant 0 : i32
        %dma_start3A_382 = tpu.memref_slice %arg9[%and3A_299, %dma_start3A_380, %dma_start3A_381] : memref<2x8x128xf32, #tpu.memory_space<vmem>> -> memref<1x8x128xf32, #tpu.memory_space<vmem>>
        %dma_start3A_383 = tpu.memref_squeeze %dma_start3A_382 : memref<1x8x128xf32, #tpu.memory_space<vmem>> -> memref<8x128xf32, #tpu.memory_space<vmem>>
        %dma_start3A_384 = arith.constant 384 : i32
        %dma_start3A_385 = tpu.memref_slice %arg5[%mul3A_312, %dma_start3A_384] : memref<10000x1152xf32, #tpu.memory_space<hbm>> -> memref<8x128xf32, #tpu.memory_space<hbm>>
        %dma_start3A_386 = arith.constant 384 : i32
        %dma_start3A_387 = tpu.memref_slice %arg5[%mul3A_312, %dma_start3A_386] : memref<10000x1152xf32, #tpu.memory_space<hbm>> -> memref<8x128xf32, #tpu.memory_space<hbm>>
        %dma_start3A_388 = arith.constant 0 : i32
        %dma_start3A_389 = arith.constant 0 : i32
        %dma_start3A_390 = tpu.memref_slice %arg9[%and3A_299, %dma_start3A_388, %dma_start3A_389] : memref<2x8x128xf32, #tpu.memory_space<vmem>> -> memref<1x8x128xf32, #tpu.memory_space<vmem>>
        %dma_start3A_391 = tpu.memref_squeeze %dma_start3A_390 : memref<1x8x128xf32, #tpu.memory_space<vmem>> -> memref<8x128xf32, #tpu.memory_space<vmem>>
        tpu.enqueue_dma source(%dma_start3A_391 : memref<8x128xf32, #tpu.memory_space<vmem>>) target(%dma_start3A_387 : memref<8x128xf32, #tpu.memory_space<hbm>>) target_semaphore(%arg11 : memref<!tpu.dma_semaphore, #tpu.memory_space<semaphore_mem>>)
        %dma_start3A_392 = arith.constant 0 : i32
        %dma_start3A_393 = arith.constant 0 : i32
        %dma_start3A_394 = tpu.memref_slice %arg9[%and3A_299, %dma_start3A_392, %dma_start3A_393] : memref<2x8x128xf32, #tpu.memory_space<vmem>> -> memref<1x8x128xf32, #tpu.memory_space<vmem>>
        %dma_start3A_395 = tpu.memref_squeeze %dma_start3A_394 : memref<1x8x128xf32, #tpu.memory_space<vmem>> -> memref<8x128xf32, #tpu.memory_space<vmem>>
        %dma_start3A_396 = arith.constant 512 : i32
        %dma_start3A_397 = tpu.memref_slice %arg5[%mul3A_312, %dma_start3A_396] : memref<10000x1152xf32, #tpu.memory_space<hbm>> -> memref<8x128xf32, #tpu.memory_space<hbm>>
        %dma_start3A_398 = arith.constant 512 : i32
        %dma_start3A_399 = tpu.memref_slice %arg5[%mul3A_312, %dma_start3A_398] : memref<10000x1152xf32, #tpu.memory_space<hbm>> -> memref<8x128xf32, #tpu.memory_space<hbm>>
        %dma_start3A_400 = arith.constant 0 : i32
        %dma_start3A_401 = arith.constant 0 : i32
        %dma_start3A_402 = tpu.memref_slice %arg9[%and3A_299, %dma_start3A_400, %dma_start3A_401] : memref<2x8x128xf32, #tpu.memory_space<vmem>> -> memref<1x8x128xf32, #tpu.memory_space<vmem>>
        %dma_start3A_403 = tpu.memref_squeeze %dma_start3A_402 : memref<1x8x128xf32, #tpu.memory_space<vmem>> -> memref<8x128xf32, #tpu.memory_space<vmem>>
        tpu.enqueue_dma source(%dma_start3A_403 : memref<8x128xf32, #tpu.memory_space<vmem>>) target(%dma_start3A_399 : memref<8x128xf32, #tpu.memory_space<hbm>>) target_semaphore(%arg11 : memref<!tpu.dma_semaphore, #tpu.memory_space<semaphore_mem>>)
        %dma_start3A_404 = arith.constant 0 : i32
        %dma_start3A_405 = arith.constant 0 : i32
        %dma_start3A_406 = tpu.memref_slice %arg9[%and3A_299, %dma_start3A_404, %dma_start3A_405] : memref<2x8x128xf32, #tpu.memory_space<vmem>> -> memref<1x8x128xf32, #tpu.memory_space<vmem>>
        %dma_start3A_407 = tpu.memref_squeeze %dma_start3A_406 : memref<1x8x128xf32, #tpu.memory_space<vmem>> -> memref<8x128xf32, #tpu.memory_space<vmem>>
        %dma_start3A_408 = arith.constant 640 : i32
        %dma_start3A_409 = tpu.memref_slice %arg5[%mul3A_312, %dma_start3A_408] : memref<10000x1152xf32, #tpu.memory_space<hbm>> -> memref<8x128xf32, #tpu.memory_space<hbm>>
        %dma_start3A_410 = arith.constant 640 : i32
        %dma_start3A_411 = tpu.memref_slice %arg5[%mul3A_312, %dma_start3A_410] : memref<10000x1152xf32, #tpu.memory_space<hbm>> -> memref<8x128xf32, #tpu.memory_space<hbm>>
        %dma_start3A_412 = arith.constant 0 : i32
        %dma_start3A_413 = arith.constant 0 : i32
        %dma_start3A_414 = tpu.memref_slice %arg9[%and3A_299, %dma_start3A_412, %dma_start3A_413] : memref<2x8x128xf32, #tpu.memory_space<vmem>> -> memref<1x8x128xf32, #tpu.memory_space<vmem>>
        %dma_start3A_415 = tpu.memref_squeeze %dma_start3A_414 : memref<1x8x128xf32, #tpu.memory_space<vmem>> -> memref<8x128xf32, #tpu.memory_space<vmem>>
        tpu.enqueue_dma source(%dma_start3A_415 : memref<8x128xf32, #tpu.memory_space<vmem>>) target(%dma_start3A_411 : memref<8x128xf32, #tpu.memory_space<hbm>>) target_semaphore(%arg11 : memref<!tpu.dma_semaphore, #tpu.memory_space<semaphore_mem>>)
        %dma_start3A_416 = arith.constant 0 : i32
        %dma_start3A_417 = arith.constant 0 : i32
        %dma_start3A_418 = tpu.memref_slice %arg9[%and3A_299, %dma_start3A_416, %dma_start3A_417] : memref<2x8x128xf32, #tpu.memory_space<vmem>> -> memref<1x8x128xf32, #tpu.memory_space<vmem>>
        %dma_start3A_419 = tpu.memref_squeeze %dma_start3A_418 : memref<1x8x128xf32, #tpu.memory_space<vmem>> -> memref<8x128xf32, #tpu.memory_space<vmem>>
        %dma_start3A_420 = arith.constant 768 : i32
        %dma_start3A_421 = tpu.memref_slice %arg5[%mul3A_312, %dma_start3A_420] : memref<10000x1152xf32, #tpu.memory_space<hbm>> -> memref<8x128xf32, #tpu.memory_space<hbm>>
        %dma_start3A_422 = arith.constant 768 : i32
        %dma_start3A_423 = tpu.memref_slice %arg5[%mul3A_312, %dma_start3A_422] : memref<10000x1152xf32, #tpu.memory_space<hbm>> -> memref<8x128xf32, #tpu.memory_space<hbm>>
        %dma_start3A_424 = arith.constant 0 : i32
        %dma_start3A_425 = arith.constant 0 : i32
        %dma_start3A_426 = tpu.memref_slice %arg9[%and3A_299, %dma_start3A_424, %dma_start3A_425] : memref<2x8x128xf32, #tpu.memory_space<vmem>> -> memref<1x8x128xf32, #tpu.memory_space<vmem>>
        %dma_start3A_427 = tpu.memref_squeeze %dma_start3A_426 : memref<1x8x128xf32, #tpu.memory_space<vmem>> -> memref<8x128xf32, #tpu.memory_space<vmem>>
        tpu.enqueue_dma source(%dma_start3A_427 : memref<8x128xf32, #tpu.memory_space<vmem>>) target(%dma_start3A_423 : memref<8x128xf32, #tpu.memory_space<hbm>>) target_semaphore(%arg11 : memref<!tpu.dma_semaphore, #tpu.memory_space<semaphore_mem>>)
        %dma_start3A_428 = arith.constant 0 : i32
        %dma_start3A_429 = arith.constant 0 : i32
        %dma_start3A_430 = tpu.memref_slice %arg9[%and3A_299, %dma_start3A_428, %dma_start3A_429] : memref<2x8x128xf32, #tpu.memory_space<vmem>> -> memref<1x8x128xf32, #tpu.memory_space<vmem>>
        %dma_start3A_431 = tpu.memref_squeeze %dma_start3A_430 : memref<1x8x128xf32, #tpu.memory_space<vmem>> -> memref<8x128xf32, #tpu.memory_space<vmem>>
        %dma_start3A_432 = arith.constant 896 : i32
        %dma_start3A_433 = tpu.memref_slice %arg5[%mul3A_312, %dma_start3A_432] : memref<10000x1152xf32, #tpu.memory_space<hbm>> -> memref<8x128xf32, #tpu.memory_space<hbm>>
        %dma_start3A_434 = arith.constant 896 : i32
        %dma_start3A_435 = tpu.memref_slice %arg5[%mul3A_312, %dma_start3A_434] : memref<10000x1152xf32, #tpu.memory_space<hbm>> -> memref<8x128xf32, #tpu.memory_space<hbm>>
        %dma_start3A_436 = arith.constant 0 : i32
        %dma_start3A_437 = arith.constant 0 : i32
        %dma_start3A_438 = tpu.memref_slice %arg9[%and3A_299, %dma_start3A_436, %dma_start3A_437] : memref<2x8x128xf32, #tpu.memory_space<vmem>> -> memref<1x8x128xf32, #tpu.memory_space<vmem>>
        %dma_start3A_439 = tpu.memref_squeeze %dma_start3A_438 : memref<1x8x128xf32, #tpu.memory_space<vmem>> -> memref<8x128xf32, #tpu.memory_space<vmem>>
        tpu.enqueue_dma source(%dma_start3A_439 : memref<8x128xf32, #tpu.memory_space<vmem>>) target(%dma_start3A_435 : memref<8x128xf32, #tpu.memory_space<hbm>>) target_semaphore(%arg11 : memref<!tpu.dma_semaphore, #tpu.memory_space<semaphore_mem>>)
        %dma_start3A_440 = arith.constant 0 : i32
        %dma_start3A_441 = arith.constant 0 : i32
        %dma_start3A_442 = tpu.memref_slice %arg9[%and3A_299, %dma_start3A_440, %dma_start3A_441] : memref<2x8x128xf32, #tpu.memory_space<vmem>> -> memref<1x8x128xf32, #tpu.memory_space<vmem>>
        %dma_start3A_443 = tpu.memref_squeeze %dma_start3A_442 : memref<1x8x128xf32, #tpu.memory_space<vmem>> -> memref<8x128xf32, #tpu.memory_space<vmem>>
        %dma_start3A_444 = arith.constant 1024 : i32
        %dma_start3A_445 = tpu.memref_slice %arg5[%mul3A_312, %dma_start3A_444] : memref<10000x1152xf32, #tpu.memory_space<hbm>> -> memref<8x128xf32, #tpu.memory_space<hbm>>
        %dma_start3A_446 = arith.constant 1024 : i32
        %dma_start3A_447 = tpu.memref_slice %arg5[%mul3A_312, %dma_start3A_446] : memref<10000x1152xf32, #tpu.memory_space<hbm>> -> memref<8x128xf32, #tpu.memory_space<hbm>>
        %dma_start3A_448 = arith.constant 0 : i32
        %dma_start3A_449 = arith.constant 0 : i32
        %dma_start3A_450 = tpu.memref_slice %arg9[%and3A_299, %dma_start3A_448, %dma_start3A_449] : memref<2x8x128xf32, #tpu.memory_space<vmem>> -> memref<1x8x128xf32, #tpu.memory_space<vmem>>
        %dma_start3A_451 = tpu.memref_squeeze %dma_start3A_450 : memref<1x8x128xf32, #tpu.memory_space<vmem>> -> memref<8x128xf32, #tpu.memory_space<vmem>>
        tpu.enqueue_dma source(%dma_start3A_451 : memref<8x128xf32, #tpu.memory_space<vmem>>) target(%dma_start3A_447 : memref<8x128xf32, #tpu.memory_space<hbm>>) target_semaphore(%arg11 : memref<!tpu.dma_semaphore, #tpu.memory_space<semaphore_mem>>)
      } else {
      }
    }
    %while3A_24 = arith.constant 1 : i32
    scf.for %while3A_294 = %while3A_22 to %while3A_18 step %while3A_24  : i32 {
      %and3A = arith.constant 1 : i32
      %and3A_295 = arith.andi %while3A_294, %and3A : i32
      %add3A_296 = arith.constant 1 : i32
      %add3A_297 = arith.addi %while3A_294, %add3A_296 : i32
      %and3A_298 = arith.constant 1 : i32
      %and3A_299 = arith.andi %add3A_297, %and3A_298 : i32
      %lt3A_300 = arith.cmpi slt, %while3A_294, %select_n3A : i32
      %convert_element_type3A_301 = arith.extui %lt3A_300 : i1 to i32
      %cond3A_302 = arith.constant 0 : i32
      %cond3A_303 = arith.cmpi ne, %convert_element_type3A_301, %cond3A_302 : i32
      scf.if %cond3A_303 {
        %dma_start3A = arith.constant 0 : i32
        %dma_start3A_309 = arith.constant 0 : i32
        %dma_start3A_310 = arith.constant 0 : i32
        %dma_start3A_311 = tpu.memref_slice %arg8[%and3A_295, %dma_start3A_309, %dma_start3A_310] : memref<2x256x128xf32, #tpu.memory_space<vmem>> -> memref<1x128x128xf32, #tpu.memory_space<vmem>>
        %dma_start3A_312 = tpu.memref_squeeze %dma_start3A_311 : memref<1x128x128xf32, #tpu.memory_space<vmem>> -> memref<128x128xf32, #tpu.memory_space<vmem>>
        %dma_start3A_313 = arith.constant 0 : i32
        %dma_start3A_314 = tpu.memref_slice %arg7[%while3A_294, %dma_start3A, %dma_start3A_313] : memref<40x2x128xi32, #tpu.memory_space<vmem>> -> memref<1x1x128xi32, #tpu.memory_space<vmem>>
        %dma_start3A_315 = tpu.memref_squeeze %dma_start3A_314 : memref<1x1x128xi32, #tpu.memory_space<vmem>> -> memref<128xi32, #tpu.memory_space<vmem>>
        %dma_start3A_316 = arith.constant 0 : i32
        %dma_start3A_317 = arith.constant 0 : i32
        %dma_start3A_318 = tpu.memref_slice %arg3[%dma_start3A_316, %dma_start3A_317] : memref<10000x128xf32, #tpu.memory_space<hbm>> -> memref<10000x128xf32, #tpu.memory_space<hbm>>
        tpu.enqueue_indirect_dma source(%dma_start3A_318 : memref<10000x128xf32, #tpu.memory_space<hbm>>) target(%dma_start3A_312 : memref<128x128xf32, #tpu.memory_space<vmem>>) offsets(%dma_start3A_315 : memref<128xi32, #tpu.memory_space<vmem>>) semaphore(%arg10 : memref<!tpu.dma_semaphore, #tpu.memory_space<semaphore_mem>>)
        %dma_start3A_319 = arith.constant 1 : i32
        %dma_start3A_320 = arith.constant 128 : i32
        %dma_start3A_321 = arith.constant 0 : i32
        %dma_start3A_322 = tpu.memref_slice %arg8[%and3A_295, %dma_start3A_320, %dma_start3A_321] : memref<2x256x128xf32, #tpu.memory_space<vmem>> -> memref<1x128x128xf32, #tpu.memory_space<vmem>>
        %dma_start3A_323 = tpu.memref_squeeze %dma_start3A_322 : memref<1x128x128xf32, #tpu.memory_space<vmem>> -> memref<128x128xf32, #tpu.memory_space<vmem>>
        %dma_start3A_324 = arith.constant 0 : i32
        %dma_start3A_325 = tpu.memref_slice %arg7[%while3A_294, %dma_start3A_319, %dma_start3A_324] : memref<40x2x128xi32, #tpu.memory_space<vmem>> -> memref<1x1x128xi32, #tpu.memory_space<vmem>>
        %dma_start3A_326 = tpu.memref_squeeze %dma_start3A_325 : memref<1x1x128xi32, #tpu.memory_space<vmem>> -> memref<128xi32, #tpu.memory_space<vmem>>
        %dma_start3A_327 = arith.constant 0 : i32
        %dma_start3A_328 = arith.constant 0 : i32
        %dma_start3A_329 = tpu.memref_slice %arg3[%dma_start3A_327, %dma_start3A_328] : memref<10000x128xf32, #tpu.memory_space<hbm>> -> memref<10000x128xf32, #tpu.memory_space<hbm>>
        tpu.enqueue_indirect_dma source(%dma_start3A_329 : memref<10000x128xf32, #tpu.memory_space<hbm>>) target(%dma_start3A_323 : memref<128x128xf32, #tpu.memory_space<vmem>>) offsets(%dma_start3A_326 : memref<128xi32, #tpu.memory_space<vmem>>) semaphore(%arg10 : memref<!tpu.dma_semaphore, #tpu.memory_space<semaphore_mem>>)
      } else {
      }
      %ge3A_304 = arith.constant 1 : i32
      %ge3A_305 = arith.cmpi sge, %while3A_294, %ge3A_304 : i32
      %convert_element_type3A_306 = arith.extui %ge3A_305 : i1 to i32
      %cond3A_307 = arith.constant 0 : i32
      %cond3A_308 = arith.cmpi ne, %convert_element_type3A_306, %cond3A_307 : i32
      scf.if %cond3A_308 {
        %sub3A = arith.constant 1 : i32
        %sub3A_309 = arith.subi %while3A_294, %sub3A : i32
        %add3A_310 = arith.addi %add3A_4, %sub3A_309 : i32
        %mul3A_311 = arith.constant 8 : i32
        %mul3A_312 = arith.muli %add3A_310, %mul3A_311 : i32
        %dma_wait3A_313 = arith.constant 0 : i32
        %dma_wait3A_314 = arith.constant 0 : i32
        %dma_wait3A_315 = arith.constant 0 : i32
        %dma_wait3A_316 = tpu.memref_slice %arg8[%and3A_299, %dma_wait3A_314, %dma_wait3A_315] : memref<2x256x128xf32, #tpu.memory_space<vmem>> -> memref<1x128x128xf32, #tpu.memory_space<vmem>>
        %dma_wait3A_317 = tpu.memref_squeeze %dma_wait3A_316 : memref<1x128x128xf32, #tpu.memory_space<vmem>> -> memref<128x128xf32, #tpu.memory_space<vmem>>
        %dma_wait3A_318 = arith.constant 0 : i32
        %dma_wait3A_319 = tpu.memref_slice %arg7[%sub3A_309, %dma_wait3A_313, %dma_wait3A_318] : memref<40x2x128xi32, #tpu.memory_space<vmem>> -> memref<1x1x128xi32, #tpu.memory_space<vmem>>
        %dma_wait3A_320 = tpu.memref_squeeze %dma_wait3A_319 : memref<1x1x128xi32, #tpu.memory_space<vmem>> -> memref<128xi32, #tpu.memory_space<vmem>>
        %dma_wait3A_321 = arith.constant 0 : i32
        %dma_wait3A_322 = arith.constant 0 : i32
        %dma_wait3A_323 = tpu.memref_slice %arg3[%dma_wait3A_321, %dma_wait3A_322] : memref<10000x128xf32, #tpu.memory_space<hbm>> -> memref<10000x128xf32, #tpu.memory_space<hbm>>
        tpu.wait_indirect_dma semaphore(%arg10 : memref<!tpu.dma_semaphore, #tpu.memory_space<semaphore_mem>>) src(%dma_wait3A_323 : memref<10000x128xf32, #tpu.memory_space<hbm>>) dst(%dma_wait3A_317 : memref<128x128xf32, #tpu.memory_space<vmem>>)
        %dma_wait3A_324 = arith.constant 1 : i32
        %dma_wait3A_325 = arith.constant 128 : i32
        %dma_wait3A_326 = arith.constant 0 : i32
        %dma_wait3A_327 = tpu.memref_slice %arg8[%and3A_299, %dma_wait3A_325, %dma_wait3A_326] : memref<2x256x128xf32, #tpu.memory_space<vmem>> -> memref<1x128x128xf32, #tpu.memory_space<vmem>>
        %dma_wait3A_328 = tpu.memref_squeeze %dma_wait3A_327 : memref<1x128x128xf32, #tpu.memory_space<vmem>> -> memref<128x128xf32, #tpu.memory_space<vmem>>
        %dma_wait3A_329 = arith.constant 0 : i32
        %dma_wait3A_330 = tpu.memref_slice %arg7[%sub3A_309, %dma_wait3A_324, %dma_wait3A_329] : memref<40x2x128xi32, #tpu.memory_space<vmem>> -> memref<1x1x128xi32, #tpu.memory_space<vmem>>
        %dma_wait3A_331 = tpu.memref_squeeze %dma_wait3A_330 : memref<1x1x128xi32, #tpu.memory_space<vmem>> -> memref<128xi32, #tpu.memory_space<vmem>>
        %dma_wait3A_332 = arith.constant 0 : i32
        %dma_wait3A_333 = arith.constant 0 : i32
        %dma_wait3A_334 = tpu.memref_slice %arg3[%dma_wait3A_332, %dma_wait3A_333] : memref<10000x128xf32, #tpu.memory_space<hbm>> -> memref<10000x128xf32, #tpu.memory_space<hbm>>
        tpu.wait_indirect_dma semaphore(%arg10 : memref<!tpu.dma_semaphore, #tpu.memory_space<semaphore_mem>>) src(%dma_wait3A_334 : memref<10000x128xf32, #tpu.memory_space<hbm>>) dst(%dma_wait3A_328 : memref<128x128xf32, #tpu.memory_space<vmem>>)
        %ge3A_335 = arith.constant 3 : i32
        %ge3A_336 = arith.cmpi sge, %while3A_294, %ge3A_335 : i32
        %convert_element_type3A_337 = arith.extui %ge3A_336 : i1 to i32
        %cond3A_338 = arith.constant 0 : i32
        %cond3A_339 = arith.cmpi ne, %convert_element_type3A_337, %cond3A_338 : i32
        scf.if %cond3A_339 {
          %dma_wait3A_452 = arith.constant 0 : i32
          %dma_wait3A_453 = arith.constant 0 : i32
          %dma_wait3A_454 = tpu.memref_slice %arg9[%and3A_299, %dma_wait3A_452, %dma_wait3A_453] : memref<2x8x128xf32, #tpu.memory_space<vmem>> -> memref<1x8x128xf32, #tpu.memory_space<vmem>>
          %dma_wait3A_455 = tpu.memref_squeeze %dma_wait3A_454 : memref<1x8x128xf32, #tpu.memory_space<vmem>> -> memref<8x128xf32, #tpu.memory_space<vmem>>
          %dma_wait3A_456 = arith.constant 0 : i32
          %dma_wait3A_457 = arith.constant 0 : i32
          %dma_wait3A_458 = tpu.memref_slice %arg5[%dma_wait3A_456, %dma_wait3A_457] : memref<10000x1152xf32, #tpu.memory_space<hbm>> -> memref<8x128xf32, #tpu.memory_space<hbm>>
          %dma_wait3A_459 = arith.constant 0 : i32
          %dma_wait3A_460 = arith.constant 0 : i32
          %dma_wait3A_461 = tpu.memref_slice %arg5[%dma_wait3A_459, %dma_wait3A_460] : memref<10000x1152xf32, #tpu.memory_space<hbm>> -> memref<8x128xf32, #tpu.memory_space<hbm>>
          %dma_wait3A_462 = arith.constant 0 : i32
          %dma_wait3A_463 = arith.constant 0 : i32
          %dma_wait3A_464 = tpu.memref_slice %arg9[%and3A_299, %dma_wait3A_462, %dma_wait3A_463] : memref<2x8x128xf32, #tpu.memory_space<vmem>> -> memref<1x8x128xf32, #tpu.memory_space<vmem>>
          %dma_wait3A_465 = tpu.memref_squeeze %dma_wait3A_464 : memref<1x8x128xf32, #tpu.memory_space<vmem>> -> memref<8x128xf32, #tpu.memory_space<vmem>>
          tpu.wait_dma2 semaphore(%arg11 : memref<!tpu.dma_semaphore, #tpu.memory_space<semaphore_mem>>) src(%dma_wait3A_465 : memref<8x128xf32, #tpu.memory_space<vmem>>) dst(%dma_wait3A_461 : memref<8x128xf32, #tpu.memory_space<hbm>>)
          %dma_wait3A_466 = arith.constant 0 : i32
          %dma_wait3A_467 = arith.constant 0 : i32
          %dma_wait3A_468 = tpu.memref_slice %arg9[%and3A_299, %dma_wait3A_466, %dma_wait3A_467] : memref<2x8x128xf32, #tpu.memory_space<vmem>> -> memref<1x8x128xf32, #tpu.memory_space<vmem>>
          %dma_wait3A_469 = tpu.memref_squeeze %dma_wait3A_468 : memref<1x8x128xf32, #tpu.memory_space<vmem>> -> memref<8x128xf32, #tpu.memory_space<vmem>>
          %dma_wait3A_470 = arith.constant 0 : i32
          %dma_wait3A_471 = arith.constant 128 : i32
          %dma_wait3A_472 = tpu.memref_slice %arg5[%dma_wait3A_470, %dma_wait3A_471] : memref<10000x1152xf32, #tpu.memory_space<hbm>> -> memref<8x128xf32, #tpu.memory_space<hbm>>
          %dma_wait3A_473 = arith.constant 0 : i32
          %dma_wait3A_474 = arith.constant 128 : i32
          %dma_wait3A_475 = tpu.memref_slice %arg5[%dma_wait3A_473, %dma_wait3A_474] : memref<10000x1152xf32, #tpu.memory_space<hbm>> -> memref<8x128xf32, #tpu.memory_space<hbm>>
          %dma_wait3A_476 = arith.constant 0 : i32
          %dma_wait3A_477 = arith.constant 0 : i32
          %dma_wait3A_478 = tpu.memref_slice %arg9[%and3A_299, %dma_wait3A_476, %dma_wait3A_477] : memref<2x8x128xf32, #tpu.memory_space<vmem>> -> memref<1x8x128xf32, #tpu.memory_space<vmem>>
          %dma_wait3A_479 = tpu.memref_squeeze %dma_wait3A_478 : memref<1x8x128xf32, #tpu.memory_space<vmem>> -> memref<8x128xf32, #tpu.memory_space<vmem>>
          tpu.wait_dma2 semaphore(%arg11 : memref<!tpu.dma_semaphore, #tpu.memory_space<semaphore_mem>>) src(%dma_wait3A_479 : memref<8x128xf32, #tpu.memory_space<vmem>>) dst(%dma_wait3A_475 : memref<8x128xf32, #tpu.memory_space<hbm>>)
          %dma_wait3A_480 = arith.constant 0 : i32
          %dma_wait3A_481 = arith.constant 0 : i32
          %dma_wait3A_482 = tpu.memref_slice %arg9[%and3A_299, %dma_wait3A_480, %dma_wait3A_481] : memref<2x8x128xf32, #tpu.memory_space<vmem>> -> memref<1x8x128xf32, #tpu.memory_space<vmem>>
          %dma_wait3A_483 = tpu.memref_squeeze %dma_wait3A_482 : memref<1x8x128xf32, #tpu.memory_space<vmem>> -> memref<8x128xf32, #tpu.memory_space<vmem>>
          %dma_wait3A_484 = arith.constant 0 : i32
          %dma_wait3A_485 = arith.constant 256 : i32
          %dma_wait3A_486 = tpu.memref_slice %arg5[%dma_wait3A_484, %dma_wait3A_485] : memref<10000x1152xf32, #tpu.memory_space<hbm>> -> memref<8x128xf32, #tpu.memory_space<hbm>>
          %dma_wait3A_487 = arith.constant 0 : i32
          %dma_wait3A_488 = arith.constant 256 : i32
          %dma_wait3A_489 = tpu.memref_slice %arg5[%dma_wait3A_487, %dma_wait3A_488] : memref<10000x1152xf32, #tpu.memory_space<hbm>> -> memref<8x128xf32, #tpu.memory_space<hbm>>
          %dma_wait3A_490 = arith.constant 0 : i32
          %dma_wait3A_491 = arith.constant 0 : i32
          %dma_wait3A_492 = tpu.memref_slice %arg9[%and3A_299, %dma_wait3A_490, %dma_wait3A_491] : memref<2x8x128xf32, #tpu.memory_space<vmem>> -> memref<1x8x128xf32, #tpu.memory_space<vmem>>
          %dma_wait3A_493 = tpu.memref_squeeze %dma_wait3A_492 : memref<1x8x128xf32, #tpu.memory_space<vmem>> -> memref<8x128xf32, #tpu.memory_space<vmem>>
          tpu.wait_dma2 semaphore(%arg11 : memref<!tpu.dma_semaphore, #tpu.memory_space<semaphore_mem>>) src(%dma_wait3A_493 : memref<8x128xf32, #tpu.memory_space<vmem>>) dst(%dma_wait3A_489 : memref<8x128xf32, #tpu.memory_space<hbm>>)
          %dma_wait3A_494 = arith.constant 0 : i32
          %dma_wait3A_495 = arith.constant 0 : i32
          %dma_wait3A_496 = tpu.memref_slice %arg9[%and3A_299, %dma_wait3A_494, %dma_wait3A_495] : memref<2x8x128xf32, #tpu.memory_space<vmem>> -> memref<1x8x128xf32, #tpu.memory_space<vmem>>
          %dma_wait3A_497 = tpu.memref_squeeze %dma_wait3A_496 : memref<1x8x128xf32, #tpu.memory_space<vmem>> -> memref<8x128xf32, #tpu.memory_space<vmem>>
          %dma_wait3A_498 = arith.constant 0 : i32
          %dma_wait3A_499 = arith.constant 384 : i32
          %dma_wait3A_500 = tpu.memref_slice %arg5[%dma_wait3A_498, %dma_wait3A_499] : memref<10000x1152xf32, #tpu.memory_space<hbm>> -> memref<8x128xf32, #tpu.memory_space<hbm>>
          %dma_wait3A_501 = arith.constant 0 : i32
          %dma_wait3A_502 = arith.constant 384 : i32
          %dma_wait3A_503 = tpu.memref_slice %arg5[%dma_wait3A_501, %dma_wait3A_502] : memref<10000x1152xf32, #tpu.memory_space<hbm>> -> memref<8x128xf32, #tpu.memory_space<hbm>>
          %dma_wait3A_504 = arith.constant 0 : i32
          %dma_wait3A_505 = arith.constant 0 : i32
          %dma_wait3A_506 = tpu.memref_slice %arg9[%and3A_299, %dma_wait3A_504, %dma_wait3A_505] : memref<2x8x128xf32, #tpu.memory_space<vmem>> -> memref<1x8x128xf32, #tpu.memory_space<vmem>>
          %dma_wait3A_507 = tpu.memref_squeeze %dma_wait3A_506 : memref<1x8x128xf32, #tpu.memory_space<vmem>> -> memref<8x128xf32, #tpu.memory_space<vmem>>
          tpu.wait_dma2 semaphore(%arg11 : memref<!tpu.dma_semaphore, #tpu.memory_space<semaphore_mem>>) src(%dma_wait3A_507 : memref<8x128xf32, #tpu.memory_space<vmem>>) dst(%dma_wait3A_503 : memref<8x128xf32, #tpu.memory_space<hbm>>)
          %dma_wait3A_508 = arith.constant 0 : i32
          %dma_wait3A_509 = arith.constant 0 : i32
          %dma_wait3A_510 = tpu.memref_slice %arg9[%and3A_299, %dma_wait3A_508, %dma_wait3A_509] : memref<2x8x128xf32, #tpu.memory_space<vmem>> -> memref<1x8x128xf32, #tpu.memory_space<vmem>>
          %dma_wait3A_511 = tpu.memref_squeeze %dma_wait3A_510 : memref<1x8x128xf32, #tpu.memory_space<vmem>> -> memref<8x128xf32, #tpu.memory_space<vmem>>
          %dma_wait3A_512 = arith.constant 0 : i32
          %dma_wait3A_513 = arith.constant 512 : i32
          %dma_wait3A_514 = tpu.memref_slice %arg5[%dma_wait3A_512, %dma_wait3A_513] : memref<10000x1152xf32, #tpu.memory_space<hbm>> -> memref<8x128xf32, #tpu.memory_space<hbm>>
          %dma_wait3A_515 = arith.constant 0 : i32
          %dma_wait3A_516 = arith.constant 512 : i32
          %dma_wait3A_517 = tpu.memref_slice %arg5[%dma_wait3A_515, %dma_wait3A_516] : memref<10000x1152xf32, #tpu.memory_space<hbm>> -> memref<8x128xf32, #tpu.memory_space<hbm>>
          %dma_wait3A_518 = arith.constant 0 : i32
          %dma_wait3A_519 = arith.constant 0 : i32
          %dma_wait3A_520 = tpu.memref_slice %arg9[%and3A_299, %dma_wait3A_518, %dma_wait3A_519] : memref<2x8x128xf32, #tpu.memory_space<vmem>> -> memref<1x8x128xf32, #tpu.memory_space<vmem>>
          %dma_wait3A_521 = tpu.memref_squeeze %dma_wait3A_520 : memref<1x8x128xf32, #tpu.memory_space<vmem>> -> memref<8x128xf32, #tpu.memory_space<vmem>>
          tpu.wait_dma2 semaphore(%arg11 : memref<!tpu.dma_semaphore, #tpu.memory_space<semaphore_mem>>) src(%dma_wait3A_521 : memref<8x128xf32, #tpu.memory_space<vmem>>) dst(%dma_wait3A_517 : memref<8x128xf32, #tpu.memory_space<hbm>>)
          %dma_wait3A_522 = arith.constant 0 : i32
          %dma_wait3A_523 = arith.constant 0 : i32
          %dma_wait3A_524 = tpu.memref_slice %arg9[%and3A_299, %dma_wait3A_522, %dma_wait3A_523] : memref<2x8x128xf32, #tpu.memory_space<vmem>> -> memref<1x8x128xf32, #tpu.memory_space<vmem>>
          %dma_wait3A_525 = tpu.memref_squeeze %dma_wait3A_524 : memref<1x8x128xf32, #tpu.memory_space<vmem>> -> memref<8x128xf32, #tpu.memory_space<vmem>>
          %dma_wait3A_526 = arith.constant 0 : i32
          %dma_wait3A_527 = arith.constant 640 : i32
          %dma_wait3A_528 = tpu.memref_slice %arg5[%dma_wait3A_526, %dma_wait3A_527] : memref<10000x1152xf32, #tpu.memory_space<hbm>> -> memref<8x128xf32, #tpu.memory_space<hbm>>
          %dma_wait3A_529 = arith.constant 0 : i32
          %dma_wait3A_530 = arith.constant 640 : i32
          %dma_wait3A_531 = tpu.memref_slice %arg5[%dma_wait3A_529, %dma_wait3A_530] : memref<10000x1152xf32, #tpu.memory_space<hbm>> -> memref<8x128xf32, #tpu.memory_space<hbm>>
          %dma_wait3A_532 = arith.constant 0 : i32
          %dma_wait3A_533 = arith.constant 0 : i32
          %dma_wait3A_534 = tpu.memref_slice %arg9[%and3A_299, %dma_wait3A_532, %dma_wait3A_533] : memref<2x8x128xf32, #tpu.memory_space<vmem>> -> memref<1x8x128xf32, #tpu.memory_space<vmem>>
          %dma_wait3A_535 = tpu.memref_squeeze %dma_wait3A_534 : memref<1x8x128xf32, #tpu.memory_space<vmem>> -> memref<8x128xf32, #tpu.memory_space<vmem>>
          tpu.wait_dma2 semaphore(%arg11 : memref<!tpu.dma_semaphore, #tpu.memory_space<semaphore_mem>>) src(%dma_wait3A_535 : memref<8x128xf32, #tpu.memory_space<vmem>>) dst(%dma_wait3A_531 : memref<8x128xf32, #tpu.memory_space<hbm>>)
          %dma_wait3A_536 = arith.constant 0 : i32
          %dma_wait3A_537 = arith.constant 0 : i32
          %dma_wait3A_538 = tpu.memref_slice %arg9[%and3A_299, %dma_wait3A_536, %dma_wait3A_537] : memref<2x8x128xf32, #tpu.memory_space<vmem>> -> memref<1x8x128xf32, #tpu.memory_space<vmem>>
          %dma_wait3A_539 = tpu.memref_squeeze %dma_wait3A_538 : memref<1x8x128xf32, #tpu.memory_space<vmem>> -> memref<8x128xf32, #tpu.memory_space<vmem>>
          %dma_wait3A_540 = arith.constant 0 : i32
          %dma_wait3A_541 = arith.constant 768 : i32
          %dma_wait3A_542 = tpu.memref_slice %arg5[%dma_wait3A_540, %dma_wait3A_541] : memref<10000x1152xf32, #tpu.memory_space<hbm>> -> memref<8x128xf32, #tpu.memory_space<hbm>>
          %dma_wait3A_543 = arith.constant 0 : i32
          %dma_wait3A_544 = arith.constant 768 : i32
          %dma_wait3A_545 = tpu.memref_slice %arg5[%dma_wait3A_543, %dma_wait3A_544] : memref<10000x1152xf32, #tpu.memory_space<hbm>> -> memref<8x128xf32, #tpu.memory_space<hbm>>
          %dma_wait3A_546 = arith.constant 0 : i32
          %dma_wait3A_547 = arith.constant 0 : i32
          %dma_wait3A_548 = tpu.memref_slice %arg9[%and3A_299, %dma_wait3A_546, %dma_wait3A_547] : memref<2x8x128xf32, #tpu.memory_space<vmem>> -> memref<1x8x128xf32, #tpu.memory_space<vmem>>
          %dma_wait3A_549 = tpu.memref_squeeze %dma_wait3A_548 : memref<1x8x128xf32, #tpu.memory_space<vmem>> -> memref<8x128xf32, #tpu.memory_space<vmem>>
          tpu.wait_dma2 semaphore(%arg11 : memref<!tpu.dma_semaphore, #tpu.memory_space<semaphore_mem>>) src(%dma_wait3A_549 : memref<8x128xf32, #tpu.memory_space<vmem>>) dst(%dma_wait3A_545 : memref<8x128xf32, #tpu.memory_space<hbm>>)
          %dma_wait3A_550 = arith.constant 0 : i32
          %dma_wait3A_551 = arith.constant 0 : i32
          %dma_wait3A_552 = tpu.memref_slice %arg9[%and3A_299, %dma_wait3A_550, %dma_wait3A_551] : memref<2x8x128xf32, #tpu.memory_space<vmem>> -> memref<1x8x128xf32, #tpu.memory_space<vmem>>
          %dma_wait3A_553 = tpu.memref_squeeze %dma_wait3A_552 : memref<1x8x128xf32, #tpu.memory_space<vmem>> -> memref<8x128xf32, #tpu.memory_space<vmem>>
          %dma_wait3A_554 = arith.constant 0 : i32
          %dma_wait3A_555 = arith.constant 896 : i32
          %dma_wait3A_556 = tpu.memref_slice %arg5[%dma_wait3A_554, %dma_wait3A_555] : memref<10000x1152xf32, #tpu.memory_space<hbm>> -> memref<8x128xf32, #tpu.memory_space<hbm>>
          %dma_wait3A_557 = arith.constant 0 : i32
          %dma_wait3A_558 = arith.constant 896 : i32
          %dma_wait3A_559 = tpu.memref_slice %arg5[%dma_wait3A_557, %dma_wait3A_558] : memref<10000x1152xf32, #tpu.memory_space<hbm>> -> memref<8x128xf32, #tpu.memory_space<hbm>>
          %dma_wait3A_560 = arith.constant 0 : i32
          %dma_wait3A_561 = arith.constant 0 : i32
          %dma_wait3A_562 = tpu.memref_slice %arg9[%and3A_299, %dma_wait3A_560, %dma_wait3A_561] : memref<2x8x128xf32, #tpu.memory_space<vmem>> -> memref<1x8x128xf32, #tpu.memory_space<vmem>>
          %dma_wait3A_563 = tpu.memref_squeeze %dma_wait3A_562 : memref<1x8x128xf32, #tpu.memory_space<vmem>> -> memref<8x128xf32, #tpu.memory_space<vmem>>
          tpu.wait_dma2 semaphore(%arg11 : memref<!tpu.dma_semaphore, #tpu.memory_space<semaphore_mem>>) src(%dma_wait3A_563 : memref<8x128xf32, #tpu.memory_space<vmem>>) dst(%dma_wait3A_559 : memref<8x128xf32, #tpu.memory_space<hbm>>)
          %dma_wait3A_564 = arith.constant 0 : i32
          %dma_wait3A_565 = arith.constant 0 : i32
          %dma_wait3A_566 = tpu.memref_slice %arg9[%and3A_299, %dma_wait3A_564, %dma_wait3A_565] : memref<2x8x128xf32, #tpu.memory_space<vmem>> -> memref<1x8x128xf32, #tpu.memory_space<vmem>>
          %dma_wait3A_567 = tpu.memref_squeeze %dma_wait3A_566 : memref<1x8x128xf32, #tpu.memory_space<vmem>> -> memref<8x128xf32, #tpu.memory_space<vmem>>
          %dma_wait3A_568 = arith.constant 0 : i32
          %dma_wait3A_569 = arith.constant 1024 : i32
          %dma_wait3A_570 = tpu.memref_slice %arg5[%dma_wait3A_568, %dma_wait3A_569] : memref<10000x1152xf32, #tpu.memory_space<hbm>> -> memref<8x128xf32, #tpu.memory_space<hbm>>
          %dma_wait3A_571 = arith.constant 0 : i32
          %dma_wait3A_572 = arith.constant 1024 : i32
          %dma_wait3A_573 = tpu.memref_slice %arg5[%dma_wait3A_571, %dma_wait3A_572] : memref<10000x1152xf32, #tpu.memory_space<hbm>> -> memref<8x128xf32, #tpu.memory_space<hbm>>
          %dma_wait3A_574 = arith.constant 0 : i32
          %dma_wait3A_575 = arith.constant 0 : i32
          %dma_wait3A_576 = tpu.memref_slice %arg9[%and3A_299, %dma_wait3A_574, %dma_wait3A_575] : memref<2x8x128xf32, #tpu.memory_space<vmem>> -> memref<1x8x128xf32, #tpu.memory_space<vmem>>
          %dma_wait3A_577 = tpu.memref_squeeze %dma_wait3A_576 : memref<1x8x128xf32, #tpu.memory_space<vmem>> -> memref<8x128xf32, #tpu.memory_space<vmem>>
          tpu.wait_dma2 semaphore(%arg11 : memref<!tpu.dma_semaphore, #tpu.memory_space<semaphore_mem>>) src(%dma_wait3A_577 : memref<8x128xf32, #tpu.memory_space<vmem>>) dst(%dma_wait3A_573 : memref<8x128xf32, #tpu.memory_space<hbm>>)
        } else {
        }
        %scan3A = arith.constant 0 : i32
        %scan3A_340 = arith.constant 0 : i32
        %scan3A_341 = arith.constant 8 : i32
        %scan3A_342 = arith.addi %scan3A_340, %scan3A_341 : i32
        %scan3A_343 = arith.constant 1 : i32
        scf.for %scan3A_452 = %scan3A_340 to %scan3A_342 step %scan3A_343  : i32 {
          %add3A_453 = arith.addi %mul3A_312, %scan3A_452 : i32
          %mul3A_454 = arith.constant 4 : i32
          %mul3A_455 = arith.muli %add3A_453, %mul3A_454 : i32
          %add3A_456 = arith.constant 0 : i32
          %add3A_457 = arith.addi %mul3A_455, %add3A_456 : i32
          %broadcast_in_dim3A = vector.broadcast %add3A_457 : i32 to vector<16xi32>
          %gather3A = tpu.vector_load_idx %arg6[%broadcast_in_dim3A] : memref<40000xf32, #tpu.memory_space<vmem>>[vector<16xi32>], vector<16xf32>,
          %add3A_458 = arith.addi %mul3A_312, %scan3A_452 : i32
          %mul3A_459 = arith.constant 4 : i32
          %mul3A_460 = arith.muli %add3A_458, %mul3A_459 : i32
          %add3A_461 = arith.constant 1 : i32
          %add3A_462 = arith.addi %mul3A_460, %add3A_461 : i32
          %broadcast_in_dim3A_463 = vector.broadcast %add3A_462 : i32 to vector<16xi32>
          %gather3A_464 = tpu.vector_load_idx %arg6[%broadcast_in_dim3A_463] : memref<40000xf32, #tpu.memory_space<vmem>>[vector<16xi32>], vector<16xf32>,
          %add3A_465 = arith.addi %mul3A_312, %scan3A_452 : i32
          %mul3A_466 = arith.constant 4 : i32
          %mul3A_467 = arith.muli %add3A_465, %mul3A_466 : i32
          %add3A_468 = arith.constant 2 : i32
          %add3A_469 = arith.addi %mul3A_467, %add3A_468 : i32
          %broadcast_in_dim3A_470 = vector.broadcast %add3A_469 : i32 to vector<16xi32>
          %gather3A_471 = tpu.vector_load_idx %arg6[%broadcast_in_dim3A_470] : memref<40000xf32, #tpu.memory_space<vmem>>[vector<16xi32>], vector<16xf32>,
          %add3A_472 = arith.addi %mul3A_312, %scan3A_452 : i32
          %mul3A_473 = arith.constant 4 : i32
          %mul3A_474 = arith.muli %add3A_472, %mul3A_473 : i32
          %add3A_475 = arith.constant 3 : i32
          %add3A_476 = arith.addi %mul3A_474, %add3A_475 : i32
          %broadcast_in_dim3A_477 = vector.broadcast %add3A_476 : i32 to vector<16xi32>
          %gather3A_478 = tpu.vector_load_idx %arg6[%broadcast_in_dim3A_477] : memref<40000xf32, #tpu.memory_space<vmem>>[vector<16xi32>], vector<16xf32>,
          %jit3A_479 = arith.constant 4 : i32
          %div3A = arith.divsi %scan3A_452, %jit3A_479 : i32
          %sign3A = arith.constant 0 : i32
          %sign3A_480 = arith.cmpi sgt, %scan3A_452, %sign3A : i32
          %sign3A_481 = arith.extui %sign3A_480 : i1 to i32
          %sign3A_482 = arith.constant 0 : i32
          %sign3A_483 = arith.cmpi slt, %scan3A_452, %sign3A_482 : i32
          %sign3A_484 = arith.extui %sign3A_483 : i1 to i32
          %sign3A_485 = arith.subi %sign3A_481, %sign3A_484 : i32
          %sign3A_486 = arith.constant 0 : i32
          %sign3A_487 = arith.cmpi sgt, %jit3A_479, %sign3A_486 : i32
          %sign3A_488 = arith.extui %sign3A_487 : i1 to i32
          %sign3A_489 = arith.constant 0 : i32
          %sign3A_490 = arith.cmpi slt, %jit3A_479, %sign3A_489 : i32
          %sign3A_491 = arith.extui %sign3A_490 : i1 to i32
          %sign3A_492 = arith.subi %sign3A_488, %sign3A_491 : i32
          %ne3A = arith.cmpi ne, %sign3A_485, %sign3A_492 : i32
          %rem3A = arith.remsi %scan3A_452, %jit3A_479 : i32
          %ne3A_493 = arith.constant 0 : i32
          %ne3A_494 = arith.cmpi ne, %rem3A, %ne3A_493 : i32
          %and3A_495 = arith.andi %ne3A, %ne3A_494 : i1
          %sub3A_496 = arith.constant 1 : i32
          %sub3A_497 = arith.subi %div3A, %sub3A_496 : i32
          %select_n3A_498 = arith.select %and3A_495, %sub3A_497, %div3A : i32
          %jit3A_499 = arith.constant 4 : i32
          %eq3A = arith.constant 0 : i32
          %eq3A_500 = arith.cmpi eq, %jit3A_499, %eq3A : i32
          %jit3A_501 = arith.constant 1 : i32
          %select_n3A_502 = arith.select %eq3A_500, %jit3A_501, %jit3A_499 : i32
          %rem3A_503 = arith.remsi %scan3A_452, %select_n3A_502 : i32
          %ne3A_504 = arith.constant 0 : i32
          %ne3A_505 = arith.cmpi ne, %rem3A_503, %ne3A_504 : i32
          %lt3A_506 = arith.constant 0 : i32
          %lt3A_507 = arith.cmpi slt, %rem3A_503, %lt3A_506 : i32
          %lt3A_508 = arith.constant 0 : i32
          %lt3A_509 = arith.cmpi slt, %select_n3A_502, %lt3A_508 : i32
          %ne3A_510 = arith.xori %lt3A_507, %lt3A_509 : i1
          %and3A_511 = arith.andi %ne3A_510, %ne3A_505 : i1
          %add3A_512 = arith.addi %rem3A_503, %select_n3A_502 : i32
          %select_n3A_513 = arith.select %and3A_511, %add3A_512, %rem3A_503 : i32
          %mul3A_514 = arith.constant 32 : i32
          %mul3A_515 = arith.muli %select_n3A_513, %mul3A_514 : i32
          %add3A_516 = arith.constant 0 : i32
          %add3A_517 = arith.addi %mul3A_515, %add3A_516 : i32
          %get3A = arith.index_cast %sub3A_309 : i32 to index
          %get3A_518 = arith.index_cast %select_n3A_498 : i32 to index
          %get3A_519 = arith.index_cast %add3A_517 : i32 to index
          %get3A_520 = tpu.vector_load %arg7[%get3A, %get3A_518, %get3A_519] {strides = array<i32>} : memref<40x2x128xi32, #tpu.memory_space<vmem>>, vector<16xi32>,
          %mul3A_521 = arith.constant 4 : i32
          %mul3A_522 = vector.broadcast %mul3A_521 : i32 to vector<16xi32>
          %mul3A_523 = arith.muli %get3A_520, %mul3A_522 : vector<16xi32>
          %broadcast_in_dim3A_524 = arith.constant 0.000000e+00 : f32
          %broadcast_in_dim3A_525 = vector.broadcast %broadcast_in_dim3A_524 : f32 to vector<16xf32>
          %add3A_526 = arith.constant 0 : i32
          %add3A_527 = vector.broadcast %add3A_526 : i32 to vector<16xi32>
          %add3A_528 = arith.addi %mul3A_523, %add3A_527 : vector<16xi32>
          %gather3A_529 = tpu.vector_load_idx %arg6[%add3A_528] : memref<40000xf32, #tpu.memory_space<vmem>>[vector<16xi32>], vector<16xf32>,
          %sub3A_530 = arith.subf %gather3A_529, %gather3A : vector<16xf32>
          %mul3A_531 = arith.mulf %sub3A_530, %sub3A_530 : vector<16xf32>
          %add3A_532 = arith.addf %broadcast_in_dim3A_525, %mul3A_531 : vector<16xf32>
          %add3A_533 = arith.constant 1 : i32
          %add3A_534 = vector.broadcast %add3A_533 : i32 to vector<16xi32>
          %add3A_535 = arith.addi %mul3A_523, %add3A_534 : vector<16xi32>
          %gather3A_536 = tpu.vector_load_idx %arg6[%add3A_535] : memref<40000xf32, #tpu.memory_space<vmem>>[vector<16xi32>], vector<16xf32>,
          %sub3A_537 = arith.subf %gather3A_536, %gather3A_464 : vector<16xf32>
          %mul3A_538 = arith.mulf %sub3A_537, %sub3A_537 : vector<16xf32>
          %add3A_539 = arith.addf %add3A_532, %mul3A_538 : vector<16xf32>
          %add3A_540 = arith.constant 2 : i32
          %add3A_541 = vector.broadcast %add3A_540 : i32 to vector<16xi32>
          %add3A_542 = arith.addi %mul3A_523, %add3A_541 : vector<16xi32>
          %gather3A_543 = tpu.vector_load_idx %arg6[%add3A_542] : memref<40000xf32, #tpu.memory_space<vmem>>[vector<16xi32>], vector<16xf32>,
          %sub3A_544 = arith.subf %gather3A_543, %gather3A_471 : vector<16xf32>
          %mul3A_545 = arith.mulf %sub3A_544, %sub3A_544 : vector<16xf32>
          %add3A_546 = arith.addf %add3A_539, %mul3A_545 : vector<16xf32>
          %add3A_547 = arith.constant 3 : i32
          %add3A_548 = vector.broadcast %add3A_547 : i32 to vector<16xi32>
          %add3A_549 = arith.addi %mul3A_523, %add3A_548 : vector<16xi32>
          %gather3A_550 = tpu.vector_load_idx %arg6[%add3A_549] : memref<40000xf32, #tpu.memory_space<vmem>>[vector<16xi32>], vector<16xf32>,
          %sub3A_551 = arith.subf %gather3A_550, %gather3A_478 : vector<16xf32>
          %mul3A_552 = arith.mulf %sub3A_551, %sub3A_551 : vector<16xf32>
          %add3A_553 = arith.addf %add3A_546, %mul3A_552 : vector<16xf32>
          %mul3A_554 = arith.constant -1.000000e+01 : f32
          %mul3A_555 = vector.broadcast %mul3A_554 : f32 to vector<16xf32>
          %mul3A_556 = arith.mulf %add3A_553, %mul3A_555 : vector<16xf32>
          %exp3A = math.exp %mul3A_556 : vector<16xf32>
          %mul3A_557 = arith.constant 3.125000e-02 : f32
          %mul3A_558 = vector.broadcast %mul3A_557 : f32 to vector<16xf32>
          %mul3A_559 = arith.mulf %exp3A, %mul3A_558 : vector<16xf32>
          %jit3A_560 = arith.constant 4 : i32
          %eq3A_561 = arith.constant 0 : i32
          %eq3A_562 = arith.cmpi eq, %jit3A_560, %eq3A_561 : i32
          %jit3A_563 = arith.constant 1 : i32
          %select_n3A_564 = arith.select %eq3A_562, %jit3A_563, %jit3A_560 : i32
          %rem3A_565 = arith.remsi %scan3A_452, %select_n3A_564 : i32
          %ne3A_566 = arith.constant 0 : i32
          %ne3A_567 = arith.cmpi ne, %rem3A_565, %ne3A_566 : i32
          %lt3A_568 = arith.constant 0 : i32
          %lt3A_569 = arith.cmpi slt, %rem3A_565, %lt3A_568 : i32
          %lt3A_570 = arith.constant 0 : i32
          %lt3A_571 = arith.cmpi slt, %select_n3A_564, %lt3A_570 : i32
          %ne3A_572 = arith.xori %lt3A_569, %lt3A_571 : i1
          %and3A_573 = arith.andi %ne3A_572, %ne3A_567 : i1
          %add3A_574 = arith.addi %rem3A_565, %select_n3A_564 : i32
          %select_n3A_575 = arith.select %and3A_573, %add3A_574, %rem3A_565 : i32
          %mul3A_576 = arith.constant 32 : i32
          %mul3A_577 = arith.muli %select_n3A_575, %mul3A_576 : i32
          %add3A_578 = arith.constant 16 : i32
          %add3A_579 = arith.addi %mul3A_577, %add3A_578 : i32
          %get3A_580 = arith.index_cast %sub3A_309 : i32 to index
          %get3A_581 = arith.index_cast %select_n3A_498 : i32 to index
          %get3A_582 = arith.index_cast %add3A_579 : i32 to index
          %get3A_583 = tpu.vector_load %arg7[%get3A_580, %get3A_581, %get3A_582] {strides = array<i32>} : memref<40x2x128xi32, #tpu.memory_space<vmem>>, vector<16xi32>,
          %mul3A_584 = arith.constant 4 : i32
          %mul3A_585 = vector.broadcast %mul3A_584 : i32 to vector<16xi32>
          %mul3A_586 = arith.muli %get3A_583, %mul3A_585 : vector<16xi32>
          %broadcast_in_dim3A_587 = arith.constant 0.000000e+00 : f32
          %broadcast_in_dim3A_588 = vector.broadcast %broadcast_in_dim3A_587 : f32 to vector<16xf32>
          %add3A_589 = arith.constant 0 : i32
          %add3A_590 = vector.broadcast %add3A_589 : i32 to vector<16xi32>
          %add3A_591 = arith.addi %mul3A_586, %add3A_590 : vector<16xi32>
          %gather3A_592 = tpu.vector_load_idx %arg6[%add3A_591] : memref<40000xf32, #tpu.memory_space<vmem>>[vector<16xi32>], vector<16xf32>,
          %sub3A_593 = arith.subf %gather3A_592, %gather3A : vector<16xf32>
          %mul3A_594 = arith.mulf %sub3A_593, %sub3A_593 : vector<16xf32>
          %add3A_595 = arith.addf %broadcast_in_dim3A_588, %mul3A_594 : vector<16xf32>
          %add3A_596 = arith.constant 1 : i32
          %add3A_597 = vector.broadcast %add3A_596 : i32 to vector<16xi32>
          %add3A_598 = arith.addi %mul3A_586, %add3A_597 : vector<16xi32>
          %gather3A_599 = tpu.vector_load_idx %arg6[%add3A_598] : memref<40000xf32, #tpu.memory_space<vmem>>[vector<16xi32>], vector<16xf32>,
          %sub3A_600 = arith.subf %gather3A_599, %gather3A_464 : vector<16xf32>
          %mul3A_601 = arith.mulf %sub3A_600, %sub3A_600 : vector<16xf32>
          %add3A_602 = arith.addf %add3A_595, %mul3A_601 : vector<16xf32>
          %add3A_603 = arith.constant 2 : i32
          %add3A_604 = vector.broadcast %add3A_603 : i32 to vector<16xi32>
          %add3A_605 = arith.addi %mul3A_586, %add3A_604 : vector<16xi32>
          %gather3A_606 = tpu.vector_load_idx %arg6[%add3A_605] : memref<40000xf32, #tpu.memory_space<vmem>>[vector<16xi32>], vector<16xf32>,
          %sub3A_607 = arith.subf %gather3A_606, %gather3A_471 : vector<16xf32>
          %mul3A_608 = arith.mulf %sub3A_607, %sub3A_607 : vector<16xf32>
          %add3A_609 = arith.addf %add3A_602, %mul3A_608 : vector<16xf32>
          %add3A_610 = arith.constant 3 : i32
          %add3A_611 = vector.broadcast %add3A_610 : i32 to vector<16xi32>
          %add3A_612 = arith.addi %mul3A_586, %add3A_611 : vector<16xi32>
          %gather3A_613 = tpu.vector_load_idx %arg6[%add3A_612] : memref<40000xf32, #tpu.memory_space<vmem>>[vector<16xi32>], vector<16xf32>,
          %sub3A_614 = arith.subf %gather3A_613, %gather3A_478 : vector<16xf32>
          %mul3A_615 = arith.mulf %sub3A_614, %sub3A_614 : vector<16xf32>
          %add3A_616 = arith.addf %add3A_609, %mul3A_615 : vector<16xf32>
          %mul3A_617 = arith.constant -1.000000e+01 : f32
          %mul3A_618 = vector.broadcast %mul3A_617 : f32 to vector<16xf32>
          %mul3A_619 = arith.mulf %add3A_616, %mul3A_618 : vector<16xf32>
          %exp3A_620 = math.exp %mul3A_619 : vector<16xf32>
          %mul3A_621 = arith.constant 3.125000e-02 : f32
          %mul3A_622 = vector.broadcast %mul3A_621 : f32 to vector<16xf32>
          %mul3A_623 = arith.mulf %exp3A_620, %mul3A_622 : vector<16xf32>
          %broadcast_in_dim3A_624 = arith.constant 0.000000e+00 : f32
          %broadcast_in_dim3A_625 = vector.broadcast %broadcast_in_dim3A_624 : f32 to vector<16xf32>
          %broadcast_in_dim3A_626 = arith.constant 0.000000e+00 : f32
          %broadcast_in_dim3A_627 = vector.broadcast %broadcast_in_dim3A_626 : f32 to vector<16xf32>
          %broadcast_in_dim3A_628 = arith.constant 0.000000e+00 : f32
          %broadcast_in_dim3A_629 = vector.broadcast %broadcast_in_dim3A_628 : f32 to vector<16xf32>
          %broadcast_in_dim3A_630 = arith.constant 0.000000e+00 : f32
          %broadcast_in_dim3A_631 = vector.broadcast %broadcast_in_dim3A_630 : f32 to vector<16xf32>
          %broadcast_in_dim3A_632 = arith.constant 0.000000e+00 : f32
          %broadcast_in_dim3A_633 = vector.broadcast %broadcast_in_dim3A_632 : f32 to vector<16xf32>
          %broadcast_in_dim3A_634 = arith.constant 0.000000e+00 : f32
          %broadcast_in_dim3A_635 = vector.broadcast %broadcast_in_dim3A_634 : f32 to vector<16xf32>
          %broadcast_in_dim3A_636 = arith.constant 0.000000e+00 : f32
          %broadcast_in_dim3A_637 = vector.broadcast %broadcast_in_dim3A_636 : f32 to vector<16xf32>
          %broadcast_in_dim3A_638 = arith.constant 0.000000e+00 : f32
          %broadcast_in_dim3A_639 = vector.broadcast %broadcast_in_dim3A_638 : f32 to vector<16xf32>
          %broadcast_in_dim3A_640 = arith.constant 0 : i32
          %broadcast_in_dim3A_641 = vector.broadcast %broadcast_in_dim3A_640 : i32 to vector<16xi32>
          %reshape3A = vector.shape_cast %broadcast_in_dim3A_641 : vector<16xi32> to vector<16x1xi32>
          %gather3A_642 = vector.shape_cast %reshape3A : vector<16x1xi32> to vector<16xi32>
          %gather3A_643 = tpu.dynamic_gather %mul3A_559[%gather3A_642] in [0] : vector<16xf32>, vector<16xi32> -> vector<16xf32>
          %mul3A_644 = arith.constant 32 : i32
          %mul3A_645 = arith.muli %scan3A_452, %mul3A_644 : i32
          %add3A_646 = arith.constant 0 : i32
          %add3A_647 = arith.addi %mul3A_645, %add3A_646 : i32
          %get3A_648 = arith.index_cast %and3A_299 : i32 to index
          %get3A_649 = arith.index_cast %add3A_647 : i32 to index
          %get3A_650 = arith.constant 0 : index
          %get3A_651 = tpu.vector_load %arg8[%get3A_648, %get3A_649, %get3A_650] {strides = array<i32>} : memref<2x256x128xf32, #tpu.memory_space<vmem>>, vector<16xf32>,
          %mul3A_652 = arith.mulf %gather3A_643, %get3A_651 : vector<16xf32>
          %add3A_653 = arith.addf %broadcast_in_dim3A_625, %mul3A_652 : vector<16xf32>
          %get3A_654 = arith.index_cast %and3A_299 : i32 to index
          %get3A_655 = arith.index_cast %add3A_647 : i32 to index
          %get3A_656 = arith.constant 16 : index
          %get3A_657 = tpu.vector_load %arg8[%get3A_654, %get3A_655, %get3A_656] {strides = array<i32>} : memref<2x256x128xf32, #tpu.memory_space<vmem>>, vector<16xf32>,
          %mul3A_658 = arith.mulf %gather3A_643, %get3A_657 : vector<16xf32>
          %add3A_659 = arith.addf %broadcast_in_dim3A_627, %mul3A_658 : vector<16xf32>
          %get3A_660 = arith.index_cast %and3A_299 : i32 to index
          %get3A_661 = arith.index_cast %add3A_647 : i32 to index
          %get3A_662 = arith.constant 32 : index
          %get3A_663 = tpu.vector_load %arg8[%get3A_660, %get3A_661, %get3A_662] {strides = array<i32>} : memref<2x256x128xf32, #tpu.memory_space<vmem>>, vector<16xf32>,
          %mul3A_664 = arith.mulf %gather3A_643, %get3A_663 : vector<16xf32>
          %add3A_665 = arith.addf %broadcast_in_dim3A_629, %mul3A_664 : vector<16xf32>
          %get3A_666 = arith.index_cast %and3A_299 : i32 to index
          %get3A_667 = arith.index_cast %add3A_647 : i32 to index
          %get3A_668 = arith.constant 48 : index
          %get3A_669 = tpu.vector_load %arg8[%get3A_666, %get3A_667, %get3A_668] {strides = array<i32>} : memref<2x256x128xf32, #tpu.memory_space<vmem>>, vector<16xf32>,
          %mul3A_670 = arith.mulf %gather3A_643, %get3A_669 : vector<16xf32>
          %add3A_671 = arith.addf %broadcast_in_dim3A_631, %mul3A_670 : vector<16xf32>
          %get3A_672 = arith.index_cast %and3A_299 : i32 to index
          %get3A_673 = arith.index_cast %add3A_647 : i32 to index
          %get3A_674 = arith.constant 64 : index
          %get3A_675 = tpu.vector_load %arg8[%get3A_672, %get3A_673, %get3A_674] {strides = array<i32>} : memref<2x256x128xf32, #tpu.memory_space<vmem>>, vector<16xf32>,
          %mul3A_676 = arith.mulf %gather3A_643, %get3A_675 : vector<16xf32>
          %add3A_677 = arith.addf %broadcast_in_dim3A_633, %mul3A_676 : vector<16xf32>
          %get3A_678 = arith.index_cast %and3A_299 : i32 to index
          %get3A_679 = arith.index_cast %add3A_647 : i32 to index
          %get3A_680 = arith.constant 80 : index
          %get3A_681 = tpu.vector_load %arg8[%get3A_678, %get3A_679, %get3A_680] {strides = array<i32>} : memref<2x256x128xf32, #tpu.memory_space<vmem>>, vector<16xf32>,
          %mul3A_682 = arith.mulf %gather3A_643, %get3A_681 : vector<16xf32>
          %add3A_683 = arith.addf %broadcast_in_dim3A_635, %mul3A_682 : vector<16xf32>
          %get3A_684 = arith.index_cast %and3A_299 : i32 to index
          %get3A_685 = arith.index_cast %add3A_647 : i32 to index
          %get3A_686 = arith.constant 96 : index
          %get3A_687 = tpu.vector_load %arg8[%get3A_684, %get3A_685, %get3A_686] {strides = array<i32>} : memref<2x256x128xf32, #tpu.memory_space<vmem>>, vector<16xf32>,
          %mul3A_688 = arith.mulf %gather3A_643, %get3A_687 : vector<16xf32>
          %add3A_689 = arith.addf %broadcast_in_dim3A_637, %mul3A_688 : vector<16xf32>
          %get3A_690 = arith.index_cast %and3A_299 : i32 to index
          %get3A_691 = arith.index_cast %add3A_647 : i32 to index
          %get3A_692 = arith.constant 112 : index
          %get3A_693 = tpu.vector_load %arg8[%get3A_690, %get3A_691, %get3A_692] {strides = array<i32>} : memref<2x256x128xf32, #tpu.memory_space<vmem>>, vector<16xf32>,
          %mul3A_694 = arith.mulf %gather3A_643, %get3A_693 : vector<16xf32>
          %add3A_695 = arith.addf %broadcast_in_dim3A_639, %mul3A_694 : vector<16xf32>
          %broadcast_in_dim3A_696 = arith.constant 1 : i32
          %broadcast_in_dim3A_697 = vector.broadcast %broadcast_in_dim3A_696 : i32 to vector<16xi32>
          %reshape3A_698 = vector.shape_cast %broadcast_in_dim3A_697 : vector<16xi32> to vector<16x1xi32>
          %gather3A_699 = vector.shape_cast %reshape3A_698 : vector<16x1xi32> to vector<16xi32>
          %gather3A_700 = tpu.dynamic_gather %mul3A_559[%gather3A_699] in [0] : vector<16xf32>, vector<16xi32> -> vector<16xf32>
          %mul3A_701 = arith.constant 32 : i32
          %mul3A_702 = arith.muli %scan3A_452, %mul3A_701 : i32
          %add3A_703 = arith.constant 1 : i32
          %add3A_704 = arith.addi %mul3A_702, %add3A_703 : i32
          %get3A_705 = arith.index_cast %and3A_299 : i32 to index
          %get3A_706 = arith.index_cast %add3A_704 : i32 to index
          %get3A_707 = arith.constant 0 : index
          %get3A_708 = tpu.vector_load %arg8[%get3A_705, %get3A_706, %get3A_707] {strides = array<i32>} : memref<2x256x128xf32, #tpu.memory_space<vmem>>, vector<16xf32>,
          %mul3A_709 = arith.mulf %gather3A_700, %get3A_708 : vector<16xf32>
          %add3A_710 = arith.addf %add3A_653, %mul3A_709 : vector<16xf32>
          %get3A_711 = arith.index_cast %and3A_299 : i32 to index
          %get3A_712 = arith.index_cast %add3A_704 : i32 to index
          %get3A_713 = arith.constant 16 : index
          %get3A_714 = tpu.vector_load %arg8[%get3A_711, %get3A_712, %get3A_713] {strides = array<i32>} : memref<2x256x128xf32, #tpu.memory_space<vmem>>, vector<16xf32>,
          %mul3A_715 = arith.mulf %gather3A_700, %get3A_714 : vector<16xf32>
          %add3A_716 = arith.addf %add3A_659, %mul3A_715 : vector<16xf32>
          %get3A_717 = arith.index_cast %and3A_299 : i32 to index
          %get3A_718 = arith.index_cast %add3A_704 : i32 to index
          %get3A_719 = arith.constant 32 : index
          %get3A_720 = tpu.vector_load %arg8[%get3A_717, %get3A_718, %get3A_719] {strides = array<i32>} : memref<2x256x128xf32, #tpu.memory_space<vmem>>, vector<16xf32>,
          %mul3A_721 = arith.mulf %gather3A_700, %get3A_720 : vector<16xf32>
          %add3A_722 = arith.addf %add3A_665, %mul3A_721 : vector<16xf32>
          %get3A_723 = arith.index_cast %and3A_299 : i32 to index
          %get3A_724 = arith.index_cast %add3A_704 : i32 to index
          %get3A_725 = arith.constant 48 : index
          %get3A_726 = tpu.vector_load %arg8[%get3A_723, %get3A_724, %get3A_725] {strides = array<i32>} : memref<2x256x128xf32, #tpu.memory_space<vmem>>, vector<16xf32>,
          %mul3A_727 = arith.mulf %gather3A_700, %get3A_726 : vector<16xf32>
          %add3A_728 = arith.addf %add3A_671, %mul3A_727 : vector<16xf32>
          %get3A_729 = arith.index_cast %and3A_299 : i32 to index
          %get3A_730 = arith.index_cast %add3A_704 : i32 to index
          %get3A_731 = arith.constant 64 : index
          %get3A_732 = tpu.vector_load %arg8[%get3A_729, %get3A_730, %get3A_731] {strides = array<i32>} : memref<2x256x128xf32, #tpu.memory_space<vmem>>, vector<16xf32>,
          %mul3A_733 = arith.mulf %gather3A_700, %get3A_732 : vector<16xf32>
          %add3A_734 = arith.addf %add3A_677, %mul3A_733 : vector<16xf32>
          %get3A_735 = arith.index_cast %and3A_299 : i32 to index
          %get3A_736 = arith.index_cast %add3A_704 : i32 to index
          %get3A_737 = arith.constant 80 : index
          %get3A_738 = tpu.vector_load %arg8[%get3A_735, %get3A_736, %get3A_737] {strides = array<i32>} : memref<2x256x128xf32, #tpu.memory_space<vmem>>, vector<16xf32>,
          %mul3A_739 = arith.mulf %gather3A_700, %get3A_738 : vector<16xf32>
          %add3A_740 = arith.addf %add3A_683, %mul3A_739 : vector<16xf32>
          %get3A_741 = arith.index_cast %and3A_299 : i32 to index
          %get3A_742 = arith.index_cast %add3A_704 : i32 to index
          %get3A_743 = arith.constant 96 : index
          %get3A_744 = tpu.vector_load %arg8[%get3A_741, %get3A_742, %get3A_743] {strides = array<i32>} : memref<2x256x128xf32, #tpu.memory_space<vmem>>, vector<16xf32>,
          %mul3A_745 = arith.mulf %gather3A_700, %get3A_744 : vector<16xf32>
          %add3A_746 = arith.addf %add3A_689, %mul3A_745 : vector<16xf32>
          %get3A_747 = arith.index_cast %and3A_299 : i32 to index
          %get3A_748 = arith.index_cast %add3A_704 : i32 to index
          %get3A_749 = arith.constant 112 : index
          %get3A_750 = tpu.vector_load %arg8[%get3A_747, %get3A_748, %get3A_749] {strides = array<i32>} : memref<2x256x128xf32, #tpu.memory_space<vmem>>, vector<16xf32>,
          %mul3A_751 = arith.mulf %gather3A_700, %get3A_750 : vector<16xf32>
          %add3A_752 = arith.addf %add3A_695, %mul3A_751 : vector<16xf32>
          %broadcast_in_dim3A_753 = arith.constant 2 : i32
          %broadcast_in_dim3A_754 = vector.broadcast %broadcast_in_dim3A_753 : i32 to vector<16xi32>
          %reshape3A_755 = vector.shape_cast %broadcast_in_dim3A_754 : vector<16xi32> to vector<16x1xi32>
          %gather3A_756 = vector.shape_cast %reshape3A_755 : vector<16x1xi32> to vector<16xi32>
          %gather3A_757 = tpu.dynamic_gather %mul3A_559[%gather3A_756] in [0] : vector<16xf32>, vector<16xi32> -> vector<16xf32>
          %mul3A_758 = arith.constant 32 : i32
          %mul3A_759 = arith.muli %scan3A_452, %mul3A_758 : i32
          %add3A_760 = arith.constant 2 : i32
          %add3A_761 = arith.addi %mul3A_759, %add3A_760 : i32
          %get3A_762 = arith.index_cast %and3A_299 : i32 to index
          %get3A_763 = arith.index_cast %add3A_761 : i32 to index
          %get3A_764 = arith.constant 0 : index
          %get3A_765 = tpu.vector_load %arg8[%get3A_762, %get3A_763, %get3A_764] {strides = array<i32>} : memref<2x256x128xf32, #tpu.memory_space<vmem>>, vector<16xf32>,
          %mul3A_766 = arith.mulf %gather3A_757, %get3A_765 : vector<16xf32>
          %add3A_767 = arith.addf %add3A_710, %mul3A_766 : vector<16xf32>
          %get3A_768 = arith.index_cast %and3A_299 : i32 to index
          %get3A_769 = arith.index_cast %add3A_761 : i32 to index
          %get3A_770 = arith.constant 16 : index
          %get3A_771 = tpu.vector_load %arg8[%get3A_768, %get3A_769, %get3A_770] {strides = array<i32>} : memref<2x256x128xf32, #tpu.memory_space<vmem>>, vector<16xf32>,
          %mul3A_772 = arith.mulf %gather3A_757, %get3A_771 : vector<16xf32>
          %add3A_773 = arith.addf %add3A_716, %mul3A_772 : vector<16xf32>
          %get3A_774 = arith.index_cast %and3A_299 : i32 to index
          %get3A_775 = arith.index_cast %add3A_761 : i32 to index
          %get3A_776 = arith.constant 32 : index
          %get3A_777 = tpu.vector_load %arg8[%get3A_774, %get3A_775, %get3A_776] {strides = array<i32>} : memref<2x256x128xf32, #tpu.memory_space<vmem>>, vector<16xf32>,
          %mul3A_778 = arith.mulf %gather3A_757, %get3A_777 : vector<16xf32>
          %add3A_779 = arith.addf %add3A_722, %mul3A_778 : vector<16xf32>
          %get3A_780 = arith.index_cast %and3A_299 : i32 to index
          %get3A_781 = arith.index_cast %add3A_761 : i32 to index
          %get3A_782 = arith.constant 48 : index
          %get3A_783 = tpu.vector_load %arg8[%get3A_780, %get3A_781, %get3A_782] {strides = array<i32>} : memref<2x256x128xf32, #tpu.memory_space<vmem>>, vector<16xf32>,
          %mul3A_784 = arith.mulf %gather3A_757, %get3A_783 : vector<16xf32>
          %add3A_785 = arith.addf %add3A_728, %mul3A_784 : vector<16xf32>
          %get3A_786 = arith.index_cast %and3A_299 : i32 to index
          %get3A_787 = arith.index_cast %add3A_761 : i32 to index
          %get3A_788 = arith.constant 64 : index
          %get3A_789 = tpu.vector_load %arg8[%get3A_786, %get3A_787, %get3A_788] {strides = array<i32>} : memref<2x256x128xf32, #tpu.memory_space<vmem>>, vector<16xf32>,
          %mul3A_790 = arith.mulf %gather3A_757, %get3A_789 : vector<16xf32>
          %add3A_791 = arith.addf %add3A_734, %mul3A_790 : vector<16xf32>
          %get3A_792 = arith.index_cast %and3A_299 : i32 to index
          %get3A_793 = arith.index_cast %add3A_761 : i32 to index
          %get3A_794 = arith.constant 80 : index
          %get3A_795 = tpu.vector_load %arg8[%get3A_792, %get3A_793, %get3A_794] {strides = array<i32>} : memref<2x256x128xf32, #tpu.memory_space<vmem>>, vector<16xf32>,
          %mul3A_796 = arith.mulf %gather3A_757, %get3A_795 : vector<16xf32>
          %add3A_797 = arith.addf %add3A_740, %mul3A_796 : vector<16xf32>
          %get3A_798 = arith.index_cast %and3A_299 : i32 to index
          %get3A_799 = arith.index_cast %add3A_761 : i32 to index
          %get3A_800 = arith.constant 96 : index
          %get3A_801 = tpu.vector_load %arg8[%get3A_798, %get3A_799, %get3A_800] {strides = array<i32>} : memref<2x256x128xf32, #tpu.memory_space<vmem>>, vector<16xf32>,
          %mul3A_802 = arith.mulf %gather3A_757, %get3A_801 : vector<16xf32>
          %add3A_803 = arith.addf %add3A_746, %mul3A_802 : vector<16xf32>
          %get3A_804 = arith.index_cast %and3A_299 : i32 to index
          %get3A_805 = arith.index_cast %add3A_761 : i32 to index
          %get3A_806 = arith.constant 112 : index
          %get3A_807 = tpu.vector_load %arg8[%get3A_804, %get3A_805, %get3A_806] {strides = array<i32>} : memref<2x256x128xf32, #tpu.memory_space<vmem>>, vector<16xf32>,
          %mul3A_808 = arith.mulf %gather3A_757, %get3A_807 : vector<16xf32>
          %add3A_809 = arith.addf %add3A_752, %mul3A_808 : vector<16xf32>
          %broadcast_in_dim3A_810 = arith.constant 3 : i32
          %broadcast_in_dim3A_811 = vector.broadcast %broadcast_in_dim3A_810 : i32 to vector<16xi32>
          %reshape3A_812 = vector.shape_cast %broadcast_in_dim3A_811 : vector<16xi32> to vector<16x1xi32>
          %gather3A_813 = vector.shape_cast %reshape3A_812 : vector<16x1xi32> to vector<16xi32>
          %gather3A_814 = tpu.dynamic_gather %mul3A_559[%gather3A_813] in [0] : vector<16xf32>, vector<16xi32> -> vector<16xf32>
          %mul3A_815 = arith.constant 32 : i32
          %mul3A_816 = arith.muli %scan3A_452, %mul3A_815 : i32
          %add3A_817 = arith.constant 3 : i32
          %add3A_818 = arith.addi %mul3A_816, %add3A_817 : i32
          %get3A_819 = arith.index_cast %and3A_299 : i32 to index
          %get3A_820 = arith.index_cast %add3A_818 : i32 to index
          %get3A_821 = arith.constant 0 : index
          %get3A_822 = tpu.vector_load %arg8[%get3A_819, %get3A_820, %get3A_821] {strides = array<i32>} : memref<2x256x128xf32, #tpu.memory_space<vmem>>, vector<16xf32>,
          %mul3A_823 = arith.mulf %gather3A_814, %get3A_822 : vector<16xf32>
          %add3A_824 = arith.addf %add3A_767, %mul3A_823 : vector<16xf32>
          %get3A_825 = arith.index_cast %and3A_299 : i32 to index
          %get3A_826 = arith.index_cast %add3A_818 : i32 to index
          %get3A_827 = arith.constant 16 : index
          %get3A_828 = tpu.vector_load %arg8[%get3A_825, %get3A_826, %get3A_827] {strides = array<i32>} : memref<2x256x128xf32, #tpu.memory_space<vmem>>, vector<16xf32>,
          %mul3A_829 = arith.mulf %gather3A_814, %get3A_828 : vector<16xf32>
          %add3A_830 = arith.addf %add3A_773, %mul3A_829 : vector<16xf32>
          %get3A_831 = arith.index_cast %and3A_299 : i32 to index
          %get3A_832 = arith.index_cast %add3A_818 : i32 to index
          %get3A_833 = arith.constant 32 : index
          %get3A_834 = tpu.vector_load %arg8[%get3A_831, %get3A_832, %get3A_833] {strides = array<i32>} : memref<2x256x128xf32, #tpu.memory_space<vmem>>, vector<16xf32>,
          %mul3A_835 = arith.mulf %gather3A_814, %get3A_834 : vector<16xf32>
          %add3A_836 = arith.addf %add3A_779, %mul3A_835 : vector<16xf32>
          %get3A_837 = arith.index_cast %and3A_299 : i32 to index
          %get3A_838 = arith.index_cast %add3A_818 : i32 to index
          %get3A_839 = arith.constant 48 : index
          %get3A_840 = tpu.vector_load %arg8[%get3A_837, %get3A_838, %get3A_839] {strides = array<i32>} : memref<2x256x128xf32, #tpu.memory_space<vmem>>, vector<16xf32>,
          %mul3A_841 = arith.mulf %gather3A_814, %get3A_840 : vector<16xf32>
          %add3A_842 = arith.addf %add3A_785, %mul3A_841 : vector<16xf32>
          %get3A_843 = arith.index_cast %and3A_299 : i32 to index
          %get3A_844 = arith.index_cast %add3A_818 : i32 to index
          %get3A_845 = arith.constant 64 : index
          %get3A_846 = tpu.vector_load %arg8[%get3A_843, %get3A_844, %get3A_845] {strides = array<i32>} : memref<2x256x128xf32, #tpu.memory_space<vmem>>, vector<16xf32>,
          %mul3A_847 = arith.mulf %gather3A_814, %get3A_846 : vector<16xf32>
          %add3A_848 = arith.addf %add3A_791, %mul3A_847 : vector<16xf32>
          %get3A_849 = arith.index_cast %and3A_299 : i32 to index
          %get3A_850 = arith.index_cast %add3A_818 : i32 to index
          %get3A_851 = arith.constant 80 : index
          %get3A_852 = tpu.vector_load %arg8[%get3A_849, %get3A_850, %get3A_851] {strides = array<i32>} : memref<2x256x128xf32, #tpu.memory_space<vmem>>, vector<16xf32>,
          %mul3A_853 = arith.mulf %gather3A_814, %get3A_852 : vector<16xf32>
          %add3A_854 = arith.addf %add3A_797, %mul3A_853 : vector<16xf32>
          %get3A_855 = arith.index_cast %and3A_299 : i32 to index
          %get3A_856 = arith.index_cast %add3A_818 : i32 to index
          %get3A_857 = arith.constant 96 : index
          %get3A_858 = tpu.vector_load %arg8[%get3A_855, %get3A_856, %get3A_857] {strides = array<i32>} : memref<2x256x128xf32, #tpu.memory_space<vmem>>, vector<16xf32>,
          %mul3A_859 = arith.mulf %gather3A_814, %get3A_858 : vector<16xf32>
          %add3A_860 = arith.addf %add3A_803, %mul3A_859 : vector<16xf32>
          %get3A_861 = arith.index_cast %and3A_299 : i32 to index
          %get3A_862 = arith.index_cast %add3A_818 : i32 to index
          %get3A_863 = arith.constant 112 : index
          %get3A_864 = tpu.vector_load %arg8[%get3A_861, %get3A_862, %get3A_863] {strides = array<i32>} : memref<2x256x128xf32, #tpu.memory_space<vmem>>, vector<16xf32>,
          %mul3A_865 = arith.mulf %gather3A_814, %get3A_864 : vector<16xf32>
          %add3A_866 = arith.addf %add3A_809, %mul3A_865 : vector<16xf32>
          %broadcast_in_dim3A_867 = arith.constant 4 : i32
          %broadcast_in_dim3A_868 = vector.broadcast %broadcast_in_dim3A_867 : i32 to vector<16xi32>
          %reshape3A_869 = vector.shape_cast %broadcast_in_dim3A_868 : vector<16xi32> to vector<16x1xi32>
          %gather3A_870 = vector.shape_cast %reshape3A_869 : vector<16x1xi32> to vector<16xi32>
          %gather3A_871 = tpu.dynamic_gather %mul3A_559[%gather3A_870] in [0] : vector<16xf32>, vector<16xi32> -> vector<16xf32>
          %mul3A_872 = arith.constant 32 : i32
          %mul3A_873 = arith.muli %scan3A_452, %mul3A_872 : i32
          %add3A_874 = arith.constant 4 : i32
          %add3A_875 = arith.addi %mul3A_873, %add3A_874 : i32
          %get3A_876 = arith.index_cast %and3A_299 : i32 to index
          %get3A_877 = arith.index_cast %add3A_875 : i32 to index
          %get3A_878 = arith.constant 0 : index
          %get3A_879 = tpu.vector_load %arg8[%get3A_876, %get3A_877, %get3A_878] {strides = array<i32>} : memref<2x256x128xf32, #tpu.memory_space<vmem>>, vector<16xf32>,
          %mul3A_880 = arith.mulf %gather3A_871, %get3A_879 : vector<16xf32>
          %add3A_881 = arith.addf %add3A_824, %mul3A_880 : vector<16xf32>
          %get3A_882 = arith.index_cast %and3A_299 : i32 to index
          %get3A_883 = arith.index_cast %add3A_875 : i32 to index
          %get3A_884 = arith.constant 16 : index
          %get3A_885 = tpu.vector_load %arg8[%get3A_882, %get3A_883, %get3A_884] {strides = array<i32>} : memref<2x256x128xf32, #tpu.memory_space<vmem>>, vector<16xf32>,
          %mul3A_886 = arith.mulf %gather3A_871, %get3A_885 : vector<16xf32>
          %add3A_887 = arith.addf %add3A_830, %mul3A_886 : vector<16xf32>
          %get3A_888 = arith.index_cast %and3A_299 : i32 to index
          %get3A_889 = arith.index_cast %add3A_875 : i32 to index
          %get3A_890 = arith.constant 32 : index
          %get3A_891 = tpu.vector_load %arg8[%get3A_888, %get3A_889, %get3A_890] {strides = array<i32>} : memref<2x256x128xf32, #tpu.memory_space<vmem>>, vector<16xf32>,
          %mul3A_892 = arith.mulf %gather3A_871, %get3A_891 : vector<16xf32>
          %add3A_893 = arith.addf %add3A_836, %mul3A_892 : vector<16xf32>
          %get3A_894 = arith.index_cast %and3A_299 : i32 to index
          %get3A_895 = arith.index_cast %add3A_875 : i32 to index
          %get3A_896 = arith.constant 48 : index
          %get3A_897 = tpu.vector_load %arg8[%get3A_894, %get3A_895, %get3A_896] {strides = array<i32>} : memref<2x256x128xf32, #tpu.memory_space<vmem>>, vector<16xf32>,
          %mul3A_898 = arith.mulf %gather3A_871, %get3A_897 : vector<16xf32>
          %add3A_899 = arith.addf %add3A_842, %mul3A_898 : vector<16xf32>
          %get3A_900 = arith.index_cast %and3A_299 : i32 to index
          %get3A_901 = arith.index_cast %add3A_875 : i32 to index
          %get3A_902 = arith.constant 64 : index
          %get3A_903 = tpu.vector_load %arg8[%get3A_900, %get3A_901, %get3A_902] {strides = array<i32>} : memref<2x256x128xf32, #tpu.memory_space<vmem>>, vector<16xf32>,
          %mul3A_904 = arith.mulf %gather3A_871, %get3A_903 : vector<16xf32>
          %add3A_905 = arith.addf %add3A_848, %mul3A_904 : vector<16xf32>
          %get3A_906 = arith.index_cast %and3A_299 : i32 to index
          %get3A_907 = arith.index_cast %add3A_875 : i32 to index
          %get3A_908 = arith.constant 80 : index
          %get3A_909 = tpu.vector_load %arg8[%get3A_906, %get3A_907, %get3A_908] {strides = array<i32>} : memref<2x256x128xf32, #tpu.memory_space<vmem>>, vector<16xf32>,
          %mul3A_910 = arith.mulf %gather3A_871, %get3A_909 : vector<16xf32>
          %add3A_911 = arith.addf %add3A_854, %mul3A_910 : vector<16xf32>
          %get3A_912 = arith.index_cast %and3A_299 : i32 to index
          %get3A_913 = arith.index_cast %add3A_875 : i32 to index
          %get3A_914 = arith.constant 96 : index
          %get3A_915 = tpu.vector_load %arg8[%get3A_912, %get3A_913, %get3A_914] {strides = array<i32>} : memref<2x256x128xf32, #tpu.memory_space<vmem>>, vector<16xf32>,
          %mul3A_916 = arith.mulf %gather3A_871, %get3A_915 : vector<16xf32>
          %add3A_917 = arith.addf %add3A_860, %mul3A_916 : vector<16xf32>
          %get3A_918 = arith.index_cast %and3A_299 : i32 to index
          %get3A_919 = arith.index_cast %add3A_875 : i32 to index
          %get3A_920 = arith.constant 112 : index
          %get3A_921 = tpu.vector_load %arg8[%get3A_918, %get3A_919, %get3A_920] {strides = array<i32>} : memref<2x256x128xf32, #tpu.memory_space<vmem>>, vector<16xf32>,
          %mul3A_922 = arith.mulf %gather3A_871, %get3A_921 : vector<16xf32>
          %add3A_923 = arith.addf %add3A_866, %mul3A_922 : vector<16xf32>
          %broadcast_in_dim3A_924 = arith.constant 5 : i32
          %broadcast_in_dim3A_925 = vector.broadcast %broadcast_in_dim3A_924 : i32 to vector<16xi32>
          %reshape3A_926 = vector.shape_cast %broadcast_in_dim3A_925 : vector<16xi32> to vector<16x1xi32>
          %gather3A_927 = vector.shape_cast %reshape3A_926 : vector<16x1xi32> to vector<16xi32>
          %gather3A_928 = tpu.dynamic_gather %mul3A_559[%gather3A_927] in [0] : vector<16xf32>, vector<16xi32> -> vector<16xf32>
          %mul3A_929 = arith.constant 32 : i32
          %mul3A_930 = arith.muli %scan3A_452, %mul3A_929 : i32
          %add3A_931 = arith.constant 5 : i32
          %add3A_932 = arith.addi %mul3A_930, %add3A_931 : i32
          %get3A_933 = arith.index_cast %and3A_299 : i32 to index
          %get3A_934 = arith.index_cast %add3A_932 : i32 to index
          %get3A_935 = arith.constant 0 : index
          %get3A_936 = tpu.vector_load %arg8[%get3A_933, %get3A_934, %get3A_935] {strides = array<i32>} : memref<2x256x128xf32, #tpu.memory_space<vmem>>, vector<16xf32>,
          %mul3A_937 = arith.mulf %gather3A_928, %get3A_936 : vector<16xf32>
          %add3A_938 = arith.addf %add3A_881, %mul3A_937 : vector<16xf32>
          %get3A_939 = arith.index_cast %and3A_299 : i32 to index
          %get3A_940 = arith.index_cast %add3A_932 : i32 to index
          %get3A_941 = arith.constant 16 : index
          %get3A_942 = tpu.vector_load %arg8[%get3A_939, %get3A_940, %get3A_941] {strides = array<i32>} : memref<2x256x128xf32, #tpu.memory_space<vmem>>, vector<16xf32>,
          %mul3A_943 = arith.mulf %gather3A_928, %get3A_942 : vector<16xf32>
          %add3A_944 = arith.addf %add3A_887, %mul3A_943 : vector<16xf32>
          %get3A_945 = arith.index_cast %and3A_299 : i32 to index
          %get3A_946 = arith.index_cast %add3A_932 : i32 to index
          %get3A_947 = arith.constant 32 : index
          %get3A_948 = tpu.vector_load %arg8[%get3A_945, %get3A_946, %get3A_947] {strides = array<i32>} : memref<2x256x128xf32, #tpu.memory_space<vmem>>, vector<16xf32>,
          %mul3A_949 = arith.mulf %gather3A_928, %get3A_948 : vector<16xf32>
          %add3A_950 = arith.addf %add3A_893, %mul3A_949 : vector<16xf32>
          %get3A_951 = arith.index_cast %and3A_299 : i32 to index
          %get3A_952 = arith.index_cast %add3A_932 : i32 to index
          %get3A_953 = arith.constant 48 : index
          %get3A_954 = tpu.vector_load %arg8[%get3A_951, %get3A_952, %get3A_953] {strides = array<i32>} : memref<2x256x128xf32, #tpu.memory_space<vmem>>, vector<16xf32>,
          %mul3A_955 = arith.mulf %gather3A_928, %get3A_954 : vector<16xf32>
          %add3A_956 = arith.addf %add3A_899, %mul3A_955 : vector<16xf32>
          %get3A_957 = arith.index_cast %and3A_299 : i32 to index
          %get3A_958 = arith.index_cast %add3A_932 : i32 to index
          %get3A_959 = arith.constant 64 : index
          %get3A_960 = tpu.vector_load %arg8[%get3A_957, %get3A_958, %get3A_959] {strides = array<i32>} : memref<2x256x128xf32, #tpu.memory_space<vmem>>, vector<16xf32>,
          %mul3A_961 = arith.mulf %gather3A_928, %get3A_960 : vector<16xf32>
          %add3A_962 = arith.addf %add3A_905, %mul3A_961 : vector<16xf32>
          %get3A_963 = arith.index_cast %and3A_299 : i32 to index
          %get3A_964 = arith.index_cast %add3A_932 : i32 to index
          %get3A_965 = arith.constant 80 : index
          %get3A_966 = tpu.vector_load %arg8[%get3A_963, %get3A_964, %get3A_965] {strides = array<i32>} : memref<2x256x128xf32, #tpu.memory_space<vmem>>, vector<16xf32>,
          %mul3A_967 = arith.mulf %gather3A_928, %get3A_966 : vector<16xf32>
          %add3A_968 = arith.addf %add3A_911, %mul3A_967 : vector<16xf32>
          %get3A_969 = arith.index_cast %and3A_299 : i32 to index
          %get3A_970 = arith.index_cast %add3A_932 : i32 to index
          %get3A_971 = arith.constant 96 : index
          %get3A_972 = tpu.vector_load %arg8[%get3A_969, %get3A_970, %get3A_971] {strides = array<i32>} : memref<2x256x128xf32, #tpu.memory_space<vmem>>, vector<16xf32>,
          %mul3A_973 = arith.mulf %gather3A_928, %get3A_972 : vector<16xf32>
          %add3A_974 = arith.addf %add3A_917, %mul3A_973 : vector<16xf32>
          %get3A_975 = arith.index_cast %and3A_299 : i32 to index
          %get3A_976 = arith.index_cast %add3A_932 : i32 to index
          %get3A_977 = arith.constant 112 : index
          %get3A_978 = tpu.vector_load %arg8[%get3A_975, %get3A_976, %get3A_977] {strides = array<i32>} : memref<2x256x128xf32, #tpu.memory_space<vmem>>, vector<16xf32>,
          %mul3A_979 = arith.mulf %gather3A_928, %get3A_978 : vector<16xf32>
          %add3A_980 = arith.addf %add3A_923, %mul3A_979 : vector<16xf32>
          %broadcast_in_dim3A_981 = arith.constant 6 : i32
          %broadcast_in_dim3A_982 = vector.broadcast %broadcast_in_dim3A_981 : i32 to vector<16xi32>
          %reshape3A_983 = vector.shape_cast %broadcast_in_dim3A_982 : vector<16xi32> to vector<16x1xi32>
          %gather3A_984 = vector.shape_cast %reshape3A_983 : vector<16x1xi32> to vector<16xi32>
          %gather3A_985 = tpu.dynamic_gather %mul3A_559[%gather3A_984] in [0] : vector<16xf32>, vector<16xi32> -> vector<16xf32>
          %mul3A_986 = arith.constant 32 : i32
          %mul3A_987 = arith.muli %scan3A_452, %mul3A_986 : i32
          %add3A_988 = arith.constant 6 : i32
          %add3A_989 = arith.addi %mul3A_987, %add3A_988 : i32
          %get3A_990 = arith.index_cast %and3A_299 : i32 to index
          %get3A_991 = arith.index_cast %add3A_989 : i32 to index
          %get3A_992 = arith.constant 0 : index
          %get3A_993 = tpu.vector_load %arg8[%get3A_990, %get3A_991, %get3A_992] {strides = array<i32>} : memref<2x256x128xf32, #tpu.memory_space<vmem>>, vector<16xf32>,
          %mul3A_994 = arith.mulf %gather3A_985, %get3A_993 : vector<16xf32>
          %add3A_995 = arith.addf %add3A_938, %mul3A_994 : vector<16xf32>
          %get3A_996 = arith.index_cast %and3A_299 : i32 to index
          %get3A_997 = arith.index_cast %add3A_989 : i32 to index
          %get3A_998 = arith.constant 16 : index
          %get3A_999 = tpu.vector_load %arg8[%get3A_996, %get3A_997, %get3A_998] {strides = array<i32>} : memref<2x256x128xf32, #tpu.memory_space<vmem>>, vector<16xf32>,
          %mul3A_1000 = arith.mulf %gather3A_985, %get3A_999 : vector<16xf32>
          %add3A_1001 = arith.addf %add3A_944, %mul3A_1000 : vector<16xf32>
          %get3A_1002 = arith.index_cast %and3A_299 : i32 to index
          %get3A_1003 = arith.index_cast %add3A_989 : i32 to index
          %get3A_1004 = arith.constant 32 : index
          %get3A_1005 = tpu.vector_load %arg8[%get3A_1002, %get3A_1003, %get3A_1004] {strides = array<i32>} : memref<2x256x128xf32, #tpu.memory_space<vmem>>, vector<16xf32>,
          %mul3A_1006 = arith.mulf %gather3A_985, %get3A_1005 : vector<16xf32>
          %add3A_1007 = arith.addf %add3A_950, %mul3A_1006 : vector<16xf32>
          %get3A_1008 = arith.index_cast %and3A_299 : i32 to index
          %get3A_1009 = arith.index_cast %add3A_989 : i32 to index
          %get3A_1010 = arith.constant 48 : index
          %get3A_1011 = tpu.vector_load %arg8[%get3A_1008, %get3A_1009, %get3A_1010] {strides = array<i32>} : memref<2x256x128xf32, #tpu.memory_space<vmem>>, vector<16xf32>,
          %mul3A_1012 = arith.mulf %gather3A_985, %get3A_1011 : vector<16xf32>
          %add3A_1013 = arith.addf %add3A_956, %mul3A_1012 : vector<16xf32>
          %get3A_1014 = arith.index_cast %and3A_299 : i32 to index
          %get3A_1015 = arith.index_cast %add3A_989 : i32 to index
          %get3A_1016 = arith.constant 64 : index
          %get3A_1017 = tpu.vector_load %arg8[%get3A_1014, %get3A_1015, %get3A_1016] {strides = array<i32>} : memref<2x256x128xf32, #tpu.memory_space<vmem>>, vector<16xf32>,
          %mul3A_1018 = arith.mulf %gather3A_985, %get3A_1017 : vector<16xf32>
          %add3A_1019 = arith.addf %add3A_962, %mul3A_1018 : vector<16xf32>
          %get3A_1020 = arith.index_cast %and3A_299 : i32 to index
          %get3A_1021 = arith.index_cast %add3A_989 : i32 to index
          %get3A_1022 = arith.constant 80 : index
          %get3A_1023 = tpu.vector_load %arg8[%get3A_1020, %get3A_1021, %get3A_1022] {strides = array<i32>} : memref<2x256x128xf32, #tpu.memory_space<vmem>>, vector<16xf32>,
          %mul3A_1024 = arith.mulf %gather3A_985, %get3A_1023 : vector<16xf32>
          %add3A_1025 = arith.addf %add3A_968, %mul3A_1024 : vector<16xf32>
          %get3A_1026 = arith.index_cast %and3A_299 : i32 to index
          %get3A_1027 = arith.index_cast %add3A_989 : i32 to index
          %get3A_1028 = arith.constant 96 : index
          %get3A_1029 = tpu.vector_load %arg8[%get3A_1026, %get3A_1027, %get3A_1028] {strides = array<i32>} : memref<2x256x128xf32, #tpu.memory_space<vmem>>, vector<16xf32>,
          %mul3A_1030 = arith.mulf %gather3A_985, %get3A_1029 : vector<16xf32>
          %add3A_1031 = arith.addf %add3A_974, %mul3A_1030 : vector<16xf32>
          %get3A_1032 = arith.index_cast %and3A_299 : i32 to index
          %get3A_1033 = arith.index_cast %add3A_989 : i32 to index
          %get3A_1034 = arith.constant 112 : index
          %get3A_1035 = tpu.vector_load %arg8[%get3A_1032, %get3A_1033, %get3A_1034] {strides = array<i32>} : memref<2x256x128xf32, #tpu.memory_space<vmem>>, vector<16xf32>,
          %mul3A_1036 = arith.mulf %gather3A_985, %get3A_1035 : vector<16xf32>
          %add3A_1037 = arith.addf %add3A_980, %mul3A_1036 : vector<16xf32>
          %broadcast_in_dim3A_1038 = arith.constant 7 : i32
          %broadcast_in_dim3A_1039 = vector.broadcast %broadcast_in_dim3A_1038 : i32 to vector<16xi32>
          %reshape3A_1040 = vector.shape_cast %broadcast_in_dim3A_1039 : vector<16xi32> to vector<16x1xi32>
          %gather3A_1041 = vector.shape_cast %reshape3A_1040 : vector<16x1xi32> to vector<16xi32>
          %gather3A_1042 = tpu.dynamic_gather %mul3A_559[%gather3A_1041] in [0] : vector<16xf32>, vector<16xi32> -> vector<16xf32>
          %mul3A_1043 = arith.constant 32 : i32
          %mul3A_1044 = arith.muli %scan3A_452, %mul3A_1043 : i32
          %add3A_1045 = arith.constant 7 : i32
          %add3A_1046 = arith.addi %mul3A_1044, %add3A_1045 : i32
          %get3A_1047 = arith.index_cast %and3A_299 : i32 to index
          %get3A_1048 = arith.index_cast %add3A_1046 : i32 to index
          %get3A_1049 = arith.constant 0 : index
          %get3A_1050 = tpu.vector_load %arg8[%get3A_1047, %get3A_1048, %get3A_1049] {strides = array<i32>} : memref<2x256x128xf32, #tpu.memory_space<vmem>>, vector<16xf32>,
          %mul3A_1051 = arith.mulf %gather3A_1042, %get3A_1050 : vector<16xf32>
          %add3A_1052 = arith.addf %add3A_995, %mul3A_1051 : vector<16xf32>
          %get3A_1053 = arith.index_cast %and3A_299 : i32 to index
          %get3A_1054 = arith.index_cast %add3A_1046 : i32 to index
          %get3A_1055 = arith.constant 16 : index
          %get3A_1056 = tpu.vector_load %arg8[%get3A_1053, %get3A_1054, %get3A_1055] {strides = array<i32>} : memref<2x256x128xf32, #tpu.memory_space<vmem>>, vector<16xf32>,
          %mul3A_1057 = arith.mulf %gather3A_1042, %get3A_1056 : vector<16xf32>
          %add3A_1058 = arith.addf %add3A_1001, %mul3A_1057 : vector<16xf32>
          %get3A_1059 = arith.index_cast %and3A_299 : i32 to index
          %get3A_1060 = arith.index_cast %add3A_1046 : i32 to index
          %get3A_1061 = arith.constant 32 : index
          %get3A_1062 = tpu.vector_load %arg8[%get3A_1059, %get3A_1060, %get3A_1061] {strides = array<i32>} : memref<2x256x128xf32, #tpu.memory_space<vmem>>, vector<16xf32>,
          %mul3A_1063 = arith.mulf %gather3A_1042, %get3A_1062 : vector<16xf32>
          %add3A_1064 = arith.addf %add3A_1007, %mul3A_1063 : vector<16xf32>
          %get3A_1065 = arith.index_cast %and3A_299 : i32 to index
          %get3A_1066 = arith.index_cast %add3A_1046 : i32 to index
          %get3A_1067 = arith.constant 48 : index
          %get3A_1068 = tpu.vector_load %arg8[%get3A_1065, %get3A_1066, %get3A_1067] {strides = array<i32>} : memref<2x256x128xf32, #tpu.memory_space<vmem>>, vector<16xf32>,
          %mul3A_1069 = arith.mulf %gather3A_1042, %get3A_1068 : vector<16xf32>
          %add3A_1070 = arith.addf %add3A_1013, %mul3A_1069 : vector<16xf32>
          %get3A_1071 = arith.index_cast %and3A_299 : i32 to index
          %get3A_1072 = arith.index_cast %add3A_1046 : i32 to index
          %get3A_1073 = arith.constant 64 : index
          %get3A_1074 = tpu.vector_load %arg8[%get3A_1071, %get3A_1072, %get3A_1073] {strides = array<i32>} : memref<2x256x128xf32, #tpu.memory_space<vmem>>, vector<16xf32>,
          %mul3A_1075 = arith.mulf %gather3A_1042, %get3A_1074 : vector<16xf32>
          %add3A_1076 = arith.addf %add3A_1019, %mul3A_1075 : vector<16xf32>
          %get3A_1077 = arith.index_cast %and3A_299 : i32 to index
          %get3A_1078 = arith.index_cast %add3A_1046 : i32 to index
          %get3A_1079 = arith.constant 80 : index
          %get3A_1080 = tpu.vector_load %arg8[%get3A_1077, %get3A_1078, %get3A_1079] {strides = array<i32>} : memref<2x256x128xf32, #tpu.memory_space<vmem>>, vector<16xf32>,
          %mul3A_1081 = arith.mulf %gather3A_1042, %get3A_1080 : vector<16xf32>
          %add3A_1082 = arith.addf %add3A_1025, %mul3A_1081 : vector<16xf32>
          %get3A_1083 = arith.index_cast %and3A_299 : i32 to index
          %get3A_1084 = arith.index_cast %add3A_1046 : i32 to index
          %get3A_1085 = arith.constant 96 : index
          %get3A_1086 = tpu.vector_load %arg8[%get3A_1083, %get3A_1084, %get3A_1085] {strides = array<i32>} : memref<2x256x128xf32, #tpu.memory_space<vmem>>, vector<16xf32>,
          %mul3A_1087 = arith.mulf %gather3A_1042, %get3A_1086 : vector<16xf32>
          %add3A_1088 = arith.addf %add3A_1031, %mul3A_1087 : vector<16xf32>
          %get3A_1089 = arith.index_cast %and3A_299 : i32 to index
          %get3A_1090 = arith.index_cast %add3A_1046 : i32 to index
          %get3A_1091 = arith.constant 112 : index
          %get3A_1092 = tpu.vector_load %arg8[%get3A_1089, %get3A_1090, %get3A_1091] {strides = array<i32>} : memref<2x256x128xf32, #tpu.memory_space<vmem>>, vector<16xf32>,
          %mul3A_1093 = arith.mulf %gather3A_1042, %get3A_1092 : vector<16xf32>
          %add3A_1094 = arith.addf %add3A_1037, %mul3A_1093 : vector<16xf32>
          %broadcast_in_dim3A_1095 = arith.constant 8 : i32
          %broadcast_in_dim3A_1096 = vector.broadcast %broadcast_in_dim3A_1095 : i32 to vector<16xi32>
          %reshape3A_1097 = vector.shape_cast %broadcast_in_dim3A_1096 : vector<16xi32> to vector<16x1xi32>
          %gather3A_1098 = vector.shape_cast %reshape3A_1097 : vector<16x1xi32> to vector<16xi32>
          %gather3A_1099 = tpu.dynamic_gather %mul3A_559[%gather3A_1098] in [0] : vector<16xf32>, vector<16xi32> -> vector<16xf32>
          %mul3A_1100 = arith.constant 32 : i32
          %mul3A_1101 = arith.muli %scan3A_452, %mul3A_1100 : i32
          %add3A_1102 = arith.constant 8 : i32
          %add3A_1103 = arith.addi %mul3A_1101, %add3A_1102 : i32
          %get3A_1104 = arith.index_cast %and3A_299 : i32 to index
          %get3A_1105 = arith.index_cast %add3A_1103 : i32 to index
          %get3A_1106 = arith.constant 0 : index
          %get3A_1107 = tpu.vector_load %arg8[%get3A_1104, %get3A_1105, %get3A_1106] {strides = array<i32>} : memref<2x256x128xf32, #tpu.memory_space<vmem>>, vector<16xf32>,
          %mul3A_1108 = arith.mulf %gather3A_1099, %get3A_1107 : vector<16xf32>
          %add3A_1109 = arith.addf %add3A_1052, %mul3A_1108 : vector<16xf32>
          %get3A_1110 = arith.index_cast %and3A_299 : i32 to index
          %get3A_1111 = arith.index_cast %add3A_1103 : i32 to index
          %get3A_1112 = arith.constant 16 : index
          %get3A_1113 = tpu.vector_load %arg8[%get3A_1110, %get3A_1111, %get3A_1112] {strides = array<i32>} : memref<2x256x128xf32, #tpu.memory_space<vmem>>, vector<16xf32>,
          %mul3A_1114 = arith.mulf %gather3A_1099, %get3A_1113 : vector<16xf32>
          %add3A_1115 = arith.addf %add3A_1058, %mul3A_1114 : vector<16xf32>
          %get3A_1116 = arith.index_cast %and3A_299 : i32 to index
          %get3A_1117 = arith.index_cast %add3A_1103 : i32 to index
          %get3A_1118 = arith.constant 32 : index
          %get3A_1119 = tpu.vector_load %arg8[%get3A_1116, %get3A_1117, %get3A_1118] {strides = array<i32>} : memref<2x256x128xf32, #tpu.memory_space<vmem>>, vector<16xf32>,
          %mul3A_1120 = arith.mulf %gather3A_1099, %get3A_1119 : vector<16xf32>
          %add3A_1121 = arith.addf %add3A_1064, %mul3A_1120 : vector<16xf32>
          %get3A_1122 = arith.index_cast %and3A_299 : i32 to index
          %get3A_1123 = arith.index_cast %add3A_1103 : i32 to index
          %get3A_1124 = arith.constant 48 : index
          %get3A_1125 = tpu.vector_load %arg8[%get3A_1122, %get3A_1123, %get3A_1124] {strides = array<i32>} : memref<2x256x128xf32, #tpu.memory_space<vmem>>, vector<16xf32>,
          %mul3A_1126 = arith.mulf %gather3A_1099, %get3A_1125 : vector<16xf32>
          %add3A_1127 = arith.addf %add3A_1070, %mul3A_1126 : vector<16xf32>
          %get3A_1128 = arith.index_cast %and3A_299 : i32 to index
          %get3A_1129 = arith.index_cast %add3A_1103 : i32 to index
          %get3A_1130 = arith.constant 64 : index
          %get3A_1131 = tpu.vector_load %arg8[%get3A_1128, %get3A_1129, %get3A_1130] {strides = array<i32>} : memref<2x256x128xf32, #tpu.memory_space<vmem>>, vector<16xf32>,
          %mul3A_1132 = arith.mulf %gather3A_1099, %get3A_1131 : vector<16xf32>
          %add3A_1133 = arith.addf %add3A_1076, %mul3A_1132 : vector<16xf32>
          %get3A_1134 = arith.index_cast %and3A_299 : i32 to index
          %get3A_1135 = arith.index_cast %add3A_1103 : i32 to index
          %get3A_1136 = arith.constant 80 : index
          %get3A_1137 = tpu.vector_load %arg8[%get3A_1134, %get3A_1135, %get3A_1136] {strides = array<i32>} : memref<2x256x128xf32, #tpu.memory_space<vmem>>, vector<16xf32>,
          %mul3A_1138 = arith.mulf %gather3A_1099, %get3A_1137 : vector<16xf32>
          %add3A_1139 = arith.addf %add3A_1082, %mul3A_1138 : vector<16xf32>
          %get3A_1140 = arith.index_cast %and3A_299 : i32 to index
          %get3A_1141 = arith.index_cast %add3A_1103 : i32 to index
          %get3A_1142 = arith.constant 96 : index
          %get3A_1143 = tpu.vector_load %arg8[%get3A_1140, %get3A_1141, %get3A_1142] {strides = array<i32>} : memref<2x256x128xf32, #tpu.memory_space<vmem>>, vector<16xf32>,
          %mul3A_1144 = arith.mulf %gather3A_1099, %get3A_1143 : vector<16xf32>
          %add3A_1145 = arith.addf %add3A_1088, %mul3A_1144 : vector<16xf32>
          %get3A_1146 = arith.index_cast %and3A_299 : i32 to index
          %get3A_1147 = arith.index_cast %add3A_1103 : i32 to index
          %get3A_1148 = arith.constant 112 : index
          %get3A_1149 = tpu.vector_load %arg8[%get3A_1146, %get3A_1147, %get3A_1148] {strides = array<i32>} : memref<2x256x128xf32, #tpu.memory_space<vmem>>, vector<16xf32>,
          %mul3A_1150 = arith.mulf %gather3A_1099, %get3A_1149 : vector<16xf32>
          %add3A_1151 = arith.addf %add3A_1094, %mul3A_1150 : vector<16xf32>
          %broadcast_in_dim3A_1152 = arith.constant 9 : i32
          %broadcast_in_dim3A_1153 = vector.broadcast %broadcast_in_dim3A_1152 : i32 to vector<16xi32>
          %reshape3A_1154 = vector.shape_cast %broadcast_in_dim3A_1153 : vector<16xi32> to vector<16x1xi32>
          %gather3A_1155 = vector.shape_cast %reshape3A_1154 : vector<16x1xi32> to vector<16xi32>
          %gather3A_1156 = tpu.dynamic_gather %mul3A_559[%gather3A_1155] in [0] : vector<16xf32>, vector<16xi32> -> vector<16xf32>
          %mul3A_1157 = arith.constant 32 : i32
          %mul3A_1158 = arith.muli %scan3A_452, %mul3A_1157 : i32
          %add3A_1159 = arith.constant 9 : i32
          %add3A_1160 = arith.addi %mul3A_1158, %add3A_1159 : i32
          %get3A_1161 = arith.index_cast %and3A_299 : i32 to index
          %get3A_1162 = arith.index_cast %add3A_1160 : i32 to index
          %get3A_1163 = arith.constant 0 : index
          %get3A_1164 = tpu.vector_load %arg8[%get3A_1161, %get3A_1162, %get3A_1163] {strides = array<i32>} : memref<2x256x128xf32, #tpu.memory_space<vmem>>, vector<16xf32>,
          %mul3A_1165 = arith.mulf %gather3A_1156, %get3A_1164 : vector<16xf32>
          %add3A_1166 = arith.addf %add3A_1109, %mul3A_1165 : vector<16xf32>
          %get3A_1167 = arith.index_cast %and3A_299 : i32 to index
          %get3A_1168 = arith.index_cast %add3A_1160 : i32 to index
          %get3A_1169 = arith.constant 16 : index
          %get3A_1170 = tpu.vector_load %arg8[%get3A_1167, %get3A_1168, %get3A_1169] {strides = array<i32>} : memref<2x256x128xf32, #tpu.memory_space<vmem>>, vector<16xf32>,
          %mul3A_1171 = arith.mulf %gather3A_1156, %get3A_1170 : vector<16xf32>
          %add3A_1172 = arith.addf %add3A_1115, %mul3A_1171 : vector<16xf32>
          %get3A_1173 = arith.index_cast %and3A_299 : i32 to index
          %get3A_1174 = arith.index_cast %add3A_1160 : i32 to index
          %get3A_1175 = arith.constant 32 : index
          %get3A_1176 = tpu.vector_load %arg8[%get3A_1173, %get3A_1174, %get3A_1175] {strides = array<i32>} : memref<2x256x128xf32, #tpu.memory_space<vmem>>, vector<16xf32>,
          %mul3A_1177 = arith.mulf %gather3A_1156, %get3A_1176 : vector<16xf32>
          %add3A_1178 = arith.addf %add3A_1121, %mul3A_1177 : vector<16xf32>
          %get3A_1179 = arith.index_cast %and3A_299 : i32 to index
          %get3A_1180 = arith.index_cast %add3A_1160 : i32 to index
          %get3A_1181 = arith.constant 48 : index
          %get3A_1182 = tpu.vector_load %arg8[%get3A_1179, %get3A_1180, %get3A_1181] {strides = array<i32>} : memref<2x256x128xf32, #tpu.memory_space<vmem>>, vector<16xf32>,
          %mul3A_1183 = arith.mulf %gather3A_1156, %get3A_1182 : vector<16xf32>
          %add3A_1184 = arith.addf %add3A_1127, %mul3A_1183 : vector<16xf32>
          %get3A_1185 = arith.index_cast %and3A_299 : i32 to index
          %get3A_1186 = arith.index_cast %add3A_1160 : i32 to index
          %get3A_1187 = arith.constant 64 : index
          %get3A_1188 = tpu.vector_load %arg8[%get3A_1185, %get3A_1186, %get3A_1187] {strides = array<i32>} : memref<2x256x128xf32, #tpu.memory_space<vmem>>, vector<16xf32>,
          %mul3A_1189 = arith.mulf %gather3A_1156, %get3A_1188 : vector<16xf32>
          %add3A_1190 = arith.addf %add3A_1133, %mul3A_1189 : vector<16xf32>
          %get3A_1191 = arith.index_cast %and3A_299 : i32 to index
          %get3A_1192 = arith.index_cast %add3A_1160 : i32 to index
          %get3A_1193 = arith.constant 80 : index
          %get3A_1194 = tpu.vector_load %arg8[%get3A_1191, %get3A_1192, %get3A_1193] {strides = array<i32>} : memref<2x256x128xf32, #tpu.memory_space<vmem>>, vector<16xf32>,
          %mul3A_1195 = arith.mulf %gather3A_1156, %get3A_1194 : vector<16xf32>
          %add3A_1196 = arith.addf %add3A_1139, %mul3A_1195 : vector<16xf32>
          %get3A_1197 = arith.index_cast %and3A_299 : i32 to index
          %get3A_1198 = arith.index_cast %add3A_1160 : i32 to index
          %get3A_1199 = arith.constant 96 : index
          %get3A_1200 = tpu.vector_load %arg8[%get3A_1197, %get3A_1198, %get3A_1199] {strides = array<i32>} : memref<2x256x128xf32, #tpu.memory_space<vmem>>, vector<16xf32>,
          %mul3A_1201 = arith.mulf %gather3A_1156, %get3A_1200 : vector<16xf32>
          %add3A_1202 = arith.addf %add3A_1145, %mul3A_1201 : vector<16xf32>
          %get3A_1203 = arith.index_cast %and3A_299 : i32 to index
          %get3A_1204 = arith.index_cast %add3A_1160 : i32 to index
          %get3A_1205 = arith.constant 112 : index
          %get3A_1206 = tpu.vector_load %arg8[%get3A_1203, %get3A_1204, %get3A_1205] {strides = array<i32>} : memref<2x256x128xf32, #tpu.memory_space<vmem>>, vector<16xf32>,
          %mul3A_1207 = arith.mulf %gather3A_1156, %get3A_1206 : vector<16xf32>
          %add3A_1208 = arith.addf %add3A_1151, %mul3A_1207 : vector<16xf32>
          %broadcast_in_dim3A_1209 = arith.constant 10 : i32
          %broadcast_in_dim3A_1210 = vector.broadcast %broadcast_in_dim3A_1209 : i32 to vector<16xi32>
          %reshape3A_1211 = vector.shape_cast %broadcast_in_dim3A_1210 : vector<16xi32> to vector<16x1xi32>
          %gather3A_1212 = vector.shape_cast %reshape3A_1211 : vector<16x1xi32> to vector<16xi32>
          %gather3A_1213 = tpu.dynamic_gather %mul3A_559[%gather3A_1212] in [0] : vector<16xf32>, vector<16xi32> -> vector<16xf32>
          %mul3A_1214 = arith.constant 32 : i32
          %mul3A_1215 = arith.muli %scan3A_452, %mul3A_1214 : i32
          %add3A_1216 = arith.constant 10 : i32
          %add3A_1217 = arith.addi %mul3A_1215, %add3A_1216 : i32
          %get3A_1218 = arith.index_cast %and3A_299 : i32 to index
          %get3A_1219 = arith.index_cast %add3A_1217 : i32 to index
          %get3A_1220 = arith.constant 0 : index
          %get3A_1221 = tpu.vector_load %arg8[%get3A_1218, %get3A_1219, %get3A_1220] {strides = array<i32>} : memref<2x256x128xf32, #tpu.memory_space<vmem>>, vector<16xf32>,
          %mul3A_1222 = arith.mulf %gather3A_1213, %get3A_1221 : vector<16xf32>
          %add3A_1223 = arith.addf %add3A_1166, %mul3A_1222 : vector<16xf32>
          %get3A_1224 = arith.index_cast %and3A_299 : i32 to index
          %get3A_1225 = arith.index_cast %add3A_1217 : i32 to index
          %get3A_1226 = arith.constant 16 : index
          %get3A_1227 = tpu.vector_load %arg8[%get3A_1224, %get3A_1225, %get3A_1226] {strides = array<i32>} : memref<2x256x128xf32, #tpu.memory_space<vmem>>, vector<16xf32>,
          %mul3A_1228 = arith.mulf %gather3A_1213, %get3A_1227 : vector<16xf32>
          %add3A_1229 = arith.addf %add3A_1172, %mul3A_1228 : vector<16xf32>
          %get3A_1230 = arith.index_cast %and3A_299 : i32 to index
          %get3A_1231 = arith.index_cast %add3A_1217 : i32 to index
          %get3A_1232 = arith.constant 32 : index
          %get3A_1233 = tpu.vector_load %arg8[%get3A_1230, %get3A_1231, %get3A_1232] {strides = array<i32>} : memref<2x256x128xf32, #tpu.memory_space<vmem>>, vector<16xf32>,
          %mul3A_1234 = arith.mulf %gather3A_1213, %get3A_1233 : vector<16xf32>
          %add3A_1235 = arith.addf %add3A_1178, %mul3A_1234 : vector<16xf32>
          %get3A_1236 = arith.index_cast %and3A_299 : i32 to index
          %get3A_1237 = arith.index_cast %add3A_1217 : i32 to index
          %get3A_1238 = arith.constant 48 : index
          %get3A_1239 = tpu.vector_load %arg8[%get3A_1236, %get3A_1237, %get3A_1238] {strides = array<i32>} : memref<2x256x128xf32, #tpu.memory_space<vmem>>, vector<16xf32>,
          %mul3A_1240 = arith.mulf %gather3A_1213, %get3A_1239 : vector<16xf32>
          %add3A_1241 = arith.addf %add3A_1184, %mul3A_1240 : vector<16xf32>
          %get3A_1242 = arith.index_cast %and3A_299 : i32 to index
          %get3A_1243 = arith.index_cast %add3A_1217 : i32 to index
          %get3A_1244 = arith.constant 64 : index
          %get3A_1245 = tpu.vector_load %arg8[%get3A_1242, %get3A_1243, %get3A_1244] {strides = array<i32>} : memref<2x256x128xf32, #tpu.memory_space<vmem>>, vector<16xf32>,
          %mul3A_1246 = arith.mulf %gather3A_1213, %get3A_1245 : vector<16xf32>
          %add3A_1247 = arith.addf %add3A_1190, %mul3A_1246 : vector<16xf32>
          %get3A_1248 = arith.index_cast %and3A_299 : i32 to index
          %get3A_1249 = arith.index_cast %add3A_1217 : i32 to index
          %get3A_1250 = arith.constant 80 : index
          %get3A_1251 = tpu.vector_load %arg8[%get3A_1248, %get3A_1249, %get3A_1250] {strides = array<i32>} : memref<2x256x128xf32, #tpu.memory_space<vmem>>, vector<16xf32>,
          %mul3A_1252 = arith.mulf %gather3A_1213, %get3A_1251 : vector<16xf32>
          %add3A_1253 = arith.addf %add3A_1196, %mul3A_1252 : vector<16xf32>
          %get3A_1254 = arith.index_cast %and3A_299 : i32 to index
          %get3A_1255 = arith.index_cast %add3A_1217 : i32 to index
          %get3A_1256 = arith.constant 96 : index
          %get3A_1257 = tpu.vector_load %arg8[%get3A_1254, %get3A_1255, %get3A_1256] {strides = array<i32>} : memref<2x256x128xf32, #tpu.memory_space<vmem>>, vector<16xf32>,
          %mul3A_1258 = arith.mulf %gather3A_1213, %get3A_1257 : vector<16xf32>
          %add3A_1259 = arith.addf %add3A_1202, %mul3A_1258 : vector<16xf32>
          %get3A_1260 = arith.index_cast %and3A_299 : i32 to index
          %get3A_1261 = arith.index_cast %add3A_1217 : i32 to index
          %get3A_1262 = arith.constant 112 : index
          %get3A_1263 = tpu.vector_load %arg8[%get3A_1260, %get3A_1261, %get3A_1262] {strides = array<i32>} : memref<2x256x128xf32, #tpu.memory_space<vmem>>, vector<16xf32>,
          %mul3A_1264 = arith.mulf %gather3A_1213, %get3A_1263 : vector<16xf32>
          %add3A_1265 = arith.addf %add3A_1208, %mul3A_1264 : vector<16xf32>
          %broadcast_in_dim3A_1266 = arith.constant 11 : i32
          %broadcast_in_dim3A_1267 = vector.broadcast %broadcast_in_dim3A_1266 : i32 to vector<16xi32>
          %reshape3A_1268 = vector.shape_cast %broadcast_in_dim3A_1267 : vector<16xi32> to vector<16x1xi32>
          %gather3A_1269 = vector.shape_cast %reshape3A_1268 : vector<16x1xi32> to vector<16xi32>
          %gather3A_1270 = tpu.dynamic_gather %mul3A_559[%gather3A_1269] in [0] : vector<16xf32>, vector<16xi32> -> vector<16xf32>
          %mul3A_1271 = arith.constant 32 : i32
          %mul3A_1272 = arith.muli %scan3A_452, %mul3A_1271 : i32
          %add3A_1273 = arith.constant 11 : i32
          %add3A_1274 = arith.addi %mul3A_1272, %add3A_1273 : i32
          %get3A_1275 = arith.index_cast %and3A_299 : i32 to index
          %get3A_1276 = arith.index_cast %add3A_1274 : i32 to index
          %get3A_1277 = arith.constant 0 : index
          %get3A_1278 = tpu.vector_load %arg8[%get3A_1275, %get3A_1276, %get3A_1277] {strides = array<i32>} : memref<2x256x128xf32, #tpu.memory_space<vmem>>, vector<16xf32>,
          %mul3A_1279 = arith.mulf %gather3A_1270, %get3A_1278 : vector<16xf32>
          %add3A_1280 = arith.addf %add3A_1223, %mul3A_1279 : vector<16xf32>
          %get3A_1281 = arith.index_cast %and3A_299 : i32 to index
          %get3A_1282 = arith.index_cast %add3A_1274 : i32 to index
          %get3A_1283 = arith.constant 16 : index
          %get3A_1284 = tpu.vector_load %arg8[%get3A_1281, %get3A_1282, %get3A_1283] {strides = array<i32>} : memref<2x256x128xf32, #tpu.memory_space<vmem>>, vector<16xf32>,
          %mul3A_1285 = arith.mulf %gather3A_1270, %get3A_1284 : vector<16xf32>
          %add3A_1286 = arith.addf %add3A_1229, %mul3A_1285 : vector<16xf32>
          %get3A_1287 = arith.index_cast %and3A_299 : i32 to index
          %get3A_1288 = arith.index_cast %add3A_1274 : i32 to index
          %get3A_1289 = arith.constant 32 : index
          %get3A_1290 = tpu.vector_load %arg8[%get3A_1287, %get3A_1288, %get3A_1289] {strides = array<i32>} : memref<2x256x128xf32, #tpu.memory_space<vmem>>, vector<16xf32>,
          %mul3A_1291 = arith.mulf %gather3A_1270, %get3A_1290 : vector<16xf32>
          %add3A_1292 = arith.addf %add3A_1235, %mul3A_1291 : vector<16xf32>
          %get3A_1293 = arith.index_cast %and3A_299 : i32 to index
          %get3A_1294 = arith.index_cast %add3A_1274 : i32 to index
          %get3A_1295 = arith.constant 48 : index
          %get3A_1296 = tpu.vector_load %arg8[%get3A_1293, %get3A_1294, %get3A_1295] {strides = array<i32>} : memref<2x256x128xf32, #tpu.memory_space<vmem>>, vector<16xf32>,
          %mul3A_1297 = arith.mulf %gather3A_1270, %get3A_1296 : vector<16xf32>
          %add3A_1298 = arith.addf %add3A_1241, %mul3A_1297 : vector<16xf32>
          %get3A_1299 = arith.index_cast %and3A_299 : i32 to index
          %get3A_1300 = arith.index_cast %add3A_1274 : i32 to index
          %get3A_1301 = arith.constant 64 : index
          %get3A_1302 = tpu.vector_load %arg8[%get3A_1299, %get3A_1300, %get3A_1301] {strides = array<i32>} : memref<2x256x128xf32, #tpu.memory_space<vmem>>, vector<16xf32>,
          %mul3A_1303 = arith.mulf %gather3A_1270, %get3A_1302 : vector<16xf32>
          %add3A_1304 = arith.addf %add3A_1247, %mul3A_1303 : vector<16xf32>
          %get3A_1305 = arith.index_cast %and3A_299 : i32 to index
          %get3A_1306 = arith.index_cast %add3A_1274 : i32 to index
          %get3A_1307 = arith.constant 80 : index
          %get3A_1308 = tpu.vector_load %arg8[%get3A_1305, %get3A_1306, %get3A_1307] {strides = array<i32>} : memref<2x256x128xf32, #tpu.memory_space<vmem>>, vector<16xf32>,
          %mul3A_1309 = arith.mulf %gather3A_1270, %get3A_1308 : vector<16xf32>
          %add3A_1310 = arith.addf %add3A_1253, %mul3A_1309 : vector<16xf32>
          %get3A_1311 = arith.index_cast %and3A_299 : i32 to index
          %get3A_1312 = arith.index_cast %add3A_1274 : i32 to index
          %get3A_1313 = arith.constant 96 : index
          %get3A_1314 = tpu.vector_load %arg8[%get3A_1311, %get3A_1312, %get3A_1313] {strides = array<i32>} : memref<2x256x128xf32, #tpu.memory_space<vmem>>, vector<16xf32>,
          %mul3A_1315 = arith.mulf %gather3A_1270, %get3A_1314 : vector<16xf32>
          %add3A_1316 = arith.addf %add3A_1259, %mul3A_1315 : vector<16xf32>
          %get3A_1317 = arith.index_cast %and3A_299 : i32 to index
          %get3A_1318 = arith.index_cast %add3A_1274 : i32 to index
          %get3A_1319 = arith.constant 112 : index
          %get3A_1320 = tpu.vector_load %arg8[%get3A_1317, %get3A_1318, %get3A_1319] {strides = array<i32>} : memref<2x256x128xf32, #tpu.memory_space<vmem>>, vector<16xf32>,
          %mul3A_1321 = arith.mulf %gather3A_1270, %get3A_1320 : vector<16xf32>
          %add3A_1322 = arith.addf %add3A_1265, %mul3A_1321 : vector<16xf32>
          %broadcast_in_dim3A_1323 = arith.constant 12 : i32
          %broadcast_in_dim3A_1324 = vector.broadcast %broadcast_in_dim3A_1323 : i32 to vector<16xi32>
          %reshape3A_1325 = vector.shape_cast %broadcast_in_dim3A_1324 : vector<16xi32> to vector<16x1xi32>
          %gather3A_1326 = vector.shape_cast %reshape3A_1325 : vector<16x1xi32> to vector<16xi32>
          %gather3A_1327 = tpu.dynamic_gather %mul3A_559[%gather3A_1326] in [0] : vector<16xf32>, vector<16xi32> -> vector<16xf32>
          %mul3A_1328 = arith.constant 32 : i32
          %mul3A_1329 = arith.muli %scan3A_452, %mul3A_1328 : i32
          %add3A_1330 = arith.constant 12 : i32
          %add3A_1331 = arith.addi %mul3A_1329, %add3A_1330 : i32
          %get3A_1332 = arith.index_cast %and3A_299 : i32 to index
          %get3A_1333 = arith.index_cast %add3A_1331 : i32 to index
          %get3A_1334 = arith.constant 0 : index
          %get3A_1335 = tpu.vector_load %arg8[%get3A_1332, %get3A_1333, %get3A_1334] {strides = array<i32>} : memref<2x256x128xf32, #tpu.memory_space<vmem>>, vector<16xf32>,
          %mul3A_1336 = arith.mulf %gather3A_1327, %get3A_1335 : vector<16xf32>
          %add3A_1337 = arith.addf %add3A_1280, %mul3A_1336 : vector<16xf32>
          %get3A_1338 = arith.index_cast %and3A_299 : i32 to index
          %get3A_1339 = arith.index_cast %add3A_1331 : i32 to index
          %get3A_1340 = arith.constant 16 : index
          %get3A_1341 = tpu.vector_load %arg8[%get3A_1338, %get3A_1339, %get3A_1340] {strides = array<i32>} : memref<2x256x128xf32, #tpu.memory_space<vmem>>, vector<16xf32>,
          %mul3A_1342 = arith.mulf %gather3A_1327, %get3A_1341 : vector<16xf32>
          %add3A_1343 = arith.addf %add3A_1286, %mul3A_1342 : vector<16xf32>
          %get3A_1344 = arith.index_cast %and3A_299 : i32 to index
          %get3A_1345 = arith.index_cast %add3A_1331 : i32 to index
          %get3A_1346 = arith.constant 32 : index
          %get3A_1347 = tpu.vector_load %arg8[%get3A_1344, %get3A_1345, %get3A_1346] {strides = array<i32>} : memref<2x256x128xf32, #tpu.memory_space<vmem>>, vector<16xf32>,
          %mul3A_1348 = arith.mulf %gather3A_1327, %get3A_1347 : vector<16xf32>
          %add3A_1349 = arith.addf %add3A_1292, %mul3A_1348 : vector<16xf32>
          %get3A_1350 = arith.index_cast %and3A_299 : i32 to index
          %get3A_1351 = arith.index_cast %add3A_1331 : i32 to index
          %get3A_1352 = arith.constant 48 : index
          %get3A_1353 = tpu.vector_load %arg8[%get3A_1350, %get3A_1351, %get3A_1352] {strides = array<i32>} : memref<2x256x128xf32, #tpu.memory_space<vmem>>, vector<16xf32>,
          %mul3A_1354 = arith.mulf %gather3A_1327, %get3A_1353 : vector<16xf32>
          %add3A_1355 = arith.addf %add3A_1298, %mul3A_1354 : vector<16xf32>
          %get3A_1356 = arith.index_cast %and3A_299 : i32 to index
          %get3A_1357 = arith.index_cast %add3A_1331 : i32 to index
          %get3A_1358 = arith.constant 64 : index
          %get3A_1359 = tpu.vector_load %arg8[%get3A_1356, %get3A_1357, %get3A_1358] {strides = array<i32>} : memref<2x256x128xf32, #tpu.memory_space<vmem>>, vector<16xf32>,
          %mul3A_1360 = arith.mulf %gather3A_1327, %get3A_1359 : vector<16xf32>
          %add3A_1361 = arith.addf %add3A_1304, %mul3A_1360 : vector<16xf32>
          %get3A_1362 = arith.index_cast %and3A_299 : i32 to index
          %get3A_1363 = arith.index_cast %add3A_1331 : i32 to index
          %get3A_1364 = arith.constant 80 : index
          %get3A_1365 = tpu.vector_load %arg8[%get3A_1362, %get3A_1363, %get3A_1364] {strides = array<i32>} : memref<2x256x128xf32, #tpu.memory_space<vmem>>, vector<16xf32>,
          %mul3A_1366 = arith.mulf %gather3A_1327, %get3A_1365 : vector<16xf32>
          %add3A_1367 = arith.addf %add3A_1310, %mul3A_1366 : vector<16xf32>
          %get3A_1368 = arith.index_cast %and3A_299 : i32 to index
          %get3A_1369 = arith.index_cast %add3A_1331 : i32 to index
          %get3A_1370 = arith.constant 96 : index
          %get3A_1371 = tpu.vector_load %arg8[%get3A_1368, %get3A_1369, %get3A_1370] {strides = array<i32>} : memref<2x256x128xf32, #tpu.memory_space<vmem>>, vector<16xf32>,
          %mul3A_1372 = arith.mulf %gather3A_1327, %get3A_1371 : vector<16xf32>
          %add3A_1373 = arith.addf %add3A_1316, %mul3A_1372 : vector<16xf32>
          %get3A_1374 = arith.index_cast %and3A_299 : i32 to index
          %get3A_1375 = arith.index_cast %add3A_1331 : i32 to index
          %get3A_1376 = arith.constant 112 : index
          %get3A_1377 = tpu.vector_load %arg8[%get3A_1374, %get3A_1375, %get3A_1376] {strides = array<i32>} : memref<2x256x128xf32, #tpu.memory_space<vmem>>, vector<16xf32>,
          %mul3A_1378 = arith.mulf %gather3A_1327, %get3A_1377 : vector<16xf32>
          %add3A_1379 = arith.addf %add3A_1322, %mul3A_1378 : vector<16xf32>
          %broadcast_in_dim3A_1380 = arith.constant 13 : i32
          %broadcast_in_dim3A_1381 = vector.broadcast %broadcast_in_dim3A_1380 : i32 to vector<16xi32>
          %reshape3A_1382 = vector.shape_cast %broadcast_in_dim3A_1381 : vector<16xi32> to vector<16x1xi32>
          %gather3A_1383 = vector.shape_cast %reshape3A_1382 : vector<16x1xi32> to vector<16xi32>
          %gather3A_1384 = tpu.dynamic_gather %mul3A_559[%gather3A_1383] in [0] : vector<16xf32>, vector<16xi32> -> vector<16xf32>
          %mul3A_1385 = arith.constant 32 : i32
          %mul3A_1386 = arith.muli %scan3A_452, %mul3A_1385 : i32
          %add3A_1387 = arith.constant 13 : i32
          %add3A_1388 = arith.addi %mul3A_1386, %add3A_1387 : i32
          %get3A_1389 = arith.index_cast %and3A_299 : i32 to index
          %get3A_1390 = arith.index_cast %add3A_1388 : i32 to index
          %get3A_1391 = arith.constant 0 : index
          %get3A_1392 = tpu.vector_load %arg8[%get3A_1389, %get3A_1390, %get3A_1391] {strides = array<i32>} : memref<2x256x128xf32, #tpu.memory_space<vmem>>, vector<16xf32>,
          %mul3A_1393 = arith.mulf %gather3A_1384, %get3A_1392 : vector<16xf32>
          %add3A_1394 = arith.addf %add3A_1337, %mul3A_1393 : vector<16xf32>
          %get3A_1395 = arith.index_cast %and3A_299 : i32 to index
          %get3A_1396 = arith.index_cast %add3A_1388 : i32 to index
          %get3A_1397 = arith.constant 16 : index
          %get3A_1398 = tpu.vector_load %arg8[%get3A_1395, %get3A_1396, %get3A_1397] {strides = array<i32>} : memref<2x256x128xf32, #tpu.memory_space<vmem>>, vector<16xf32>,
          %mul3A_1399 = arith.mulf %gather3A_1384, %get3A_1398 : vector<16xf32>
          %add3A_1400 = arith.addf %add3A_1343, %mul3A_1399 : vector<16xf32>
          %get3A_1401 = arith.index_cast %and3A_299 : i32 to index
          %get3A_1402 = arith.index_cast %add3A_1388 : i32 to index
          %get3A_1403 = arith.constant 32 : index
          %get3A_1404 = tpu.vector_load %arg8[%get3A_1401, %get3A_1402, %get3A_1403] {strides = array<i32>} : memref<2x256x128xf32, #tpu.memory_space<vmem>>, vector<16xf32>,
          %mul3A_1405 = arith.mulf %gather3A_1384, %get3A_1404 : vector<16xf32>
          %add3A_1406 = arith.addf %add3A_1349, %mul3A_1405 : vector<16xf32>
          %get3A_1407 = arith.index_cast %and3A_299 : i32 to index
          %get3A_1408 = arith.index_cast %add3A_1388 : i32 to index
          %get3A_1409 = arith.constant 48 : index
          %get3A_1410 = tpu.vector_load %arg8[%get3A_1407, %get3A_1408, %get3A_1409] {strides = array<i32>} : memref<2x256x128xf32, #tpu.memory_space<vmem>>, vector<16xf32>,
          %mul3A_1411 = arith.mulf %gather3A_1384, %get3A_1410 : vector<16xf32>
          %add3A_1412 = arith.addf %add3A_1355, %mul3A_1411 : vector<16xf32>
          %get3A_1413 = arith.index_cast %and3A_299 : i32 to index
          %get3A_1414 = arith.index_cast %add3A_1388 : i32 to index
          %get3A_1415 = arith.constant 64 : index
          %get3A_1416 = tpu.vector_load %arg8[%get3A_1413, %get3A_1414, %get3A_1415] {strides = array<i32>} : memref<2x256x128xf32, #tpu.memory_space<vmem>>, vector<16xf32>,
          %mul3A_1417 = arith.mulf %gather3A_1384, %get3A_1416 : vector<16xf32>
          %add3A_1418 = arith.addf %add3A_1361, %mul3A_1417 : vector<16xf32>
          %get3A_1419 = arith.index_cast %and3A_299 : i32 to index
          %get3A_1420 = arith.index_cast %add3A_1388 : i32 to index
          %get3A_1421 = arith.constant 80 : index
          %get3A_1422 = tpu.vector_load %arg8[%get3A_1419, %get3A_1420, %get3A_1421] {strides = array<i32>} : memref<2x256x128xf32, #tpu.memory_space<vmem>>, vector<16xf32>,
          %mul3A_1423 = arith.mulf %gather3A_1384, %get3A_1422 : vector<16xf32>
          %add3A_1424 = arith.addf %add3A_1367, %mul3A_1423 : vector<16xf32>
          %get3A_1425 = arith.index_cast %and3A_299 : i32 to index
          %get3A_1426 = arith.index_cast %add3A_1388 : i32 to index
          %get3A_1427 = arith.constant 96 : index
          %get3A_1428 = tpu.vector_load %arg8[%get3A_1425, %get3A_1426, %get3A_1427] {strides = array<i32>} : memref<2x256x128xf32, #tpu.memory_space<vmem>>, vector<16xf32>,
          %mul3A_1429 = arith.mulf %gather3A_1384, %get3A_1428 : vector<16xf32>
          %add3A_1430 = arith.addf %add3A_1373, %mul3A_1429 : vector<16xf32>
          %get3A_1431 = arith.index_cast %and3A_299 : i32 to index
          %get3A_1432 = arith.index_cast %add3A_1388 : i32 to index
          %get3A_1433 = arith.constant 112 : index
          %get3A_1434 = tpu.vector_load %arg8[%get3A_1431, %get3A_1432, %get3A_1433] {strides = array<i32>} : memref<2x256x128xf32, #tpu.memory_space<vmem>>, vector<16xf32>,
          %mul3A_1435 = arith.mulf %gather3A_1384, %get3A_1434 : vector<16xf32>
          %add3A_1436 = arith.addf %add3A_1379, %mul3A_1435 : vector<16xf32>
          %broadcast_in_dim3A_1437 = arith.constant 14 : i32
          %broadcast_in_dim3A_1438 = vector.broadcast %broadcast_in_dim3A_1437 : i32 to vector<16xi32>
          %reshape3A_1439 = vector.shape_cast %broadcast_in_dim3A_1438 : vector<16xi32> to vector<16x1xi32>
          %gather3A_1440 = vector.shape_cast %reshape3A_1439 : vector<16x1xi32> to vector<16xi32>
          %gather3A_1441 = tpu.dynamic_gather %mul3A_559[%gather3A_1440] in [0] : vector<16xf32>, vector<16xi32> -> vector<16xf32>
          %mul3A_1442 = arith.constant 32 : i32
          %mul3A_1443 = arith.muli %scan3A_452, %mul3A_1442 : i32
          %add3A_1444 = arith.constant 14 : i32
          %add3A_1445 = arith.addi %mul3A_1443, %add3A_1444 : i32
          %get3A_1446 = arith.index_cast %and3A_299 : i32 to index
          %get3A_1447 = arith.index_cast %add3A_1445 : i32 to index
          %get3A_1448 = arith.constant 0 : index
          %get3A_1449 = tpu.vector_load %arg8[%get3A_1446, %get3A_1447, %get3A_1448] {strides = array<i32>} : memref<2x256x128xf32, #tpu.memory_space<vmem>>, vector<16xf32>,
          %mul3A_1450 = arith.mulf %gather3A_1441, %get3A_1449 : vector<16xf32>
          %add3A_1451 = arith.addf %add3A_1394, %mul3A_1450 : vector<16xf32>
          %get3A_1452 = arith.index_cast %and3A_299 : i32 to index
          %get3A_1453 = arith.index_cast %add3A_1445 : i32 to index
          %get3A_1454 = arith.constant 16 : index
          %get3A_1455 = tpu.vector_load %arg8[%get3A_1452, %get3A_1453, %get3A_1454] {strides = array<i32>} : memref<2x256x128xf32, #tpu.memory_space<vmem>>, vector<16xf32>,
          %mul3A_1456 = arith.mulf %gather3A_1441, %get3A_1455 : vector<16xf32>
          %add3A_1457 = arith.addf %add3A_1400, %mul3A_1456 : vector<16xf32>
          %get3A_1458 = arith.index_cast %and3A_299 : i32 to index
          %get3A_1459 = arith.index_cast %add3A_1445 : i32 to index
          %get3A_1460 = arith.constant 32 : index
          %get3A_1461 = tpu.vector_load %arg8[%get3A_1458, %get3A_1459, %get3A_1460] {strides = array<i32>} : memref<2x256x128xf32, #tpu.memory_space<vmem>>, vector<16xf32>,
          %mul3A_1462 = arith.mulf %gather3A_1441, %get3A_1461 : vector<16xf32>
          %add3A_1463 = arith.addf %add3A_1406, %mul3A_1462 : vector<16xf32>
          %get3A_1464 = arith.index_cast %and3A_299 : i32 to index
          %get3A_1465 = arith.index_cast %add3A_1445 : i32 to index
          %get3A_1466 = arith.constant 48 : index
          %get3A_1467 = tpu.vector_load %arg8[%get3A_1464, %get3A_1465, %get3A_1466] {strides = array<i32>} : memref<2x256x128xf32, #tpu.memory_space<vmem>>, vector<16xf32>,
          %mul3A_1468 = arith.mulf %gather3A_1441, %get3A_1467 : vector<16xf32>
          %add3A_1469 = arith.addf %add3A_1412, %mul3A_1468 : vector<16xf32>
          %get3A_1470 = arith.index_cast %and3A_299 : i32 to index
          %get3A_1471 = arith.index_cast %add3A_1445 : i32 to index
          %get3A_1472 = arith.constant 64 : index
          %get3A_1473 = tpu.vector_load %arg8[%get3A_1470, %get3A_1471, %get3A_1472] {strides = array<i32>} : memref<2x256x128xf32, #tpu.memory_space<vmem>>, vector<16xf32>,
          %mul3A_1474 = arith.mulf %gather3A_1441, %get3A_1473 : vector<16xf32>
          %add3A_1475 = arith.addf %add3A_1418, %mul3A_1474 : vector<16xf32>
          %get3A_1476 = arith.index_cast %and3A_299 : i32 to index
          %get3A_1477 = arith.index_cast %add3A_1445 : i32 to index
          %get3A_1478 = arith.constant 80 : index
          %get3A_1479 = tpu.vector_load %arg8[%get3A_1476, %get3A_1477, %get3A_1478] {strides = array<i32>} : memref<2x256x128xf32, #tpu.memory_space<vmem>>, vector<16xf32>,
          %mul3A_1480 = arith.mulf %gather3A_1441, %get3A_1479 : vector<16xf32>
          %add3A_1481 = arith.addf %add3A_1424, %mul3A_1480 : vector<16xf32>
          %get3A_1482 = arith.index_cast %and3A_299 : i32 to index
          %get3A_1483 = arith.index_cast %add3A_1445 : i32 to index
          %get3A_1484 = arith.constant 96 : index
          %get3A_1485 = tpu.vector_load %arg8[%get3A_1482, %get3A_1483, %get3A_1484] {strides = array<i32>} : memref<2x256x128xf32, #tpu.memory_space<vmem>>, vector<16xf32>,
          %mul3A_1486 = arith.mulf %gather3A_1441, %get3A_1485 : vector<16xf32>
          %add3A_1487 = arith.addf %add3A_1430, %mul3A_1486 : vector<16xf32>
          %get3A_1488 = arith.index_cast %and3A_299 : i32 to index
          %get3A_1489 = arith.index_cast %add3A_1445 : i32 to index
          %get3A_1490 = arith.constant 112 : index
          %get3A_1491 = tpu.vector_load %arg8[%get3A_1488, %get3A_1489, %get3A_1490] {strides = array<i32>} : memref<2x256x128xf32, #tpu.memory_space<vmem>>, vector<16xf32>,
          %mul3A_1492 = arith.mulf %gather3A_1441, %get3A_1491 : vector<16xf32>
          %add3A_1493 = arith.addf %add3A_1436, %mul3A_1492 : vector<16xf32>
          %broadcast_in_dim3A_1494 = arith.constant 15 : i32
          %broadcast_in_dim3A_1495 = vector.broadcast %broadcast_in_dim3A_1494 : i32 to vector<16xi32>
          %reshape3A_1496 = vector.shape_cast %broadcast_in_dim3A_1495 : vector<16xi32> to vector<16x1xi32>
          %gather3A_1497 = vector.shape_cast %reshape3A_1496 : vector<16x1xi32> to vector<16xi32>
          %gather3A_1498 = tpu.dynamic_gather %mul3A_559[%gather3A_1497] in [0] : vector<16xf32>, vector<16xi32> -> vector<16xf32>
          %mul3A_1499 = arith.constant 32 : i32
          %mul3A_1500 = arith.muli %scan3A_452, %mul3A_1499 : i32
          %add3A_1501 = arith.constant 15 : i32
          %add3A_1502 = arith.addi %mul3A_1500, %add3A_1501 : i32
          %get3A_1503 = arith.index_cast %and3A_299 : i32 to index
          %get3A_1504 = arith.index_cast %add3A_1502 : i32 to index
          %get3A_1505 = arith.constant 0 : index
          %get3A_1506 = tpu.vector_load %arg8[%get3A_1503, %get3A_1504, %get3A_1505] {strides = array<i32>} : memref<2x256x128xf32, #tpu.memory_space<vmem>>, vector<16xf32>,
          %mul3A_1507 = arith.mulf %gather3A_1498, %get3A_1506 : vector<16xf32>
          %add3A_1508 = arith.addf %add3A_1451, %mul3A_1507 : vector<16xf32>
          %get3A_1509 = arith.index_cast %and3A_299 : i32 to index
          %get3A_1510 = arith.index_cast %add3A_1502 : i32 to index
          %get3A_1511 = arith.constant 16 : index
          %get3A_1512 = tpu.vector_load %arg8[%get3A_1509, %get3A_1510, %get3A_1511] {strides = array<i32>} : memref<2x256x128xf32, #tpu.memory_space<vmem>>, vector<16xf32>,
          %mul3A_1513 = arith.mulf %gather3A_1498, %get3A_1512 : vector<16xf32>
          %add3A_1514 = arith.addf %add3A_1457, %mul3A_1513 : vector<16xf32>
          %get3A_1515 = arith.index_cast %and3A_299 : i32 to index
          %get3A_1516 = arith.index_cast %add3A_1502 : i32 to index
          %get3A_1517 = arith.constant 32 : index
          %get3A_1518 = tpu.vector_load %arg8[%get3A_1515, %get3A_1516, %get3A_1517] {strides = array<i32>} : memref<2x256x128xf32, #tpu.memory_space<vmem>>, vector<16xf32>,
          %mul3A_1519 = arith.mulf %gather3A_1498, %get3A_1518 : vector<16xf32>
          %add3A_1520 = arith.addf %add3A_1463, %mul3A_1519 : vector<16xf32>
          %get3A_1521 = arith.index_cast %and3A_299 : i32 to index
          %get3A_1522 = arith.index_cast %add3A_1502 : i32 to index
          %get3A_1523 = arith.constant 48 : index
          %get3A_1524 = tpu.vector_load %arg8[%get3A_1521, %get3A_1522, %get3A_1523] {strides = array<i32>} : memref<2x256x128xf32, #tpu.memory_space<vmem>>, vector<16xf32>,
          %mul3A_1525 = arith.mulf %gather3A_1498, %get3A_1524 : vector<16xf32>
          %add3A_1526 = arith.addf %add3A_1469, %mul3A_1525 : vector<16xf32>
          %get3A_1527 = arith.index_cast %and3A_299 : i32 to index
          %get3A_1528 = arith.index_cast %add3A_1502 : i32 to index
          %get3A_1529 = arith.constant 64 : index
          %get3A_1530 = tpu.vector_load %arg8[%get3A_1527, %get3A_1528, %get3A_1529] {strides = array<i32>} : memref<2x256x128xf32, #tpu.memory_space<vmem>>, vector<16xf32>,
          %mul3A_1531 = arith.mulf %gather3A_1498, %get3A_1530 : vector<16xf32>
          %add3A_1532 = arith.addf %add3A_1475, %mul3A_1531 : vector<16xf32>
          %get3A_1533 = arith.index_cast %and3A_299 : i32 to index
          %get3A_1534 = arith.index_cast %add3A_1502 : i32 to index
          %get3A_1535 = arith.constant 80 : index
          %get3A_1536 = tpu.vector_load %arg8[%get3A_1533, %get3A_1534, %get3A_1535] {strides = array<i32>} : memref<2x256x128xf32, #tpu.memory_space<vmem>>, vector<16xf32>,
          %mul3A_1537 = arith.mulf %gather3A_1498, %get3A_1536 : vector<16xf32>
          %add3A_1538 = arith.addf %add3A_1481, %mul3A_1537 : vector<16xf32>
          %get3A_1539 = arith.index_cast %and3A_299 : i32 to index
          %get3A_1540 = arith.index_cast %add3A_1502 : i32 to index
          %get3A_1541 = arith.constant 96 : index
          %get3A_1542 = tpu.vector_load %arg8[%get3A_1539, %get3A_1540, %get3A_1541] {strides = array<i32>} : memref<2x256x128xf32, #tpu.memory_space<vmem>>, vector<16xf32>,
          %mul3A_1543 = arith.mulf %gather3A_1498, %get3A_1542 : vector<16xf32>
          %add3A_1544 = arith.addf %add3A_1487, %mul3A_1543 : vector<16xf32>
          %get3A_1545 = arith.index_cast %and3A_299 : i32 to index
          %get3A_1546 = arith.index_cast %add3A_1502 : i32 to index
          %get3A_1547 = arith.constant 112 : index
          %get3A_1548 = tpu.vector_load %arg8[%get3A_1545, %get3A_1546, %get3A_1547] {strides = array<i32>} : memref<2x256x128xf32, #tpu.memory_space<vmem>>, vector<16xf32>,
          %mul3A_1549 = arith.mulf %gather3A_1498, %get3A_1548 : vector<16xf32>
          %add3A_1550 = arith.addf %add3A_1493, %mul3A_1549 : vector<16xf32>
          %broadcast_in_dim3A_1551 = arith.constant 0 : i32
          %broadcast_in_dim3A_1552 = vector.broadcast %broadcast_in_dim3A_1551 : i32 to vector<16xi32>
          %reshape3A_1553 = vector.shape_cast %broadcast_in_dim3A_1552 : vector<16xi32> to vector<16x1xi32>
          %gather3A_1554 = vector.shape_cast %reshape3A_1553 : vector<16x1xi32> to vector<16xi32>
          %gather3A_1555 = tpu.dynamic_gather %mul3A_623[%gather3A_1554] in [0] : vector<16xf32>, vector<16xi32> -> vector<16xf32>
          %mul3A_1556 = arith.constant 32 : i32
          %mul3A_1557 = arith.muli %scan3A_452, %mul3A_1556 : i32
          %add3A_1558 = arith.constant 16 : i32
          %add3A_1559 = arith.addi %mul3A_1557, %add3A_1558 : i32
          %get3A_1560 = arith.index_cast %and3A_299 : i32 to index
          %get3A_1561 = arith.index_cast %add3A_1559 : i32 to index
          %get3A_1562 = arith.constant 0 : index
          %get3A_1563 = tpu.vector_load %arg8[%get3A_1560, %get3A_1561, %get3A_1562] {strides = array<i32>} : memref<2x256x128xf32, #tpu.memory_space<vmem>>, vector<16xf32>,
          %mul3A_1564 = arith.mulf %gather3A_1555, %get3A_1563 : vector<16xf32>
          %add3A_1565 = arith.addf %add3A_1508, %mul3A_1564 : vector<16xf32>
          %get3A_1566 = arith.index_cast %and3A_299 : i32 to index
          %get3A_1567 = arith.index_cast %add3A_1559 : i32 to index
          %get3A_1568 = arith.constant 16 : index
          %get3A_1569 = tpu.vector_load %arg8[%get3A_1566, %get3A_1567, %get3A_1568] {strides = array<i32>} : memref<2x256x128xf32, #tpu.memory_space<vmem>>, vector<16xf32>,
          %mul3A_1570 = arith.mulf %gather3A_1555, %get3A_1569 : vector<16xf32>
          %add3A_1571 = arith.addf %add3A_1514, %mul3A_1570 : vector<16xf32>
          %get3A_1572 = arith.index_cast %and3A_299 : i32 to index
          %get3A_1573 = arith.index_cast %add3A_1559 : i32 to index
          %get3A_1574 = arith.constant 32 : index
          %get3A_1575 = tpu.vector_load %arg8[%get3A_1572, %get3A_1573, %get3A_1574] {strides = array<i32>} : memref<2x256x128xf32, #tpu.memory_space<vmem>>, vector<16xf32>,
          %mul3A_1576 = arith.mulf %gather3A_1555, %get3A_1575 : vector<16xf32>
          %add3A_1577 = arith.addf %add3A_1520, %mul3A_1576 : vector<16xf32>
          %get3A_1578 = arith.index_cast %and3A_299 : i32 to index
          %get3A_1579 = arith.index_cast %add3A_1559 : i32 to index
          %get3A_1580 = arith.constant 48 : index
          %get3A_1581 = tpu.vector_load %arg8[%get3A_1578, %get3A_1579, %get3A_1580] {strides = array<i32>} : memref<2x256x128xf32, #tpu.memory_space<vmem>>, vector<16xf32>,
          %mul3A_1582 = arith.mulf %gather3A_1555, %get3A_1581 : vector<16xf32>
          %add3A_1583 = arith.addf %add3A_1526, %mul3A_1582 : vector<16xf32>
          %get3A_1584 = arith.index_cast %and3A_299 : i32 to index
          %get3A_1585 = arith.index_cast %add3A_1559 : i32 to index
          %get3A_1586 = arith.constant 64 : index
          %get3A_1587 = tpu.vector_load %arg8[%get3A_1584, %get3A_1585, %get3A_1586] {strides = array<i32>} : memref<2x256x128xf32, #tpu.memory_space<vmem>>, vector<16xf32>,
          %mul3A_1588 = arith.mulf %gather3A_1555, %get3A_1587 : vector<16xf32>
          %add3A_1589 = arith.addf %add3A_1532, %mul3A_1588 : vector<16xf32>
          %get3A_1590 = arith.index_cast %and3A_299 : i32 to index
          %get3A_1591 = arith.index_cast %add3A_1559 : i32 to index
          %get3A_1592 = arith.constant 80 : index
          %get3A_1593 = tpu.vector_load %arg8[%get3A_1590, %get3A_1591, %get3A_1592] {strides = array<i32>} : memref<2x256x128xf32, #tpu.memory_space<vmem>>, vector<16xf32>,
          %mul3A_1594 = arith.mulf %gather3A_1555, %get3A_1593 : vector<16xf32>
          %add3A_1595 = arith.addf %add3A_1538, %mul3A_1594 : vector<16xf32>
          %get3A_1596 = arith.index_cast %and3A_299 : i32 to index
          %get3A_1597 = arith.index_cast %add3A_1559 : i32 to index
          %get3A_1598 = arith.constant 96 : index
          %get3A_1599 = tpu.vector_load %arg8[%get3A_1596, %get3A_1597, %get3A_1598] {strides = array<i32>} : memref<2x256x128xf32, #tpu.memory_space<vmem>>, vector<16xf32>,
          %mul3A_1600 = arith.mulf %gather3A_1555, %get3A_1599 : vector<16xf32>
          %add3A_1601 = arith.addf %add3A_1544, %mul3A_1600 : vector<16xf32>
          %get3A_1602 = arith.index_cast %and3A_299 : i32 to index
          %get3A_1603 = arith.index_cast %add3A_1559 : i32 to index
          %get3A_1604 = arith.constant 112 : index
          %get3A_1605 = tpu.vector_load %arg8[%get3A_1602, %get3A_1603, %get3A_1604] {strides = array<i32>} : memref<2x256x128xf32, #tpu.memory_space<vmem>>, vector<16xf32>,
          %mul3A_1606 = arith.mulf %gather3A_1555, %get3A_1605 : vector<16xf32>
          %add3A_1607 = arith.addf %add3A_1550, %mul3A_1606 : vector<16xf32>
          %broadcast_in_dim3A_1608 = arith.constant 1 : i32
          %broadcast_in_dim3A_1609 = vector.broadcast %broadcast_in_dim3A_1608 : i32 to vector<16xi32>
          %reshape3A_1610 = vector.shape_cast %broadcast_in_dim3A_1609 : vector<16xi32> to vector<16x1xi32>
          %gather3A_1611 = vector.shape_cast %reshape3A_1610 : vector<16x1xi32> to vector<16xi32>
          %gather3A_1612 = tpu.dynamic_gather %mul3A_623[%gather3A_1611] in [0] : vector<16xf32>, vector<16xi32> -> vector<16xf32>
          %mul3A_1613 = arith.constant 32 : i32
          %mul3A_1614 = arith.muli %scan3A_452, %mul3A_1613 : i32
          %add3A_1615 = arith.constant 17 : i32
          %add3A_1616 = arith.addi %mul3A_1614, %add3A_1615 : i32
          %get3A_1617 = arith.index_cast %and3A_299 : i32 to index
          %get3A_1618 = arith.index_cast %add3A_1616 : i32 to index
          %get3A_1619 = arith.constant 0 : index
          %get3A_1620 = tpu.vector_load %arg8[%get3A_1617, %get3A_1618, %get3A_1619] {strides = array<i32>} : memref<2x256x128xf32, #tpu.memory_space<vmem>>, vector<16xf32>,
          %mul3A_1621 = arith.mulf %gather3A_1612, %get3A_1620 : vector<16xf32>
          %add3A_1622 = arith.addf %add3A_1565, %mul3A_1621 : vector<16xf32>
          %get3A_1623 = arith.index_cast %and3A_299 : i32 to index
          %get3A_1624 = arith.index_cast %add3A_1616 : i32 to index
          %get3A_1625 = arith.constant 16 : index
          %get3A_1626 = tpu.vector_load %arg8[%get3A_1623, %get3A_1624, %get3A_1625] {strides = array<i32>} : memref<2x256x128xf32, #tpu.memory_space<vmem>>, vector<16xf32>,
          %mul3A_1627 = arith.mulf %gather3A_1612, %get3A_1626 : vector<16xf32>
          %add3A_1628 = arith.addf %add3A_1571, %mul3A_1627 : vector<16xf32>
          %get3A_1629 = arith.index_cast %and3A_299 : i32 to index
          %get3A_1630 = arith.index_cast %add3A_1616 : i32 to index
          %get3A_1631 = arith.constant 32 : index
          %get3A_1632 = tpu.vector_load %arg8[%get3A_1629, %get3A_1630, %get3A_1631] {strides = array<i32>} : memref<2x256x128xf32, #tpu.memory_space<vmem>>, vector<16xf32>,
          %mul3A_1633 = arith.mulf %gather3A_1612, %get3A_1632 : vector<16xf32>
          %add3A_1634 = arith.addf %add3A_1577, %mul3A_1633 : vector<16xf32>
          %get3A_1635 = arith.index_cast %and3A_299 : i32 to index
          %get3A_1636 = arith.index_cast %add3A_1616 : i32 to index
          %get3A_1637 = arith.constant 48 : index
          %get3A_1638 = tpu.vector_load %arg8[%get3A_1635, %get3A_1636, %get3A_1637] {strides = array<i32>} : memref<2x256x128xf32, #tpu.memory_space<vmem>>, vector<16xf32>,
          %mul3A_1639 = arith.mulf %gather3A_1612, %get3A_1638 : vector<16xf32>
          %add3A_1640 = arith.addf %add3A_1583, %mul3A_1639 : vector<16xf32>
          %get3A_1641 = arith.index_cast %and3A_299 : i32 to index
          %get3A_1642 = arith.index_cast %add3A_1616 : i32 to index
          %get3A_1643 = arith.constant 64 : index
          %get3A_1644 = tpu.vector_load %arg8[%get3A_1641, %get3A_1642, %get3A_1643] {strides = array<i32>} : memref<2x256x128xf32, #tpu.memory_space<vmem>>, vector<16xf32>,
          %mul3A_1645 = arith.mulf %gather3A_1612, %get3A_1644 : vector<16xf32>
          %add3A_1646 = arith.addf %add3A_1589, %mul3A_1645 : vector<16xf32>
          %get3A_1647 = arith.index_cast %and3A_299 : i32 to index
          %get3A_1648 = arith.index_cast %add3A_1616 : i32 to index
          %get3A_1649 = arith.constant 80 : index
          %get3A_1650 = tpu.vector_load %arg8[%get3A_1647, %get3A_1648, %get3A_1649] {strides = array<i32>} : memref<2x256x128xf32, #tpu.memory_space<vmem>>, vector<16xf32>,
          %mul3A_1651 = arith.mulf %gather3A_1612, %get3A_1650 : vector<16xf32>
          %add3A_1652 = arith.addf %add3A_1595, %mul3A_1651 : vector<16xf32>
          %get3A_1653 = arith.index_cast %and3A_299 : i32 to index
          %get3A_1654 = arith.index_cast %add3A_1616 : i32 to index
          %get3A_1655 = arith.constant 96 : index
          %get3A_1656 = tpu.vector_load %arg8[%get3A_1653, %get3A_1654, %get3A_1655] {strides = array<i32>} : memref<2x256x128xf32, #tpu.memory_space<vmem>>, vector<16xf32>,
          %mul3A_1657 = arith.mulf %gather3A_1612, %get3A_1656 : vector<16xf32>
          %add3A_1658 = arith.addf %add3A_1601, %mul3A_1657 : vector<16xf32>
          %get3A_1659 = arith.index_cast %and3A_299 : i32 to index
          %get3A_1660 = arith.index_cast %add3A_1616 : i32 to index
          %get3A_1661 = arith.constant 112 : index
          %get3A_1662 = tpu.vector_load %arg8[%get3A_1659, %get3A_1660, %get3A_1661] {strides = array<i32>} : memref<2x256x128xf32, #tpu.memory_space<vmem>>, vector<16xf32>,
          %mul3A_1663 = arith.mulf %gather3A_1612, %get3A_1662 : vector<16xf32>
          %add3A_1664 = arith.addf %add3A_1607, %mul3A_1663 : vector<16xf32>
          %broadcast_in_dim3A_1665 = arith.constant 2 : i32
          %broadcast_in_dim3A_1666 = vector.broadcast %broadcast_in_dim3A_1665 : i32 to vector<16xi32>
          %reshape3A_1667 = vector.shape_cast %broadcast_in_dim3A_1666 : vector<16xi32> to vector<16x1xi32>
          %gather3A_1668 = vector.shape_cast %reshape3A_1667 : vector<16x1xi32> to vector<16xi32>
          %gather3A_1669 = tpu.dynamic_gather %mul3A_623[%gather3A_1668] in [0] : vector<16xf32>, vector<16xi32> -> vector<16xf32>
          %mul3A_1670 = arith.constant 32 : i32
          %mul3A_1671 = arith.muli %scan3A_452, %mul3A_1670 : i32
          %add3A_1672 = arith.constant 18 : i32
          %add3A_1673 = arith.addi %mul3A_1671, %add3A_1672 : i32
          %get3A_1674 = arith.index_cast %and3A_299 : i32 to index
          %get3A_1675 = arith.index_cast %add3A_1673 : i32 to index
          %get3A_1676 = arith.constant 0 : index
          %get3A_1677 = tpu.vector_load %arg8[%get3A_1674, %get3A_1675, %get3A_1676] {strides = array<i32>} : memref<2x256x128xf32, #tpu.memory_space<vmem>>, vector<16xf32>,
          %mul3A_1678 = arith.mulf %gather3A_1669, %get3A_1677 : vector<16xf32>
          %add3A_1679 = arith.addf %add3A_1622, %mul3A_1678 : vector<16xf32>
          %get3A_1680 = arith.index_cast %and3A_299 : i32 to index
          %get3A_1681 = arith.index_cast %add3A_1673 : i32 to index
          %get3A_1682 = arith.constant 16 : index
          %get3A_1683 = tpu.vector_load %arg8[%get3A_1680, %get3A_1681, %get3A_1682] {strides = array<i32>} : memref<2x256x128xf32, #tpu.memory_space<vmem>>, vector<16xf32>,
          %mul3A_1684 = arith.mulf %gather3A_1669, %get3A_1683 : vector<16xf32>
          %add3A_1685 = arith.addf %add3A_1628, %mul3A_1684 : vector<16xf32>
          %get3A_1686 = arith.index_cast %and3A_299 : i32 to index
          %get3A_1687 = arith.index_cast %add3A_1673 : i32 to index
          %get3A_1688 = arith.constant 32 : index
          %get3A_1689 = tpu.vector_load %arg8[%get3A_1686, %get3A_1687, %get3A_1688] {strides = array<i32>} : memref<2x256x128xf32, #tpu.memory_space<vmem>>, vector<16xf32>,
          %mul3A_1690 = arith.mulf %gather3A_1669, %get3A_1689 : vector<16xf32>
          %add3A_1691 = arith.addf %add3A_1634, %mul3A_1690 : vector<16xf32>
          %get3A_1692 = arith.index_cast %and3A_299 : i32 to index
          %get3A_1693 = arith.index_cast %add3A_1673 : i32 to index
          %get3A_1694 = arith.constant 48 : index
          %get3A_1695 = tpu.vector_load %arg8[%get3A_1692, %get3A_1693, %get3A_1694] {strides = array<i32>} : memref<2x256x128xf32, #tpu.memory_space<vmem>>, vector<16xf32>,
          %mul3A_1696 = arith.mulf %gather3A_1669, %get3A_1695 : vector<16xf32>
          %add3A_1697 = arith.addf %add3A_1640, %mul3A_1696 : vector<16xf32>
          %get3A_1698 = arith.index_cast %and3A_299 : i32 to index
          %get3A_1699 = arith.index_cast %add3A_1673 : i32 to index
          %get3A_1700 = arith.constant 64 : index
          %get3A_1701 = tpu.vector_load %arg8[%get3A_1698, %get3A_1699, %get3A_1700] {strides = array<i32>} : memref<2x256x128xf32, #tpu.memory_space<vmem>>, vector<16xf32>,
          %mul3A_1702 = arith.mulf %gather3A_1669, %get3A_1701 : vector<16xf32>
          %add3A_1703 = arith.addf %add3A_1646, %mul3A_1702 : vector<16xf32>
          %get3A_1704 = arith.index_cast %and3A_299 : i32 to index
          %get3A_1705 = arith.index_cast %add3A_1673 : i32 to index
          %get3A_1706 = arith.constant 80 : index
          %get3A_1707 = tpu.vector_load %arg8[%get3A_1704, %get3A_1705, %get3A_1706] {strides = array<i32>} : memref<2x256x128xf32, #tpu.memory_space<vmem>>, vector<16xf32>,
          %mul3A_1708 = arith.mulf %gather3A_1669, %get3A_1707 : vector<16xf32>
          %add3A_1709 = arith.addf %add3A_1652, %mul3A_1708 : vector<16xf32>
          %get3A_1710 = arith.index_cast %and3A_299 : i32 to index
          %get3A_1711 = arith.index_cast %add3A_1673 : i32 to index
          %get3A_1712 = arith.constant 96 : index
          %get3A_1713 = tpu.vector_load %arg8[%get3A_1710, %get3A_1711, %get3A_1712] {strides = array<i32>} : memref<2x256x128xf32, #tpu.memory_space<vmem>>, vector<16xf32>,
          %mul3A_1714 = arith.mulf %gather3A_1669, %get3A_1713 : vector<16xf32>
          %add3A_1715 = arith.addf %add3A_1658, %mul3A_1714 : vector<16xf32>
          %get3A_1716 = arith.index_cast %and3A_299 : i32 to index
          %get3A_1717 = arith.index_cast %add3A_1673 : i32 to index
          %get3A_1718 = arith.constant 112 : index
          %get3A_1719 = tpu.vector_load %arg8[%get3A_1716, %get3A_1717, %get3A_1718] {strides = array<i32>} : memref<2x256x128xf32, #tpu.memory_space<vmem>>, vector<16xf32>,
          %mul3A_1720 = arith.mulf %gather3A_1669, %get3A_1719 : vector<16xf32>
          %add3A_1721 = arith.addf %add3A_1664, %mul3A_1720 : vector<16xf32>
          %broadcast_in_dim3A_1722 = arith.constant 3 : i32
          %broadcast_in_dim3A_1723 = vector.broadcast %broadcast_in_dim3A_1722 : i32 to vector<16xi32>
          %reshape3A_1724 = vector.shape_cast %broadcast_in_dim3A_1723 : vector<16xi32> to vector<16x1xi32>
          %gather3A_1725 = vector.shape_cast %reshape3A_1724 : vector<16x1xi32> to vector<16xi32>
          %gather3A_1726 = tpu.dynamic_gather %mul3A_623[%gather3A_1725] in [0] : vector<16xf32>, vector<16xi32> -> vector<16xf32>
          %mul3A_1727 = arith.constant 32 : i32
          %mul3A_1728 = arith.muli %scan3A_452, %mul3A_1727 : i32
          %add3A_1729 = arith.constant 19 : i32
          %add3A_1730 = arith.addi %mul3A_1728, %add3A_1729 : i32
          %get3A_1731 = arith.index_cast %and3A_299 : i32 to index
          %get3A_1732 = arith.index_cast %add3A_1730 : i32 to index
          %get3A_1733 = arith.constant 0 : index
          %get3A_1734 = tpu.vector_load %arg8[%get3A_1731, %get3A_1732, %get3A_1733] {strides = array<i32>} : memref<2x256x128xf32, #tpu.memory_space<vmem>>, vector<16xf32>,
          %mul3A_1735 = arith.mulf %gather3A_1726, %get3A_1734 : vector<16xf32>
          %add3A_1736 = arith.addf %add3A_1679, %mul3A_1735 : vector<16xf32>
          %get3A_1737 = arith.index_cast %and3A_299 : i32 to index
          %get3A_1738 = arith.index_cast %add3A_1730 : i32 to index
          %get3A_1739 = arith.constant 16 : index
          %get3A_1740 = tpu.vector_load %arg8[%get3A_1737, %get3A_1738, %get3A_1739] {strides = array<i32>} : memref<2x256x128xf32, #tpu.memory_space<vmem>>, vector<16xf32>,
          %mul3A_1741 = arith.mulf %gather3A_1726, %get3A_1740 : vector<16xf32>
          %add3A_1742 = arith.addf %add3A_1685, %mul3A_1741 : vector<16xf32>
          %get3A_1743 = arith.index_cast %and3A_299 : i32 to index
          %get3A_1744 = arith.index_cast %add3A_1730 : i32 to index
          %get3A_1745 = arith.constant 32 : index
          %get3A_1746 = tpu.vector_load %arg8[%get3A_1743, %get3A_1744, %get3A_1745] {strides = array<i32>} : memref<2x256x128xf32, #tpu.memory_space<vmem>>, vector<16xf32>,
          %mul3A_1747 = arith.mulf %gather3A_1726, %get3A_1746 : vector<16xf32>
          %add3A_1748 = arith.addf %add3A_1691, %mul3A_1747 : vector<16xf32>
          %get3A_1749 = arith.index_cast %and3A_299 : i32 to index
          %get3A_1750 = arith.index_cast %add3A_1730 : i32 to index
          %get3A_1751 = arith.constant 48 : index
          %get3A_1752 = tpu.vector_load %arg8[%get3A_1749, %get3A_1750, %get3A_1751] {strides = array<i32>} : memref<2x256x128xf32, #tpu.memory_space<vmem>>, vector<16xf32>,
          %mul3A_1753 = arith.mulf %gather3A_1726, %get3A_1752 : vector<16xf32>
          %add3A_1754 = arith.addf %add3A_1697, %mul3A_1753 : vector<16xf32>
          %get3A_1755 = arith.index_cast %and3A_299 : i32 to index
          %get3A_1756 = arith.index_cast %add3A_1730 : i32 to index
          %get3A_1757 = arith.constant 64 : index
          %get3A_1758 = tpu.vector_load %arg8[%get3A_1755, %get3A_1756, %get3A_1757] {strides = array<i32>} : memref<2x256x128xf32, #tpu.memory_space<vmem>>, vector<16xf32>,
          %mul3A_1759 = arith.mulf %gather3A_1726, %get3A_1758 : vector<16xf32>
          %add3A_1760 = arith.addf %add3A_1703, %mul3A_1759 : vector<16xf32>
          %get3A_1761 = arith.index_cast %and3A_299 : i32 to index
          %get3A_1762 = arith.index_cast %add3A_1730 : i32 to index
          %get3A_1763 = arith.constant 80 : index
          %get3A_1764 = tpu.vector_load %arg8[%get3A_1761, %get3A_1762, %get3A_1763] {strides = array<i32>} : memref<2x256x128xf32, #tpu.memory_space<vmem>>, vector<16xf32>,
          %mul3A_1765 = arith.mulf %gather3A_1726, %get3A_1764 : vector<16xf32>
          %add3A_1766 = arith.addf %add3A_1709, %mul3A_1765 : vector<16xf32>
          %get3A_1767 = arith.index_cast %and3A_299 : i32 to index
          %get3A_1768 = arith.index_cast %add3A_1730 : i32 to index
          %get3A_1769 = arith.constant 96 : index
          %get3A_1770 = tpu.vector_load %arg8[%get3A_1767, %get3A_1768, %get3A_1769] {strides = array<i32>} : memref<2x256x128xf32, #tpu.memory_space<vmem>>, vector<16xf32>,
          %mul3A_1771 = arith.mulf %gather3A_1726, %get3A_1770 : vector<16xf32>
          %add3A_1772 = arith.addf %add3A_1715, %mul3A_1771 : vector<16xf32>
          %get3A_1773 = arith.index_cast %and3A_299 : i32 to index
          %get3A_1774 = arith.index_cast %add3A_1730 : i32 to index
          %get3A_1775 = arith.constant 112 : index
          %get3A_1776 = tpu.vector_load %arg8[%get3A_1773, %get3A_1774, %get3A_1775] {strides = array<i32>} : memref<2x256x128xf32, #tpu.memory_space<vmem>>, vector<16xf32>,
          %mul3A_1777 = arith.mulf %gather3A_1726, %get3A_1776 : vector<16xf32>
          %add3A_1778 = arith.addf %add3A_1721, %mul3A_1777 : vector<16xf32>
          %broadcast_in_dim3A_1779 = arith.constant 4 : i32
          %broadcast_in_dim3A_1780 = vector.broadcast %broadcast_in_dim3A_1779 : i32 to vector<16xi32>
          %reshape3A_1781 = vector.shape_cast %broadcast_in_dim3A_1780 : vector<16xi32> to vector<16x1xi32>
          %gather3A_1782 = vector.shape_cast %reshape3A_1781 : vector<16x1xi32> to vector<16xi32>
          %gather3A_1783 = tpu.dynamic_gather %mul3A_623[%gather3A_1782] in [0] : vector<16xf32>, vector<16xi32> -> vector<16xf32>
          %mul3A_1784 = arith.constant 32 : i32
          %mul3A_1785 = arith.muli %scan3A_452, %mul3A_1784 : i32
          %add3A_1786 = arith.constant 20 : i32
          %add3A_1787 = arith.addi %mul3A_1785, %add3A_1786 : i32
          %get3A_1788 = arith.index_cast %and3A_299 : i32 to index
          %get3A_1789 = arith.index_cast %add3A_1787 : i32 to index
          %get3A_1790 = arith.constant 0 : index
          %get3A_1791 = tpu.vector_load %arg8[%get3A_1788, %get3A_1789, %get3A_1790] {strides = array<i32>} : memref<2x256x128xf32, #tpu.memory_space<vmem>>, vector<16xf32>,
          %mul3A_1792 = arith.mulf %gather3A_1783, %get3A_1791 : vector<16xf32>
          %add3A_1793 = arith.addf %add3A_1736, %mul3A_1792 : vector<16xf32>
          %get3A_1794 = arith.index_cast %and3A_299 : i32 to index
          %get3A_1795 = arith.index_cast %add3A_1787 : i32 to index
          %get3A_1796 = arith.constant 16 : index
          %get3A_1797 = tpu.vector_load %arg8[%get3A_1794, %get3A_1795, %get3A_1796] {strides = array<i32>} : memref<2x256x128xf32, #tpu.memory_space<vmem>>, vector<16xf32>,
          %mul3A_1798 = arith.mulf %gather3A_1783, %get3A_1797 : vector<16xf32>
          %add3A_1799 = arith.addf %add3A_1742, %mul3A_1798 : vector<16xf32>
          %get3A_1800 = arith.index_cast %and3A_299 : i32 to index
          %get3A_1801 = arith.index_cast %add3A_1787 : i32 to index
          %get3A_1802 = arith.constant 32 : index
          %get3A_1803 = tpu.vector_load %arg8[%get3A_1800, %get3A_1801, %get3A_1802] {strides = array<i32>} : memref<2x256x128xf32, #tpu.memory_space<vmem>>, vector<16xf32>,
          %mul3A_1804 = arith.mulf %gather3A_1783, %get3A_1803 : vector<16xf32>
          %add3A_1805 = arith.addf %add3A_1748, %mul3A_1804 : vector<16xf32>
          %get3A_1806 = arith.index_cast %and3A_299 : i32 to index
          %get3A_1807 = arith.index_cast %add3A_1787 : i32 to index
          %get3A_1808 = arith.constant 48 : index
          %get3A_1809 = tpu.vector_load %arg8[%get3A_1806, %get3A_1807, %get3A_1808] {strides = array<i32>} : memref<2x256x128xf32, #tpu.memory_space<vmem>>, vector<16xf32>,
          %mul3A_1810 = arith.mulf %gather3A_1783, %get3A_1809 : vector<16xf32>
          %add3A_1811 = arith.addf %add3A_1754, %mul3A_1810 : vector<16xf32>
          %get3A_1812 = arith.index_cast %and3A_299 : i32 to index
          %get3A_1813 = arith.index_cast %add3A_1787 : i32 to index
          %get3A_1814 = arith.constant 64 : index
          %get3A_1815 = tpu.vector_load %arg8[%get3A_1812, %get3A_1813, %get3A_1814] {strides = array<i32>} : memref<2x256x128xf32, #tpu.memory_space<vmem>>, vector<16xf32>,
          %mul3A_1816 = arith.mulf %gather3A_1783, %get3A_1815 : vector<16xf32>
          %add3A_1817 = arith.addf %add3A_1760, %mul3A_1816 : vector<16xf32>
          %get3A_1818 = arith.index_cast %and3A_299 : i32 to index
          %get3A_1819 = arith.index_cast %add3A_1787 : i32 to index
          %get3A_1820 = arith.constant 80 : index
          %get3A_1821 = tpu.vector_load %arg8[%get3A_1818, %get3A_1819, %get3A_1820] {strides = array<i32>} : memref<2x256x128xf32, #tpu.memory_space<vmem>>, vector<16xf32>,
          %mul3A_1822 = arith.mulf %gather3A_1783, %get3A_1821 : vector<16xf32>
          %add3A_1823 = arith.addf %add3A_1766, %mul3A_1822 : vector<16xf32>
          %get3A_1824 = arith.index_cast %and3A_299 : i32 to index
          %get3A_1825 = arith.index_cast %add3A_1787 : i32 to index
          %get3A_1826 = arith.constant 96 : index
          %get3A_1827 = tpu.vector_load %arg8[%get3A_1824, %get3A_1825, %get3A_1826] {strides = array<i32>} : memref<2x256x128xf32, #tpu.memory_space<vmem>>, vector<16xf32>,
          %mul3A_1828 = arith.mulf %gather3A_1783, %get3A_1827 : vector<16xf32>
          %add3A_1829 = arith.addf %add3A_1772, %mul3A_1828 : vector<16xf32>
          %get3A_1830 = arith.index_cast %and3A_299 : i32 to index
          %get3A_1831 = arith.index_cast %add3A_1787 : i32 to index
          %get3A_1832 = arith.constant 112 : index
          %get3A_1833 = tpu.vector_load %arg8[%get3A_1830, %get3A_1831, %get3A_1832] {strides = array<i32>} : memref<2x256x128xf32, #tpu.memory_space<vmem>>, vector<16xf32>,
          %mul3A_1834 = arith.mulf %gather3A_1783, %get3A_1833 : vector<16xf32>
          %add3A_1835 = arith.addf %add3A_1778, %mul3A_1834 : vector<16xf32>
          %broadcast_in_dim3A_1836 = arith.constant 5 : i32
          %broadcast_in_dim3A_1837 = vector.broadcast %broadcast_in_dim3A_1836 : i32 to vector<16xi32>
          %reshape3A_1838 = vector.shape_cast %broadcast_in_dim3A_1837 : vector<16xi32> to vector<16x1xi32>
          %gather3A_1839 = vector.shape_cast %reshape3A_1838 : vector<16x1xi32> to vector<16xi32>
          %gather3A_1840 = tpu.dynamic_gather %mul3A_623[%gather3A_1839] in [0] : vector<16xf32>, vector<16xi32> -> vector<16xf32>
          %mul3A_1841 = arith.constant 32 : i32
          %mul3A_1842 = arith.muli %scan3A_452, %mul3A_1841 : i32
          %add3A_1843 = arith.constant 21 : i32
          %add3A_1844 = arith.addi %mul3A_1842, %add3A_1843 : i32
          %get3A_1845 = arith.index_cast %and3A_299 : i32 to index
          %get3A_1846 = arith.index_cast %add3A_1844 : i32 to index
          %get3A_1847 = arith.constant 0 : index
          %get3A_1848 = tpu.vector_load %arg8[%get3A_1845, %get3A_1846, %get3A_1847] {strides = array<i32>} : memref<2x256x128xf32, #tpu.memory_space<vmem>>, vector<16xf32>,
          %mul3A_1849 = arith.mulf %gather3A_1840, %get3A_1848 : vector<16xf32>
          %add3A_1850 = arith.addf %add3A_1793, %mul3A_1849 : vector<16xf32>
          %get3A_1851 = arith.index_cast %and3A_299 : i32 to index
          %get3A_1852 = arith.index_cast %add3A_1844 : i32 to index
          %get3A_1853 = arith.constant 16 : index
          %get3A_1854 = tpu.vector_load %arg8[%get3A_1851, %get3A_1852, %get3A_1853] {strides = array<i32>} : memref<2x256x128xf32, #tpu.memory_space<vmem>>, vector<16xf32>,
          %mul3A_1855 = arith.mulf %gather3A_1840, %get3A_1854 : vector<16xf32>
          %add3A_1856 = arith.addf %add3A_1799, %mul3A_1855 : vector<16xf32>
          %get3A_1857 = arith.index_cast %and3A_299 : i32 to index
          %get3A_1858 = arith.index_cast %add3A_1844 : i32 to index
          %get3A_1859 = arith.constant 32 : index
          %get3A_1860 = tpu.vector_load %arg8[%get3A_1857, %get3A_1858, %get3A_1859] {strides = array<i32>} : memref<2x256x128xf32, #tpu.memory_space<vmem>>, vector<16xf32>,
          %mul3A_1861 = arith.mulf %gather3A_1840, %get3A_1860 : vector<16xf32>
          %add3A_1862 = arith.addf %add3A_1805, %mul3A_1861 : vector<16xf32>
          %get3A_1863 = arith.index_cast %and3A_299 : i32 to index
          %get3A_1864 = arith.index_cast %add3A_1844 : i32 to index
          %get3A_1865 = arith.constant 48 : index
          %get3A_1866 = tpu.vector_load %arg8[%get3A_1863, %get3A_1864, %get3A_1865] {strides = array<i32>} : memref<2x256x128xf32, #tpu.memory_space<vmem>>, vector<16xf32>,
          %mul3A_1867 = arith.mulf %gather3A_1840, %get3A_1866 : vector<16xf32>
          %add3A_1868 = arith.addf %add3A_1811, %mul3A_1867 : vector<16xf32>
          %get3A_1869 = arith.index_cast %and3A_299 : i32 to index
          %get3A_1870 = arith.index_cast %add3A_1844 : i32 to index
          %get3A_1871 = arith.constant 64 : index
          %get3A_1872 = tpu.vector_load %arg8[%get3A_1869, %get3A_1870, %get3A_1871] {strides = array<i32>} : memref<2x256x128xf32, #tpu.memory_space<vmem>>, vector<16xf32>,
          %mul3A_1873 = arith.mulf %gather3A_1840, %get3A_1872 : vector<16xf32>
          %add3A_1874 = arith.addf %add3A_1817, %mul3A_1873 : vector<16xf32>
          %get3A_1875 = arith.index_cast %and3A_299 : i32 to index
          %get3A_1876 = arith.index_cast %add3A_1844 : i32 to index
          %get3A_1877 = arith.constant 80 : index
          %get3A_1878 = tpu.vector_load %arg8[%get3A_1875, %get3A_1876, %get3A_1877] {strides = array<i32>} : memref<2x256x128xf32, #tpu.memory_space<vmem>>, vector<16xf32>,
          %mul3A_1879 = arith.mulf %gather3A_1840, %get3A_1878 : vector<16xf32>
          %add3A_1880 = arith.addf %add3A_1823, %mul3A_1879 : vector<16xf32>
          %get3A_1881 = arith.index_cast %and3A_299 : i32 to index
          %get3A_1882 = arith.index_cast %add3A_1844 : i32 to index
          %get3A_1883 = arith.constant 96 : index
          %get3A_1884 = tpu.vector_load %arg8[%get3A_1881, %get3A_1882, %get3A_1883] {strides = array<i32>} : memref<2x256x128xf32, #tpu.memory_space<vmem>>, vector<16xf32>,
          %mul3A_1885 = arith.mulf %gather3A_1840, %get3A_1884 : vector<16xf32>
          %add3A_1886 = arith.addf %add3A_1829, %mul3A_1885 : vector<16xf32>
          %get3A_1887 = arith.index_cast %and3A_299 : i32 to index
          %get3A_1888 = arith.index_cast %add3A_1844 : i32 to index
          %get3A_1889 = arith.constant 112 : index
          %get3A_1890 = tpu.vector_load %arg8[%get3A_1887, %get3A_1888, %get3A_1889] {strides = array<i32>} : memref<2x256x128xf32, #tpu.memory_space<vmem>>, vector<16xf32>,
          %mul3A_1891 = arith.mulf %gather3A_1840, %get3A_1890 : vector<16xf32>
          %add3A_1892 = arith.addf %add3A_1835, %mul3A_1891 : vector<16xf32>
          %broadcast_in_dim3A_1893 = arith.constant 6 : i32
          %broadcast_in_dim3A_1894 = vector.broadcast %broadcast_in_dim3A_1893 : i32 to vector<16xi32>
          %reshape3A_1895 = vector.shape_cast %broadcast_in_dim3A_1894 : vector<16xi32> to vector<16x1xi32>
          %gather3A_1896 = vector.shape_cast %reshape3A_1895 : vector<16x1xi32> to vector<16xi32>
          %gather3A_1897 = tpu.dynamic_gather %mul3A_623[%gather3A_1896] in [0] : vector<16xf32>, vector<16xi32> -> vector<16xf32>
          %mul3A_1898 = arith.constant 32 : i32
          %mul3A_1899 = arith.muli %scan3A_452, %mul3A_1898 : i32
          %add3A_1900 = arith.constant 22 : i32
          %add3A_1901 = arith.addi %mul3A_1899, %add3A_1900 : i32
          %get3A_1902 = arith.index_cast %and3A_299 : i32 to index
          %get3A_1903 = arith.index_cast %add3A_1901 : i32 to index
          %get3A_1904 = arith.constant 0 : index
          %get3A_1905 = tpu.vector_load %arg8[%get3A_1902, %get3A_1903, %get3A_1904] {strides = array<i32>} : memref<2x256x128xf32, #tpu.memory_space<vmem>>, vector<16xf32>,
          %mul3A_1906 = arith.mulf %gather3A_1897, %get3A_1905 : vector<16xf32>
          %add3A_1907 = arith.addf %add3A_1850, %mul3A_1906 : vector<16xf32>
          %get3A_1908 = arith.index_cast %and3A_299 : i32 to index
          %get3A_1909 = arith.index_cast %add3A_1901 : i32 to index
          %get3A_1910 = arith.constant 16 : index
          %get3A_1911 = tpu.vector_load %arg8[%get3A_1908, %get3A_1909, %get3A_1910] {strides = array<i32>} : memref<2x256x128xf32, #tpu.memory_space<vmem>>, vector<16xf32>,
          %mul3A_1912 = arith.mulf %gather3A_1897, %get3A_1911 : vector<16xf32>
          %add3A_1913 = arith.addf %add3A_1856, %mul3A_1912 : vector<16xf32>
          %get3A_1914 = arith.index_cast %and3A_299 : i32 to index
          %get3A_1915 = arith.index_cast %add3A_1901 : i32 to index
          %get3A_1916 = arith.constant 32 : index
          %get3A_1917 = tpu.vector_load %arg8[%get3A_1914, %get3A_1915, %get3A_1916] {strides = array<i32>} : memref<2x256x128xf32, #tpu.memory_space<vmem>>, vector<16xf32>,
          %mul3A_1918 = arith.mulf %gather3A_1897, %get3A_1917 : vector<16xf32>
          %add3A_1919 = arith.addf %add3A_1862, %mul3A_1918 : vector<16xf32>
          %get3A_1920 = arith.index_cast %and3A_299 : i32 to index
          %get3A_1921 = arith.index_cast %add3A_1901 : i32 to index
          %get3A_1922 = arith.constant 48 : index
          %get3A_1923 = tpu.vector_load %arg8[%get3A_1920, %get3A_1921, %get3A_1922] {strides = array<i32>} : memref<2x256x128xf32, #tpu.memory_space<vmem>>, vector<16xf32>,
          %mul3A_1924 = arith.mulf %gather3A_1897, %get3A_1923 : vector<16xf32>
          %add3A_1925 = arith.addf %add3A_1868, %mul3A_1924 : vector<16xf32>
          %get3A_1926 = arith.index_cast %and3A_299 : i32 to index
          %get3A_1927 = arith.index_cast %add3A_1901 : i32 to index
          %get3A_1928 = arith.constant 64 : index
          %get3A_1929 = tpu.vector_load %arg8[%get3A_1926, %get3A_1927, %get3A_1928] {strides = array<i32>} : memref<2x256x128xf32, #tpu.memory_space<vmem>>, vector<16xf32>,
          %mul3A_1930 = arith.mulf %gather3A_1897, %get3A_1929 : vector<16xf32>
          %add3A_1931 = arith.addf %add3A_1874, %mul3A_1930 : vector<16xf32>
          %get3A_1932 = arith.index_cast %and3A_299 : i32 to index
          %get3A_1933 = arith.index_cast %add3A_1901 : i32 to index
          %get3A_1934 = arith.constant 80 : index
          %get3A_1935 = tpu.vector_load %arg8[%get3A_1932, %get3A_1933, %get3A_1934] {strides = array<i32>} : memref<2x256x128xf32, #tpu.memory_space<vmem>>, vector<16xf32>,
          %mul3A_1936 = arith.mulf %gather3A_1897, %get3A_1935 : vector<16xf32>
          %add3A_1937 = arith.addf %add3A_1880, %mul3A_1936 : vector<16xf32>
          %get3A_1938 = arith.index_cast %and3A_299 : i32 to index
          %get3A_1939 = arith.index_cast %add3A_1901 : i32 to index
          %get3A_1940 = arith.constant 96 : index
          %get3A_1941 = tpu.vector_load %arg8[%get3A_1938, %get3A_1939, %get3A_1940] {strides = array<i32>} : memref<2x256x128xf32, #tpu.memory_space<vmem>>, vector<16xf32>,
          %mul3A_1942 = arith.mulf %gather3A_1897, %get3A_1941 : vector<16xf32>
          %add3A_1943 = arith.addf %add3A_1886, %mul3A_1942 : vector<16xf32>
          %get3A_1944 = arith.index_cast %and3A_299 : i32 to index
          %get3A_1945 = arith.index_cast %add3A_1901 : i32 to index
          %get3A_1946 = arith.constant 112 : index
          %get3A_1947 = tpu.vector_load %arg8[%get3A_1944, %get3A_1945, %get3A_1946] {strides = array<i32>} : memref<2x256x128xf32, #tpu.memory_space<vmem>>, vector<16xf32>,
          %mul3A_1948 = arith.mulf %gather3A_1897, %get3A_1947 : vector<16xf32>
          %add3A_1949 = arith.addf %add3A_1892, %mul3A_1948 : vector<16xf32>
          %broadcast_in_dim3A_1950 = arith.constant 7 : i32
          %broadcast_in_dim3A_1951 = vector.broadcast %broadcast_in_dim3A_1950 : i32 to vector<16xi32>
          %reshape3A_1952 = vector.shape_cast %broadcast_in_dim3A_1951 : vector<16xi32> to vector<16x1xi32>
          %gather3A_1953 = vector.shape_cast %reshape3A_1952 : vector<16x1xi32> to vector<16xi32>
          %gather3A_1954 = tpu.dynamic_gather %mul3A_623[%gather3A_1953] in [0] : vector<16xf32>, vector<16xi32> -> vector<16xf32>
          %mul3A_1955 = arith.constant 32 : i32
          %mul3A_1956 = arith.muli %scan3A_452, %mul3A_1955 : i32
          %add3A_1957 = arith.constant 23 : i32
          %add3A_1958 = arith.addi %mul3A_1956, %add3A_1957 : i32
          %get3A_1959 = arith.index_cast %and3A_299 : i32 to index
          %get3A_1960 = arith.index_cast %add3A_1958 : i32 to index
          %get3A_1961 = arith.constant 0 : index
          %get3A_1962 = tpu.vector_load %arg8[%get3A_1959, %get3A_1960, %get3A_1961] {strides = array<i32>} : memref<2x256x128xf32, #tpu.memory_space<vmem>>, vector<16xf32>,
          %mul3A_1963 = arith.mulf %gather3A_1954, %get3A_1962 : vector<16xf32>
          %add3A_1964 = arith.addf %add3A_1907, %mul3A_1963 : vector<16xf32>
          %get3A_1965 = arith.index_cast %and3A_299 : i32 to index
          %get3A_1966 = arith.index_cast %add3A_1958 : i32 to index
          %get3A_1967 = arith.constant 16 : index
          %get3A_1968 = tpu.vector_load %arg8[%get3A_1965, %get3A_1966, %get3A_1967] {strides = array<i32>} : memref<2x256x128xf32, #tpu.memory_space<vmem>>, vector<16xf32>,
          %mul3A_1969 = arith.mulf %gather3A_1954, %get3A_1968 : vector<16xf32>
          %add3A_1970 = arith.addf %add3A_1913, %mul3A_1969 : vector<16xf32>
          %get3A_1971 = arith.index_cast %and3A_299 : i32 to index
          %get3A_1972 = arith.index_cast %add3A_1958 : i32 to index
          %get3A_1973 = arith.constant 32 : index
          %get3A_1974 = tpu.vector_load %arg8[%get3A_1971, %get3A_1972, %get3A_1973] {strides = array<i32>} : memref<2x256x128xf32, #tpu.memory_space<vmem>>, vector<16xf32>,
          %mul3A_1975 = arith.mulf %gather3A_1954, %get3A_1974 : vector<16xf32>
          %add3A_1976 = arith.addf %add3A_1919, %mul3A_1975 : vector<16xf32>
          %get3A_1977 = arith.index_cast %and3A_299 : i32 to index
          %get3A_1978 = arith.index_cast %add3A_1958 : i32 to index
          %get3A_1979 = arith.constant 48 : index
          %get3A_1980 = tpu.vector_load %arg8[%get3A_1977, %get3A_1978, %get3A_1979] {strides = array<i32>} : memref<2x256x128xf32, #tpu.memory_space<vmem>>, vector<16xf32>,
          %mul3A_1981 = arith.mulf %gather3A_1954, %get3A_1980 : vector<16xf32>
          %add3A_1982 = arith.addf %add3A_1925, %mul3A_1981 : vector<16xf32>
          %get3A_1983 = arith.index_cast %and3A_299 : i32 to index
          %get3A_1984 = arith.index_cast %add3A_1958 : i32 to index
          %get3A_1985 = arith.constant 64 : index
          %get3A_1986 = tpu.vector_load %arg8[%get3A_1983, %get3A_1984, %get3A_1985] {strides = array<i32>} : memref<2x256x128xf32, #tpu.memory_space<vmem>>, vector<16xf32>,
          %mul3A_1987 = arith.mulf %gather3A_1954, %get3A_1986 : vector<16xf32>
          %add3A_1988 = arith.addf %add3A_1931, %mul3A_1987 : vector<16xf32>
          %get3A_1989 = arith.index_cast %and3A_299 : i32 to index
          %get3A_1990 = arith.index_cast %add3A_1958 : i32 to index
          %get3A_1991 = arith.constant 80 : index
          %get3A_1992 = tpu.vector_load %arg8[%get3A_1989, %get3A_1990, %get3A_1991] {strides = array<i32>} : memref<2x256x128xf32, #tpu.memory_space<vmem>>, vector<16xf32>,
          %mul3A_1993 = arith.mulf %gather3A_1954, %get3A_1992 : vector<16xf32>
          %add3A_1994 = arith.addf %add3A_1937, %mul3A_1993 : vector<16xf32>
          %get3A_1995 = arith.index_cast %and3A_299 : i32 to index
          %get3A_1996 = arith.index_cast %add3A_1958 : i32 to index
          %get3A_1997 = arith.constant 96 : index
          %get3A_1998 = tpu.vector_load %arg8[%get3A_1995, %get3A_1996, %get3A_1997] {strides = array<i32>} : memref<2x256x128xf32, #tpu.memory_space<vmem>>, vector<16xf32>,
          %mul3A_1999 = arith.mulf %gather3A_1954, %get3A_1998 : vector<16xf32>
          %add3A_2000 = arith.addf %add3A_1943, %mul3A_1999 : vector<16xf32>
          %get3A_2001 = arith.index_cast %and3A_299 : i32 to index
          %get3A_2002 = arith.index_cast %add3A_1958 : i32 to index
          %get3A_2003 = arith.constant 112 : index
          %get3A_2004 = tpu.vector_load %arg8[%get3A_2001, %get3A_2002, %get3A_2003] {strides = array<i32>} : memref<2x256x128xf32, #tpu.memory_space<vmem>>, vector<16xf32>,
          %mul3A_2005 = arith.mulf %gather3A_1954, %get3A_2004 : vector<16xf32>
          %add3A_2006 = arith.addf %add3A_1949, %mul3A_2005 : vector<16xf32>
          %broadcast_in_dim3A_2007 = arith.constant 8 : i32
          %broadcast_in_dim3A_2008 = vector.broadcast %broadcast_in_dim3A_2007 : i32 to vector<16xi32>
          %reshape3A_2009 = vector.shape_cast %broadcast_in_dim3A_2008 : vector<16xi32> to vector<16x1xi32>
          %gather3A_2010 = vector.shape_cast %reshape3A_2009 : vector<16x1xi32> to vector<16xi32>
          %gather3A_2011 = tpu.dynamic_gather %mul3A_623[%gather3A_2010] in [0] : vector<16xf32>, vector<16xi32> -> vector<16xf32>
          %mul3A_2012 = arith.constant 32 : i32
          %mul3A_2013 = arith.muli %scan3A_452, %mul3A_2012 : i32
          %add3A_2014 = arith.constant 24 : i32
          %add3A_2015 = arith.addi %mul3A_2013, %add3A_2014 : i32
          %get3A_2016 = arith.index_cast %and3A_299 : i32 to index
          %get3A_2017 = arith.index_cast %add3A_2015 : i32 to index
          %get3A_2018 = arith.constant 0 : index
          %get3A_2019 = tpu.vector_load %arg8[%get3A_2016, %get3A_2017, %get3A_2018] {strides = array<i32>} : memref<2x256x128xf32, #tpu.memory_space<vmem>>, vector<16xf32>,
          %mul3A_2020 = arith.mulf %gather3A_2011, %get3A_2019 : vector<16xf32>
          %add3A_2021 = arith.addf %add3A_1964, %mul3A_2020 : vector<16xf32>
          %get3A_2022 = arith.index_cast %and3A_299 : i32 to index
          %get3A_2023 = arith.index_cast %add3A_2015 : i32 to index
          %get3A_2024 = arith.constant 16 : index
          %get3A_2025 = tpu.vector_load %arg8[%get3A_2022, %get3A_2023, %get3A_2024] {strides = array<i32>} : memref<2x256x128xf32, #tpu.memory_space<vmem>>, vector<16xf32>,
          %mul3A_2026 = arith.mulf %gather3A_2011, %get3A_2025 : vector<16xf32>
          %add3A_2027 = arith.addf %add3A_1970, %mul3A_2026 : vector<16xf32>
          %get3A_2028 = arith.index_cast %and3A_299 : i32 to index
          %get3A_2029 = arith.index_cast %add3A_2015 : i32 to index
          %get3A_2030 = arith.constant 32 : index
          %get3A_2031 = tpu.vector_load %arg8[%get3A_2028, %get3A_2029, %get3A_2030] {strides = array<i32>} : memref<2x256x128xf32, #tpu.memory_space<vmem>>, vector<16xf32>,
          %mul3A_2032 = arith.mulf %gather3A_2011, %get3A_2031 : vector<16xf32>
          %add3A_2033 = arith.addf %add3A_1976, %mul3A_2032 : vector<16xf32>
          %get3A_2034 = arith.index_cast %and3A_299 : i32 to index
          %get3A_2035 = arith.index_cast %add3A_2015 : i32 to index
          %get3A_2036 = arith.constant 48 : index
          %get3A_2037 = tpu.vector_load %arg8[%get3A_2034, %get3A_2035, %get3A_2036] {strides = array<i32>} : memref<2x256x128xf32, #tpu.memory_space<vmem>>, vector<16xf32>,
          %mul3A_2038 = arith.mulf %gather3A_2011, %get3A_2037 : vector<16xf32>
          %add3A_2039 = arith.addf %add3A_1982, %mul3A_2038 : vector<16xf32>
          %get3A_2040 = arith.index_cast %and3A_299 : i32 to index
          %get3A_2041 = arith.index_cast %add3A_2015 : i32 to index
          %get3A_2042 = arith.constant 64 : index
          %get3A_2043 = tpu.vector_load %arg8[%get3A_2040, %get3A_2041, %get3A_2042] {strides = array<i32>} : memref<2x256x128xf32, #tpu.memory_space<vmem>>, vector<16xf32>,
          %mul3A_2044 = arith.mulf %gather3A_2011, %get3A_2043 : vector<16xf32>
          %add3A_2045 = arith.addf %add3A_1988, %mul3A_2044 : vector<16xf32>
          %get3A_2046 = arith.index_cast %and3A_299 : i32 to index
          %get3A_2047 = arith.index_cast %add3A_2015 : i32 to index
          %get3A_2048 = arith.constant 80 : index
          %get3A_2049 = tpu.vector_load %arg8[%get3A_2046, %get3A_2047, %get3A_2048] {strides = array<i32>} : memref<2x256x128xf32, #tpu.memory_space<vmem>>, vector<16xf32>,
          %mul3A_2050 = arith.mulf %gather3A_2011, %get3A_2049 : vector<16xf32>
          %add3A_2051 = arith.addf %add3A_1994, %mul3A_2050 : vector<16xf32>
          %get3A_2052 = arith.index_cast %and3A_299 : i32 to index
          %get3A_2053 = arith.index_cast %add3A_2015 : i32 to index
          %get3A_2054 = arith.constant 96 : index
          %get3A_2055 = tpu.vector_load %arg8[%get3A_2052, %get3A_2053, %get3A_2054] {strides = array<i32>} : memref<2x256x128xf32, #tpu.memory_space<vmem>>, vector<16xf32>,
          %mul3A_2056 = arith.mulf %gather3A_2011, %get3A_2055 : vector<16xf32>
          %add3A_2057 = arith.addf %add3A_2000, %mul3A_2056 : vector<16xf32>
          %get3A_2058 = arith.index_cast %and3A_299 : i32 to index
          %get3A_2059 = arith.index_cast %add3A_2015 : i32 to index
          %get3A_2060 = arith.constant 112 : index
          %get3A_2061 = tpu.vector_load %arg8[%get3A_2058, %get3A_2059, %get3A_2060] {strides = array<i32>} : memref<2x256x128xf32, #tpu.memory_space<vmem>>, vector<16xf32>,
          %mul3A_2062 = arith.mulf %gather3A_2011, %get3A_2061 : vector<16xf32>
          %add3A_2063 = arith.addf %add3A_2006, %mul3A_2062 : vector<16xf32>
          %broadcast_in_dim3A_2064 = arith.constant 9 : i32
          %broadcast_in_dim3A_2065 = vector.broadcast %broadcast_in_dim3A_2064 : i32 to vector<16xi32>
          %reshape3A_2066 = vector.shape_cast %broadcast_in_dim3A_2065 : vector<16xi32> to vector<16x1xi32>
          %gather3A_2067 = vector.shape_cast %reshape3A_2066 : vector<16x1xi32> to vector<16xi32>
          %gather3A_2068 = tpu.dynamic_gather %mul3A_623[%gather3A_2067] in [0] : vector<16xf32>, vector<16xi32> -> vector<16xf32>
          %mul3A_2069 = arith.constant 32 : i32
          %mul3A_2070 = arith.muli %scan3A_452, %mul3A_2069 : i32
          %add3A_2071 = arith.constant 25 : i32
          %add3A_2072 = arith.addi %mul3A_2070, %add3A_2071 : i32
          %get3A_2073 = arith.index_cast %and3A_299 : i32 to index
          %get3A_2074 = arith.index_cast %add3A_2072 : i32 to index
          %get3A_2075 = arith.constant 0 : index
          %get3A_2076 = tpu.vector_load %arg8[%get3A_2073, %get3A_2074, %get3A_2075] {strides = array<i32>} : memref<2x256x128xf32, #tpu.memory_space<vmem>>, vector<16xf32>,
          %mul3A_2077 = arith.mulf %gather3A_2068, %get3A_2076 : vector<16xf32>
          %add3A_2078 = arith.addf %add3A_2021, %mul3A_2077 : vector<16xf32>
          %get3A_2079 = arith.index_cast %and3A_299 : i32 to index
          %get3A_2080 = arith.index_cast %add3A_2072 : i32 to index
          %get3A_2081 = arith.constant 16 : index
          %get3A_2082 = tpu.vector_load %arg8[%get3A_2079, %get3A_2080, %get3A_2081] {strides = array<i32>} : memref<2x256x128xf32, #tpu.memory_space<vmem>>, vector<16xf32>,
          %mul3A_2083 = arith.mulf %gather3A_2068, %get3A_2082 : vector<16xf32>
          %add3A_2084 = arith.addf %add3A_2027, %mul3A_2083 : vector<16xf32>
          %get3A_2085 = arith.index_cast %and3A_299 : i32 to index
          %get3A_2086 = arith.index_cast %add3A_2072 : i32 to index
          %get3A_2087 = arith.constant 32 : index
          %get3A_2088 = tpu.vector_load %arg8[%get3A_2085, %get3A_2086, %get3A_2087] {strides = array<i32>} : memref<2x256x128xf32, #tpu.memory_space<vmem>>, vector<16xf32>,
          %mul3A_2089 = arith.mulf %gather3A_2068, %get3A_2088 : vector<16xf32>
          %add3A_2090 = arith.addf %add3A_2033, %mul3A_2089 : vector<16xf32>
          %get3A_2091 = arith.index_cast %and3A_299 : i32 to index
          %get3A_2092 = arith.index_cast %add3A_2072 : i32 to index
          %get3A_2093 = arith.constant 48 : index
          %get3A_2094 = tpu.vector_load %arg8[%get3A_2091, %get3A_2092, %get3A_2093] {strides = array<i32>} : memref<2x256x128xf32, #tpu.memory_space<vmem>>, vector<16xf32>,
          %mul3A_2095 = arith.mulf %gather3A_2068, %get3A_2094 : vector<16xf32>
          %add3A_2096 = arith.addf %add3A_2039, %mul3A_2095 : vector<16xf32>
          %get3A_2097 = arith.index_cast %and3A_299 : i32 to index
          %get3A_2098 = arith.index_cast %add3A_2072 : i32 to index
          %get3A_2099 = arith.constant 64 : index
          %get3A_2100 = tpu.vector_load %arg8[%get3A_2097, %get3A_2098, %get3A_2099] {strides = array<i32>} : memref<2x256x128xf32, #tpu.memory_space<vmem>>, vector<16xf32>,
          %mul3A_2101 = arith.mulf %gather3A_2068, %get3A_2100 : vector<16xf32>
          %add3A_2102 = arith.addf %add3A_2045, %mul3A_2101 : vector<16xf32>
          %get3A_2103 = arith.index_cast %and3A_299 : i32 to index
          %get3A_2104 = arith.index_cast %add3A_2072 : i32 to index
          %get3A_2105 = arith.constant 80 : index
          %get3A_2106 = tpu.vector_load %arg8[%get3A_2103, %get3A_2104, %get3A_2105] {strides = array<i32>} : memref<2x256x128xf32, #tpu.memory_space<vmem>>, vector<16xf32>,
          %mul3A_2107 = arith.mulf %gather3A_2068, %get3A_2106 : vector<16xf32>
          %add3A_2108 = arith.addf %add3A_2051, %mul3A_2107 : vector<16xf32>
          %get3A_2109 = arith.index_cast %and3A_299 : i32 to index
          %get3A_2110 = arith.index_cast %add3A_2072 : i32 to index
          %get3A_2111 = arith.constant 96 : index
          %get3A_2112 = tpu.vector_load %arg8[%get3A_2109, %get3A_2110, %get3A_2111] {strides = array<i32>} : memref<2x256x128xf32, #tpu.memory_space<vmem>>, vector<16xf32>,
          %mul3A_2113 = arith.mulf %gather3A_2068, %get3A_2112 : vector<16xf32>
          %add3A_2114 = arith.addf %add3A_2057, %mul3A_2113 : vector<16xf32>
          %get3A_2115 = arith.index_cast %and3A_299 : i32 to index
          %get3A_2116 = arith.index_cast %add3A_2072 : i32 to index
          %get3A_2117 = arith.constant 112 : index
          %get3A_2118 = tpu.vector_load %arg8[%get3A_2115, %get3A_2116, %get3A_2117] {strides = array<i32>} : memref<2x256x128xf32, #tpu.memory_space<vmem>>, vector<16xf32>,
          %mul3A_2119 = arith.mulf %gather3A_2068, %get3A_2118 : vector<16xf32>
          %add3A_2120 = arith.addf %add3A_2063, %mul3A_2119 : vector<16xf32>
          %broadcast_in_dim3A_2121 = arith.constant 10 : i32
          %broadcast_in_dim3A_2122 = vector.broadcast %broadcast_in_dim3A_2121 : i32 to vector<16xi32>
          %reshape3A_2123 = vector.shape_cast %broadcast_in_dim3A_2122 : vector<16xi32> to vector<16x1xi32>
          %gather3A_2124 = vector.shape_cast %reshape3A_2123 : vector<16x1xi32> to vector<16xi32>
          %gather3A_2125 = tpu.dynamic_gather %mul3A_623[%gather3A_2124] in [0] : vector<16xf32>, vector<16xi32> -> vector<16xf32>
          %mul3A_2126 = arith.constant 32 : i32
          %mul3A_2127 = arith.muli %scan3A_452, %mul3A_2126 : i32
          %add3A_2128 = arith.constant 26 : i32
          %add3A_2129 = arith.addi %mul3A_2127, %add3A_2128 : i32
          %get3A_2130 = arith.index_cast %and3A_299 : i32 to index
          %get3A_2131 = arith.index_cast %add3A_2129 : i32 to index
          %get3A_2132 = arith.constant 0 : index
          %get3A_2133 = tpu.vector_load %arg8[%get3A_2130, %get3A_2131, %get3A_2132] {strides = array<i32>} : memref<2x256x128xf32, #tpu.memory_space<vmem>>, vector<16xf32>,
          %mul3A_2134 = arith.mulf %gather3A_2125, %get3A_2133 : vector<16xf32>
          %add3A_2135 = arith.addf %add3A_2078, %mul3A_2134 : vector<16xf32>
          %get3A_2136 = arith.index_cast %and3A_299 : i32 to index
          %get3A_2137 = arith.index_cast %add3A_2129 : i32 to index
          %get3A_2138 = arith.constant 16 : index
          %get3A_2139 = tpu.vector_load %arg8[%get3A_2136, %get3A_2137, %get3A_2138] {strides = array<i32>} : memref<2x256x128xf32, #tpu.memory_space<vmem>>, vector<16xf32>,
          %mul3A_2140 = arith.mulf %gather3A_2125, %get3A_2139 : vector<16xf32>
          %add3A_2141 = arith.addf %add3A_2084, %mul3A_2140 : vector<16xf32>
          %get3A_2142 = arith.index_cast %and3A_299 : i32 to index
          %get3A_2143 = arith.index_cast %add3A_2129 : i32 to index
          %get3A_2144 = arith.constant 32 : index
          %get3A_2145 = tpu.vector_load %arg8[%get3A_2142, %get3A_2143, %get3A_2144] {strides = array<i32>} : memref<2x256x128xf32, #tpu.memory_space<vmem>>, vector<16xf32>,
          %mul3A_2146 = arith.mulf %gather3A_2125, %get3A_2145 : vector<16xf32>
          %add3A_2147 = arith.addf %add3A_2090, %mul3A_2146 : vector<16xf32>
          %get3A_2148 = arith.index_cast %and3A_299 : i32 to index
          %get3A_2149 = arith.index_cast %add3A_2129 : i32 to index
          %get3A_2150 = arith.constant 48 : index
          %get3A_2151 = tpu.vector_load %arg8[%get3A_2148, %get3A_2149, %get3A_2150] {strides = array<i32>} : memref<2x256x128xf32, #tpu.memory_space<vmem>>, vector<16xf32>,
          %mul3A_2152 = arith.mulf %gather3A_2125, %get3A_2151 : vector<16xf32>
          %add3A_2153 = arith.addf %add3A_2096, %mul3A_2152 : vector<16xf32>
          %get3A_2154 = arith.index_cast %and3A_299 : i32 to index
          %get3A_2155 = arith.index_cast %add3A_2129 : i32 to index
          %get3A_2156 = arith.constant 64 : index
          %get3A_2157 = tpu.vector_load %arg8[%get3A_2154, %get3A_2155, %get3A_2156] {strides = array<i32>} : memref<2x256x128xf32, #tpu.memory_space<vmem>>, vector<16xf32>,
          %mul3A_2158 = arith.mulf %gather3A_2125, %get3A_2157 : vector<16xf32>
          %add3A_2159 = arith.addf %add3A_2102, %mul3A_2158 : vector<16xf32>
          %get3A_2160 = arith.index_cast %and3A_299 : i32 to index
          %get3A_2161 = arith.index_cast %add3A_2129 : i32 to index
          %get3A_2162 = arith.constant 80 : index
          %get3A_2163 = tpu.vector_load %arg8[%get3A_2160, %get3A_2161, %get3A_2162] {strides = array<i32>} : memref<2x256x128xf32, #tpu.memory_space<vmem>>, vector<16xf32>,
          %mul3A_2164 = arith.mulf %gather3A_2125, %get3A_2163 : vector<16xf32>
          %add3A_2165 = arith.addf %add3A_2108, %mul3A_2164 : vector<16xf32>
          %get3A_2166 = arith.index_cast %and3A_299 : i32 to index
          %get3A_2167 = arith.index_cast %add3A_2129 : i32 to index
          %get3A_2168 = arith.constant 96 : index
          %get3A_2169 = tpu.vector_load %arg8[%get3A_2166, %get3A_2167, %get3A_2168] {strides = array<i32>} : memref<2x256x128xf32, #tpu.memory_space<vmem>>, vector<16xf32>,
          %mul3A_2170 = arith.mulf %gather3A_2125, %get3A_2169 : vector<16xf32>
          %add3A_2171 = arith.addf %add3A_2114, %mul3A_2170 : vector<16xf32>
          %get3A_2172 = arith.index_cast %and3A_299 : i32 to index
          %get3A_2173 = arith.index_cast %add3A_2129 : i32 to index
          %get3A_2174 = arith.constant 112 : index
          %get3A_2175 = tpu.vector_load %arg8[%get3A_2172, %get3A_2173, %get3A_2174] {strides = array<i32>} : memref<2x256x128xf32, #tpu.memory_space<vmem>>, vector<16xf32>,
          %mul3A_2176 = arith.mulf %gather3A_2125, %get3A_2175 : vector<16xf32>
          %add3A_2177 = arith.addf %add3A_2120, %mul3A_2176 : vector<16xf32>
          %broadcast_in_dim3A_2178 = arith.constant 11 : i32
          %broadcast_in_dim3A_2179 = vector.broadcast %broadcast_in_dim3A_2178 : i32 to vector<16xi32>
          %reshape3A_2180 = vector.shape_cast %broadcast_in_dim3A_2179 : vector<16xi32> to vector<16x1xi32>
          %gather3A_2181 = vector.shape_cast %reshape3A_2180 : vector<16x1xi32> to vector<16xi32>
          %gather3A_2182 = tpu.dynamic_gather %mul3A_623[%gather3A_2181] in [0] : vector<16xf32>, vector<16xi32> -> vector<16xf32>
          %mul3A_2183 = arith.constant 32 : i32
          %mul3A_2184 = arith.muli %scan3A_452, %mul3A_2183 : i32
          %add3A_2185 = arith.constant 27 : i32
          %add3A_2186 = arith.addi %mul3A_2184, %add3A_2185 : i32
          %get3A_2187 = arith.index_cast %and3A_299 : i32 to index
          %get3A_2188 = arith.index_cast %add3A_2186 : i32 to index
          %get3A_2189 = arith.constant 0 : index
          %get3A_2190 = tpu.vector_load %arg8[%get3A_2187, %get3A_2188, %get3A_2189] {strides = array<i32>} : memref<2x256x128xf32, #tpu.memory_space<vmem>>, vector<16xf32>,
          %mul3A_2191 = arith.mulf %gather3A_2182, %get3A_2190 : vector<16xf32>
          %add3A_2192 = arith.addf %add3A_2135, %mul3A_2191 : vector<16xf32>
          %get3A_2193 = arith.index_cast %and3A_299 : i32 to index
          %get3A_2194 = arith.index_cast %add3A_2186 : i32 to index
          %get3A_2195 = arith.constant 16 : index
          %get3A_2196 = tpu.vector_load %arg8[%get3A_2193, %get3A_2194, %get3A_2195] {strides = array<i32>} : memref<2x256x128xf32, #tpu.memory_space<vmem>>, vector<16xf32>,
          %mul3A_2197 = arith.mulf %gather3A_2182, %get3A_2196 : vector<16xf32>
          %add3A_2198 = arith.addf %add3A_2141, %mul3A_2197 : vector<16xf32>
          %get3A_2199 = arith.index_cast %and3A_299 : i32 to index
          %get3A_2200 = arith.index_cast %add3A_2186 : i32 to index
          %get3A_2201 = arith.constant 32 : index
          %get3A_2202 = tpu.vector_load %arg8[%get3A_2199, %get3A_2200, %get3A_2201] {strides = array<i32>} : memref<2x256x128xf32, #tpu.memory_space<vmem>>, vector<16xf32>,
          %mul3A_2203 = arith.mulf %gather3A_2182, %get3A_2202 : vector<16xf32>
          %add3A_2204 = arith.addf %add3A_2147, %mul3A_2203 : vector<16xf32>
          %get3A_2205 = arith.index_cast %and3A_299 : i32 to index
          %get3A_2206 = arith.index_cast %add3A_2186 : i32 to index
          %get3A_2207 = arith.constant 48 : index
          %get3A_2208 = tpu.vector_load %arg8[%get3A_2205, %get3A_2206, %get3A_2207] {strides = array<i32>} : memref<2x256x128xf32, #tpu.memory_space<vmem>>, vector<16xf32>,
          %mul3A_2209 = arith.mulf %gather3A_2182, %get3A_2208 : vector<16xf32>
          %add3A_2210 = arith.addf %add3A_2153, %mul3A_2209 : vector<16xf32>
          %get3A_2211 = arith.index_cast %and3A_299 : i32 to index
          %get3A_2212 = arith.index_cast %add3A_2186 : i32 to index
          %get3A_2213 = arith.constant 64 : index
          %get3A_2214 = tpu.vector_load %arg8[%get3A_2211, %get3A_2212, %get3A_2213] {strides = array<i32>} : memref<2x256x128xf32, #tpu.memory_space<vmem>>, vector<16xf32>,
          %mul3A_2215 = arith.mulf %gather3A_2182, %get3A_2214 : vector<16xf32>
          %add3A_2216 = arith.addf %add3A_2159, %mul3A_2215 : vector<16xf32>
          %get3A_2217 = arith.index_cast %and3A_299 : i32 to index
          %get3A_2218 = arith.index_cast %add3A_2186 : i32 to index
          %get3A_2219 = arith.constant 80 : index
          %get3A_2220 = tpu.vector_load %arg8[%get3A_2217, %get3A_2218, %get3A_2219] {strides = array<i32>} : memref<2x256x128xf32, #tpu.memory_space<vmem>>, vector<16xf32>,
          %mul3A_2221 = arith.mulf %gather3A_2182, %get3A_2220 : vector<16xf32>
          %add3A_2222 = arith.addf %add3A_2165, %mul3A_2221 : vector<16xf32>
          %get3A_2223 = arith.index_cast %and3A_299 : i32 to index
          %get3A_2224 = arith.index_cast %add3A_2186 : i32 to index
          %get3A_2225 = arith.constant 96 : index
          %get3A_2226 = tpu.vector_load %arg8[%get3A_2223, %get3A_2224, %get3A_2225] {strides = array<i32>} : memref<2x256x128xf32, #tpu.memory_space<vmem>>, vector<16xf32>,
          %mul3A_2227 = arith.mulf %gather3A_2182, %get3A_2226 : vector<16xf32>
          %add3A_2228 = arith.addf %add3A_2171, %mul3A_2227 : vector<16xf32>
          %get3A_2229 = arith.index_cast %and3A_299 : i32 to index
          %get3A_2230 = arith.index_cast %add3A_2186 : i32 to index
          %get3A_2231 = arith.constant 112 : index
          %get3A_2232 = tpu.vector_load %arg8[%get3A_2229, %get3A_2230, %get3A_2231] {strides = array<i32>} : memref<2x256x128xf32, #tpu.memory_space<vmem>>, vector<16xf32>,
          %mul3A_2233 = arith.mulf %gather3A_2182, %get3A_2232 : vector<16xf32>
          %add3A_2234 = arith.addf %add3A_2177, %mul3A_2233 : vector<16xf32>
          %broadcast_in_dim3A_2235 = arith.constant 12 : i32
          %broadcast_in_dim3A_2236 = vector.broadcast %broadcast_in_dim3A_2235 : i32 to vector<16xi32>
          %reshape3A_2237 = vector.shape_cast %broadcast_in_dim3A_2236 : vector<16xi32> to vector<16x1xi32>
          %gather3A_2238 = vector.shape_cast %reshape3A_2237 : vector<16x1xi32> to vector<16xi32>
          %gather3A_2239 = tpu.dynamic_gather %mul3A_623[%gather3A_2238] in [0] : vector<16xf32>, vector<16xi32> -> vector<16xf32>
          %mul3A_2240 = arith.constant 32 : i32
          %mul3A_2241 = arith.muli %scan3A_452, %mul3A_2240 : i32
          %add3A_2242 = arith.constant 28 : i32
          %add3A_2243 = arith.addi %mul3A_2241, %add3A_2242 : i32
          %get3A_2244 = arith.index_cast %and3A_299 : i32 to index
          %get3A_2245 = arith.index_cast %add3A_2243 : i32 to index
          %get3A_2246 = arith.constant 0 : index
          %get3A_2247 = tpu.vector_load %arg8[%get3A_2244, %get3A_2245, %get3A_2246] {strides = array<i32>} : memref<2x256x128xf32, #tpu.memory_space<vmem>>, vector<16xf32>,
          %mul3A_2248 = arith.mulf %gather3A_2239, %get3A_2247 : vector<16xf32>
          %add3A_2249 = arith.addf %add3A_2192, %mul3A_2248 : vector<16xf32>
          %get3A_2250 = arith.index_cast %and3A_299 : i32 to index
          %get3A_2251 = arith.index_cast %add3A_2243 : i32 to index
          %get3A_2252 = arith.constant 16 : index
          %get3A_2253 = tpu.vector_load %arg8[%get3A_2250, %get3A_2251, %get3A_2252] {strides = array<i32>} : memref<2x256x128xf32, #tpu.memory_space<vmem>>, vector<16xf32>,
          %mul3A_2254 = arith.mulf %gather3A_2239, %get3A_2253 : vector<16xf32>
          %add3A_2255 = arith.addf %add3A_2198, %mul3A_2254 : vector<16xf32>
          %get3A_2256 = arith.index_cast %and3A_299 : i32 to index
          %get3A_2257 = arith.index_cast %add3A_2243 : i32 to index
          %get3A_2258 = arith.constant 32 : index
          %get3A_2259 = tpu.vector_load %arg8[%get3A_2256, %get3A_2257, %get3A_2258] {strides = array<i32>} : memref<2x256x128xf32, #tpu.memory_space<vmem>>, vector<16xf32>,
          %mul3A_2260 = arith.mulf %gather3A_2239, %get3A_2259 : vector<16xf32>
          %add3A_2261 = arith.addf %add3A_2204, %mul3A_2260 : vector<16xf32>
          %get3A_2262 = arith.index_cast %and3A_299 : i32 to index
          %get3A_2263 = arith.index_cast %add3A_2243 : i32 to index
          %get3A_2264 = arith.constant 48 : index
          %get3A_2265 = tpu.vector_load %arg8[%get3A_2262, %get3A_2263, %get3A_2264] {strides = array<i32>} : memref<2x256x128xf32, #tpu.memory_space<vmem>>, vector<16xf32>,
          %mul3A_2266 = arith.mulf %gather3A_2239, %get3A_2265 : vector<16xf32>
          %add3A_2267 = arith.addf %add3A_2210, %mul3A_2266 : vector<16xf32>
          %get3A_2268 = arith.index_cast %and3A_299 : i32 to index
          %get3A_2269 = arith.index_cast %add3A_2243 : i32 to index
          %get3A_2270 = arith.constant 64 : index
          %get3A_2271 = tpu.vector_load %arg8[%get3A_2268, %get3A_2269, %get3A_2270] {strides = array<i32>} : memref<2x256x128xf32, #tpu.memory_space<vmem>>, vector<16xf32>,
          %mul3A_2272 = arith.mulf %gather3A_2239, %get3A_2271 : vector<16xf32>
          %add3A_2273 = arith.addf %add3A_2216, %mul3A_2272 : vector<16xf32>
          %get3A_2274 = arith.index_cast %and3A_299 : i32 to index
          %get3A_2275 = arith.index_cast %add3A_2243 : i32 to index
          %get3A_2276 = arith.constant 80 : index
          %get3A_2277 = tpu.vector_load %arg8[%get3A_2274, %get3A_2275, %get3A_2276] {strides = array<i32>} : memref<2x256x128xf32, #tpu.memory_space<vmem>>, vector<16xf32>,
          %mul3A_2278 = arith.mulf %gather3A_2239, %get3A_2277 : vector<16xf32>
          %add3A_2279 = arith.addf %add3A_2222, %mul3A_2278 : vector<16xf32>
          %get3A_2280 = arith.index_cast %and3A_299 : i32 to index
          %get3A_2281 = arith.index_cast %add3A_2243 : i32 to index
          %get3A_2282 = arith.constant 96 : index
          %get3A_2283 = tpu.vector_load %arg8[%get3A_2280, %get3A_2281, %get3A_2282] {strides = array<i32>} : memref<2x256x128xf32, #tpu.memory_space<vmem>>, vector<16xf32>,
          %mul3A_2284 = arith.mulf %gather3A_2239, %get3A_2283 : vector<16xf32>
          %add3A_2285 = arith.addf %add3A_2228, %mul3A_2284 : vector<16xf32>
          %get3A_2286 = arith.index_cast %and3A_299 : i32 to index
          %get3A_2287 = arith.index_cast %add3A_2243 : i32 to index
          %get3A_2288 = arith.constant 112 : index
          %get3A_2289 = tpu.vector_load %arg8[%get3A_2286, %get3A_2287, %get3A_2288] {strides = array<i32>} : memref<2x256x128xf32, #tpu.memory_space<vmem>>, vector<16xf32>,
          %mul3A_2290 = arith.mulf %gather3A_2239, %get3A_2289 : vector<16xf32>
          %add3A_2291 = arith.addf %add3A_2234, %mul3A_2290 : vector<16xf32>
          %broadcast_in_dim3A_2292 = arith.constant 13 : i32
          %broadcast_in_dim3A_2293 = vector.broadcast %broadcast_in_dim3A_2292 : i32 to vector<16xi32>
          %reshape3A_2294 = vector.shape_cast %broadcast_in_dim3A_2293 : vector<16xi32> to vector<16x1xi32>
          %gather3A_2295 = vector.shape_cast %reshape3A_2294 : vector<16x1xi32> to vector<16xi32>
          %gather3A_2296 = tpu.dynamic_gather %mul3A_623[%gather3A_2295] in [0] : vector<16xf32>, vector<16xi32> -> vector<16xf32>
          %mul3A_2297 = arith.constant 32 : i32
          %mul3A_2298 = arith.muli %scan3A_452, %mul3A_2297 : i32
          %add3A_2299 = arith.constant 29 : i32
          %add3A_2300 = arith.addi %mul3A_2298, %add3A_2299 : i32
          %get3A_2301 = arith.index_cast %and3A_299 : i32 to index
          %get3A_2302 = arith.index_cast %add3A_2300 : i32 to index
          %get3A_2303 = arith.constant 0 : index
          %get3A_2304 = tpu.vector_load %arg8[%get3A_2301, %get3A_2302, %get3A_2303] {strides = array<i32>} : memref<2x256x128xf32, #tpu.memory_space<vmem>>, vector<16xf32>,
          %mul3A_2305 = arith.mulf %gather3A_2296, %get3A_2304 : vector<16xf32>
          %add3A_2306 = arith.addf %add3A_2249, %mul3A_2305 : vector<16xf32>
          %get3A_2307 = arith.index_cast %and3A_299 : i32 to index
          %get3A_2308 = arith.index_cast %add3A_2300 : i32 to index
          %get3A_2309 = arith.constant 16 : index
          %get3A_2310 = tpu.vector_load %arg8[%get3A_2307, %get3A_2308, %get3A_2309] {strides = array<i32>} : memref<2x256x128xf32, #tpu.memory_space<vmem>>, vector<16xf32>,
          %mul3A_2311 = arith.mulf %gather3A_2296, %get3A_2310 : vector<16xf32>
          %add3A_2312 = arith.addf %add3A_2255, %mul3A_2311 : vector<16xf32>
          %get3A_2313 = arith.index_cast %and3A_299 : i32 to index
          %get3A_2314 = arith.index_cast %add3A_2300 : i32 to index
          %get3A_2315 = arith.constant 32 : index
          %get3A_2316 = tpu.vector_load %arg8[%get3A_2313, %get3A_2314, %get3A_2315] {strides = array<i32>} : memref<2x256x128xf32, #tpu.memory_space<vmem>>, vector<16xf32>,
          %mul3A_2317 = arith.mulf %gather3A_2296, %get3A_2316 : vector<16xf32>
          %add3A_2318 = arith.addf %add3A_2261, %mul3A_2317 : vector<16xf32>
          %get3A_2319 = arith.index_cast %and3A_299 : i32 to index
          %get3A_2320 = arith.index_cast %add3A_2300 : i32 to index
          %get3A_2321 = arith.constant 48 : index
          %get3A_2322 = tpu.vector_load %arg8[%get3A_2319, %get3A_2320, %get3A_2321] {strides = array<i32>} : memref<2x256x128xf32, #tpu.memory_space<vmem>>, vector<16xf32>,
          %mul3A_2323 = arith.mulf %gather3A_2296, %get3A_2322 : vector<16xf32>
          %add3A_2324 = arith.addf %add3A_2267, %mul3A_2323 : vector<16xf32>
          %get3A_2325 = arith.index_cast %and3A_299 : i32 to index
          %get3A_2326 = arith.index_cast %add3A_2300 : i32 to index
          %get3A_2327 = arith.constant 64 : index
          %get3A_2328 = tpu.vector_load %arg8[%get3A_2325, %get3A_2326, %get3A_2327] {strides = array<i32>} : memref<2x256x128xf32, #tpu.memory_space<vmem>>, vector<16xf32>,
          %mul3A_2329 = arith.mulf %gather3A_2296, %get3A_2328 : vector<16xf32>
          %add3A_2330 = arith.addf %add3A_2273, %mul3A_2329 : vector<16xf32>
          %get3A_2331 = arith.index_cast %and3A_299 : i32 to index
          %get3A_2332 = arith.index_cast %add3A_2300 : i32 to index
          %get3A_2333 = arith.constant 80 : index
          %get3A_2334 = tpu.vector_load %arg8[%get3A_2331, %get3A_2332, %get3A_2333] {strides = array<i32>} : memref<2x256x128xf32, #tpu.memory_space<vmem>>, vector<16xf32>,
          %mul3A_2335 = arith.mulf %gather3A_2296, %get3A_2334 : vector<16xf32>
          %add3A_2336 = arith.addf %add3A_2279, %mul3A_2335 : vector<16xf32>
          %get3A_2337 = arith.index_cast %and3A_299 : i32 to index
          %get3A_2338 = arith.index_cast %add3A_2300 : i32 to index
          %get3A_2339 = arith.constant 96 : index
          %get3A_2340 = tpu.vector_load %arg8[%get3A_2337, %get3A_2338, %get3A_2339] {strides = array<i32>} : memref<2x256x128xf32, #tpu.memory_space<vmem>>, vector<16xf32>,
          %mul3A_2341 = arith.mulf %gather3A_2296, %get3A_2340 : vector<16xf32>
          %add3A_2342 = arith.addf %add3A_2285, %mul3A_2341 : vector<16xf32>
          %get3A_2343 = arith.index_cast %and3A_299 : i32 to index
          %get3A_2344 = arith.index_cast %add3A_2300 : i32 to index
          %get3A_2345 = arith.constant 112 : index
          %get3A_2346 = tpu.vector_load %arg8[%get3A_2343, %get3A_2344, %get3A_2345] {strides = array<i32>} : memref<2x256x128xf32, #tpu.memory_space<vmem>>, vector<16xf32>,
          %mul3A_2347 = arith.mulf %gather3A_2296, %get3A_2346 : vector<16xf32>
          %add3A_2348 = arith.addf %add3A_2291, %mul3A_2347 : vector<16xf32>
          %broadcast_in_dim3A_2349 = arith.constant 14 : i32
          %broadcast_in_dim3A_2350 = vector.broadcast %broadcast_in_dim3A_2349 : i32 to vector<16xi32>
          %reshape3A_2351 = vector.shape_cast %broadcast_in_dim3A_2350 : vector<16xi32> to vector<16x1xi32>
          %gather3A_2352 = vector.shape_cast %reshape3A_2351 : vector<16x1xi32> to vector<16xi32>
          %gather3A_2353 = tpu.dynamic_gather %mul3A_623[%gather3A_2352] in [0] : vector<16xf32>, vector<16xi32> -> vector<16xf32>
          %mul3A_2354 = arith.constant 32 : i32
          %mul3A_2355 = arith.muli %scan3A_452, %mul3A_2354 : i32
          %add3A_2356 = arith.constant 30 : i32
          %add3A_2357 = arith.addi %mul3A_2355, %add3A_2356 : i32
          %get3A_2358 = arith.index_cast %and3A_299 : i32 to index
          %get3A_2359 = arith.index_cast %add3A_2357 : i32 to index
          %get3A_2360 = arith.constant 0 : index
          %get3A_2361 = tpu.vector_load %arg8[%get3A_2358, %get3A_2359, %get3A_2360] {strides = array<i32>} : memref<2x256x128xf32, #tpu.memory_space<vmem>>, vector<16xf32>,
          %mul3A_2362 = arith.mulf %gather3A_2353, %get3A_2361 : vector<16xf32>
          %add3A_2363 = arith.addf %add3A_2306, %mul3A_2362 : vector<16xf32>
          %get3A_2364 = arith.index_cast %and3A_299 : i32 to index
          %get3A_2365 = arith.index_cast %add3A_2357 : i32 to index
          %get3A_2366 = arith.constant 16 : index
          %get3A_2367 = tpu.vector_load %arg8[%get3A_2364, %get3A_2365, %get3A_2366] {strides = array<i32>} : memref<2x256x128xf32, #tpu.memory_space<vmem>>, vector<16xf32>,
          %mul3A_2368 = arith.mulf %gather3A_2353, %get3A_2367 : vector<16xf32>
          %add3A_2369 = arith.addf %add3A_2312, %mul3A_2368 : vector<16xf32>
          %get3A_2370 = arith.index_cast %and3A_299 : i32 to index
          %get3A_2371 = arith.index_cast %add3A_2357 : i32 to index
          %get3A_2372 = arith.constant 32 : index
          %get3A_2373 = tpu.vector_load %arg8[%get3A_2370, %get3A_2371, %get3A_2372] {strides = array<i32>} : memref<2x256x128xf32, #tpu.memory_space<vmem>>, vector<16xf32>,
          %mul3A_2374 = arith.mulf %gather3A_2353, %get3A_2373 : vector<16xf32>
          %add3A_2375 = arith.addf %add3A_2318, %mul3A_2374 : vector<16xf32>
          %get3A_2376 = arith.index_cast %and3A_299 : i32 to index
          %get3A_2377 = arith.index_cast %add3A_2357 : i32 to index
          %get3A_2378 = arith.constant 48 : index
          %get3A_2379 = tpu.vector_load %arg8[%get3A_2376, %get3A_2377, %get3A_2378] {strides = array<i32>} : memref<2x256x128xf32, #tpu.memory_space<vmem>>, vector<16xf32>,
          %mul3A_2380 = arith.mulf %gather3A_2353, %get3A_2379 : vector<16xf32>
          %add3A_2381 = arith.addf %add3A_2324, %mul3A_2380 : vector<16xf32>
          %get3A_2382 = arith.index_cast %and3A_299 : i32 to index
          %get3A_2383 = arith.index_cast %add3A_2357 : i32 to index
          %get3A_2384 = arith.constant 64 : index
          %get3A_2385 = tpu.vector_load %arg8[%get3A_2382, %get3A_2383, %get3A_2384] {strides = array<i32>} : memref<2x256x128xf32, #tpu.memory_space<vmem>>, vector<16xf32>,
          %mul3A_2386 = arith.mulf %gather3A_2353, %get3A_2385 : vector<16xf32>
          %add3A_2387 = arith.addf %add3A_2330, %mul3A_2386 : vector<16xf32>
          %get3A_2388 = arith.index_cast %and3A_299 : i32 to index
          %get3A_2389 = arith.index_cast %add3A_2357 : i32 to index
          %get3A_2390 = arith.constant 80 : index
          %get3A_2391 = tpu.vector_load %arg8[%get3A_2388, %get3A_2389, %get3A_2390] {strides = array<i32>} : memref<2x256x128xf32, #tpu.memory_space<vmem>>, vector<16xf32>,
          %mul3A_2392 = arith.mulf %gather3A_2353, %get3A_2391 : vector<16xf32>
          %add3A_2393 = arith.addf %add3A_2336, %mul3A_2392 : vector<16xf32>
          %get3A_2394 = arith.index_cast %and3A_299 : i32 to index
          %get3A_2395 = arith.index_cast %add3A_2357 : i32 to index
          %get3A_2396 = arith.constant 96 : index
          %get3A_2397 = tpu.vector_load %arg8[%get3A_2394, %get3A_2395, %get3A_2396] {strides = array<i32>} : memref<2x256x128xf32, #tpu.memory_space<vmem>>, vector<16xf32>,
          %mul3A_2398 = arith.mulf %gather3A_2353, %get3A_2397 : vector<16xf32>
          %add3A_2399 = arith.addf %add3A_2342, %mul3A_2398 : vector<16xf32>
          %get3A_2400 = arith.index_cast %and3A_299 : i32 to index
          %get3A_2401 = arith.index_cast %add3A_2357 : i32 to index
          %get3A_2402 = arith.constant 112 : index
          %get3A_2403 = tpu.vector_load %arg8[%get3A_2400, %get3A_2401, %get3A_2402] {strides = array<i32>} : memref<2x256x128xf32, #tpu.memory_space<vmem>>, vector<16xf32>,
          %mul3A_2404 = arith.mulf %gather3A_2353, %get3A_2403 : vector<16xf32>
          %add3A_2405 = arith.addf %add3A_2348, %mul3A_2404 : vector<16xf32>
          %broadcast_in_dim3A_2406 = arith.constant 15 : i32
          %broadcast_in_dim3A_2407 = vector.broadcast %broadcast_in_dim3A_2406 : i32 to vector<16xi32>
          %reshape3A_2408 = vector.shape_cast %broadcast_in_dim3A_2407 : vector<16xi32> to vector<16x1xi32>
          %gather3A_2409 = vector.shape_cast %reshape3A_2408 : vector<16x1xi32> to vector<16xi32>
          %gather3A_2410 = tpu.dynamic_gather %mul3A_623[%gather3A_2409] in [0] : vector<16xf32>, vector<16xi32> -> vector<16xf32>
          %mul3A_2411 = arith.constant 32 : i32
          %mul3A_2412 = arith.muli %scan3A_452, %mul3A_2411 : i32
          %add3A_2413 = arith.constant 31 : i32
          %add3A_2414 = arith.addi %mul3A_2412, %add3A_2413 : i32
          %get3A_2415 = arith.index_cast %and3A_299 : i32 to index
          %get3A_2416 = arith.index_cast %add3A_2414 : i32 to index
          %get3A_2417 = arith.constant 0 : index
          %get3A_2418 = tpu.vector_load %arg8[%get3A_2415, %get3A_2416, %get3A_2417] {strides = array<i32>} : memref<2x256x128xf32, #tpu.memory_space<vmem>>, vector<16xf32>,
          %mul3A_2419 = arith.mulf %gather3A_2410, %get3A_2418 : vector<16xf32>
          %add3A_2420 = arith.addf %add3A_2363, %mul3A_2419 : vector<16xf32>
          %get3A_2421 = arith.index_cast %and3A_299 : i32 to index
          %get3A_2422 = arith.index_cast %add3A_2414 : i32 to index
          %get3A_2423 = arith.constant 16 : index
          %get3A_2424 = tpu.vector_load %arg8[%get3A_2421, %get3A_2422, %get3A_2423] {strides = array<i32>} : memref<2x256x128xf32, #tpu.memory_space<vmem>>, vector<16xf32>,
          %mul3A_2425 = arith.mulf %gather3A_2410, %get3A_2424 : vector<16xf32>
          %add3A_2426 = arith.addf %add3A_2369, %mul3A_2425 : vector<16xf32>
          %get3A_2427 = arith.index_cast %and3A_299 : i32 to index
          %get3A_2428 = arith.index_cast %add3A_2414 : i32 to index
          %get3A_2429 = arith.constant 32 : index
          %get3A_2430 = tpu.vector_load %arg8[%get3A_2427, %get3A_2428, %get3A_2429] {strides = array<i32>} : memref<2x256x128xf32, #tpu.memory_space<vmem>>, vector<16xf32>,
          %mul3A_2431 = arith.mulf %gather3A_2410, %get3A_2430 : vector<16xf32>
          %add3A_2432 = arith.addf %add3A_2375, %mul3A_2431 : vector<16xf32>
          %get3A_2433 = arith.index_cast %and3A_299 : i32 to index
          %get3A_2434 = arith.index_cast %add3A_2414 : i32 to index
          %get3A_2435 = arith.constant 48 : index
          %get3A_2436 = tpu.vector_load %arg8[%get3A_2433, %get3A_2434, %get3A_2435] {strides = array<i32>} : memref<2x256x128xf32, #tpu.memory_space<vmem>>, vector<16xf32>,
          %mul3A_2437 = arith.mulf %gather3A_2410, %get3A_2436 : vector<16xf32>
          %add3A_2438 = arith.addf %add3A_2381, %mul3A_2437 : vector<16xf32>
          %get3A_2439 = arith.index_cast %and3A_299 : i32 to index
          %get3A_2440 = arith.index_cast %add3A_2414 : i32 to index
          %get3A_2441 = arith.constant 64 : index
          %get3A_2442 = tpu.vector_load %arg8[%get3A_2439, %get3A_2440, %get3A_2441] {strides = array<i32>} : memref<2x256x128xf32, #tpu.memory_space<vmem>>, vector<16xf32>,
          %mul3A_2443 = arith.mulf %gather3A_2410, %get3A_2442 : vector<16xf32>
          %add3A_2444 = arith.addf %add3A_2387, %mul3A_2443 : vector<16xf32>
          %get3A_2445 = arith.index_cast %and3A_299 : i32 to index
          %get3A_2446 = arith.index_cast %add3A_2414 : i32 to index
          %get3A_2447 = arith.constant 80 : index
          %get3A_2448 = tpu.vector_load %arg8[%get3A_2445, %get3A_2446, %get3A_2447] {strides = array<i32>} : memref<2x256x128xf32, #tpu.memory_space<vmem>>, vector<16xf32>,
          %mul3A_2449 = arith.mulf %gather3A_2410, %get3A_2448 : vector<16xf32>
          %add3A_2450 = arith.addf %add3A_2393, %mul3A_2449 : vector<16xf32>
          %get3A_2451 = arith.index_cast %and3A_299 : i32 to index
          %get3A_2452 = arith.index_cast %add3A_2414 : i32 to index
          %get3A_2453 = arith.constant 96 : index
          %get3A_2454 = tpu.vector_load %arg8[%get3A_2451, %get3A_2452, %get3A_2453] {strides = array<i32>} : memref<2x256x128xf32, #tpu.memory_space<vmem>>, vector<16xf32>,
          %mul3A_2455 = arith.mulf %gather3A_2410, %get3A_2454 : vector<16xf32>
          %add3A_2456 = arith.addf %add3A_2399, %mul3A_2455 : vector<16xf32>
          %get3A_2457 = arith.index_cast %and3A_299 : i32 to index
          %get3A_2458 = arith.index_cast %add3A_2414 : i32 to index
          %get3A_2459 = arith.constant 112 : index
          %get3A_2460 = tpu.vector_load %arg8[%get3A_2457, %get3A_2458, %get3A_2459] {strides = array<i32>} : memref<2x256x128xf32, #tpu.memory_space<vmem>>, vector<16xf32>,
          %mul3A_2461 = arith.mulf %gather3A_2410, %get3A_2460 : vector<16xf32>
          %add3A_2462 = arith.addf %add3A_2405, %mul3A_2461 : vector<16xf32>
          %swap3A = arith.index_cast %and3A_299 : i32 to index
          %swap3A_2463 = arith.index_cast %scan3A_452 : i32 to index
          %swap3A_2464 = arith.constant 0 : index
          %swap3A_2465 = tpu.vector_load %arg9[%swap3A, %swap3A_2463, %swap3A_2464] {strides = array<i32>} : memref<2x8x128xf32, #tpu.memory_space<vmem>>, vector<16xf32>,
          tpu.vector_store %arg9[%swap3A, %swap3A_2463, %swap3A_2464], %add3A_2420 {strides = array<i32>} : memref<2x8x128xf32, #tpu.memory_space<vmem>>, vector<16xf32>,
          %swap3A_2466 = arith.index_cast %and3A_299 : i32 to index
          %swap3A_2467 = arith.index_cast %scan3A_452 : i32 to index
          %swap3A_2468 = arith.constant 16 : index
          %swap3A_2469 = tpu.vector_load %arg9[%swap3A_2466, %swap3A_2467, %swap3A_2468] {strides = array<i32>} : memref<2x8x128xf32, #tpu.memory_space<vmem>>, vector<16xf32>,
          tpu.vector_store %arg9[%swap3A_2466, %swap3A_2467, %swap3A_2468], %add3A_2426 {strides = array<i32>} : memref<2x8x128xf32, #tpu.memory_space<vmem>>, vector<16xf32>,
          %swap3A_2470 = arith.index_cast %and3A_299 : i32 to index
          %swap3A_2471 = arith.index_cast %scan3A_452 : i32 to index
          %swap3A_2472 = arith.constant 32 : index
          %swap3A_2473 = tpu.vector_load %arg9[%swap3A_2470, %swap3A_2471, %swap3A_2472] {strides = array<i32>} : memref<2x8x128xf32, #tpu.memory_space<vmem>>, vector<16xf32>,
          tpu.vector_store %arg9[%swap3A_2470, %swap3A_2471, %swap3A_2472], %add3A_2432 {strides = array<i32>} : memref<2x8x128xf32, #tpu.memory_space<vmem>>, vector<16xf32>,
          %swap3A_2474 = arith.index_cast %and3A_299 : i32 to index
          %swap3A_2475 = arith.index_cast %scan3A_452 : i32 to index
          %swap3A_2476 = arith.constant 48 : index
          %swap3A_2477 = tpu.vector_load %arg9[%swap3A_2474, %swap3A_2475, %swap3A_2476] {strides = array<i32>} : memref<2x8x128xf32, #tpu.memory_space<vmem>>, vector<16xf32>,
          tpu.vector_store %arg9[%swap3A_2474, %swap3A_2475, %swap3A_2476], %add3A_2438 {strides = array<i32>} : memref<2x8x128xf32, #tpu.memory_space<vmem>>, vector<16xf32>,
          %swap3A_2478 = arith.index_cast %and3A_299 : i32 to index
          %swap3A_2479 = arith.index_cast %scan3A_452 : i32 to index
          %swap3A_2480 = arith.constant 64 : index
          %swap3A_2481 = tpu.vector_load %arg9[%swap3A_2478, %swap3A_2479, %swap3A_2480] {strides = array<i32>} : memref<2x8x128xf32, #tpu.memory_space<vmem>>, vector<16xf32>,
          tpu.vector_store %arg9[%swap3A_2478, %swap3A_2479, %swap3A_2480], %add3A_2444 {strides = array<i32>} : memref<2x8x128xf32, #tpu.memory_space<vmem>>, vector<16xf32>,
          %swap3A_2482 = arith.index_cast %and3A_299 : i32 to index
          %swap3A_2483 = arith.index_cast %scan3A_452 : i32 to index
          %swap3A_2484 = arith.constant 80 : index
          %swap3A_2485 = tpu.vector_load %arg9[%swap3A_2482, %swap3A_2483, %swap3A_2484] {strides = array<i32>} : memref<2x8x128xf32, #tpu.memory_space<vmem>>, vector<16xf32>,
          tpu.vector_store %arg9[%swap3A_2482, %swap3A_2483, %swap3A_2484], %add3A_2450 {strides = array<i32>} : memref<2x8x128xf32, #tpu.memory_space<vmem>>, vector<16xf32>,
          %swap3A_2486 = arith.index_cast %and3A_299 : i32 to index
          %swap3A_2487 = arith.index_cast %scan3A_452 : i32 to index
          %swap3A_2488 = arith.constant 96 : index
          %swap3A_2489 = tpu.vector_load %arg9[%swap3A_2486, %swap3A_2487, %swap3A_2488] {strides = array<i32>} : memref<2x8x128xf32, #tpu.memory_space<vmem>>, vector<16xf32>,
          tpu.vector_store %arg9[%swap3A_2486, %swap3A_2487, %swap3A_2488], %add3A_2456 {strides = array<i32>} : memref<2x8x128xf32, #tpu.memory_space<vmem>>, vector<16xf32>,
          %swap3A_2490 = arith.index_cast %and3A_299 : i32 to index
          %swap3A_2491 = arith.index_cast %scan3A_452 : i32 to index
          %swap3A_2492 = arith.constant 112 : index
          %swap3A_2493 = tpu.vector_load %arg9[%swap3A_2490, %swap3A_2491, %swap3A_2492] {strides = array<i32>} : memref<2x8x128xf32, #tpu.memory_space<vmem>>, vector<16xf32>,
          tpu.vector_store %arg9[%swap3A_2490, %swap3A_2491, %swap3A_2492], %add3A_2462 {strides = array<i32>} : memref<2x8x128xf32, #tpu.memory_space<vmem>>, vector<16xf32>,
        }
        %scan3A_344 = arith.constant 8 : i32
        %dma_start3A = arith.constant 0 : i32
        %dma_start3A_345 = arith.constant 0 : i32
        %dma_start3A_346 = tpu.memref_slice %arg9[%and3A_299, %dma_start3A, %dma_start3A_345] : memref<2x8x128xf32, #tpu.memory_space<vmem>> -> memref<1x8x128xf32, #tpu.memory_space<vmem>>
        %dma_start3A_347 = tpu.memref_squeeze %dma_start3A_346 : memref<1x8x128xf32, #tpu.memory_space<vmem>> -> memref<8x128xf32, #tpu.memory_space<vmem>>
        %dma_start3A_348 = arith.constant 0 : i32
        %dma_start3A_349 = tpu.memref_slice %arg5[%mul3A_312, %dma_start3A_348] : memref<10000x1152xf32, #tpu.memory_space<hbm>> -> memref<8x128xf32, #tpu.memory_space<hbm>>
        %dma_start3A_350 = arith.constant 0 : i32
        %dma_start3A_351 = tpu.memref_slice %arg5[%mul3A_312, %dma_start3A_350] : memref<10000x1152xf32, #tpu.memory_space<hbm>> -> memref<8x128xf32, #tpu.memory_space<hbm>>
        %dma_start3A_352 = arith.constant 0 : i32
        %dma_start3A_353 = arith.constant 0 : i32
        %dma_start3A_354 = tpu.memref_slice %arg9[%and3A_299, %dma_start3A_352, %dma_start3A_353] : memref<2x8x128xf32, #tpu.memory_space<vmem>> -> memref<1x8x128xf32, #tpu.memory_space<vmem>>
        %dma_start3A_355 = tpu.memref_squeeze %dma_start3A_354 : memref<1x8x128xf32, #tpu.memory_space<vmem>> -> memref<8x128xf32, #tpu.memory_space<vmem>>
        tpu.enqueue_dma source(%dma_start3A_355 : memref<8x128xf32, #tpu.memory_space<vmem>>) target(%dma_start3A_351 : memref<8x128xf32, #tpu.memory_space<hbm>>) target_semaphore(%arg11 : memref<!tpu.dma_semaphore, #tpu.memory_space<semaphore_mem>>)
        %dma_start3A_356 = arith.constant 0 : i32
        %dma_start3A_357 = arith.constant 0 : i32
        %dma_start3A_358 = tpu.memref_slice %arg9[%and3A_299, %dma_start3A_356, %dma_start3A_357] : memref<2x8x128xf32, #tpu.memory_space<vmem>> -> memref<1x8x128xf32, #tpu.memory_space<vmem>>
        %dma_start3A_359 = tpu.memref_squeeze %dma_start3A_358 : memref<1x8x128xf32, #tpu.memory_space<vmem>> -> memref<8x128xf32, #tpu.memory_space<vmem>>
        %dma_start3A_360 = arith.constant 128 : i32
        %dma_start3A_361 = tpu.memref_slice %arg5[%mul3A_312, %dma_start3A_360] : memref<10000x1152xf32, #tpu.memory_space<hbm>> -> memref<8x128xf32, #tpu.memory_space<hbm>>
        %dma_start3A_362 = arith.constant 128 : i32
        %dma_start3A_363 = tpu.memref_slice %arg5[%mul3A_312, %dma_start3A_362] : memref<10000x1152xf32, #tpu.memory_space<hbm>> -> memref<8x128xf32, #tpu.memory_space<hbm>>
        %dma_start3A_364 = arith.constant 0 : i32
        %dma_start3A_365 = arith.constant 0 : i32
        %dma_start3A_366 = tpu.memref_slice %arg9[%and3A_299, %dma_start3A_364, %dma_start3A_365] : memref<2x8x128xf32, #tpu.memory_space<vmem>> -> memref<1x8x128xf32, #tpu.memory_space<vmem>>
        %dma_start3A_367 = tpu.memref_squeeze %dma_start3A_366 : memref<1x8x128xf32, #tpu.memory_space<vmem>> -> memref<8x128xf32, #tpu.memory_space<vmem>>
        tpu.enqueue_dma source(%dma_start3A_367 : memref<8x128xf32, #tpu.memory_space<vmem>>) target(%dma_start3A_363 : memref<8x128xf32, #tpu.memory_space<hbm>>) target_semaphore(%arg11 : memref<!tpu.dma_semaphore, #tpu.memory_space<semaphore_mem>>)
        %dma_start3A_368 = arith.constant 0 : i32
        %dma_start3A_369 = arith.constant 0 : i32
        %dma_start3A_370 = tpu.memref_slice %arg9[%and3A_299, %dma_start3A_368, %dma_start3A_369] : memref<2x8x128xf32, #tpu.memory_space<vmem>> -> memref<1x8x128xf32, #tpu.memory_space<vmem>>
        %dma_start3A_371 = tpu.memref_squeeze %dma_start3A_370 : memref<1x8x128xf32, #tpu.memory_space<vmem>> -> memref<8x128xf32, #tpu.memory_space<vmem>>
        %dma_start3A_372 = arith.constant 256 : i32
        %dma_start3A_373 = tpu.memref_slice %arg5[%mul3A_312, %dma_start3A_372] : memref<10000x1152xf32, #tpu.memory_space<hbm>> -> memref<8x128xf32, #tpu.memory_space<hbm>>
        %dma_start3A_374 = arith.constant 256 : i32
        %dma_start3A_375 = tpu.memref_slice %arg5[%mul3A_312, %dma_start3A_374] : memref<10000x1152xf32, #tpu.memory_space<hbm>> -> memref<8x128xf32, #tpu.memory_space<hbm>>
        %dma_start3A_376 = arith.constant 0 : i32
        %dma_start3A_377 = arith.constant 0 : i32
        %dma_start3A_378 = tpu.memref_slice %arg9[%and3A_299, %dma_start3A_376, %dma_start3A_377] : memref<2x8x128xf32, #tpu.memory_space<vmem>> -> memref<1x8x128xf32, #tpu.memory_space<vmem>>
        %dma_start3A_379 = tpu.memref_squeeze %dma_start3A_378 : memref<1x8x128xf32, #tpu.memory_space<vmem>> -> memref<8x128xf32, #tpu.memory_space<vmem>>
        tpu.enqueue_dma source(%dma_start3A_379 : memref<8x128xf32, #tpu.memory_space<vmem>>) target(%dma_start3A_375 : memref<8x128xf32, #tpu.memory_space<hbm>>) target_semaphore(%arg11 : memref<!tpu.dma_semaphore, #tpu.memory_space<semaphore_mem>>)
        %dma_start3A_380 = arith.constant 0 : i32
        %dma_start3A_381 = arith.constant 0 : i32
        %dma_start3A_382 = tpu.memref_slice %arg9[%and3A_299, %dma_start3A_380, %dma_start3A_381] : memref<2x8x128xf32, #tpu.memory_space<vmem>> -> memref<1x8x128xf32, #tpu.memory_space<vmem>>
        %dma_start3A_383 = tpu.memref_squeeze %dma_start3A_382 : memref<1x8x128xf32, #tpu.memory_space<vmem>> -> memref<8x128xf32, #tpu.memory_space<vmem>>
        %dma_start3A_384 = arith.constant 384 : i32
        %dma_start3A_385 = tpu.memref_slice %arg5[%mul3A_312, %dma_start3A_384] : memref<10000x1152xf32, #tpu.memory_space<hbm>> -> memref<8x128xf32, #tpu.memory_space<hbm>>
        %dma_start3A_386 = arith.constant 384 : i32
        %dma_start3A_387 = tpu.memref_slice %arg5[%mul3A_312, %dma_start3A_386] : memref<10000x1152xf32, #tpu.memory_space<hbm>> -> memref<8x128xf32, #tpu.memory_space<hbm>>
        %dma_start3A_388 = arith.constant 0 : i32
        %dma_start3A_389 = arith.constant 0 : i32
        %dma_start3A_390 = tpu.memref_slice %arg9[%and3A_299, %dma_start3A_388, %dma_start3A_389] : memref<2x8x128xf32, #tpu.memory_space<vmem>> -> memref<1x8x128xf32, #tpu.memory_space<vmem>>
        %dma_start3A_391 = tpu.memref_squeeze %dma_start3A_390 : memref<1x8x128xf32, #tpu.memory_space<vmem>> -> memref<8x128xf32, #tpu.memory_space<vmem>>
        tpu.enqueue_dma source(%dma_start3A_391 : memref<8x128xf32, #tpu.memory_space<vmem>>) target(%dma_start3A_387 : memref<8x128xf32, #tpu.memory_space<hbm>>) target_semaphore(%arg11 : memref<!tpu.dma_semaphore, #tpu.memory_space<semaphore_mem>>)
        %dma_start3A_392 = arith.constant 0 : i32
        %dma_start3A_393 = arith.constant 0 : i32
        %dma_start3A_394 = tpu.memref_slice %arg9[%and3A_299, %dma_start3A_392, %dma_start3A_393] : memref<2x8x128xf32, #tpu.memory_space<vmem>> -> memref<1x8x128xf32, #tpu.memory_space<vmem>>
        %dma_start3A_395 = tpu.memref_squeeze %dma_start3A_394 : memref<1x8x128xf32, #tpu.memory_space<vmem>> -> memref<8x128xf32, #tpu.memory_space<vmem>>
        %dma_start3A_396 = arith.constant 512 : i32
        %dma_start3A_397 = tpu.memref_slice %arg5[%mul3A_312, %dma_start3A_396] : memref<10000x1152xf32, #tpu.memory_space<hbm>> -> memref<8x128xf32, #tpu.memory_space<hbm>>
        %dma_start3A_398 = arith.constant 512 : i32
        %dma_start3A_399 = tpu.memref_slice %arg5[%mul3A_312, %dma_start3A_398] : memref<10000x1152xf32, #tpu.memory_space<hbm>> -> memref<8x128xf32, #tpu.memory_space<hbm>>
        %dma_start3A_400 = arith.constant 0 : i32
        %dma_start3A_401 = arith.constant 0 : i32
        %dma_start3A_402 = tpu.memref_slice %arg9[%and3A_299, %dma_start3A_400, %dma_start3A_401] : memref<2x8x128xf32, #tpu.memory_space<vmem>> -> memref<1x8x128xf32, #tpu.memory_space<vmem>>
        %dma_start3A_403 = tpu.memref_squeeze %dma_start3A_402 : memref<1x8x128xf32, #tpu.memory_space<vmem>> -> memref<8x128xf32, #tpu.memory_space<vmem>>
        tpu.enqueue_dma source(%dma_start3A_403 : memref<8x128xf32, #tpu.memory_space<vmem>>) target(%dma_start3A_399 : memref<8x128xf32, #tpu.memory_space<hbm>>) target_semaphore(%arg11 : memref<!tpu.dma_semaphore, #tpu.memory_space<semaphore_mem>>)
        %dma_start3A_404 = arith.constant 0 : i32
        %dma_start3A_405 = arith.constant 0 : i32
        %dma_start3A_406 = tpu.memref_slice %arg9[%and3A_299, %dma_start3A_404, %dma_start3A_405] : memref<2x8x128xf32, #tpu.memory_space<vmem>> -> memref<1x8x128xf32, #tpu.memory_space<vmem>>
        %dma_start3A_407 = tpu.memref_squeeze %dma_start3A_406 : memref<1x8x128xf32, #tpu.memory_space<vmem>> -> memref<8x128xf32, #tpu.memory_space<vmem>>
        %dma_start3A_408 = arith.constant 640 : i32
        %dma_start3A_409 = tpu.memref_slice %arg5[%mul3A_312, %dma_start3A_408] : memref<10000x1152xf32, #tpu.memory_space<hbm>> -> memref<8x128xf32, #tpu.memory_space<hbm>>
        %dma_start3A_410 = arith.constant 640 : i32
        %dma_start3A_411 = tpu.memref_slice %arg5[%mul3A_312, %dma_start3A_410] : memref<10000x1152xf32, #tpu.memory_space<hbm>> -> memref<8x128xf32, #tpu.memory_space<hbm>>
        %dma_start3A_412 = arith.constant 0 : i32
        %dma_start3A_413 = arith.constant 0 : i32
        %dma_start3A_414 = tpu.memref_slice %arg9[%and3A_299, %dma_start3A_412, %dma_start3A_413] : memref<2x8x128xf32, #tpu.memory_space<vmem>> -> memref<1x8x128xf32, #tpu.memory_space<vmem>>
        %dma_start3A_415 = tpu.memref_squeeze %dma_start3A_414 : memref<1x8x128xf32, #tpu.memory_space<vmem>> -> memref<8x128xf32, #tpu.memory_space<vmem>>
        tpu.enqueue_dma source(%dma_start3A_415 : memref<8x128xf32, #tpu.memory_space<vmem>>) target(%dma_start3A_411 : memref<8x128xf32, #tpu.memory_space<hbm>>) target_semaphore(%arg11 : memref<!tpu.dma_semaphore, #tpu.memory_space<semaphore_mem>>)
        %dma_start3A_416 = arith.constant 0 : i32
        %dma_start3A_417 = arith.constant 0 : i32
        %dma_start3A_418 = tpu.memref_slice %arg9[%and3A_299, %dma_start3A_416, %dma_start3A_417] : memref<2x8x128xf32, #tpu.memory_space<vmem>> -> memref<1x8x128xf32, #tpu.memory_space<vmem>>
        %dma_start3A_419 = tpu.memref_squeeze %dma_start3A_418 : memref<1x8x128xf32, #tpu.memory_space<vmem>> -> memref<8x128xf32, #tpu.memory_space<vmem>>
        %dma_start3A_420 = arith.constant 768 : i32
        %dma_start3A_421 = tpu.memref_slice %arg5[%mul3A_312, %dma_start3A_420] : memref<10000x1152xf32, #tpu.memory_space<hbm>> -> memref<8x128xf32, #tpu.memory_space<hbm>>
        %dma_start3A_422 = arith.constant 768 : i32
        %dma_start3A_423 = tpu.memref_slice %arg5[%mul3A_312, %dma_start3A_422] : memref<10000x1152xf32, #tpu.memory_space<hbm>> -> memref<8x128xf32, #tpu.memory_space<hbm>>
        %dma_start3A_424 = arith.constant 0 : i32
        %dma_start3A_425 = arith.constant 0 : i32
        %dma_start3A_426 = tpu.memref_slice %arg9[%and3A_299, %dma_start3A_424, %dma_start3A_425] : memref<2x8x128xf32, #tpu.memory_space<vmem>> -> memref<1x8x128xf32, #tpu.memory_space<vmem>>
        %dma_start3A_427 = tpu.memref_squeeze %dma_start3A_426 : memref<1x8x128xf32, #tpu.memory_space<vmem>> -> memref<8x128xf32, #tpu.memory_space<vmem>>
        tpu.enqueue_dma source(%dma_start3A_427 : memref<8x128xf32, #tpu.memory_space<vmem>>) target(%dma_start3A_423 : memref<8x128xf32, #tpu.memory_space<hbm>>) target_semaphore(%arg11 : memref<!tpu.dma_semaphore, #tpu.memory_space<semaphore_mem>>)
        %dma_start3A_428 = arith.constant 0 : i32
        %dma_start3A_429 = arith.constant 0 : i32
        %dma_start3A_430 = tpu.memref_slice %arg9[%and3A_299, %dma_start3A_428, %dma_start3A_429] : memref<2x8x128xf32, #tpu.memory_space<vmem>> -> memref<1x8x128xf32, #tpu.memory_space<vmem>>
        %dma_start3A_431 = tpu.memref_squeeze %dma_start3A_430 : memref<1x8x128xf32, #tpu.memory_space<vmem>> -> memref<8x128xf32, #tpu.memory_space<vmem>>
        %dma_start3A_432 = arith.constant 896 : i32
        %dma_start3A_433 = tpu.memref_slice %arg5[%mul3A_312, %dma_start3A_432] : memref<10000x1152xf32, #tpu.memory_space<hbm>> -> memref<8x128xf32, #tpu.memory_space<hbm>>
        %dma_start3A_434 = arith.constant 896 : i32
        %dma_start3A_435 = tpu.memref_slice %arg5[%mul3A_312, %dma_start3A_434] : memref<10000x1152xf32, #tpu.memory_space<hbm>> -> memref<8x128xf32, #tpu.memory_space<hbm>>
        %dma_start3A_436 = arith.constant 0 : i32
        %dma_start3A_437 = arith.constant 0 : i32
        %dma_start3A_438 = tpu.memref_slice %arg9[%and3A_299, %dma_start3A_436, %dma_start3A_437] : memref<2x8x128xf32, #tpu.memory_space<vmem>> -> memref<1x8x128xf32, #tpu.memory_space<vmem>>
        %dma_start3A_439 = tpu.memref_squeeze %dma_start3A_438 : memref<1x8x128xf32, #tpu.memory_space<vmem>> -> memref<8x128xf32, #tpu.memory_space<vmem>>
        tpu.enqueue_dma source(%dma_start3A_439 : memref<8x128xf32, #tpu.memory_space<vmem>>) target(%dma_start3A_435 : memref<8x128xf32, #tpu.memory_space<hbm>>) target_semaphore(%arg11 : memref<!tpu.dma_semaphore, #tpu.memory_space<semaphore_mem>>)
        %dma_start3A_440 = arith.constant 0 : i32
        %dma_start3A_441 = arith.constant 0 : i32
        %dma_start3A_442 = tpu.memref_slice %arg9[%and3A_299, %dma_start3A_440, %dma_start3A_441] : memref<2x8x128xf32, #tpu.memory_space<vmem>> -> memref<1x8x128xf32, #tpu.memory_space<vmem>>
        %dma_start3A_443 = tpu.memref_squeeze %dma_start3A_442 : memref<1x8x128xf32, #tpu.memory_space<vmem>> -> memref<8x128xf32, #tpu.memory_space<vmem>>
        %dma_start3A_444 = arith.constant 1024 : i32
        %dma_start3A_445 = tpu.memref_slice %arg5[%mul3A_312, %dma_start3A_444] : memref<10000x1152xf32, #tpu.memory_space<hbm>> -> memref<8x128xf32, #tpu.memory_space<hbm>>
        %dma_start3A_446 = arith.constant 1024 : i32
        %dma_start3A_447 = tpu.memref_slice %arg5[%mul3A_312, %dma_start3A_446] : memref<10000x1152xf32, #tpu.memory_space<hbm>> -> memref<8x128xf32, #tpu.memory_space<hbm>>
        %dma_start3A_448 = arith.constant 0 : i32
        %dma_start3A_449 = arith.constant 0 : i32
        %dma_start3A_450 = tpu.memref_slice %arg9[%and3A_299, %dma_start3A_448, %dma_start3A_449] : memref<2x8x128xf32, #tpu.memory_space<vmem>> -> memref<1x8x128xf32, #tpu.memory_space<vmem>>
        %dma_start3A_451 = tpu.memref_squeeze %dma_start3A_450 : memref<1x8x128xf32, #tpu.memory_space<vmem>> -> memref<8x128xf32, #tpu.memory_space<vmem>>
        tpu.enqueue_dma source(%dma_start3A_451 : memref<8x128xf32, #tpu.memory_space<vmem>>) target(%dma_start3A_447 : memref<8x128xf32, #tpu.memory_space<hbm>>) target_semaphore(%arg11 : memref<!tpu.dma_semaphore, #tpu.memory_space<semaphore_mem>>)
      } else {
      }
    }
    %dma_wait3A = arith.constant 0 : i32
    %dma_wait3A_25 = arith.constant 0 : i32
    %dma_wait3A_26 = arith.constant 0 : i32
    %dma_wait3A_27 = tpu.memref_slice %arg9[%dma_wait3A, %dma_wait3A_25, %dma_wait3A_26] : memref<2x8x128xf32, #tpu.memory_space<vmem>> -> memref<1x8x128xf32, #tpu.memory_space<vmem>>
    %dma_wait3A_28 = tpu.memref_squeeze %dma_wait3A_27 : memref<1x8x128xf32, #tpu.memory_space<vmem>> -> memref<8x128xf32, #tpu.memory_space<vmem>>
    %dma_wait3A_29 = arith.constant 0 : i32
    %dma_wait3A_30 = arith.constant 0 : i32
    %dma_wait3A_31 = tpu.memref_slice %arg5[%dma_wait3A_29, %dma_wait3A_30] : memref<10000x1152xf32, #tpu.memory_space<hbm>> -> memref<8x128xf32, #tpu.memory_space<hbm>>
    %dma_wait3A_32 = arith.constant 0 : i32
    %dma_wait3A_33 = arith.constant 0 : i32
    %dma_wait3A_34 = tpu.memref_slice %arg5[%dma_wait3A_32, %dma_wait3A_33] : memref<10000x1152xf32, #tpu.memory_space<hbm>> -> memref<8x128xf32, #tpu.memory_space<hbm>>
    %dma_wait3A_35 = arith.constant 0 : i32
    %dma_wait3A_36 = arith.constant 0 : i32
    %dma_wait3A_37 = tpu.memref_slice %arg9[%dma_wait3A, %dma_wait3A_35, %dma_wait3A_36] : memref<2x8x128xf32, #tpu.memory_space<vmem>> -> memref<1x8x128xf32, #tpu.memory_space<vmem>>
    %dma_wait3A_38 = tpu.memref_squeeze %dma_wait3A_37 : memref<1x8x128xf32, #tpu.memory_space<vmem>> -> memref<8x128xf32, #tpu.memory_space<vmem>>
    tpu.wait_dma2 semaphore(%arg11 : memref<!tpu.dma_semaphore, #tpu.memory_space<semaphore_mem>>) src(%dma_wait3A_38 : memref<8x128xf32, #tpu.memory_space<vmem>>) dst(%dma_wait3A_34 : memref<8x128xf32, #tpu.memory_space<hbm>>)
    %dma_wait3A_39 = arith.constant 0 : i32
    %dma_wait3A_40 = arith.constant 0 : i32
    %dma_wait3A_41 = arith.constant 0 : i32
    %dma_wait3A_42 = tpu.memref_slice %arg9[%dma_wait3A_39, %dma_wait3A_40, %dma_wait3A_41] : memref<2x8x128xf32, #tpu.memory_space<vmem>> -> memref<1x8x128xf32, #tpu.memory_space<vmem>>
    %dma_wait3A_43 = tpu.memref_squeeze %dma_wait3A_42 : memref<1x8x128xf32, #tpu.memory_space<vmem>> -> memref<8x128xf32, #tpu.memory_space<vmem>>
    %dma_wait3A_44 = arith.constant 0 : i32
    %dma_wait3A_45 = arith.constant 0 : i32
    %dma_wait3A_46 = tpu.memref_slice %arg5[%dma_wait3A_44, %dma_wait3A_45] : memref<10000x1152xf32, #tpu.memory_space<hbm>> -> memref<8x128xf32, #tpu.memory_space<hbm>>
    %dma_wait3A_47 = arith.constant 0 : i32
    %dma_wait3A_48 = arith.constant 0 : i32
    %dma_wait3A_49 = tpu.memref_slice %arg5[%dma_wait3A_47, %dma_wait3A_48] : memref<10000x1152xf32, #tpu.memory_space<hbm>> -> memref<8x128xf32, #tpu.memory_space<hbm>>
    %dma_wait3A_50 = arith.constant 0 : i32
    %dma_wait3A_51 = arith.constant 0 : i32
    %dma_wait3A_52 = tpu.memref_slice %arg9[%dma_wait3A_39, %dma_wait3A_50, %dma_wait3A_51] : memref<2x8x128xf32, #tpu.memory_space<vmem>> -> memref<1x8x128xf32, #tpu.memory_space<vmem>>
    %dma_wait3A_53 = tpu.memref_squeeze %dma_wait3A_52 : memref<1x8x128xf32, #tpu.memory_space<vmem>> -> memref<8x128xf32, #tpu.memory_space<vmem>>
    tpu.wait_dma2 semaphore(%arg11 : memref<!tpu.dma_semaphore, #tpu.memory_space<semaphore_mem>>) src(%dma_wait3A_53 : memref<8x128xf32, #tpu.memory_space<vmem>>) dst(%dma_wait3A_49 : memref<8x128xf32, #tpu.memory_space<hbm>>)
    %dma_wait3A_54 = arith.constant 0 : i32
    %dma_wait3A_55 = arith.constant 0 : i32
    %dma_wait3A_56 = arith.constant 0 : i32
    %dma_wait3A_57 = tpu.memref_slice %arg9[%dma_wait3A_54, %dma_wait3A_55, %dma_wait3A_56] : memref<2x8x128xf32, #tpu.memory_space<vmem>> -> memref<1x8x128xf32, #tpu.memory_space<vmem>>
    %dma_wait3A_58 = tpu.memref_squeeze %dma_wait3A_57 : memref<1x8x128xf32, #tpu.memory_space<vmem>> -> memref<8x128xf32, #tpu.memory_space<vmem>>
    %dma_wait3A_59 = arith.constant 0 : i32
    %dma_wait3A_60 = arith.constant 0 : i32
    %dma_wait3A_61 = tpu.memref_slice %arg5[%dma_wait3A_59, %dma_wait3A_60] : memref<10000x1152xf32, #tpu.memory_space<hbm>> -> memref<8x128xf32, #tpu.memory_space<hbm>>
    %dma_wait3A_62 = arith.constant 0 : i32
    %dma_wait3A_63 = arith.constant 0 : i32
    %dma_wait3A_64 = tpu.memref_slice %arg5[%dma_wait3A_62, %dma_wait3A_63] : memref<10000x1152xf32, #tpu.memory_space<hbm>> -> memref<8x128xf32, #tpu.memory_space<hbm>>
    %dma_wait3A_65 = arith.constant 0 : i32
    %dma_wait3A_66 = arith.constant 0 : i32
    %dma_wait3A_67 = tpu.memref_slice %arg9[%dma_wait3A_54, %dma_wait3A_65, %dma_wait3A_66] : memref<2x8x128xf32, #tpu.memory_space<vmem>> -> memref<1x8x128xf32, #tpu.memory_space<vmem>>
    %dma_wait3A_68 = tpu.memref_squeeze %dma_wait3A_67 : memref<1x8x128xf32, #tpu.memory_space<vmem>> -> memref<8x128xf32, #tpu.memory_space<vmem>>
    tpu.wait_dma2 semaphore(%arg11 : memref<!tpu.dma_semaphore, #tpu.memory_space<semaphore_mem>>) src(%dma_wait3A_68 : memref<8x128xf32, #tpu.memory_space<vmem>>) dst(%dma_wait3A_64 : memref<8x128xf32, #tpu.memory_space<hbm>>)
    %dma_wait3A_69 = arith.constant 0 : i32
    %dma_wait3A_70 = arith.constant 0 : i32
    %dma_wait3A_71 = arith.constant 0 : i32
    %dma_wait3A_72 = tpu.memref_slice %arg9[%dma_wait3A_69, %dma_wait3A_70, %dma_wait3A_71] : memref<2x8x128xf32, #tpu.memory_space<vmem>> -> memref<1x8x128xf32, #tpu.memory_space<vmem>>
    %dma_wait3A_73 = tpu.memref_squeeze %dma_wait3A_72 : memref<1x8x128xf32, #tpu.memory_space<vmem>> -> memref<8x128xf32, #tpu.memory_space<vmem>>
    %dma_wait3A_74 = arith.constant 0 : i32
    %dma_wait3A_75 = arith.constant 0 : i32
    %dma_wait3A_76 = tpu.memref_slice %arg5[%dma_wait3A_74, %dma_wait3A_75] : memref<10000x1152xf32, #tpu.memory_space<hbm>> -> memref<8x128xf32, #tpu.memory_space<hbm>>
    %dma_wait3A_77 = arith.constant 0 : i32
    %dma_wait3A_78 = arith.constant 0 : i32
    %dma_wait3A_79 = tpu.memref_slice %arg5[%dma_wait3A_77, %dma_wait3A_78] : memref<10000x1152xf32, #tpu.memory_space<hbm>> -> memref<8x128xf32, #tpu.memory_space<hbm>>
    %dma_wait3A_80 = arith.constant 0 : i32
    %dma_wait3A_81 = arith.constant 0 : i32
    %dma_wait3A_82 = tpu.memref_slice %arg9[%dma_wait3A_69, %dma_wait3A_80, %dma_wait3A_81] : memref<2x8x128xf32, #tpu.memory_space<vmem>> -> memref<1x8x128xf32, #tpu.memory_space<vmem>>
    %dma_wait3A_83 = tpu.memref_squeeze %dma_wait3A_82 : memref<1x8x128xf32, #tpu.memory_space<vmem>> -> memref<8x128xf32, #tpu.memory_space<vmem>>
    tpu.wait_dma2 semaphore(%arg11 : memref<!tpu.dma_semaphore, #tpu.memory_space<semaphore_mem>>) src(%dma_wait3A_83 : memref<8x128xf32, #tpu.memory_space<vmem>>) dst(%dma_wait3A_79 : memref<8x128xf32, #tpu.memory_space<hbm>>)
    %dma_wait3A_84 = arith.constant 0 : i32
    %dma_wait3A_85 = arith.constant 0 : i32
    %dma_wait3A_86 = arith.constant 0 : i32
    %dma_wait3A_87 = tpu.memref_slice %arg9[%dma_wait3A_84, %dma_wait3A_85, %dma_wait3A_86] : memref<2x8x128xf32, #tpu.memory_space<vmem>> -> memref<1x8x128xf32, #tpu.memory_space<vmem>>
    %dma_wait3A_88 = tpu.memref_squeeze %dma_wait3A_87 : memref<1x8x128xf32, #tpu.memory_space<vmem>> -> memref<8x128xf32, #tpu.memory_space<vmem>>
    %dma_wait3A_89 = arith.constant 0 : i32
    %dma_wait3A_90 = arith.constant 0 : i32
    %dma_wait3A_91 = tpu.memref_slice %arg5[%dma_wait3A_89, %dma_wait3A_90] : memref<10000x1152xf32, #tpu.memory_space<hbm>> -> memref<8x128xf32, #tpu.memory_space<hbm>>
    %dma_wait3A_92 = arith.constant 0 : i32
    %dma_wait3A_93 = arith.constant 0 : i32
    %dma_wait3A_94 = tpu.memref_slice %arg5[%dma_wait3A_92, %dma_wait3A_93] : memref<10000x1152xf32, #tpu.memory_space<hbm>> -> memref<8x128xf32, #tpu.memory_space<hbm>>
    %dma_wait3A_95 = arith.constant 0 : i32
    %dma_wait3A_96 = arith.constant 0 : i32
    %dma_wait3A_97 = tpu.memref_slice %arg9[%dma_wait3A_84, %dma_wait3A_95, %dma_wait3A_96] : memref<2x8x128xf32, #tpu.memory_space<vmem>> -> memref<1x8x128xf32, #tpu.memory_space<vmem>>
    %dma_wait3A_98 = tpu.memref_squeeze %dma_wait3A_97 : memref<1x8x128xf32, #tpu.memory_space<vmem>> -> memref<8x128xf32, #tpu.memory_space<vmem>>
    tpu.wait_dma2 semaphore(%arg11 : memref<!tpu.dma_semaphore, #tpu.memory_space<semaphore_mem>>) src(%dma_wait3A_98 : memref<8x128xf32, #tpu.memory_space<vmem>>) dst(%dma_wait3A_94 : memref<8x128xf32, #tpu.memory_space<hbm>>)
    %dma_wait3A_99 = arith.constant 0 : i32
    %dma_wait3A_100 = arith.constant 0 : i32
    %dma_wait3A_101 = arith.constant 0 : i32
    %dma_wait3A_102 = tpu.memref_slice %arg9[%dma_wait3A_99, %dma_wait3A_100, %dma_wait3A_101] : memref<2x8x128xf32, #tpu.memory_space<vmem>> -> memref<1x8x128xf32, #tpu.memory_space<vmem>>
    %dma_wait3A_103 = tpu.memref_squeeze %dma_wait3A_102 : memref<1x8x128xf32, #tpu.memory_space<vmem>> -> memref<8x128xf32, #tpu.memory_space<vmem>>
    %dma_wait3A_104 = arith.constant 0 : i32
    %dma_wait3A_105 = arith.constant 0 : i32
    %dma_wait3A_106 = tpu.memref_slice %arg5[%dma_wait3A_104, %dma_wait3A_105] : memref<10000x1152xf32, #tpu.memory_space<hbm>> -> memref<8x128xf32, #tpu.memory_space<hbm>>
    %dma_wait3A_107 = arith.constant 0 : i32
    %dma_wait3A_108 = arith.constant 0 : i32
    %dma_wait3A_109 = tpu.memref_slice %arg5[%dma_wait3A_107, %dma_wait3A_108] : memref<10000x1152xf32, #tpu.memory_space<hbm>> -> memref<8x128xf32, #tpu.memory_space<hbm>>
    %dma_wait3A_110 = arith.constant 0 : i32
    %dma_wait3A_111 = arith.constant 0 : i32
    %dma_wait3A_112 = tpu.memref_slice %arg9[%dma_wait3A_99, %dma_wait3A_110, %dma_wait3A_111] : memref<2x8x128xf32, #tpu.memory_space<vmem>> -> memref<1x8x128xf32, #tpu.memory_space<vmem>>
    %dma_wait3A_113 = tpu.memref_squeeze %dma_wait3A_112 : memref<1x8x128xf32, #tpu.memory_space<vmem>> -> memref<8x128xf32, #tpu.memory_space<vmem>>
    tpu.wait_dma2 semaphore(%arg11 : memref<!tpu.dma_semaphore, #tpu.memory_space<semaphore_mem>>) src(%dma_wait3A_113 : memref<8x128xf32, #tpu.memory_space<vmem>>) dst(%dma_wait3A_109 : memref<8x128xf32, #tpu.memory_space<hbm>>)
    %dma_wait3A_114 = arith.constant 0 : i32
    %dma_wait3A_115 = arith.constant 0 : i32
    %dma_wait3A_116 = arith.constant 0 : i32
    %dma_wait3A_117 = tpu.memref_slice %arg9[%dma_wait3A_114, %dma_wait3A_115, %dma_wait3A_116] : memref<2x8x128xf32, #tpu.memory_space<vmem>> -> memref<1x8x128xf32, #tpu.memory_space<vmem>>
    %dma_wait3A_118 = tpu.memref_squeeze %dma_wait3A_117 : memref<1x8x128xf32, #tpu.memory_space<vmem>> -> memref<8x128xf32, #tpu.memory_space<vmem>>
    %dma_wait3A_119 = arith.constant 0 : i32
    %dma_wait3A_120 = arith.constant 0 : i32
    %dma_wait3A_121 = tpu.memref_slice %arg5[%dma_wait3A_119, %dma_wait3A_120] : memref<10000x1152xf32, #tpu.memory_space<hbm>> -> memref<8x128xf32, #tpu.memory_space<hbm>>
    %dma_wait3A_122 = arith.constant 0 : i32
    %dma_wait3A_123 = arith.constant 0 : i32
    %dma_wait3A_124 = tpu.memref_slice %arg5[%dma_wait3A_122, %dma_wait3A_123] : memref<10000x1152xf32, #tpu.memory_space<hbm>> -> memref<8x128xf32, #tpu.memory_space<hbm>>
    %dma_wait3A_125 = arith.constant 0 : i32
    %dma_wait3A_126 = arith.constant 0 : i32
    %dma_wait3A_127 = tpu.memref_slice %arg9[%dma_wait3A_114, %dma_wait3A_125, %dma_wait3A_126] : memref<2x8x128xf32, #tpu.memory_space<vmem>> -> memref<1x8x128xf32, #tpu.memory_space<vmem>>
    %dma_wait3A_128 = tpu.memref_squeeze %dma_wait3A_127 : memref<1x8x128xf32, #tpu.memory_space<vmem>> -> memref<8x128xf32, #tpu.memory_space<vmem>>
    tpu.wait_dma2 semaphore(%arg11 : memref<!tpu.dma_semaphore, #tpu.memory_space<semaphore_mem>>) src(%dma_wait3A_128 : memref<8x128xf32, #tpu.memory_space<vmem>>) dst(%dma_wait3A_124 : memref<8x128xf32, #tpu.memory_space<hbm>>)
    %dma_wait3A_129 = arith.constant 0 : i32
    %dma_wait3A_130 = arith.constant 0 : i32
    %dma_wait3A_131 = arith.constant 0 : i32
    %dma_wait3A_132 = tpu.memref_slice %arg9[%dma_wait3A_129, %dma_wait3A_130, %dma_wait3A_131] : memref<2x8x128xf32, #tpu.memory_space<vmem>> -> memref<1x8x128xf32, #tpu.memory_space<vmem>>
    %dma_wait3A_133 = tpu.memref_squeeze %dma_wait3A_132 : memref<1x8x128xf32, #tpu.memory_space<vmem>> -> memref<8x128xf32, #tpu.memory_space<vmem>>
    %dma_wait3A_134 = arith.constant 0 : i32
    %dma_wait3A_135 = arith.constant 0 : i32
    %dma_wait3A_136 = tpu.memref_slice %arg5[%dma_wait3A_134, %dma_wait3A_135] : memref<10000x1152xf32, #tpu.memory_space<hbm>> -> memref<8x128xf32, #tpu.memory_space<hbm>>
    %dma_wait3A_137 = arith.constant 0 : i32
    %dma_wait3A_138 = arith.constant 0 : i32
    %dma_wait3A_139 = tpu.memref_slice %arg5[%dma_wait3A_137, %dma_wait3A_138] : memref<10000x1152xf32, #tpu.memory_space<hbm>> -> memref<8x128xf32, #tpu.memory_space<hbm>>
    %dma_wait3A_140 = arith.constant 0 : i32
    %dma_wait3A_141 = arith.constant 0 : i32
    %dma_wait3A_142 = tpu.memref_slice %arg9[%dma_wait3A_129, %dma_wait3A_140, %dma_wait3A_141] : memref<2x8x128xf32, #tpu.memory_space<vmem>> -> memref<1x8x128xf32, #tpu.memory_space<vmem>>
    %dma_wait3A_143 = tpu.memref_squeeze %dma_wait3A_142 : memref<1x8x128xf32, #tpu.memory_space<vmem>> -> memref<8x128xf32, #tpu.memory_space<vmem>>
    tpu.wait_dma2 semaphore(%arg11 : memref<!tpu.dma_semaphore, #tpu.memory_space<semaphore_mem>>) src(%dma_wait3A_143 : memref<8x128xf32, #tpu.memory_space<vmem>>) dst(%dma_wait3A_139 : memref<8x128xf32, #tpu.memory_space<hbm>>)
    %dma_wait3A_144 = arith.constant 0 : i32
    %dma_wait3A_145 = arith.constant 0 : i32
    %dma_wait3A_146 = arith.constant 0 : i32
    %dma_wait3A_147 = tpu.memref_slice %arg9[%dma_wait3A_144, %dma_wait3A_145, %dma_wait3A_146] : memref<2x8x128xf32, #tpu.memory_space<vmem>> -> memref<1x8x128xf32, #tpu.memory_space<vmem>>
    %dma_wait3A_148 = tpu.memref_squeeze %dma_wait3A_147 : memref<1x8x128xf32, #tpu.memory_space<vmem>> -> memref<8x128xf32, #tpu.memory_space<vmem>>
    %dma_wait3A_149 = arith.constant 0 : i32
    %dma_wait3A_150 = arith.constant 0 : i32
    %dma_wait3A_151 = tpu.memref_slice %arg5[%dma_wait3A_149, %dma_wait3A_150] : memref<10000x1152xf32, #tpu.memory_space<hbm>> -> memref<8x128xf32, #tpu.memory_space<hbm>>
    %dma_wait3A_152 = arith.constant 0 : i32
    %dma_wait3A_153 = arith.constant 0 : i32
    %dma_wait3A_154 = tpu.memref_slice %arg5[%dma_wait3A_152, %dma_wait3A_153] : memref<10000x1152xf32, #tpu.memory_space<hbm>> -> memref<8x128xf32, #tpu.memory_space<hbm>>
    %dma_wait3A_155 = arith.constant 0 : i32
    %dma_wait3A_156 = arith.constant 0 : i32
    %dma_wait3A_157 = tpu.memref_slice %arg9[%dma_wait3A_144, %dma_wait3A_155, %dma_wait3A_156] : memref<2x8x128xf32, #tpu.memory_space<vmem>> -> memref<1x8x128xf32, #tpu.memory_space<vmem>>
    %dma_wait3A_158 = tpu.memref_squeeze %dma_wait3A_157 : memref<1x8x128xf32, #tpu.memory_space<vmem>> -> memref<8x128xf32, #tpu.memory_space<vmem>>
    tpu.wait_dma2 semaphore(%arg11 : memref<!tpu.dma_semaphore, #tpu.memory_space<semaphore_mem>>) src(%dma_wait3A_158 : memref<8x128xf32, #tpu.memory_space<vmem>>) dst(%dma_wait3A_154 : memref<8x128xf32, #tpu.memory_space<hbm>>)
    %dma_wait3A_159 = arith.constant 0 : i32
    %dma_wait3A_160 = arith.constant 0 : i32
    %dma_wait3A_161 = arith.constant 0 : i32
    %dma_wait3A_162 = tpu.memref_slice %arg9[%dma_wait3A_159, %dma_wait3A_160, %dma_wait3A_161] : memref<2x8x128xf32, #tpu.memory_space<vmem>> -> memref<1x8x128xf32, #tpu.memory_space<vmem>>
    %dma_wait3A_163 = tpu.memref_squeeze %dma_wait3A_162 : memref<1x8x128xf32, #tpu.memory_space<vmem>> -> memref<8x128xf32, #tpu.memory_space<vmem>>
    %dma_wait3A_164 = arith.constant 0 : i32
    %dma_wait3A_165 = arith.constant 0 : i32
    %dma_wait3A_166 = tpu.memref_slice %arg5[%dma_wait3A_164, %dma_wait3A_165] : memref<10000x1152xf32, #tpu.memory_space<hbm>> -> memref<8x128xf32, #tpu.memory_space<hbm>>
    %dma_wait3A_167 = arith.constant 0 : i32
    %dma_wait3A_168 = arith.constant 0 : i32
    %dma_wait3A_169 = tpu.memref_slice %arg5[%dma_wait3A_167, %dma_wait3A_168] : memref<10000x1152xf32, #tpu.memory_space<hbm>> -> memref<8x128xf32, #tpu.memory_space<hbm>>
    %dma_wait3A_170 = arith.constant 0 : i32
    %dma_wait3A_171 = arith.constant 0 : i32
    %dma_wait3A_172 = tpu.memref_slice %arg9[%dma_wait3A_159, %dma_wait3A_170, %dma_wait3A_171] : memref<2x8x128xf32, #tpu.memory_space<vmem>> -> memref<1x8x128xf32, #tpu.memory_space<vmem>>
    %dma_wait3A_173 = tpu.memref_squeeze %dma_wait3A_172 : memref<1x8x128xf32, #tpu.memory_space<vmem>> -> memref<8x128xf32, #tpu.memory_space<vmem>>
    tpu.wait_dma2 semaphore(%arg11 : memref<!tpu.dma_semaphore, #tpu.memory_space<semaphore_mem>>) src(%dma_wait3A_173 : memref<8x128xf32, #tpu.memory_space<vmem>>) dst(%dma_wait3A_169 : memref<8x128xf32, #tpu.memory_space<hbm>>)
    %dma_wait3A_174 = arith.constant 0 : i32
    %dma_wait3A_175 = arith.constant 0 : i32
    %dma_wait3A_176 = arith.constant 0 : i32
    %dma_wait3A_177 = tpu.memref_slice %arg9[%dma_wait3A_174, %dma_wait3A_175, %dma_wait3A_176] : memref<2x8x128xf32, #tpu.memory_space<vmem>> -> memref<1x8x128xf32, #tpu.memory_space<vmem>>
    %dma_wait3A_178 = tpu.memref_squeeze %dma_wait3A_177 : memref<1x8x128xf32, #tpu.memory_space<vmem>> -> memref<8x128xf32, #tpu.memory_space<vmem>>
    %dma_wait3A_179 = arith.constant 0 : i32
    %dma_wait3A_180 = arith.constant 0 : i32
    %dma_wait3A_181 = tpu.memref_slice %arg5[%dma_wait3A_179, %dma_wait3A_180] : memref<10000x1152xf32, #tpu.memory_space<hbm>> -> memref<8x128xf32, #tpu.memory_space<hbm>>
    %dma_wait3A_182 = arith.constant 0 : i32
    %dma_wait3A_183 = arith.constant 0 : i32
    %dma_wait3A_184 = tpu.memref_slice %arg5[%dma_wait3A_182, %dma_wait3A_183] : memref<10000x1152xf32, #tpu.memory_space<hbm>> -> memref<8x128xf32, #tpu.memory_space<hbm>>
    %dma_wait3A_185 = arith.constant 0 : i32
    %dma_wait3A_186 = arith.constant 0 : i32
    %dma_wait3A_187 = tpu.memref_slice %arg9[%dma_wait3A_174, %dma_wait3A_185, %dma_wait3A_186] : memref<2x8x128xf32, #tpu.memory_space<vmem>> -> memref<1x8x128xf32, #tpu.memory_space<vmem>>
    %dma_wait3A_188 = tpu.memref_squeeze %dma_wait3A_187 : memref<1x8x128xf32, #tpu.memory_space<vmem>> -> memref<8x128xf32, #tpu.memory_space<vmem>>
    tpu.wait_dma2 semaphore(%arg11 : memref<!tpu.dma_semaphore, #tpu.memory_space<semaphore_mem>>) src(%dma_wait3A_188 : memref<8x128xf32, #tpu.memory_space<vmem>>) dst(%dma_wait3A_184 : memref<8x128xf32, #tpu.memory_space<hbm>>)
    %dma_wait3A_189 = arith.constant 0 : i32
    %dma_wait3A_190 = arith.constant 0 : i32
    %dma_wait3A_191 = arith.constant 0 : i32
    %dma_wait3A_192 = tpu.memref_slice %arg9[%dma_wait3A_189, %dma_wait3A_190, %dma_wait3A_191] : memref<2x8x128xf32, #tpu.memory_space<vmem>> -> memref<1x8x128xf32, #tpu.memory_space<vmem>>
    %dma_wait3A_193 = tpu.memref_squeeze %dma_wait3A_192 : memref<1x8x128xf32, #tpu.memory_space<vmem>> -> memref<8x128xf32, #tpu.memory_space<vmem>>
    %dma_wait3A_194 = arith.constant 0 : i32
    %dma_wait3A_195 = arith.constant 0 : i32
    %dma_wait3A_196 = tpu.memref_slice %arg5[%dma_wait3A_194, %dma_wait3A_195] : memref<10000x1152xf32, #tpu.memory_space<hbm>> -> memref<8x128xf32, #tpu.memory_space<hbm>>
    %dma_wait3A_197 = arith.constant 0 : i32
    %dma_wait3A_198 = arith.constant 0 : i32
    %dma_wait3A_199 = tpu.memref_slice %arg5[%dma_wait3A_197, %dma_wait3A_198] : memref<10000x1152xf32, #tpu.memory_space<hbm>> -> memref<8x128xf32, #tpu.memory_space<hbm>>
    %dma_wait3A_200 = arith.constant 0 : i32
    %dma_wait3A_201 = arith.constant 0 : i32
    %dma_wait3A_202 = tpu.memref_slice %arg9[%dma_wait3A_189, %dma_wait3A_200, %dma_wait3A_201] : memref<2x8x128xf32, #tpu.memory_space<vmem>> -> memref<1x8x128xf32, #tpu.memory_space<vmem>>
    %dma_wait3A_203 = tpu.memref_squeeze %dma_wait3A_202 : memref<1x8x128xf32, #tpu.memory_space<vmem>> -> memref<8x128xf32, #tpu.memory_space<vmem>>
    tpu.wait_dma2 semaphore(%arg11 : memref<!tpu.dma_semaphore, #tpu.memory_space<semaphore_mem>>) src(%dma_wait3A_203 : memref<8x128xf32, #tpu.memory_space<vmem>>) dst(%dma_wait3A_199 : memref<8x128xf32, #tpu.memory_space<hbm>>)
    %dma_wait3A_204 = arith.constant 0 : i32
    %dma_wait3A_205 = arith.constant 0 : i32
    %dma_wait3A_206 = arith.constant 0 : i32
    %dma_wait3A_207 = tpu.memref_slice %arg9[%dma_wait3A_204, %dma_wait3A_205, %dma_wait3A_206] : memref<2x8x128xf32, #tpu.memory_space<vmem>> -> memref<1x8x128xf32, #tpu.memory_space<vmem>>
    %dma_wait3A_208 = tpu.memref_squeeze %dma_wait3A_207 : memref<1x8x128xf32, #tpu.memory_space<vmem>> -> memref<8x128xf32, #tpu.memory_space<vmem>>
    %dma_wait3A_209 = arith.constant 0 : i32
    %dma_wait3A_210 = arith.constant 0 : i32
    %dma_wait3A_211 = tpu.memref_slice %arg5[%dma_wait3A_209, %dma_wait3A_210] : memref<10000x1152xf32, #tpu.memory_space<hbm>> -> memref<8x128xf32, #tpu.memory_space<hbm>>
    %dma_wait3A_212 = arith.constant 0 : i32
    %dma_wait3A_213 = arith.constant 0 : i32
    %dma_wait3A_214 = tpu.memref_slice %arg5[%dma_wait3A_212, %dma_wait3A_213] : memref<10000x1152xf32, #tpu.memory_space<hbm>> -> memref<8x128xf32, #tpu.memory_space<hbm>>
    %dma_wait3A_215 = arith.constant 0 : i32
    %dma_wait3A_216 = arith.constant 0 : i32
    %dma_wait3A_217 = tpu.memref_slice %arg9[%dma_wait3A_204, %dma_wait3A_215, %dma_wait3A_216] : memref<2x8x128xf32, #tpu.memory_space<vmem>> -> memref<1x8x128xf32, #tpu.memory_space<vmem>>
    %dma_wait3A_218 = tpu.memref_squeeze %dma_wait3A_217 : memref<1x8x128xf32, #tpu.memory_space<vmem>> -> memref<8x128xf32, #tpu.memory_space<vmem>>
    tpu.wait_dma2 semaphore(%arg11 : memref<!tpu.dma_semaphore, #tpu.memory_space<semaphore_mem>>) src(%dma_wait3A_218 : memref<8x128xf32, #tpu.memory_space<vmem>>) dst(%dma_wait3A_214 : memref<8x128xf32, #tpu.memory_space<hbm>>)
    %dma_wait3A_219 = arith.constant 0 : i32
    %dma_wait3A_220 = arith.constant 0 : i32
    %dma_wait3A_221 = arith.constant 0 : i32
    %dma_wait3A_222 = tpu.memref_slice %arg9[%dma_wait3A_219, %dma_wait3A_220, %dma_wait3A_221] : memref<2x8x128xf32, #tpu.memory_space<vmem>> -> memref<1x8x128xf32, #tpu.memory_space<vmem>>
    %dma_wait3A_223 = tpu.memref_squeeze %dma_wait3A_222 : memref<1x8x128xf32, #tpu.memory_space<vmem>> -> memref<8x128xf32, #tpu.memory_space<vmem>>
    %dma_wait3A_224 = arith.constant 0 : i32
    %dma_wait3A_225 = arith.constant 0 : i32
    %dma_wait3A_226 = tpu.memref_slice %arg5[%dma_wait3A_224, %dma_wait3A_225] : memref<10000x1152xf32, #tpu.memory_space<hbm>> -> memref<8x128xf32, #tpu.memory_space<hbm>>
    %dma_wait3A_227 = arith.constant 0 : i32
    %dma_wait3A_228 = arith.constant 0 : i32
    %dma_wait3A_229 = tpu.memref_slice %arg5[%dma_wait3A_227, %dma_wait3A_228] : memref<10000x1152xf32, #tpu.memory_space<hbm>> -> memref<8x128xf32, #tpu.memory_space<hbm>>
    %dma_wait3A_230 = arith.constant 0 : i32
    %dma_wait3A_231 = arith.constant 0 : i32
    %dma_wait3A_232 = tpu.memref_slice %arg9[%dma_wait3A_219, %dma_wait3A_230, %dma_wait3A_231] : memref<2x8x128xf32, #tpu.memory_space<vmem>> -> memref<1x8x128xf32, #tpu.memory_space<vmem>>
    %dma_wait3A_233 = tpu.memref_squeeze %dma_wait3A_232 : memref<1x8x128xf32, #tpu.memory_space<vmem>> -> memref<8x128xf32, #tpu.memory_space<vmem>>
    tpu.wait_dma2 semaphore(%arg11 : memref<!tpu.dma_semaphore, #tpu.memory_space<semaphore_mem>>) src(%dma_wait3A_233 : memref<8x128xf32, #tpu.memory_space<vmem>>) dst(%dma_wait3A_229 : memref<8x128xf32, #tpu.memory_space<hbm>>)
    %dma_wait3A_234 = arith.constant 0 : i32
    %dma_wait3A_235 = arith.constant 0 : i32
    %dma_wait3A_236 = arith.constant 0 : i32
    %dma_wait3A_237 = tpu.memref_slice %arg9[%dma_wait3A_234, %dma_wait3A_235, %dma_wait3A_236] : memref<2x8x128xf32, #tpu.memory_space<vmem>> -> memref<1x8x128xf32, #tpu.memory_space<vmem>>
    %dma_wait3A_238 = tpu.memref_squeeze %dma_wait3A_237 : memref<1x8x128xf32, #tpu.memory_space<vmem>> -> memref<8x128xf32, #tpu.memory_space<vmem>>
    %dma_wait3A_239 = arith.constant 0 : i32
    %dma_wait3A_240 = arith.constant 0 : i32
    %dma_wait3A_241 = tpu.memref_slice %arg5[%dma_wait3A_239, %dma_wait3A_240] : memref<10000x1152xf32, #tpu.memory_space<hbm>> -> memref<8x128xf32, #tpu.memory_space<hbm>>
    %dma_wait3A_242 = arith.constant 0 : i32
    %dma_wait3A_243 = arith.constant 0 : i32
    %dma_wait3A_244 = tpu.memref_slice %arg5[%dma_wait3A_242, %dma_wait3A_243] : memref<10000x1152xf32, #tpu.memory_space<hbm>> -> memref<8x128xf32, #tpu.memory_space<hbm>>
    %dma_wait3A_245 = arith.constant 0 : i32
    %dma_wait3A_246 = arith.constant 0 : i32
    %dma_wait3A_247 = tpu.memref_slice %arg9[%dma_wait3A_234, %dma_wait3A_245, %dma_wait3A_246] : memref<2x8x128xf32, #tpu.memory_space<vmem>> -> memref<1x8x128xf32, #tpu.memory_space<vmem>>
    %dma_wait3A_248 = tpu.memref_squeeze %dma_wait3A_247 : memref<1x8x128xf32, #tpu.memory_space<vmem>> -> memref<8x128xf32, #tpu.memory_space<vmem>>
    tpu.wait_dma2 semaphore(%arg11 : memref<!tpu.dma_semaphore, #tpu.memory_space<semaphore_mem>>) src(%dma_wait3A_248 : memref<8x128xf32, #tpu.memory_space<vmem>>) dst(%dma_wait3A_244 : memref<8x128xf32, #tpu.memory_space<hbm>>)
    %dma_wait3A_249 = arith.constant 0 : i32
    %dma_wait3A_250 = arith.constant 0 : i32
    %dma_wait3A_251 = arith.constant 0 : i32
    %dma_wait3A_252 = tpu.memref_slice %arg9[%dma_wait3A_249, %dma_wait3A_250, %dma_wait3A_251] : memref<2x8x128xf32, #tpu.memory_space<vmem>> -> memref<1x8x128xf32, #tpu.memory_space<vmem>>
    %dma_wait3A_253 = tpu.memref_squeeze %dma_wait3A_252 : memref<1x8x128xf32, #tpu.memory_space<vmem>> -> memref<8x128xf32, #tpu.memory_space<vmem>>
    %dma_wait3A_254 = arith.constant 0 : i32
    %dma_wait3A_255 = arith.constant 0 : i32
    %dma_wait3A_256 = tpu.memref_slice %arg5[%dma_wait3A_254, %dma_wait3A_255] : memref<10000x1152xf32, #tpu.memory_space<hbm>> -> memref<8x128xf32, #tpu.memory_space<hbm>>
    %dma_wait3A_257 = arith.constant 0 : i32
    %dma_wait3A_258 = arith.constant 0 : i32
    %dma_wait3A_259 = tpu.memref_slice %arg5[%dma_wait3A_257, %dma_wait3A_258] : memref<10000x1152xf32, #tpu.memory_space<hbm>> -> memref<8x128xf32, #tpu.memory_space<hbm>>
    %dma_wait3A_260 = arith.constant 0 : i32
    %dma_wait3A_261 = arith.constant 0 : i32
    %dma_wait3A_262 = tpu.memref_slice %arg9[%dma_wait3A_249, %dma_wait3A_260, %dma_wait3A_261] : memref<2x8x128xf32, #tpu.memory_space<vmem>> -> memref<1x8x128xf32, #tpu.memory_space<vmem>>
    %dma_wait3A_263 = tpu.memref_squeeze %dma_wait3A_262 : memref<1x8x128xf32, #tpu.memory_space<vmem>> -> memref<8x128xf32, #tpu.memory_space<vmem>>
    tpu.wait_dma2 semaphore(%arg11 : memref<!tpu.dma_semaphore, #tpu.memory_space<semaphore_mem>>) src(%dma_wait3A_263 : memref<8x128xf32, #tpu.memory_space<vmem>>) dst(%dma_wait3A_259 : memref<8x128xf32, #tpu.memory_space<hbm>>)
    %dma_wait3A_264 = arith.constant 0 : i32
    %dma_wait3A_265 = arith.constant 0 : i32
    %dma_wait3A_266 = arith.constant 0 : i32
    %dma_wait3A_267 = tpu.memref_slice %arg9[%dma_wait3A_264, %dma_wait3A_265, %dma_wait3A_266] : memref<2x8x128xf32, #tpu.memory_space<vmem>> -> memref<1x8x128xf32, #tpu.memory_space<vmem>>
    %dma_wait3A_268 = tpu.memref_squeeze %dma_wait3A_267 : memref<1x8x128xf32, #tpu.memory_space<vmem>> -> memref<8x128xf32, #tpu.memory_space<vmem>>
    %dma_wait3A_269 = arith.constant 0 : i32
    %dma_wait3A_270 = arith.constant 0 : i32
    %dma_wait3A_271 = tpu.memref_slice %arg5[%dma_wait3A_269, %dma_wait3A_270] : memref<10000x1152xf32, #tpu.memory_space<hbm>> -> memref<8x128xf32, #tpu.memory_space<hbm>>
    %dma_wait3A_272 = arith.constant 0 : i32
    %dma_wait3A_273 = arith.constant 0 : i32
    %dma_wait3A_274 = tpu.memref_slice %arg5[%dma_wait3A_272, %dma_wait3A_273] : memref<10000x1152xf32, #tpu.memory_space<hbm>> -> memref<8x128xf32, #tpu.memory_space<hbm>>
    %dma_wait3A_275 = arith.constant 0 : i32
    %dma_wait3A_276 = arith.constant 0 : i32
    %dma_wait3A_277 = tpu.memref_slice %arg9[%dma_wait3A_264, %dma_wait3A_275, %dma_wait3A_276] : memref<2x8x128xf32, #tpu.memory_space<vmem>> -> memref<1x8x128xf32, #tpu.memory_space<vmem>>
    %dma_wait3A_278 = tpu.memref_squeeze %dma_wait3A_277 : memref<1x8x128xf32, #tpu.memory_space<vmem>> -> memref<8x128xf32, #tpu.memory_space<vmem>>
    tpu.wait_dma2 semaphore(%arg11 : memref<!tpu.dma_semaphore, #tpu.memory_space<semaphore_mem>>) src(%dma_wait3A_278 : memref<8x128xf32, #tpu.memory_space<vmem>>) dst(%dma_wait3A_274 : memref<8x128xf32, #tpu.memory_space<hbm>>)
    %dma_wait3A_279 = arith.constant 0 : i32
    %dma_wait3A_280 = arith.constant 0 : i32
    %dma_wait3A_281 = arith.constant 0 : i32
    %dma_wait3A_282 = tpu.memref_slice %arg9[%dma_wait3A_279, %dma_wait3A_280, %dma_wait3A_281] : memref<2x8x128xf32, #tpu.memory_space<vmem>> -> memref<1x8x128xf32, #tpu.memory_space<vmem>>
    %dma_wait3A_283 = tpu.memref_squeeze %dma_wait3A_282 : memref<1x8x128xf32, #tpu.memory_space<vmem>> -> memref<8x128xf32, #tpu.memory_space<vmem>>
    %dma_wait3A_284 = arith.constant 0 : i32
    %dma_wait3A_285 = arith.constant 0 : i32
    %dma_wait3A_286 = tpu.memref_slice %arg5[%dma_wait3A_284, %dma_wait3A_285] : memref<10000x1152xf32, #tpu.memory_space<hbm>> -> memref<8x128xf32, #tpu.memory_space<hbm>>
    %dma_wait3A_287 = arith.constant 0 : i32
    %dma_wait3A_288 = arith.constant 0 : i32
    %dma_wait3A_289 = tpu.memref_slice %arg5[%dma_wait3A_287, %dma_wait3A_288] : memref<10000x1152xf32, #tpu.memory_space<hbm>> -> memref<8x128xf32, #tpu.memory_space<hbm>>
    %dma_wait3A_290 = arith.constant 0 : i32
    %dma_wait3A_291 = arith.constant 0 : i32
    %dma_wait3A_292 = tpu.memref_slice %arg9[%dma_wait3A_279, %dma_wait3A_290, %dma_wait3A_291] : memref<2x8x128xf32, #tpu.memory_space<vmem>> -> memref<1x8x128xf32, #tpu.memory_space<vmem>>
    %dma_wait3A_293 = tpu.memref_squeeze %dma_wait3A_292 : memref<1x8x128xf32, #tpu.memory_space<vmem>> -> memref<8x128xf32, #tpu.memory_space<vmem>>
    tpu.wait_dma2 semaphore(%arg11 : memref<!tpu.dma_semaphore, #tpu.memory_space<semaphore_mem>>) src(%dma_wait3A_293 : memref<8x128xf32, #tpu.memory_space<vmem>>) dst(%dma_wait3A_289 : memref<8x128xf32, #tpu.memory_space<hbm>>)
    return
  }
}

</mosaic_0001>

<sc_bundles>
// kernel: kernel.3.cloned.1.call-start
scs
__scs_entry_jumppad:
0x0: {  	(pc) =	sbr.rel $0x88, $3  }
0x1: {  	(tag) =	ssettag $0x0;
	lr =	simm.s32 $0x1  }
0x2: {  	[smem:$0x3F9E] =	sst lr;
	_ =	strace $0xD0000000  }
0x3: {  	_ = 	snop  }
0x4: {  	_ = 	snop  }
0x5: {  	_ = 	snop  }
0x6: {  	_ = 	snop  }
0x7: {  	_ = 	snop  }
__scs_overlays_trampoline_lowered:
0x8: {  	[smem:$0x3FAD] =	sst s0  }
0x9: {  	[smem:$0x3FAE] =	sst s1  }
0xa: {  	[smem:$0x3FAF] =	sst s2  }
0xb: {  	[smem:$0x3FB0] =	sst s3  }
0xc: {  	[smem:$0x3FB1] =	sst s4  }
0xd: {  	[smem:$0x3FB2] =	sst s5  }
0xe: {  	[smem:$0x3FB3] =	sst s6  }
0xf: {  	[smem:$0x3FB4] =	sst s7  }
0x10: {  	[smem:$0x3FB5] =	sst s8  }
0x11: {  	[smem:$0x3FB6] =	sst s9;
	s0 =	simm.s32 @!p0 $0x0  }
0x12: {  	s1 =	sld [smem:$0x3F9C];
	s0 =	simm.s32 @p0 $0x1  }
0x13: {  	[smem:$0x3FB7] =	sst s0;
	s0 =	simm.s32 @!p1 $0x0  }
0x14: {  	s2 =	sld [smem:$0x3F9B];
	s0 =	simm.s32 @p1 $0x1  }
0x15: {  	[smem:$0x3FB8] =	sst s0;
	s0 =	simm.s32 @!p2 $0x0  }
0x16: {  	s3 =	sld [smem:$0x3FDB];
	s0 =	simm.s32 @p2 $0x1  }
0x17: {  	s4 =	simm.s32 $0x1BF5;
	[smem:$0x3FBA] =	sst s0  }
0x18: {  	s0 =	sld [smem:$0x3F9D];
	_ =	swait.ge [sflag:s4], $0x0  }
0x19: {  	s7 =	sld [smem:$0x3F9E]  }
0x1a: {  	s8 =	sadd.s32 $0xFFFFE003, lr  }
0x1b: {  	s9 =	sadd.s32 $0xFFFFFEF7, lr;
	s5 =	simm.s32 $0xFFFFFFFF;
	p2 =	slt.u32 s8, $0xFFFFF086  }
0x1c: {  	p1 =	slt.u32 s9, $0xF7A;
	s5 =	simm.s32 @!p2 $0x0  }
0x1d: {  	s5 =	simm.s32 @p1 $0x1;
	p0 =	seq.s32 s7, s2  }
0x1e: {  	s7 =	smul.u32 @!p0 $0xF7A, s2;
	p2 =	seq.s32 @!p0 s5, $0x0  }
0x1f: {  	s9 =	smul.u32 $0xF7A, s1;
	s8 =	simm.s32 @!p0 $0x1BF5;
	p2 =	por !p2, p0  }
0x20: {  	[sflag:s8] =	ssyncset.s32 @!p0 $0xFFFFF086;
	s6 =	sadd.s32 @!p0 s3, s7;
	s7 =	simm.s32 @!p0 $0x108  }
0x21: {  	s3 =	sadd.s32 s3, s9;
	s6 =	sadd.s32 @!p0 $0x88, s6;
	s7 =	simm.s32 @p2 $0x1082  }
0x22: {  	[simem:s7], [sflag:s8] =	dma.local @!p0 [hbm:s6], $0xF7A  }
0x23: {  	s9 =	sor.u32 $0xD0000000, s2;
	s6 =	simm.s32 $0x108;
	_ =	swait.ge @!p0 [sflag:s8], $0x0  }
0x24: {  	s3 =	sadd.s32 $0x88, s3;
	s6 =	simm.s32 @!p1 $0x1082;
	[sflag:s4] =	ssyncset.s32 $0xFFFFF086  }
0x25: {  	[simem:s6], [sflag:s4] =	dma.local [hbm:s3], $0xF7A  }
0x26: {  	[smem:$0x3F9E] =	sst s1;
	(tag) =	ssettag s2;
	_ =	strace s9  }
0x27: {  	s1 =	sld [smem:$0x3FAE]  }
0x28: {  	s2 =	sld [smem:$0x3FAF]  }
0x29: {  	s4 =	sld [smem:$0x3FB1]  }
0x2a: {  	p0 =	seq.s32 s5, $0x0;
	s5 =	sld [smem:$0x3FB2]  }
0x2b: {  	s6 =	sld [smem:$0x3FB3]  }
0x2c: {  	s7 =	sld [smem:$0x3FB4]  }
0x2d: {  	s3 =	simm.s32 $0x108;
	s8 =	sld [smem:$0x3FB5]  }
0x2e: {  	s3 =	simm.s32 @!p0 $0x1082;
	s9 =	sld [smem:$0x3FB6]  }
0x2f: {  	lr =	sadd.s32 s0, s3;
	s0 =	sld [smem:$0x3FAD]  }
0x30: {  	s3 =	sld [smem:$0x3FB0]  }
0x31: {  	[smem:$0x3FB9] =	sst s10  }
0x32: {  	s10 =	sld [smem:$0x3FB7];
	_ =	sdelay $0x3  }
0x33: {  	p0 =	seq.s32 s10, $0x1;
	s10 =	sld [smem:$0x3FB9];
	_ =	sdelay $0x3  }
0x34: {  	[smem:$0x3FB9] =	sst s10  }
0x35: {  	s10 =	sld [smem:$0x3FB8];
	_ =	sdelay $0x3  }
0x36: {  	p1 =	seq.s32 s10, $0x1;
	s10 =	sld [smem:$0x3FB9];
	_ =	sdelay $0x3  }
0x37: {  	[smem:$0x3FB9] =	sst s10  }
0x38: {  	s10 =	sld [smem:$0x3FBA]  }
0x39: {  	_ = 	snop;
	(pc) =	sbr.ind lr, $3  }
0x3a: {  	_ = 	snop  }
0x3b: {  	_ = 	snop  }
0x3c: {  	p2 =	seq.s32 s10, $0x1;
	s10 =	sld [smem:$0x3FB9]  }
0x3d: {  	_ =	shalt  }
0x3e: {  	_ =	shalt  }
0x3f: {  	_ =	shalt  }
0x40: {  	_ =	shalt  }
0x41: {  	_ =	shalt  }
0x42: {  	_ =	shalt  }
0x43: {  	_ =	shalt  }
0x44: {  	_ =	shalt  }
0x45: {  	_ =	shalt  }
0x46: {  	_ =	shalt  }
0x47: {  	_ =	shalt  }
0x48: {  	_ =	shalt  }
0x49: {  	_ =	shalt  }
0x4a: {  	_ =	shalt  }
0x4b: {  	_ =	shalt  }
0x4c: {  	_ =	shalt  }
0x4d: {  	_ =	shalt  }
0x4e: {  	_ =	shalt  }
0x4f: {  	_ =	shalt  }
0x50: {  	_ =	shalt  }
0x51: {  	_ =	shalt  }
0x52: {  	_ =	shalt  }
0x53: {  	_ =	shalt  }
0x54: {  	_ =	shalt  }
0x55: {  	_ =	shalt  }
0x56: {  	_ =	shalt  }
0x57: {  	_ =	shalt  }
0x58: {  	_ =	shalt  }
0x59: {  	_ =	shalt  }
0x5a: {  	_ =	shalt  }
0x5b: {  	_ =	shalt  }
0x5c: {  	_ =	shalt  }
0x5d: {  	_ =	shalt  }
0x5e: {  	_ =	shalt  }
0x5f: {  	_ =	shalt  }
0x60: {  	_ =	shalt  }
0x61: {  	_ =	shalt  }
0x62: {  	_ =	shalt  }
0x63: {  	_ =	shalt  }
0x64: {  	_ =	shalt  }
0x65: {  	_ =	shalt  }
0x66: {  	_ =	shalt  }
0x67: {  	_ =	shalt  }
0x68: {  	_ =	shalt  }
0x69: {  	_ =	shalt  }
0x6a: {  	_ =	shalt  }
0x6b: {  	_ =	shalt  }
0x6c: {  	_ =	shalt  }
0x6d: {  	_ =	shalt  }
0x6e: {  	_ =	shalt  }
0x6f: {  	_ =	shalt  }
0x70: {  	_ =	shalt  }
0x71: {  	_ =	shalt  }
0x72: {  	_ =	shalt  }
0x73: {  	_ =	shalt  }
0x74: {  	_ =	shalt  }
0x75: {  	_ =	shalt  }
0x76: {  	_ =	shalt  }
0x77: {  	_ =	shalt  }
0x78: {  	_ =	shalt  }
0x79: {  	_ =	shalt  }
0x7a: {  	_ =	shalt  }
0x7b: {  	_ =	shalt  }
0x7c: {  	_ =	shalt  }
0x7d: {  	_ =	shalt  }
0x7e: {  	_ =	shalt  }
0x7f: {  	_ =	shalt  }
0x80: {  	_ =	shalt  }
0x81: {  	_ =	shalt  }
0x82: {  	_ =	shalt  }
0x83: {  	_ =	shalt  }
0x84: {  	_ =	shalt  }
0x85: {  	_ =	shalt  }
0x86: {  	_ =	shalt  }
0x87: {  	_ =	shalt  }
.Lfunc_end0:
.L_simem_size_0:
called_computation_lowered:
.L_overlay_start_0:
0x88: {  	s2 =	sld [smem:$0x3FD9]  }
0x89: {  	s3 =	sld [smem:$0x3FFE];
	_ =	sdelay $0x1  }
0x8a: {  	s1 =	srdreg.scid  }
0x8b: {  	s0 =	sand.u32 $0x1, s1  }
0x8c: {  	s17 =	sshll.u32 s0, $0xA;
	s2 =	sadd.s32 s3, s2  }
0x8d: {  	s2 =	sadd.s32 s2, s17  }
0x8e: {  	[smem:$0x3FC5] =	sst s2  }
0x8f: {  	_ = 	snop  }
0x90: {  	s2 =	sld [smem:$0x3FC8]  }
0x91: {  	s18 =	sld [smem:$0x3FD0];
	(tm) =	ssettm $0x1  }
0x92: {  	s4 =	sld [smem:$0x3FFB];
	_ =	sdelay $0x3  }
0x93: {  	_ =	strace s4  }
0x94: {  	s4 =	sld [smem:$0x3FFC];
	_ =	sdelay $0x3  }
0x95: {  	_ =	strace s4  }
0x96: {  	s4 =	sld [smem:$0x3FFD];
	_ =	sdelay $0x3  }
0x97: {  	_ =	strace s4  }
0x98: {  	_ =	strace $0x8FFFFFFF  }
0x99: {  	s19 =	sld [smem:$0x3FDB];
	_ =	sdelay $0x1  }
0x9a: {  	s5 =	simm.s32 $_scs_section_size  }
0x9b: {  	s6 =	simm.s32 $_size__tile_overlayer_lowered;
	s7 =	simm.s32 $_tile_overlayer_lowered  }
0x9c: {  	s22 =	simm.s32 $0x1BFF;
	s21 =	sshll.u32 s7, $0x1;
	s4 =	sadd.s32 s5, s19  }
0x9d: {  	s8 =	simm.s32 $0x0;
	s20 =	sshll.u32 s6, $0x1;
	s6 =	sadd.s32 s21, s4  }
0x9e: {  	[timem:s8], [sflag:s22] =	dma.local [hbm:s6], s20  }
0x9f: {  	_ =	swait.ge [sflag:s22], s20  }
0xa0: {  	s5 =	ssub.s32 $0x0, s20;
	[sflag:s22] =	ssyncset.done $0x0  }
0xa1: {  	[sflag:s22] =	ssyncadd.s32 s5;
	_ =	sdelay $0x1  }
0xa2: {  	s23 =	simm.s32 $0x1B8B  }
0xa3: {  	_ =	swait.ge [sflag:s23], $0x1  }
0xa4: {  	[sflag:s23] =	ssyncset.done $0x0  }
0xa5: {  	s25 =	simm.s32 $0x1B8E;
	s24 =	sld [smem:$0x3FFE];
	[sflag:s23] =	ssyncadd.s32 $0xFFFFFFFF  }
0xa6: {  	s26 =	simm.s32 $execute0_lowered;
	[smem:$0x3FD2] =	sst s25  }
0xa7: {  	s6 =	sshll.u32 s26, $0x1;
	_ =	strace $0x80000046;
	[dreg:$0x1] =	wrdreg $0xFFFFFFFF  }
0xa8: {  	s28 =	simm.s32 $_size_execute0_lowered;
	s4 =	sadd.s32 s4, s6;
	[dreg:$0x0] =	wrdreg $0x0  }
0xa9: {  	s6 =	sshll.u32 s28, $0x1;
	[dreg:$0x2] =	wrdreg s4  }
0xaa: {  	[dreg:$0x3] =	wrdreg s6  }
0xab: {  	[dreg:$0x4] =	wrdreg $0xC0  }
0xac: {  	_ =	task [dreg:s8], $0x5FFFF  }
0xad: {  	[dreg:$0x1] =	wrdreg $0xFFFFFFFF  }
0xae: {  	[dreg:$0x0] =	wrdreg $0x60  }
0xaf: {  	[dreg:$0x2] =	wrdreg s24  }
0xb0: {  	[dreg:$0x3] =	wrdreg s2  }
0xb1: {  	[dreg:$0x4] =	wrdreg s18  }
0xb2: {  	[dreg:$0x5] =	wrdreg $0x9  }
0xb3: {  	_ =	task.clear_ibuf [dreg:s8], $0x6FFFF;
	_ =	strace $0x90000046  }
0xb4: {  	s29 =	simm.s32 $0x9;
	_ =	strace $0x80000048  }
0xb5: {  	_ =	swait.ge [sflag:s29], $0x1  }
0xb6: {  	[sflag:s29] =	ssyncadd.s32 $0xFFFFFFFF  }
0xb7: {  	_ =	strace $0x90000048  }
0xb8: {  	_ =	sfence  }
0xb9: {  	s30 =	sld [smem:$0x0];
	_ =	sdelay $0x2  }
0xba: {  	s31 =	sshll.u32 s1, $0xD;
	s1 =	sshrl.u32 s1, $0x2  }
0xbb: {  	s3 =	sand.u32 $0x4000, s31;
	s1 =	sadd.s32 s1, s30  }
0xbc: {  	s0 =	sor.u32 s3, s0;
	s1 =	sshll.u32 s1, $0x11  }
0xbd: {  	s0 =	sor.u32 s1, s0  }
0xbe: {  	s0 =	sadd.s32 $0x8F2B, s0  }
0xbf: {  	[sflag:s0] =	ssyncadd.remote.s32 $0x1  }
0xc0: {  	_ =	sfence.sel $0xFFFF  }
0xc1: {  	[dreg:$0x0] =	wrdreg $0xFFFFFFFF;
	(pc) =	sbr.abs _section_cstart, $3  }
0xc2: {  	[dreg:$0x1] =	wrdreg $0xFFFFFFFF  }
0xc3: {  	_ =	task.clear_ibuf [dreg:s8], $0x2FFFF;
	_ =	strace $0x9FFFFFFF  }
0xc4: {  	(tm) =	ssettm $0x7FFFFFFF  }
0xc5: {  	_ =	shalt  }
tec
execute0_lowered:
.L_overlay_start_1:
0x0: {  	(tag) =	ssettag $0x1  }
0x1: {  	s6 =	rddreg [dreg:$0x0]  }
0x2: {  	s0 =	srdreg.scid;
	s1 =	rddreg [dreg:$0x1]  }
0x3: {  	s9 =	stileid.u32;
	s2 =	rddreg [dreg:$0x2]  }
0x4: {  	s3 =	simm.s32 $0x0;
	s7 =	sand.u32 $0x1, s0;
	s31 =	sshll.u32 s9, $0x1  }
0x5: {  	s11 =	simm.s32 $0x1;
	s0 =	rddreg [dreg:$0x3];
	s4 =	sor.u32 s7, s31  }
0x6: {  	s12 =	simm.s32 $0x0;
	[smem:$0x7FF] =	sst s3;
	s5 =	smul.u32 $0x27, s4  }
0x7: {  	p0 =	seq.s32 s9, $0x0;
	s7 =	ssub.s32 $0x2, s7;
	s4 =	smin.u32 s4, $0x2  }
.Ltmp0:
0x8: {  	s10 =	sshrl.u32 s7, $0x1;
	s4 =	sadd.s32 s4, s5;
	(pc) =	sbr.rel .LBB2_1-.Ltmp0, $4  }
0x9: {  	_ =	strace $0x80000047;
	s10 =	ssub.s32 s7, s10;
	s8 =	sshll.u32 s4, $0x5  }
0xa: {  	s5 =	sadd.s32 $0x600, s6;
	s8 =	sadd.s32 s8, s6;
	s6 =	simm.s32 $0x28  }
0xb: {  	s6 =	simm.s32 @!p0 $0x27;
	s7 =	sadd.s32 $0x1A00, s8;
	s8 =	smax.u32 s10, $0x1  }
0xc: {  	p0 =	sne.s32 s9, $0x0;
	s9 =	simm.s32 $0x3;
	s10 =	simm.s32 $0x2  }
.LBB2_7:
0xd: {  	_ =	swait.ge [sflag:s10], $0x400  }
0xe: {  	[sflag:s10] =	ssyncset.done $0x0  }
0xf: {  	[sflag:s10] =	ssyncadd.s32 $0xFFFFFC00  }
0x10: {  	_ =	swait.ge [sflag:s10], $0x400  }
0x11: {  	[sflag:s10] =	ssyncset.done $0x0  }
0x12: {  	[sflag:s10] =	ssyncadd.s32 $0xFFFFFC00  }
0x13: {  	_ =	swait.ge [sflag:s10], $0x400  }
0x14: {  	[sflag:s10] =	ssyncset.done $0x0  }
0x15: {  	[sflag:s10] =	ssyncadd.s32 $0xFFFFFC00  }
0x16: {  	_ =	swait.ge [sflag:s10], $0x400  }
0x17: {  	[sflag:s10] =	ssyncset.done $0x0  }
0x18: {  	[sflag:s10] =	ssyncadd.s32 $0xFFFFFC00  }
0x19: {  	_ =	swait.ge [sflag:s10], $0x400  }
0x1a: {  	[sflag:s10] =	ssyncset.done $0x0  }
0x1b: {  	[sflag:s10] =	ssyncadd.s32 $0xFFFFFC00  }
0x1c: {  	_ =	swait.ge [sflag:s10], $0x400  }
0x1d: {  	[sflag:s10] =	ssyncset.done $0x0  }
0x1e: {  	[sflag:s10] =	ssyncadd.s32 $0xFFFFFC00  }
0x1f: {  	_ =	swait.ge [sflag:s10], $0x400  }
0x20: {  	[sflag:s10] =	ssyncset.done $0x0  }
0x21: {  	[sflag:s10] =	ssyncadd.s32 $0xFFFFFC00  }
0x22: {  	_ =	swait.ge [sflag:s10], $0x400  }
0x23: {  	[sflag:s10] =	ssyncset.done $0x0  }
0x24: {  	[sflag:s10] =	ssyncadd.s32 $0xFFFFFC00  }
0x25: {  	_ =	swait.ge [sflag:s10], $0x400  }
0x26: {  	[sflag:s10] =	ssyncset.done $0x0  }
0x27: {  	[sflag:s10] =	ssyncadd.s32 $0xFFFFFC00  }
0x28: {  	_ =	swait.ge [sflag:s10], $0x400  }
0x29: {  	[sflag:s10] =	ssyncset.done $0x0  }
0x2a: {  	[sflag:s10] =	ssyncadd.s32 $0xFFFFFC00  }
0x2b: {  	_ =	swait.ge [sflag:s10], $0x400  }
0x2c: {  	[sflag:s10] =	ssyncset.done $0x0  }
0x2d: {  	[sflag:s10] =	ssyncadd.s32 $0xFFFFFC00  }
0x2e: {  	_ =	swait.ge [sflag:s10], $0x400  }
0x2f: {  	[sflag:s10] =	ssyncset.done $0x0  }
0x30: {  	[sflag:s10] =	ssyncadd.s32 $0xFFFFFC00  }
0x31: {  	_ =	swait.ge [sflag:s10], $0x400  }
0x32: {  	[sflag:s10] =	ssyncset.done $0x0  }
0x33: {  	[sflag:s10] =	ssyncadd.s32 $0xFFFFFC00  }
0x34: {  	_ =	swait.ge [sflag:s10], $0x400  }
0x35: {  	[sflag:s10] =	ssyncset.done $0x0  }
0x36: {  	[sflag:s10] =	ssyncadd.s32 $0xFFFFFC00  }
0x37: {  	_ =	swait.ge [sflag:s10], $0x400  }
0x38: {  	[sflag:s10] =	ssyncset.done $0x0  }
0x39: {  	[sflag:s10] =	ssyncadd.s32 $0xFFFFFC00  }
0x3a: {  	_ =	swait.ge [sflag:s10], $0x400  }
0x3b: {  	[sflag:s10] =	ssyncset.done $0x0  }
0x3c: {  	s12 =	sadd.s32 $0x1, s12;
	[sflag:s10] =	ssyncadd.s32 $0xFFFFFC00  }
0x3d: {  	p1 =	sne.s32 s12, s8;
	_ =	swait.ge [sflag:s10], $0x400  }
.Ltmp1:
0x3e: {  	[sflag:s10] =	ssyncset.done $0x0;
	(pc) =	sbr.rel @!p1 .LBB2_8-.Ltmp1, $4  }
0x3f: {  	[sflag:s10] =	ssyncadd.s32 $0xFFFFFC00  }
0x40: {  	_ =	swait.ge [sflag:s10], $0x400  }
0x41: {  	[sflag:s10] =	ssyncset.done $0x0  }
0x42: {  	[sflag:s10] =	ssyncadd.s32 $0xFFFFFC00  }
.LBB2_1:
0x43: {  	[tilespmem:s3], [sflag:$0x3] =	stream.linear.gather [hbm4b:s5+s3], $0x9C80, $0x38;
	[tilespmem:$0x1CC80] =	vst v63  }
0x44: {  	_ =	swait.ge [sflag:s9], $0x9C80  }
0x45: {  	[sflag:s9] =	ssyncset.done $0x0  }
0x46: {  	s13 =	simm.s32 @p0 $0x0;
	s14 =	simm.s32 @p0 $0x9C80;
	[sflag:s9] =	ssyncadd.s32 $0xFFFF6380  }
0x47: {  	[tilespmem:s14], [sflag:$0x3] =	stream.linear.gather @p0 [hbm4b:s7+s13], $0x2700, $0x38;
	[tilespmem:$0x1CC80] =	vst v63  }
0x48: {  	s13 =	simm.s32 @p0 $0x3  }
0x49: {  	_ =	swait.ge @p0 [sflag:s13], $0x2700  }
0x4a: {  	[sflag:s13] =	ssyncset.done @p0 $0x0  }
0x4b: {  	s14 =	simm.s32 @!p0 $0x9C80;
	[sflag:s13] =	ssyncadd.s32 @p0 $0xFFFFD900;
	s13 =	simm.s32 @!p0 $0x0  }
0x4c: {  	[tilespmem:s14], [sflag:$0x3] =	stream.linear.gather @!p0 [hbm4b:s7+s13], $0x2800, $0x38;
	[tilespmem:$0x1CC80] =	vst v63  }
.Ltmp2:
0x4d: {  	_ = 	snop;
	(pc) =	sbr.rel .LBB2_2-.Ltmp2, $4  }
0x4e: {  	s13 =	simm.s32 @!p0 $0x3  }
0x4f: {  	_ =	swait.ge @!p0 [sflag:s13], $0x2800  }
0x50: {  	[sflag:s13] =	ssyncset.done @!p0 $0x0  }
0x51: {  	[sflag:s13] =	ssyncadd.s32 @!p0 $0xFFFFD800;
	s13 =	simm.s32 $0x0  }
.LBB2_6:
0x52: {  	p1 =	sne.s32 s13, s6  }
.Ltmp3:
0x53: {  	_ = 	snop;
	(pc) =	sbr.rel @!p1 .LBB2_7-.Ltmp3, $2  }
0x54: {  	_ =	sdelay $0x2  }
0x55: {  	s13 =	smov.u32 s14  }
.LBB2_2:
0x56: {  	p1 =	sge.u32 s13, s6  }
0x57: {  	s14 =	sshll.u32 @!p1 s13, $0xF;
	s15 =	sshll.u32 @!p1 s13, $0x8  }
0x58: {  	s14 =	sand.u32 @!p1 $0x8000, s14;
	s15 =	sand.u32 @!p1 $0x3FFFFF00, s15  }
0x59: {  	s18 =	simm.s32 @!p1 $0x80;
	s16 =	sadd.s32 @!p1 $0xC480, s14;
	s17 =	sadd.s32 @!p1 $0x9C80, s15  }
0x5a: {  	[tilespmem:s16], [sflag:$0x1] =	stream.indirect.gather @!p1 [hbm4b:s1+s18], $0x80, s17, s18, $0xb8;
	[tilespmem:$0x1CC80] =	vst v63  }
0x5b: {  	s14 =	sor.u32 @!p1 $0x10480, s14;
	s15 =	sadd.s32 @!p1 $0x9D00, s15  }
0x5c: {  	[tilespmem:s14], [sflag:$0x1] =	stream.indirect.gather @!p1 [hbm4b:s1+s18], $0x80, s15, s18, $0xb8;
	[tilespmem:$0x1CC80] =	vst v63  }
0x5d: {  	p1 =	seq.s32 s13, $0x0  }
.Ltmp4:
0x5e: {  	_ = 	snop;
	(pc) =	sbr.rel @p1 .LBB2_6-.Ltmp4, $2  }
0x5f: {  	_ =	sdelay $0x2  }
0x60: {  	s14 =	sadd.s32 $0x1, s13  }
0x61: {  	_ =	swait.ge [sflag:s11], $0x4000  }
0x62: {  	[sflag:s11] =	ssyncset.done $0x0  }
0x63: {  	[sflag:s11] =	ssyncadd.s32 $0xFFFFC000  }
0x64: {  	_ =	swait.ge [sflag:s11], $0x4000  }
0x65: {  	p1 =	slt.u32 s13, $0x3;
	[sflag:s11] =	ssyncset.done $0x0  }
0x66: {  	s15 =	simm.s32 @!p1 $0x2;
	[sflag:s11] =	ssyncadd.s32 $0xFFFFC000  }
0x67: {  	_ =	swait.ge @!p1 [sflag:s15], $0x400  }
0x68: {  	[sflag:s15] =	ssyncset.done @!p1 $0x0  }
0x69: {  	[sflag:s15] =	ssyncadd.s32 @!p1 $0xFFFFFC00  }
0x6a: {  	_ =	swait.ge @!p1 [sflag:s15], $0x400  }
0x6b: {  	[sflag:s15] =	ssyncset.done @!p1 $0x0  }
0x6c: {  	[sflag:s15] =	ssyncadd.s32 @!p1 $0xFFFFFC00  }
0x6d: {  	_ =	swait.ge @!p1 [sflag:s15], $0x400  }
0x6e: {  	[sflag:s15] =	ssyncset.done @!p1 $0x0  }
0x6f: {  	[sflag:s15] =	ssyncadd.s32 @!p1 $0xFFFFFC00  }
0x70: {  	_ =	swait.ge @!p1 [sflag:s15], $0x400  }
0x71: {  	[sflag:s15] =	ssyncset.done @!p1 $0x0  }
0x72: {  	[sflag:s15] =	ssyncadd.s32 @!p1 $0xFFFFFC00  }
0x73: {  	_ =	swait.ge @!p1 [sflag:s15], $0x400  }
0x74: {  	[sflag:s15] =	ssyncset.done @!p1 $0x0  }
0x75: {  	[sflag:s15] =	ssyncadd.s32 @!p1 $0xFFFFFC00  }
0x76: {  	_ =	swait.ge @!p1 [sflag:s15], $0x400  }
0x77: {  	[sflag:s15] =	ssyncset.done @!p1 $0x0  }
0x78: {  	[sflag:s15] =	ssyncadd.s32 @!p1 $0xFFFFFC00  }
0x79: {  	_ =	swait.ge @!p1 [sflag:s15], $0x400  }
0x7a: {  	[sflag:s15] =	ssyncset.done @!p1 $0x0  }
0x7b: {  	[sflag:s15] =	ssyncadd.s32 @!p1 $0xFFFFFC00  }
0x7c: {  	_ =	swait.ge @!p1 [sflag:s15], $0x400  }
0x7d: {  	[sflag:s15] =	ssyncset.done @!p1 $0x0  }
0x7e: {  	[sflag:s15] =	ssyncadd.s32 @!p1 $0xFFFFFC00  }
0x7f: {  	s17 =	sadd.s32 $0xFFFFFFFF, s13;
	s18 =	sand.u32 $0x1, s14;
	_ =	swait.ge @!p1 [sflag:s15], $0x400  }
0x80: {  	s31 =	sshll.u32 s18, $0xF;
	s18 =	sshll.u32 s18, $0xA;
	[sflag:s15] =	ssyncset.done @!p1 $0x0  }
0x81: {  	s30 =	sshll.u32 s17, $0xA;
	[sflag:s15] =	ssyncadd.s32 @!p1 $0xFFFFFC00;
	s15 =	sadd.s32 $0x1C480, s18  }
0x82: {  	s16 =	sadd.s32 s4, s17;
	s19 =	sshra.s32 s30, $0x2;
	s20 =	sadd.s32 $0xC480, s31;
	v0 =	vmov s15  }
0x83: {  	s17 =	sshll.u32 s16, $0x5;
	v16 =	vmov s20;
	s18 =	sadd.s32 $0x9C80, s19;
	s19 =	simm.s32 $0x0;
	[tilespmem:$0x1FFF0] =	vst v0  }
.LBB2_4:
0x84: {  	s21 =	sshll.u32 s19, $0x5  }
0x85: {  	s22 =	sand.u32 $0x80, s21  }
0x86: {  	s20 =	sshll.u32 s19, $0x2;
	s21 =	sand.u32 $0x60, s21;
	s22 =	sadd.s32 s22, s18  }
0x87: {  	s30 =	sshll.u32 s19, $0xE;
	s20 =	sadd.s32 s17, s20;
	s21 =	sadd.s32 s21, s22  }
0x88: {  	v0 =	vmov s20;
	s23 =	sor.u32 $0x1, s20;
	s29 =	sor.u32 $0x2, s20;
	s20 =	sor.u32 $0x3, s20;
	v3 =	vld [tilespmem:s21+$0x0]  }
0x89: {  	v1 =	vmov s23;
	v0 =	vand.u32 $0xFFFFFFFC, v0;
	v4 =	vmov s20;
	s20 =	sshra.s32 s30, $0x2  }
0x8a: {  	v0 =	vbroadcast v0, $0x0;
	v1 =	vand.u32 $0xFFFFFFFD, v1;
	v63 =	vld.idx.msk [tilespmem:v16+s20+$0x300 ss:$0x1], $0xffff  }
0x8b: {  	v1 =	vbroadcast v1, $0x0;
	_ =	sdelay $0x1  }
0x8c: {  	v3 =	vshll.u32 v3, $0x2  }
0x8d: {  	v56 =	vor.u32 $0x1, v3  }
0x8e: {  	[tilespmem:$0x1FDC0] =	vst v63;
	v63 =	vld.idx.msk [tilespmem:v16+s20+$0x310 ss:$0x1], $0xffff  }
0x8f: {  	v18 =	vld.idx.msk [tilespmem:v0+s3+$0x0], $0xffff  }
0x90: {  	v29 =	vld.idx.msk [tilespmem:v1+s3+$0x0], $0xffff  }
0x91: {  	v58 =	vor.u32 $0x3, v3;
	v28 =	vld.idx.msk [tilespmem:v3+s3+$0x0], $0xffff  }
0x92: {  	v32 =	vld.idx.msk [tilespmem:v56+s3+$0x0], $0xffff  }
0x93: {  	v31 =	vld.idx.msk [tilespmem:v4+s3+$0x0], $0xffff  }
0x94: {  	v0 =	vld.idx.msk [tilespmem:v16+s20+$0x330 ss:$0x1], $0xffff  }
0x95: {  	v1 =	vld.idx.msk [tilespmem:v16+s20+$0x350 ss:$0x1], $0xffff  }
0x96: {  	v35 =	vld.idx.msk [tilespmem:v58+s3+$0x0], $0xffff  }
0x97: {  	[tilespmem:$0x1FDD0] =	vst v63;
	v63 =	vsub.f32 v28, v18;
	v32 =	vsub.f32 v32, v29;
	_ =	sdelay $0x1  }
0x98: {  	[tilespmem:$0x1FDE0] =	vst v0;
	v63 =	vmul.f32 v63, v63;
	v0 =	vmul.f32 v32, v32  }
0x99: {  	v5 =	vld [tilespmem:s21+$0x10]  }
0x9a: {  	[tilespmem:$0x1FDF0] =	vst v1;
	v1 =	vadd.f32 v0, v63;
	v0 =	vsub.f32 v35, v31;
	v35 =	vld.idx.msk [tilespmem:v16+s20+$0x370 ss:$0x1], $0xffff  }
0x9b: {  	v7 =	vld.idx.msk [tilespmem:v16+s20+$0x30 ss:$0x1], $0xffff  }
0x9c: {  	v8 =	vld.idx.msk [tilespmem:v16+s20+$0x40 ss:$0x1], $0xffff  }
0x9d: {  	v9 =	vld.idx.msk [tilespmem:v16+s20+$0x50 ss:$0x1], $0xffff  }
0x9e: {  	v10 =	vld.idx.msk [tilespmem:v16+s20+$0x60 ss:$0x1], $0xffff  }
0x9f: {  	[tilespmem:$0x1FE00] =	vst v35;
	v35 =	vld.idx.msk [tilespmem:v16+s20+$0x390 ss:$0x1], $0xffff  }
0xa0: {  	v11 =	vld.idx.msk [tilespmem:v16+s20+$0x70 ss:$0x1], $0xffff  }
0xa1: {  	v6 =	vld.idx.msk [tilespmem:v16+s20+$0x90 ss:$0x1], $0xffff  }
0xa2: {  	v12 =	vld.idx.msk [tilespmem:v16+s20+$0xA0 ss:$0x1], $0xffff  }
0xa3: {  	v13 =	vld.idx.msk [tilespmem:v16+s20+$0xB0 ss:$0x1], $0xffff  }
0xa4: {  	v2 =	vmov s29;
	[tilespmem:$0x1FE10] =	vst v35;
	v35 =	vld.idx.msk [tilespmem:v16+s20+$0x3A0 ss:$0x1], $0xffff  }
0xa5: {  	v2 =	vand.u32 $0xFFFFFFFE, v2;
	v14 =	vld.idx.msk [tilespmem:v16+s20+$0xC0 ss:$0x1], $0xffff  }
0xa6: {  	v15 =	vld.idx.msk [tilespmem:v16+s20+$0xD0 ss:$0x1], $0xffff;
	v2 =	vbroadcast v2, $0x0  }
0xa7: {  	v45 =	vld.idx.msk [tilespmem:v16+s20+$0xE0 ss:$0x1], $0xffff  }
0xa8: {  	v17 =	vld.idx.msk [tilespmem:v16+s20+$0xF0 ss:$0x1], $0xffff;
	v57 =	vor.u32 $0x2, v3  }
0xa9: {  	[tilespmem:$0x1FE20] =	vst v35;
	v35 =	vld.idx.msk [tilespmem:v16+s20+$0x3B0 ss:$0x1], $0xffff  }
0xaa: {  	v47 =	vld.idx.msk [tilespmem:v16+s20+$0x100 ss:$0x1], $0xffff  }
0xab: {  	v51 =	vld.idx.msk [tilespmem:v16+s20+$0x110 ss:$0x1], $0xffff  }
0xac: {  	v30 =	vld.idx.msk [tilespmem:v2+s3+$0x0], $0xffff  }
0xad: {  	v33 =	vld.idx.msk [tilespmem:v57+s3+$0x0], $0xffff  }
0xae: {  	[tilespmem:$0x1FE30] =	vst v35;
	v35 =	vld.idx.msk [tilespmem:v16+s20+$0x3C0 ss:$0x1], $0xffff  }
0xaf: {  	v37 =	vld.idx.msk [tilespmem:v16+s20+$0x120 ss:$0x1], $0xffff  }
0xb0: {  	v52 =	vld.idx.msk [tilespmem:v16+s20+$0x130 ss:$0x1], $0xffff  }
0xb1: {  	v53 =	vld.idx.msk [tilespmem:v16+s20+$0x140 ss:$0x1], $0xffff;
	v59 =	vshll.u32 v5, $0x2  }
0xb2: {  	v54 =	vld.idx.msk [tilespmem:v16+s20+$0x150 ss:$0x1], $0xffff;
	v61 =	vor.u32 $0x2, v59  }
0xb3: {  	v33 =	vsub.f32 v33, v30;
	[tilespmem:$0x1FE40] =	vst v35;
	v35 =	vld.idx.msk [tilespmem:v16+s20+$0x3D0 ss:$0x1], $0xffff  }
0xb4: {  	v55 =	vld.idx.msk [tilespmem:v16+s20+$0x160 ss:$0x1], $0xffff;
	v60 =	vor.u32 $0x1, v59  }
0xb5: {  	v34 =	vld.idx.msk [tilespmem:v16+s20+$0x170 ss:$0x1], $0xffff;
	v63 =	vmul.f32 v33, v33  }
0xb6: {  	v36 =	vld.idx.msk [tilespmem:v59+s3+$0x0], $0xffff  }
0xb7: {  	v42 =	vld.idx.msk [tilespmem:v61+s3+$0x0], $0xffff;
	v1 =	vadd.f32 v63, v1;
	v0 =	vmul.f32 v0, v0  }
0xb8: {  	v62 =	vor.u32 $0x3, v59;
	[tilespmem:$0x1FE50] =	vst v35;
	v35 =	vld.idx.msk [tilespmem:v16+s20+$0x3E0 ss:$0x1], $0xffff  }
0xb9: {  	v38 =	vld.idx.msk [tilespmem:v60+s3+$0x0], $0xffff;
	v0 =	vadd.f32 v0, v1  }
0xba: {  	v27 =	vld.idx.msk [tilespmem:v16+s20+$0x190 ss:$0x1], $0xffff  }
0xbb: {  	v19 =	vld.idx.msk [tilespmem:v16+s20+$0x1A0 ss:$0x1], $0xffff;
	v0 =	vmul.f32 $-1.000000000e+01, v0  }
0xbc: {  	v20 =	vld.idx.msk [tilespmem:v16+s20+$0x1B0 ss:$0x1], $0xffff  }
0xbd: {  	v44 =	vld.idx.msk [tilespmem:v62+s3+$0x0], $0xffff;
	v0 =	vmul.f32 $1.442695020e+00, v0;
	[tilespmem:$0x1FE60] =	vst v35;
	v35 =	vsub.f32 v42, v30  }
0xbe: {  	v21 =	vld.idx.msk [tilespmem:v16+s20+$0x1C0 ss:$0x1], $0xffff;
	v1 =	vsub.f32 v36, v18;
	v18 =	vsub.f32 v38, v29  }
0xbf: {  	(erf) = vpow2.f32 v0;
	v0 =	vmul.f32 v35, v35;
	v35 =	vld.idx.msk [tilespmem:v16+s20+$0x440 ss:$0x1], $0xffff  }
0xc0: {  	v22 =	vld.idx.msk [tilespmem:v16+s20+$0x1D0 ss:$0x1], $0xffff;
	v1 =	vmul.f32 v1, v1;
	v18 =	vmul.f32 v18, v18  }
0xc1: {  	v26 =	vld.idx.msk [tilespmem:v16+s20+$0x1E0 ss:$0x1], $0xffff  }
0xc2: {  	v23 =	vld.idx.msk [tilespmem:v16+s20+$0x1F0 ss:$0x1], $0xffff;
	v1 =	vadd.f32 v18, v1;
	v18 =	vsub.f32 v44, v31  }
0xc3: {  	v25 =	vld.idx.msk [tilespmem:v16+s20+$0x200 ss:$0x1], $0xffff  }
0xc4: {  	[tilespmem:$0x1FE70] =	vst v35;
	v35 =	vmul.f32 v18, v18;
	v18 =	vld.idx.msk [tilespmem:v16+s20+$0x460 ss:$0x1], $0xffff  }
0xc5: {  	v24 =	vld.idx.msk [tilespmem:v16+s20+$0x210 ss:$0x1], $0xffff  }
0xc6: {  	v39 =	vld.idx.msk [tilespmem:v16+s20+$0x220 ss:$0x1], $0xffff;
	v0 =	vadd.f32 v0, v1  }
0xc7: {  	v41 =	vld.idx.msk [tilespmem:v16+s20+$0x230 ss:$0x1], $0xffff  }
0xc8: {  	v0 =	vadd.f32 v35, v0;
	v35 =	vld.idx.msk [tilespmem:v16+s20+$0x470 ss:$0x1], $0xffff  }
0xc9: {  	[tilespmem:$0x1FE80] =	vst v18;
	v18 =	vld.idx.msk [tilespmem:v16+s20+$0x490 ss:$0x1], $0xffff  }
0xca: {  	v40 =	vld.idx.msk [tilespmem:v16+s20+$0x240 ss:$0x1], $0xffff  }
0xcb: {  	v43 =	vld.idx.msk [tilespmem:v16+s20+$0x250 ss:$0x1], $0xffff  }
0xcc: {  	v46 =	vld.idx.msk [tilespmem:v16+s20+$0x260 ss:$0x1], $0xffff  }
0xcd: {  	v49 =	vld.idx.msk [tilespmem:v16+s20+$0x270 ss:$0x1], $0xffff;
	[tilespmem:$0x1FE90] =	vst v35;
	v35 =	vpop (erf)  }
0xce: {  	[tilespmem:$0x1FEB0] =	vst v18;
	v18 =	vmul.f32 $3.125000000e-02, v35;
	v35 =	vld.idx.msk [tilespmem:v16+s20+$0x4B0 ss:$0x1], $0xffff  }
0xcf: {  	v48 =	vld.idx.msk [tilespmem:v16+s20+$0x280 ss:$0x1], $0xffff  }
0xd0: {  	v50 =	vld.idx.msk [tilespmem:v16+s20+$0x2A0 ss:$0x1], $0xffff  }
0xd1: {  	v4 =	vld.idx.msk [tilespmem:v16+s20+$0x20 ss:$0x1], $0xffff  }
0xd2: {  	v5 =	vld.idx.msk [tilespmem:v16+s20+$0x80 ss:$0x1], $0xffff  }
0xd3: {  	[tilespmem:$0x1FED0] =	vst v35;
	v35 =	vld.idx.msk [tilespmem:v16+s20+$0x4C0 ss:$0x1], $0xffff  }
0xd4: {  	v2 =	vld.idx.msk [tilespmem:v16+s20+$0x0 ss:$0x1], $0xffff  }
0xd5: {  	v30 =	vld.idx.msk [tilespmem:v16+s20+$0x480 ss:$0x1], $0xffff  }
0xd6: {  	v3 =	vld.idx.msk [tilespmem:v16+s20+$0x10 ss:$0x1], $0xffff  }
0xd7: {  	v59 =	vld.idx.msk [tilespmem:v16+s20+$0x2D0 ss:$0x1], $0xffff  }
0xd8: {  	[tilespmem:$0x1FEE0] =	vst v35;
	v35 =	vld.idx.msk [tilespmem:v16+s20+$0x4E0 ss:$0x1], $0xffff  }
0xd9: {  	v60 =	vld.idx.msk [tilespmem:v16+s20+$0x180 ss:$0x1], $0xffff  }
0xda: {  	[tilespmem:$0x1FEA0] =	vst v30;
	v30 =	vld.idx.msk [tilespmem:v16+s20+$0x4A0 ss:$0x1], $0xffff  }
0xdb: {  	v56 =	vld.idx.msk [tilespmem:v16+s20+$0x290 ss:$0x1], $0xffff  }
0xdc: {  	v57 =	vld.idx.msk [tilespmem:v16+s20+$0x2B0 ss:$0x1], $0xffff  }
0xdd: {  	[tilespmem:$0x1FF00] =	vst v35;
	v35 =	vld.idx.msk [tilespmem:v16+s20+$0x4F0 ss:$0x1], $0xffff  }
0xde: {  	v58 =	vld.idx.msk [tilespmem:v16+s20+$0x2C0 ss:$0x1], $0xffff  }
0xdf: {  	v61 =	vld.idx.msk [tilespmem:v16+s20+$0x2E0 ss:$0x1], $0xffff;
	[tilespmem:$0x1FEC0] =	vst v30;
	v30 =	vimm.s32 $0x0  }
0xe0: {  	v0 =	vmul.f32 $-1.000000000e+01, v0;
	v1 =	vperm.xlane v18, v30;
	v30 =	vld.idx.msk [tilespmem:v16+s20+$0x4D0 ss:$0x1], $0xffff  }
0xe1: {  	v62 =	vld.idx.msk [tilespmem:v16+s20+$0x2F0 ss:$0x1], $0xffff  }
0xe2: {  	v0 =	vmul.f32 $1.442695020e+00, v0;
	[tilespmem:$0x1FF10] =	vst v35;
	v35 =	vld.idx.msk [tilespmem:v16+s20+$0x500 ss:$0x1], $0xffff  }
0xe3: {  	v28 =	vld.idx.msk [tilespmem:v16+s20+$0x320 ss:$0x1], $0xffff  }
0xe4: {  	v32 =	vld.idx.msk [tilespmem:v16+s20+$0x340 ss:$0x1], $0xffff;
	(erf) = vpow2.f32 v0  }
0xe5: {  	v33 =	vld.idx.msk [tilespmem:v16+s20+$0x360 ss:$0x1], $0xffff;
	v0 =	vmul.f32 v2, v1;
	v2 =	vmul.f32 v3, v1;
	[tilespmem:$0x1FEF0] =	vst v30;
	v30 =	vimm.s32 $0x1  }
0xe6: {  	v3 =	vmul.f32 v4, v1;
	v4 =	vperm.xlane v18, v30;
	v30 =	vld.idx.msk [tilespmem:v16+s20+$0x530 ss:$0x1], $0xffff  }
0xe7: {  	[tilespmem:$0x1FF20] =	vst v35;
	v35 =	vld.idx.msk [tilespmem:v16+s20+$0x510 ss:$0x1], $0xffff  }
0xe8: {  	v63 =	vld.idx.msk [tilespmem:v16+s20+$0x380 ss:$0x1], $0xffff  }
0xe9: {  	v38 =	vld.idx.msk [tilespmem:v16+s20+$0x3F0 ss:$0x1], $0xffff  }
0xea: {  	v36 =	vld.idx.msk [tilespmem:v16+s20+$0x400 ss:$0x1], $0xffff  }
0xeb: {  	v7 =	vmul.f32 v7, v1;
	v8 =	vmul.f32 v8, v1;
	[tilespmem:$0x1FF50] =	vst v30;
	v30 =	vld.idx.msk [tilespmem:v16+s20+$0x550 ss:$0x1], $0xffff  }
0xec: {  	v9 =	vmul.f32 v9, v1;
	v0 =	vadd.f32 $0.0e+00, v0;
	v5 =	vmul.f32 v5, v4;
	[tilespmem:$0x1FF30] =	vst v35;
	v35 =	vld.idx.msk [tilespmem:v16+s20+$0x520 ss:$0x1], $0xffff  }
0xed: {  	v29 =	vld.idx.msk [tilespmem:v16+s20+$0x420 ss:$0x1], $0xffff;
	v10 =	vmul.f32 v10, v1;
	v2 =	vadd.f32 $0.0e+00, v2;
	v3 =	vadd.f32 $0.0e+00, v3  }
0xee: {  	v44 =	vld.idx.msk [tilespmem:v16+s20+$0x430 ss:$0x1], $0xffff;
	v6 =	vmul.f32 v6, v4;
	v45 =	vmul.f32 v45, v4;
	v0 =	vadd.f32 v5, v0  }
0xef: {  	v31 =	vld.idx.msk [tilespmem:v16+s20+$0x450 ss:$0x1], $0xffff;
	v5 =	vadd.f32 $0.0e+00, v7;
	v7 =	vadd.f32 $0.0e+00, v8;
	v8 =	vmul.f32 v13, v4  }
0xf0: {  	v42 =	vld.idx.msk [tilespmem:v16+s20+$0x410 ss:$0x1], $0xffff;
	v2 =	vadd.f32 v6, v2;
	v6 =	vadd.f32 $0.0e+00, v9;
	v9 =	vmul.f32 v15, v4;
	[tilespmem:$0x1FF70] =	vst v30  }
0xf1: {  	v13 =	vld.idx.msk [tilespmem:v16+s20+$0x6A0 ss:$0x1], $0xffff;
	v5 =	vadd.f32 v8, v5;
	v30 =	vimm.s32 $0x2;
	[tilespmem:$0x1FF40] =	vst v35;
	v35 =	vmul.f32 v12, v4  }
0xf2: {  	v6 =	vadd.f32 v9, v6;
	v9 =	vadd.f32 $0.0e+00, v10;
	v8 =	vperm.xlane v18, v30;
	v30 =	vld.idx.msk [tilespmem:v16+s20+$0x580 ss:$0x1], $0xffff  }
0xf3: {  	v3 =	vadd.f32 v35, v3;
	v35 =	vld.idx.msk [tilespmem:v16+s20+$0x560 ss:$0x1], $0xffff  }
0xf4: {  	v9 =	vadd.f32 v45, v9;
	v45 =	vld.idx.msk [tilespmem:v16+s20+$0x5A0 ss:$0x1], $0xffff;
	v51 =	vmul.f32 v51, v8  }
0xf5: {  	v54 =	vmul.f32 v54, v8;
	v12 =	vld.idx.msk [tilespmem:v16+s20+$0x540 ss:$0x1], $0xffff  }
0xf6: {  	v1 =	vmul.f32 v11, v1;
	v2 =	vadd.f32 v51, v2;
	v51 =	vld.idx.msk [tilespmem:v16+s20+$0x5D0 ss:$0x1], $0xffff  }
0xf7: {  	v11 =	vmul.f32 v14, v4;
	v10 =	vadd.f32 v54, v6;
	v6 =	vld.idx.msk [tilespmem:v16+s20+$0x640 ss:$0x1], $0xffff;
	[tilespmem:$0x1FFA0] =	vst v30  }
0xf8: {  	v30 =	vmul.f32 v37, v8;
	[tilespmem:$0x1FF80] =	vst v35;
	v35 =	vld.idx.msk [tilespmem:v16+s20+$0x570 ss:$0x1], $0xffff  }
0xf9: {  	v14 =	vimm.s32 $0x3;
	v7 =	vadd.f32 v11, v7;
	v37 =	vmul.f32 v53, v8;
	v53 =	vld.idx.msk [tilespmem:v16+s20+$0x5C0 ss:$0x1], $0xffff  }
0xfa: {  	v3 =	vadd.f32 v30, v3;
	v30 =	vmul.f32 v55, v8;
	[tilespmem:$0x1FF60] =	vst v12;
	v12 =	vperm.xlane v18, v14  }
0xfb: {  	v1 =	vadd.f32 $0.0e+00, v1;
	v7 =	vadd.f32 v37, v7;
	v55 =	vld.idx.msk [tilespmem:v16+s20+$0x600 ss:$0x1], $0xffff  }
0xfc: {  	v4 =	vmul.f32 v17, v4;
	v14 =	vld.idx.msk [tilespmem:v16+s20+$0x6D0 ss:$0x1], $0xffff;
	v9 =	vadd.f32 v30, v9;
	v37 =	vmul.f32 v60, v12  }
0xfd: {  	v60 =	vld.idx.msk [tilespmem:v16+s20+$0x5F0 ss:$0x1], $0xffff;
	v54 =	vmul.f32 v26, v12;
	[tilespmem:$0x1FF90] =	vst v35;
	v35 =	vmul.f32 v47, v8  }
0xfe: {  	[tilespmem:$0x1FFC0] =	vst v53;
	v1 =	vadd.f32 v4, v1;
	v53 =	vmul.f32 v22, v12;
	v26 =	vld.idx.msk [tilespmem:v16+s20+$0x630 ss:$0x1], $0xffff  }
0xff: {  	v9 =	vadd.f32 v54, v9;
	v54 =	vld.idx.msk [tilespmem:v16+s20+$0x650 ss:$0x1], $0xffff;
	v4 =	vadd.f32 v35, v0;
	v35 =	vmul.f32 v52, v8  }
0x100: {  	v27 =	vmul.f32 v27, v12;
	v10 =	vadd.f32 v53, v10;
	v53 =	vld.idx.msk [tilespmem:v16+s20+$0x670 ss:$0x1], $0xffff;
	v52 =	vimm.s32 $0x4  }
0x101: {  	v30 =	vmul.f32 v19, v12;
	v19 =	vperm.xlane v18, v52;
	v11 =	vadd.f32 v35, v5;
	v35 =	vld.idx.msk [tilespmem:v16+s20+$0x5E0 ss:$0x1], $0xffff  }
0x102: {  	v2 =	vadd.f32 v27, v2;
	v47 =	vld.idx.msk [tilespmem:v16+s20+$0x590 ss:$0x1], $0xffff;
	v8 =	vmul.f32 v34, v8  }
0x103: {  	v3 =	vadd.f32 v30, v3;
	v52 =	vld.idx.msk [tilespmem:v16+s20+$0x6B0 ss:$0x1], $0xffff;
	v34 =	vadd.f32 v37, v4;
	v15 =	vmul.f32 v25, v19  }
0x104: {  	v1 =	vadd.f32 v8, v1;
	v4 =	vld.idx.msk [tilespmem:v16+s20+$0x610 ss:$0x1], $0xffff;
	v37 =	vmul.f32 v21, v12;
	v27 =	vmul.f32 v24, v19  }
0x105: {  	v5 =	vld.idx.msk [tilespmem:v16+s20+$0x620 ss:$0x1], $0xffff;
	v30 =	vadd.f32 v15, v34;
	v34 =	vmul.f32 v39, v19;
	v39 =	vmul.f32 v43, v19  }
0x106: {  	v8 =	vld.idx.msk [tilespmem:v16+s20+$0x680 ss:$0x1], $0xffff;
	v43 =	vmul.f32 v46, v19;
	[tilespmem:$0x1FFD0] =	vst v35;
	v35 =	vmul.f32 v20, v12  }
0x107: {  	[tilespmem:$0x1FFB0] =	vst v47;
	v47 =	vld.idx.msk [tilespmem:v16+s20+$0x5B0 ss:$0x1], $0xffff;
	v20 =	vadd.f32 v37, v7;
	v37 =	vmul.f32 v40, v19;
	v40 =	vimm.s32 $0x5  }
0x108: {  	v15 =	vld.idx.msk [tilespmem:v16+s20+$0x6C0 ss:$0x1], $0xffff;
	v12 =	vmul.f32 v23, v12;
	v10 =	vadd.f32 v39, v10;
	v23 =	vperm.xlane v18, v40  }
0x109: {  	v46 =	vmul.f32 v49, v19;
	v7 =	vld.idx.msk [tilespmem:v16+s20+$0x660 ss:$0x1], $0xffff;
	v25 =	vadd.f32 v43, v9;
	v17 =	vadd.f32 v35, v11  }
0x10a: {  	v1 =	vadd.f32 v12, v1;
	v35 =	vmul.f32 v41, v19;
	v43 =	vmul.f32 v58, v23;
	v58 =	vld [tilespmem:$0x1FDD0]  }
0x10b: {  	v9 =	vld.idx.msk [tilespmem:v16+s20+$0x6F0 ss:$0x1], $0xffff;
	v22 =	vadd.f32 v37, v20;
	v49 =	vmul.f32 v48, v23;
	v56 =	vmul.f32 v56, v23  }
0x10c: {  	v39 =	vld.idx.msk [tilespmem:v16+s20+$0x7A0 ss:$0x1], $0xffff;
	v20 =	vmul.f32 v50, v23;
	v21 =	vmul.f32 v57, v23;
	v48 =	vimm.s32 $0x6  }
0x10d: {  	v2 =	vadd.f32 v27, v2;
	v11 =	vld.idx.msk [tilespmem:v16+s20+$0x690 ss:$0x1], $0xffff;
	v50 =	vmul.f32 v61, v23;
	v37 =	vperm.xlane v18, v48  }
0x10e: {  	v19 =	vld.idx.msk [tilespmem:v16+s20+$0x710 ss:$0x1], $0xffff;
	v1 =	vadd.f32 v46, v1;
	v46 =	vmul.f32 v59, v23;
	v23 =	vmul.f32 v62, v23  }
0x10f: {  	v62 =	vld [tilespmem:$0x1FDE0];
	v27 =	vadd.f32 v49, v30;
	v30 =	vadd.f32 v56, v2;
	v59 =	vmul.f32 v58, v37  }
0x110: {  	v56 =	vld [tilespmem:$0x1FDC0]  }
0x111: {  	v61 =	vmul.f32 v28, v37;
	v28 =	vadd.f32 v59, v30;
	v59 =	vld [tilespmem:$0x1FE10]  }
0x112: {  	v3 =	vadd.f32 v34, v3;
	v34 =	vimm.s32 $0x7;
	v12 =	vld.idx.msk [tilespmem:v16+s20+$0x730 ss:$0x1], $0xffff  }
0x113: {  	v34 =	vperm.xlane v18, v34;
	v41 =	vadd.f32 v35, v17;
	v35 =	vld [tilespmem:$0x1FDF0]  }
0x114: {  	[tilespmem:$0x1FFE0] =	vst v26;
	v26 =	vadd.f32 v20, v3;
	v40 =	vadd.f32 v46, v10;
	v10 =	vmul.f32 v62, v37;
	v62 =	vld [tilespmem:$0x1FE20]  }
0x115: {  	v48 =	vld [tilespmem:$0x1FE00];
	v57 =	vmul.f32 v56, v37  }
0x116: {  	v49 =	vadd.f32 v43, v22;
	v26 =	vadd.f32 v61, v26;
	v61 =	vmul.f32 v59, v34;
	v59 =	vld [tilespmem:$0x1FE50]  }
0x117: {  	v25 =	vadd.f32 v50, v25;
	v32 =	vmul.f32 v32, v37;
	v27 =	vadd.f32 v57, v27;
	v57 =	vld [tilespmem:$0x1FE40]  }
0x118: {  	v17 =	vld.idx.msk [tilespmem:v16+s20+$0x720 ss:$0x1], $0xffff;
	v50 =	vmul.f32 v63, v34;
	v24 =	vadd.f32 v21, v41;
	v46 =	vmul.f32 v35, v37  }
0x119: {  	v20 =	vld.idx.msk [tilespmem:v16+s20+$0x700 ss:$0x1], $0xffff;
	v41 =	vadd.f32 v23, v1;
	v32 =	vadd.f32 v32, v49;
	v63 =	vmul.f32 v62, v34  }
0x11a: {  	v49 =	vmul.f32 v48, v37;
	v43 =	vadd.f32 v10, v24;
	v40 =	vadd.f32 v46, v40;
	v10 =	vld [tilespmem:$0x1FE30]  }
0x11b: {  	v26 =	vadd.f32 v63, v26;
	v63 =	vld [tilespmem:$0x1FE60];
	v28 =	vadd.f32 v61, v28;
	v61 =	vmul.f32 v59, v34  }
0x11c: {  	v33 =	vmul.f32 v33, v37;
	v62 =	vimm.s32 $0x8;
	v58 =	vmul.f32 v57, v34;
	v57 =	vld [tilespmem:$0x1FE70]  }
0x11d: {  	v35 =	vadd.f32 v49, v41;
	v49 =	vperm.xlane v18, v62;
	v37 =	vadd.f32 v61, v40;
	v61 =	vld [tilespmem:$0x1FE80]  }
0x11e: {  	v22 =	vld.idx.msk [tilespmem:v16+s20+$0x740 ss:$0x1], $0xffff  }
0x11f: {  	v21 =	vld.idx.msk [tilespmem:v16+s20+$0x6E0 ss:$0x1], $0xffff;
	v25 =	vadd.f32 v33, v25;
	v30 =	vmul.f32 v10, v34;
	v36 =	vmul.f32 v36, v49  }
0x120: {  	v27 =	vadd.f32 v50, v27;
	v10 =	vmul.f32 v42, v49;
	v3 =	vmul.f32 v63, v34;
	v63 =	vld [tilespmem:$0x1FE90]  }
0x121: {  	v23 =	vld.idx.msk [tilespmem:v16+s20+$0x750 ss:$0x1], $0xffff;
	v29 =	vmul.f32 v29, v49;
	v50 =	vmul.f32 v44, v49;
	v33 =	vadd.f32 v30, v43  }
0x122: {  	v32 =	vadd.f32 v58, v32;
	v58 =	vmul.f32 v57, v49;
	v62 =	vmul.f32 v61, v49;
	v61 =	vld [tilespmem:$0x1FEC0]  }
0x123: {  	v31 =	vmul.f32 v31, v49;
	v43 =	vld [tilespmem:$0x1FEE0];
	v28 =	vadd.f32 v10, v28;
	v33 =	vadd.f32 v50, v33  }
0x124: {  	v59 =	vimm.s32 $0x9;
	v34 =	vmul.f32 v38, v34;
	v50 =	vadd.f32 v58, v32;
	v58 =	vld [tilespmem:$0x1FEB0]  }
0x125: {  	v44 =	vperm.xlane v18, v59;
	v38 =	vadd.f32 v3, v25;
	v10 =	vmul.f32 v63, v49;
	v49 =	vld [tilespmem:$0x1FEA0]  }
0x126: {  	v63 =	vld [tilespmem:$0x1FED0]  }
0x127: {  	v48 =	vld.idx.msk [tilespmem:v16+s20+$0x780 ss:$0x1], $0xffff;
	v29 =	vadd.f32 v29, v26;
	v38 =	vadd.f32 v62, v38;
	v62 =	vmul.f32 v61, v44  }
0x128: {  	v56 =	vld.idx.msk [tilespmem:v16+s20+$0x760 ss:$0x1], $0xffff  }
0x129: {  	v34 =	vadd.f32 v34, v35;
	v59 =	vmul.f32 v58, v44;
	v58 =	vadd.f32 v62, v29;
	v62 =	vld [tilespmem:$0x1FEF0]  }
0x12a: {  	v24 =	vld.idx.msk [tilespmem:v16+s20+$0x770 ss:$0x1], $0xffff;
	v57 =	vmul.f32 v49, v44;
	v49 =	vmul.f32 v43, v44  }
0x12b: {  	v34 =	vadd.f32 v10, v34;
	v10 =	vmul.f32 v63, v44;
	v63 =	vld [tilespmem:$0x1FF00]  }
0x12c: {  	v27 =	vadd.f32 v36, v27;
	v50 =	vadd.f32 v49, v50;
	v49 =	vld [tilespmem:$0x1FF10]  }
0x12d: {  	v46 =	vld.idx.msk [tilespmem:v16+s20+$0x790 ss:$0x1], $0xffff  }
0x12e: {  	v27 =	vadd.f32 v57, v27;
	v57 =	vadd.f32 v59, v28;
	v28 =	vmul.f32 v62, v44;
	v62 =	vld [tilespmem:$0x1FF20]  }
0x12f: {  	v41 =	vld.idx.msk [tilespmem:v16+s20+$0x7C0 ss:$0x1], $0xffff;
	v61 =	vimm.s32 $0xA  }
0x130: {  	v59 =	vperm.xlane v18, v61;
	v61 =	vadd.f32 v10, v33;
	v10 =	vmul.f32 v63, v44;
	v63 =	vld [tilespmem:$0x1FF30]  }
0x131: {  	v42 =	vld.idx.msk [tilespmem:v16+s20+$0x7D0 ss:$0x1], $0xffff;
	v29 =	vmul.f32 v49, v44  }
0x132: {  	v30 =	vld.idx.msk [tilespmem:v16+s20+$0x800 ss:$0x1], $0xffff  }
0x133: {  	v49 =	vmul.f32 v62, v59;
	v62 =	vadd.f32 v29, v34;
	v29 =	vld [tilespmem:$0x1FF40]  }
0x134: {  	v34 =	vld [tilespmem:$0x1FF50]  }
0x135: {  	v26 =	vld.idx.msk [tilespmem:v16+s20+$0x810 ss:$0x1], $0xffff;
	v38 =	vadd.f32 v10, v38;
	v10 =	vmul.f32 v63, v59  }
0x136: {  	v36 =	vld.idx.msk [tilespmem:v16+s20+$0x840 ss:$0x1], $0xffff  }
0x137: {  	v57 =	vadd.f32 v10, v57;
	v10 =	vld [tilespmem:$0x1FF60]  }
0x138: {  	v40 =	vld.idx.msk [tilespmem:v16+s20+$0x7B0 ss:$0x1], $0xffff;
	v63 =	vadd.f32 v49, v27;
	v27 =	vmul.f32 v29, v59  }
0x139: {  	v35 =	vld.idx.msk [tilespmem:v16+s20+$0x7E0 ss:$0x1], $0xffff;
	v34 =	vmul.f32 v34, v59  }
0x13a: {  	v58 =	vadd.f32 v27, v58;
	v27 =	vld [tilespmem:$0x1FF70]  }
0x13b: {  	v2 =	vadd.f32 v34, v61;
	v61 =	vld [tilespmem:$0x1FF80]  }
0x13c: {  	v0 =	vmul.f32 v10, v59;
	v10 =	vld [tilespmem:$0x1FF90]  }
0x13d: {  	v37 =	vadd.f32 v31, v37;
	v34 =	vld [tilespmem:$0x1FFA0]  }
0x13e: {  	v25 =	vld.idx.msk [tilespmem:v16+s20+$0x7F0 ss:$0x1], $0xffff  }
0x13f: {  	v31 =	vld.idx.msk [tilespmem:v16+s20+$0x820 ss:$0x1], $0xffff;
	v33 =	vimm.s32 $0xB;
	v37 =	vadd.f32 v28, v37;
	v1 =	vmul.f32 v27, v59  }
0x140: {  	v32 =	vld.idx.msk [tilespmem:v16+s20+$0x830 ss:$0x1], $0xffff;
	v0 =	vadd.f32 v0, v50;
	v27 =	vperm.xlane v18, v33;
	v50 =	vmul.f32 v61, v59  }
0x141: {  	v43 =	vld.idx.msk [tilespmem:v16+s20+$0x850 ss:$0x1], $0xffff;
	v1 =	vadd.f32 v1, v37  }
0x142: {  	v37 =	vmul.f32 v10, v59;
	v59 =	vmul.f32 v34, v27;
	v3 =	vadd.f32 v50, v38;
	v50 =	vld [tilespmem:$0x1FFB0]  }
0x143: {  	v44 =	vld.idx.msk [tilespmem:v16+s20+$0x860 ss:$0x1], $0xffff  }
0x144: {  	v28 =	vld.idx.msk [tilespmem:v16+s20+$0x870 ss:$0x1], $0xffff;
	v59 =	vadd.f32 v59, v63;
	v63 =	vmul.f32 v47, v27  }
0x145: {  	v49 =	vld.idx.msk [tilespmem:v16+s20+$0x880 ss:$0x1], $0xffff  }
0x146: {  	v29 =	vld.idx.msk [tilespmem:v16+s20+$0x890 ss:$0x1], $0xffff;
	v2 =	vadd.f32 v63, v2  }
0x147: {  	v33 =	vld.idx.msk [tilespmem:v16+s20+$0x8A0 ss:$0x1], $0xffff;
	v63 =	vmul.f32 v51, v27;
	v51 =	vimm.s32 $0xC;
	v50 =	vmul.f32 v50, v27  }
0x148: {  	v61 =	vld.idx.msk [tilespmem:v16+s20+$0x8B0 ss:$0x1], $0xffff;
	v51 =	vperm.xlane v18, v51  }
0x149: {  	v10 =	vmul.f32 v45, v27;
	v57 =	vadd.f32 v50, v57;
	v50 =	vld [tilespmem:$0x1FFC0]  }
0x14a: {  	v34 =	vld.idx.msk [tilespmem:v16+s20+$0x8C0 ss:$0x1], $0xffff;
	v63 =	vadd.f32 v63, v1;
	v1 =	vmul.f32 v4, v51  }
0x14b: {  	v38 =	vadd.f32 v10, v58;
	v10 =	vld [tilespmem:$0x1FFD0]  }
0x14c: {  	v1 =	vadd.f32 v1, v57;
	v57 =	vld [tilespmem:$0x1FFE0]  }
0x14d: {  	v45 =	vld.idx.msk [tilespmem:v16+s20+$0x8D0 ss:$0x1], $0xffff  }
0x14e: {  	v62 =	vadd.f32 v37, v62;
	v37 =	vld.idx.msk [tilespmem:v16+s20+$0x8E0 ss:$0x1], $0xffff;
	v58 =	vmul.f32 v50, v27  }
0x14f: {  	v60 =	vmul.f32 v60, v27;
	v47 =	vld.idx.msk [tilespmem:v16+s20+$0x8F0 ss:$0x1], $0xffff;
	v55 =	vmul.f32 v55, v51  }
0x150: {  	v4 =	vld.idx.msk [tilespmem:v16+s20+$0x930 ss:$0x1], $0xffff;
	v54 =	vmul.f32 v54, v51;
	v58 =	vadd.f32 v58, v0;
	v0 =	vmul.f32 v10, v27  }
0x151: {  	v55 =	vadd.f32 v55, v59;
	v59 =	vmul.f32 v6, v51;
	v6 =	vld.idx.msk [tilespmem:v16+s20+$0x950 ss:$0x1], $0xffff;
	v57 =	vmul.f32 v57, v51  }
0x152: {  	v50 =	vld.idx.msk [tilespmem:v16+s20+$0x900 ss:$0x1], $0xffff;
	v0 =	vadd.f32 v0, v3;
	v3 =	vadd.f32 v60, v62;
	v60 =	vmul.f32 v5, v51  }
0x153: {  	v54 =	vadd.f32 v54, v63;
	v27 =	vld.idx.msk [tilespmem:v16+s20+$0x910 ss:$0x1], $0xffff;
	v62 =	vimm.s32 $0xD;
	v2 =	vadd.f32 v57, v2  }
0x154: {  	v10 =	vld.idx.msk [tilespmem:v16+s20+$0x920 ss:$0x1], $0xffff;
	v57 =	vmul.f32 v7, v51;
	v38 =	vadd.f32 v60, v38;
	v60 =	vperm.xlane v18, v62  }
0x155: {  	v63 =	vimm.s32 $0xE;
	v5 =	vld.idx.msk [tilespmem:v16+s20+$0x940 ss:$0x1], $0xffff;
	v58 =	vadd.f32 v59, v58;
	v51 =	vmul.f32 v53, v51  }
0x156: {  	v7 =	vld.idx.msk [tilespmem:v16+s20+$0x960 ss:$0x1], $0xffff;
	v0 =	vadd.f32 v57, v0;
	v53 =	vmul.f32 v8, v60;
	v57 =	vmul.f32 v11, v60  }
0x157: {  	v3 =	vadd.f32 v51, v3;
	v8 =	vld.idx.msk [tilespmem:v16+s20+$0x970 ss:$0x1], $0xffff;
	v59 =	vmul.f32 v13, v60;
	v52 =	vmul.f32 v52, v60  }
0x158: {  	v11 =	vld.idx.msk [tilespmem:v16+s20+$0x980 ss:$0x1], $0xffff;
	v21 =	vmul.f32 v21, v60;
	v51 =	vadd.f32 v53, v55;
	v1 =	vadd.f32 v57, v1  }
0x159: {  	v13 =	vld.idx.msk [tilespmem:v16+s20+$0x990 ss:$0x1], $0xffff;
	v55 =	vmul.f32 v15, v60;
	v38 =	vadd.f32 v59, v38;
	v57 =	vperm.xlane v18, v63  }
0x15a: {  	v15 =	vld.idx.msk [tilespmem:v16+s20+$0x9A0 ss:$0x1], $0xffff;
	v53 =	vmul.f32 v14, v60;
	v52 =	vadd.f32 v52, v2;
	v60 =	vmul.f32 v9, v60  }
0x15b: {  	v14 =	vld.idx.msk [tilespmem:v16+s20+$0x9B0 ss:$0x1], $0xffff;
	v0 =	vadd.f32 v21, v0;
	v55 =	vadd.f32 v55, v58;
	v20 =	vmul.f32 v20, v57  }
0x15c: {  	v9 =	vld.idx.msk [tilespmem:v16+s20+$0x9C0 ss:$0x1], $0xffff;
	v58 =	vimm.s32 $0xF;
	v19 =	vmul.f32 v19, v57;
	v17 =	vmul.f32 v17, v57  }
0x15d: {  	v2 =	vld.idx.msk [tilespmem:v16+s20+$0x9D0 ss:$0x1], $0xffff;
	v3 =	vadd.f32 v60, v3;
	v12 =	vmul.f32 v12, v57;
	v60 =	vmul.f32 v56, v57  }
0x15e: {  	v21 =	vld.idx.msk [tilespmem:v16+s20+$0x9E0 ss:$0x1], $0xffff;
	v53 =	vadd.f32 v53, v54;
	v54 =	vperm.xlane v18, v58;
	v18 =	vmul.f32 v24, v57  }
0x15f: {  	v56 =	vld.idx.msk [tilespmem:v16+s20+$0xA10 ss:$0x1], $0xffff;
	v20 =	vadd.f32 v20, v51;
	v1 =	vadd.f32 v19, v1;
	v19 =	vmul.f32 v22, v57  }
0x160: {  	v24 =	vld.idx.msk [tilespmem:v16+s20+$0xA20 ss:$0x1], $0xffff;
	v22 =	vmul.f32 v23, v57;
	v17 =	vadd.f32 v17, v38;
	v12 =	vadd.f32 v12, v52  }
0x161: {  	v51 =	vld.idx.msk [tilespmem:v16+s20+$0x9F0 ss:$0x1], $0xffff;
	v0 =	vadd.f32 v60, v0;
	v59 =	vmul.f32 v48, v54;
	v46 =	vmul.f32 v46, v54  }
0x162: {  	v23 =	vld.idx.msk [tilespmem:v16+s20+$0xA00 ss:$0x1], $0xffff;
	v52 =	vimm.s32 $0x0;
	v39 =	vmul.f32 v39, v54;
	v57 =	vmul.f32 v40, v54  }
0x163: {  	v38 =	vld.idx.msk [tilespmem:v16+s20+$0xA90 ss:$0x1], $0xffff;
	v3 =	vadd.f32 v18, v3;
	v35 =	vmul.f32 v35, v54;
	v25 =	vmul.f32 v25, v54;
	v60 =	vpop (erf)  }
0x164: {  	v48 =	vld.idx.msk [tilespmem:v16+s20+$0xA30 ss:$0x1], $0xffff;
	v19 =	vadd.f32 v19, v55;
	v22 =	vadd.f32 v22, v53;
	v18 =	vmul.f32 $3.125000000e-02, v60  }
0x165: {  	v40 =	vld.idx.msk [tilespmem:v16+s20+$0xA50 ss:$0x1], $0xffff;
	v20 =	vadd.f32 v59, v20;
	v1 =	vadd.f32 v46, v1;
	v59 =	vmul.f32 v41, v54  }
0x166: {  	v53 =	vld.idx.msk [tilespmem:v16+s20+$0xA40 ss:$0x1], $0xffff;
	v17 =	vadd.f32 v39, v17;
	v60 =	vmul.f32 v42, v54;
	v42 =	vperm.xlane v18, v52  }
0x167: {  	v41 =	vld.idx.msk [tilespmem:v16+s20+$0xA60 ss:$0x1], $0xffff;
	v12 =	vadd.f32 v57, v12;
	v0 =	vadd.f32 v35, v0  }
0x168: {  	v46 =	vld.idx.msk [tilespmem:v16+s20+$0xA70 ss:$0x1], $0xffff;
	v3 =	vadd.f32 v25, v3;
	v19 =	vadd.f32 v59, v19;
	v30 =	vmul.f32 v30, v42  }
0x169: {  	v39 =	vld.idx.msk [tilespmem:v16+s20+$0xA80 ss:$0x1], $0xffff;
	v22 =	vadd.f32 v60, v22;
	v26 =	vmul.f32 v26, v42;
	v54 =	vmul.f32 v31, v42  }
0x16a: {  	v35 =	vld.idx.msk [tilespmem:v16+s20+$0xAC0 ss:$0x1], $0xffff;
	v59 =	vimm.s32 $0x1;
	v55 =	vmul.f32 v32, v42;
	v57 =	vmul.f32 v36, v42  }
0x16b: {  	v25 =	vld.idx.msk [tilespmem:v16+s20+$0xB60 ss:$0x1], $0xffff;
	v32 =	vperm.xlane v18, v59;
	v60 =	vmul.f32 v43, v42;
	v20 =	vadd.f32 v30, v20  }
0x16c: {  	v31 =	vld.idx.msk [tilespmem:v16+s20+$0xAA0 ss:$0x1], $0xffff;
	v52 =	vmul.f32 v44, v42;
	v1 =	vadd.f32 v26, v1;
	v17 =	vadd.f32 v54, v17  }
0x16d: {  	v43 =	vld.idx.msk [tilespmem:v16+s20+$0xAD0 ss:$0x1], $0xffff;
	v12 =	vadd.f32 v55, v12;
	v19 =	vadd.f32 v57, v19;
	v54 =	vmul.f32 v28, v42  }
0x16e: {  	v44 =	vld.idx.msk [tilespmem:v16+s20+$0xB20 ss:$0x1], $0xffff;
	v55 =	vmul.f32 v49, v32;
	v22 =	vadd.f32 v60, v22;
	v57 =	vmul.f32 v29, v32  }
0x16f: {  	v30 =	vld.idx.msk [tilespmem:v16+s20+$0xAB0 ss:$0x1], $0xffff;
	v0 =	vadd.f32 v52, v0;
	v59 =	vmul.f32 v33, v32;
	v60 =	vmul.f32 v61, v32  }
0x170: {  	v42 =	vld.idx.msk [tilespmem:v16+s20+$0xAE0 ss:$0x1], $0xffff;
	v61 =	vmul.f32 v34, v32;
	v49 =	vmul.f32 v45, v32;
	v3 =	vadd.f32 v54, v3  }
0x171: {  	v29 =	vld.idx.msk [tilespmem:v16+s20+$0xAF0 ss:$0x1], $0xffff;
	v52 =	vimm.s32 $0x2;
	v20 =	vadd.f32 v55, v20;
	v1 =	vadd.f32 v57, v1  }
0x172: {  	v28 =	vld.idx.msk [tilespmem:v16+s20+$0xB00 ss:$0x1], $0xffff;
	v36 =	vperm.xlane v18, v52;
	v17 =	vadd.f32 v59, v17;
	v12 =	vadd.f32 v60, v12  }
0x173: {  	v34 =	vld.idx.msk [tilespmem:v16+s20+$0xB10 ss:$0x1], $0xffff;
	v19 =	vadd.f32 v61, v19;
	v54 =	vmul.f32 v37, v32;
	v55 =	vmul.f32 v47, v32  }
0x174: {  	v33 =	vld.idx.msk [tilespmem:v16+s20+$0xB30 ss:$0x1], $0xffff;
	v22 =	vadd.f32 v49, v22;
	v57 =	vmul.f32 v50, v36;
	v59 =	vmul.f32 v27, v36  }
0x175: {  	v26 =	vld.idx.msk [tilespmem:v16+s20+$0xB80 ss:$0x1], $0xffff;
	v60 =	vimm.s32 $0x3;
	v10 =	vmul.f32 v10, v36;
	v4 =	vmul.f32 v4, v36  }
0x176: {  	v37 =	vld.idx.msk [tilespmem:v16+s20+$0xB40 ss:$0x1], $0xffff;
	v32 =	vimm.s32 $0x4;
	v5 =	vmul.f32 v5, v36;
	v6 =	vmul.f32 v6, v36  }
0x177: {  	v27 =	vld.idx.msk [tilespmem:v16+s20+$0xB50 ss:$0x1], $0xffff;
	v7 =	vmul.f32 v7, v36;
	v0 =	vadd.f32 v54, v0;
	v3 =	vadd.f32 v55, v3  }
0x178: {  	v10 =	vadd.f32 v10, v17;
	v17 =	vld.idx.msk [tilespmem:v16+s20+$0xB70 ss:$0x1], $0xffff;
	v4 =	vadd.f32 v4, v12;
	v12 =	vperm.xlane v18, v60  }
0x179: {  	v8 =	vmul.f32 v8, v36;
	v20 =	vadd.f32 v57, v20;
	v5 =	vadd.f32 v5, v19;
	v19 =	vld.idx.msk [tilespmem:v16+s20+$0xB90 ss:$0x1], $0xffff  }
0x17a: {  	v1 =	vadd.f32 v59, v1;
	v6 =	vadd.f32 v6, v22;
	v22 =	vld.idx.msk [tilespmem:v16+s20+$0xBA0 ss:$0x1], $0xffff;
	v11 =	vmul.f32 v11, v12  }
0x17b: {  	v3 =	vadd.f32 v8, v3;
	v8 =	vld.idx.msk [tilespmem:v16+s20+$0xBB0 ss:$0x1], $0xffff;
	v13 =	vmul.f32 v13, v12;
	v61 =	vmul.f32 v15, v12  }
0x17c: {  	v0 =	vadd.f32 v7, v0;
	v9 =	vmul.f32 v9, v12;
	v15 =	vld.idx.msk [tilespmem:v16+s20+$0xBD0 ss:$0x1], $0xffff;
	v2 =	vmul.f32 v2, v12  }
0x17d: {  	v36 =	vmul.f32 v21, v12;
	v21 =	vld.idx.msk [tilespmem:v16+s20+$0xBF0 ss:$0x1], $0xffff;
	v11 =	vadd.f32 v11, v20;
	v1 =	vadd.f32 v13, v1  }
0x17e: {  	v20 =	vmul.f32 v14, v12;
	v14 =	vld.idx.msk [tilespmem:v16+s20+$0xBC0 ss:$0x1], $0xffff;
	v7 =	vadd.f32 v61, v10;
	v10 =	vperm.xlane v18, v32  }
0x17f: {  	v45 =	vmul.f32 v51, v12;
	v5 =	vadd.f32 v9, v5;
	v2 =	vadd.f32 v2, v6;
	v13 =	vld.idx.msk [tilespmem:v16+s20+$0xC00 ss:$0x1], $0xffff  }
0x180: {  	v0 =	vadd.f32 v36, v0;
	v12 =	vld.idx.msk [tilespmem:v16+s20+$0xC10 ss:$0x1], $0xffff;
	v47 =	vmul.f32 v23, v10;
	v49 =	vmul.f32 v56, v10  }
0x181: {  	v3 =	vadd.f32 v45, v3;
	v36 =	vld.idx.msk [tilespmem:v16+s20+$0xC30 ss:$0x1], $0xffff;
	v51 =	vmul.f32 v24, v10;
	v52 =	vmul.f32 v48, v10  }
0x182: {  	v4 =	vadd.f32 v20, v4;
	v20 =	vld.idx.msk [tilespmem:v16+s20+$0xBE0 ss:$0x1], $0xffff;
	v54 =	vmul.f32 v53, v10;
	v55 =	vmul.f32 v40, v10  }
0x183: {  	v24 =	vld.idx.msk [tilespmem:v16+s20+$0xC20 ss:$0x1], $0xffff;
	v56 =	vimm.s32 $0x5;
	v57 =	vmul.f32 v41, v10;
	v10 =	vmul.f32 v46, v10  }
0x184: {  	v23 =	vld.idx.msk [tilespmem:v16+s20+$0xC40 ss:$0x1], $0xffff;
	v32 =	vperm.xlane v18, v56;
	v50 =	vadd.f32 v47, v11;
	v1 =	vadd.f32 v49, v1  }
0x185: {  	v45 =	vimm.s32 $0x6;
	v7 =	vadd.f32 v51, v7;
	v4 =	vadd.f32 v52, v4;
	v11 =	vld.idx.msk [tilespmem:v16+s20+$0xC70 ss:$0x1], $0xffff  }
0x186: {  	v5 =	vadd.f32 v54, v5;
	v3 =	vadd.f32 v10, v3;
	v10 =	vld.idx.msk [tilespmem:v16+s20+$0xD50 ss:$0x1], $0xffff;
	v59 =	vmul.f32 v39, v32  }
0x187: {  	v2 =	vadd.f32 v55, v2;
	v39 =	vld.idx.msk [tilespmem:v16+s20+$0xC50 ss:$0x1], $0xffff;
	v60 =	vmul.f32 v38, v32;
	v31 =	vmul.f32 v31, v32  }
0x188: {  	v0 =	vadd.f32 v57, v0;
	v38 =	vld.idx.msk [tilespmem:v16+s20+$0xC60 ss:$0x1], $0xffff;
	v61 =	vmul.f32 v30, v32;
	v41 =	vmul.f32 v35, v32  }
0x189: {  	v52 =	vimm.s32 $0x7;
	v30 =	vld.idx.msk [tilespmem:v16+s20+$0xC80 ss:$0x1], $0xffff;
	v43 =	vmul.f32 v43, v32;
	v29 =	vmul.f32 v29, v32  }
0x18a: {  	v35 =	vld.idx.msk [tilespmem:v16+s20+$0xC90 ss:$0x1], $0xffff;
	v9 =	vadd.f32 v59, v50;
	v40 =	vadd.f32 v31, v7;
	v31 =	vperm.xlane v18, v45  }
0x18b: {  	v46 =	vmul.f32 v42, v32;
	v32 =	vld.idx.msk [tilespmem:v16+s20+$0xCA0 ss:$0x1], $0xffff;
	v1 =	vadd.f32 v60, v1;
	v4 =	vadd.f32 v61, v4  }
0x18c: {  	v5 =	vadd.f32 v41, v5;
	v3 =	vadd.f32 v29, v3;
	v29 =	vld.idx.msk [tilespmem:v16+s20+$0xCC0 ss:$0x1], $0xffff;
	v47 =	vmul.f32 v28, v31  }
0x18d: {  	v2 =	vadd.f32 v43, v2;
	v48 =	vmul.f32 v34, v31;
	v34 =	vld.idx.msk [tilespmem:v16+s20+$0xCB0 ss:$0x1], $0xffff;
	v49 =	vmul.f32 v44, v31  }
0x18e: {  	v0 =	vadd.f32 v46, v0;
	v50 =	vmul.f32 v33, v31;
	v28 =	vld.idx.msk [tilespmem:v16+s20+$0xCD0 ss:$0x1], $0xffff;
	v51 =	vmul.f32 v37, v31  }
0x18f: {  	v43 =	vimm.s32 $0x9;
	v33 =	vperm.xlane v18, v52;
	v37 =	vld.idx.msk [tilespmem:v16+s20+$0xCE0 ss:$0x1], $0xffff;
	v53 =	vmul.f32 v27, v31  }
0x190: {  	v25 =	vmul.f32 v25, v31;
	v27 =	vld.idx.msk [tilespmem:v16+s20+$0xCF0 ss:$0x1], $0xffff;
	v9 =	vadd.f32 v47, v9;
	v1 =	vadd.f32 v48, v1  }
0x191: {  	v54 =	vmul.f32 v17, v31;
	v44 =	vld.idx.msk [tilespmem:v16+s20+$0xDA0 ss:$0x1], $0xffff;
	v6 =	vadd.f32 v49, v40;
	v4 =	vadd.f32 v50, v4  }
0x192: {  	v5 =	vadd.f32 v51, v5;
	v17 =	vmul.f32 v26, v33;
	v26 =	vld.idx.msk [tilespmem:v16+s20+$0xD00 ss:$0x1], $0xffff;
	v2 =	vadd.f32 v53, v2  }
0x193: {  	v0 =	vadd.f32 v25, v0;
	v55 =	vmul.f32 v19, v33;
	v19 =	vld.idx.msk [tilespmem:v16+s20+$0xD10 ss:$0x1], $0xffff;
	v57 =	vmul.f32 v22, v33  }
0x194: {  	v3 =	vadd.f32 v54, v3;
	v8 =	vmul.f32 v8, v33;
	v59 =	vmul.f32 v14, v33;
	v14 =	vld.idx.msk [tilespmem:v16+s20+$0xD30 ss:$0x1], $0xffff  }
0x195: {  	v60 =	vmul.f32 v15, v33;
	v15 =	vimm.s32 $0x8;
	v22 =	vld.idx.msk [tilespmem:v16+s20+$0xD40 ss:$0x1], $0xffff;
	v61 =	vmul.f32 v20, v33  }
0x196: {  	v25 =	vmul.f32 v21, v33;
	v20 =	vld.idx.msk [tilespmem:v16+s20+$0xD60 ss:$0x1], $0xffff;
	v15 =	vperm.xlane v18, v15;
	v56 =	vadd.f32 v17, v9  }
0x197: {  	v21 =	vld.idx.msk [tilespmem:v16+s20+$0xD70 ss:$0x1], $0xffff;
	v53 =	vimm.s32 $0xA;
	v1 =	vadd.f32 v55, v1;
	v6 =	vadd.f32 v57, v6  }
0x198: {  	v48 =	vld.idx.msk [tilespmem:v16+s20+$0xDC0 ss:$0x1], $0xffff;
	v4 =	vadd.f32 v8, v4;
	v5 =	vadd.f32 v59, v5;
	v13 =	vmul.f32 v13, v15  }
0x199: {  	v50 =	vld.idx.msk [tilespmem:v16+s20+$0xDD0 ss:$0x1], $0xffff;
	v2 =	vadd.f32 v60, v2;
	v31 =	vmul.f32 v12, v15;
	v33 =	vmul.f32 v24, v15  }
0x19a: {  	v54 =	vld.idx.msk [tilespmem:v16+s20+$0xDF0 ss:$0x1], $0xffff;
	v0 =	vadd.f32 v61, v0;
	v40 =	vmul.f32 v36, v15;
	v41 =	vmul.f32 v23, v15  }
0x19b: {  	v17 =	vld.idx.msk [tilespmem:v16+s20+$0xD20 ss:$0x1], $0xffff;
	v3 =	vadd.f32 v25, v3;
	v42 =	vmul.f32 v39, v15;
	v23 =	vperm.xlane v18, v43  }
0x19c: {  	v25 =	vld.idx.msk [tilespmem:v16+s20+$0xDE0 ss:$0x1], $0xffff;
	v45 =	vmul.f32 v38, v15;
	v7 =	vadd.f32 v13, v56;
	v1 =	vadd.f32 v31, v1  }
0x19d: {  	v57 =	vld.idx.msk [tilespmem:v16+s20+$0xE00 ss:$0x1], $0xffff;
	v11 =	vmul.f32 v11, v15;
	v6 =	vadd.f32 v33, v6;
	v4 =	vadd.f32 v40, v4  }
0x19e: {  	v61 =	vld.idx.msk [tilespmem:v16+s20+$0xE10 ss:$0x1], $0xffff;
	v5 =	vadd.f32 v41, v5;
	v46 =	vmul.f32 v30, v23;
	v47 =	vmul.f32 v35, v23  }
0x19f: {  	v12 =	vld.idx.msk [tilespmem:v16+s20+$0xD90 ss:$0x1], $0xffff;
	v2 =	vadd.f32 v42, v2;
	v49 =	vmul.f32 v32, v23;
	v51 =	vmul.f32 v34, v23  }
0x1a0: {  	v15 =	vld.idx.msk [tilespmem:v16+s20+$0xDB0 ss:$0x1], $0xffff;
	v0 =	vadd.f32 v45, v0;
	v52 =	vmul.f32 v29, v23;
	v29 =	vperm.xlane v18, v53  }
0x1a1: {  	v38 =	vld.idx.msk [tilespmem:v16+s20+$0xE50 ss:$0x1], $0xffff;
	v3 =	vadd.f32 v11, v3;
	v55 =	vmul.f32 v28, v23;
	v56 =	vmul.f32 v37, v23  }
0x1a2: {  	v13 =	vld.idx.msk [tilespmem:v16+s20+$0xD80 ss:$0x1], $0xffff;
	v59 =	vmul.f32 v27, v23;
	v7 =	vadd.f32 v46, v7;
	v1 =	vadd.f32 v47, v1  }
0x1a3: {  	v35 =	vld.idx.msk [tilespmem:v16+s20+$0xE40 ss:$0x1], $0xffff;
	v37 =	vimm.s32 $0xB;
	v6 =	vadd.f32 v49, v6;
	v4 =	vadd.f32 v51, v4  }
0x1a4: {  	v40 =	vld.idx.msk [tilespmem:v16+s20+$0xE60 ss:$0x1], $0xffff;
	v5 =	vadd.f32 v52, v5;
	v60 =	vmul.f32 v26, v29;
	v27 =	vmul.f32 v19, v29  }
0x1a5: {  	v42 =	vld.idx.msk [tilespmem:v16+s20+$0xE70 ss:$0x1], $0xffff;
	v2 =	vadd.f32 v55, v2;
	v28 =	vmul.f32 v17, v29;
	v33 =	vmul.f32 v14, v29  }
0x1a6: {  	v45 =	vld.idx.msk [tilespmem:v16+s20+$0xE80 ss:$0x1], $0xffff;
	v0 =	vadd.f32 v56, v0;
	v34 =	vmul.f32 v22, v29;
	v36 =	vmul.f32 v10, v29  }
0x1a7: {  	v53 =	vld.idx.msk [tilespmem:v16+s20+$0xEC0 ss:$0x1], $0xffff;
	v3 =	vadd.f32 v59, v3;
	v10 =	vperm.xlane v18, v37;
	v39 =	vmul.f32 v20, v29  }
0x1a8: {  	v30 =	vld.idx.msk [tilespmem:v16+s20+$0xF20 ss:$0x1], $0xffff;
	v41 =	vmul.f32 v21, v29;
	v51 =	vimm.s32 $0xC;
	v7 =	vadd.f32 v60, v7  }
0x1a9: {  	v32 =	vld.idx.msk [tilespmem:v16+s20+$0xF30 ss:$0x1], $0xffff;
	v11 =	vperm.xlane v18, v51;
	v1 =	vadd.f32 v27, v1;
	v6 =	vadd.f32 v28, v6  }
0x1aa: {  	v19 =	vld.idx.msk [tilespmem:v16+s20+$0xE20 ss:$0x1], $0xffff;
	v4 =	vadd.f32 v33, v4;
	v43 =	vmul.f32 v12, v10;
	v44 =	vmul.f32 v44, v10  }
0x1ab: {  	v17 =	vld.idx.msk [tilespmem:v16+s20+$0xE30 ss:$0x1], $0xffff;
	v5 =	vadd.f32 v34, v5;
	v46 =	vmul.f32 v15, v10;
	v48 =	vmul.f32 v48, v10  }
0x1ac: {  	v47 =	vld.idx.msk [tilespmem:v16+s20+$0xE90 ss:$0x1], $0xffff;
	v2 =	vadd.f32 v36, v2;
	v50 =	vmul.f32 v50, v10;
	v52 =	vmul.f32 v25, v10  }
0x1ad: {  	v49 =	vld.idx.msk [tilespmem:v16+s20+$0xEA0 ss:$0x1], $0xffff;
	v0 =	vadd.f32 v39, v0;
	v13 =	vmul.f32 v13, v10;
	v10 =	vmul.f32 v54, v10  }
0x1ae: {  	v56 =	vld.idx.msk [tilespmem:v16+s20+$0xED0 ss:$0x1], $0xffff;
	v3 =	vadd.f32 v41, v3;
	v54 =	vmul.f32 v57, v11;
	v55 =	vmul.f32 v61, v11  }
0x1af: {  	v59 =	vld.idx.msk [tilespmem:v16+s20+$0xEE0 ss:$0x1], $0xffff;
	v61 =	vmul.f32 v35, v11;
	v25 =	vmul.f32 v38, v11;
	v1 =	vadd.f32 v43, v1  }
0x1b0: {  	v37 =	vld.idx.msk [tilespmem:v16+s20+$0xF50 ss:$0x1], $0xffff;
	v14 =	vmul.f32 v40, v11;
	v6 =	vadd.f32 v44, v6;
	v4 =	vadd.f32 v46, v4  }
0x1b1: {  	v15 =	vld.idx.msk [tilespmem:v16+s20+$0xEB0 ss:$0x1], $0xffff;
	v28 =	vmul.f32 v42, v11;
	v5 =	vadd.f32 v48, v5;
	v2 =	vadd.f32 v50, v2  }
0x1b2: {  	v27 =	vld.idx.msk [tilespmem:v16+s20+$0xF10 ss:$0x1], $0xffff;
	v0 =	vadd.f32 v52, v0;
	v48 =	vperm.xlane v18, v58;
	v7 =	vadd.f32 v13, v7  }
0x1b3: {  	v34 =	vld.idx.msk [tilespmem:v16+s20+$0xF40 ss:$0x1], $0xffff;
	v3 =	vadd.f32 v10, v3;
	v57 =	vmul.f32 v19, v11;
	v1 =	vadd.f32 v55, v1  }
0x1b4: {  	v39 =	vld.idx.msk [tilespmem:v16+s20+$0xF60 ss:$0x1], $0xffff;
	v19 =	vperm.xlane v18, v62;
	v5 =	vadd.f32 v61, v5;
	v2 =	vadd.f32 v25, v2  }
0x1b5: {  	v43 =	vld.idx.msk [tilespmem:v16+s20+$0xF80 ss:$0x1], $0xffff;
	v60 =	vmul.f32 v17, v11;
	v0 =	vadd.f32 v14, v0;
	v7 =	vadd.f32 v54, v7  }
0x1b6: {  	v50 =	vld.idx.msk [tilespmem:v16+s20+$0xFC0 ss:$0x1], $0xffff;
	v6 =	vadd.f32 v57, v6;
	v29 =	vmul.f32 v45, v19;
	v31 =	vmul.f32 v47, v19  }
0x1b7: {  	v17 =	vld.idx.msk [tilespmem:v16+s20+$0xEF0 ss:$0x1], $0xffff;
	v4 =	vadd.f32 v60, v4;
	v33 =	vmul.f32 v49, v19;
	v35 =	vmul.f32 v15, v19  }
0x1b8: {  	v52 =	vld.idx.msk [tilespmem:v16+s20+$0xFD0 ss:$0x1], $0xffff;
	v3 =	vadd.f32 v28, v3;
	v36 =	vmul.f32 v53, v19;
	v15 =	vperm.xlane v18, v63  }
0x1b9: {  	v62 =	vld.idx.msk [tilespmem:v16+s20+$0xF00 ss:$0x1], $0xffff;
	v38 =	vmul.f32 v56, v19;
	v40 =	vmul.f32 v59, v19;
	v7 =	vadd.f32 v29, v7  }
0x1ba: {  	v45 =	vld.idx.msk [tilespmem:v16+s20+$0xF90 ss:$0x1], $0xffff;
	v1 =	vadd.f32 v31, v1;
	v6 =	vadd.f32 v33, v6;
	v44 =	vmul.f32 v27, v15  }
0x1bb: {  	v57 =	vld [tilespmem:$0x1FFF0];
	v4 =	vadd.f32 v35, v4;
	v46 =	vmul.f32 v30, v15;
	v13 =	vmul.f32 v32, v15  }
0x1bc: {  	v5 =	vadd.f32 v36, v5;
	v47 =	vmul.f32 v34, v15;
	v41 =	vmul.f32 v17, v19;
	v17 =	vld.idx.msk [tilespmem:v16+s20+$0xF70 ss:$0x1], $0xffff  }
0x1bd: {  	v2 =	vadd.f32 v38, v2;
	v49 =	vmul.f32 v37, v15;
	v51 =	vmul.f32 v39, v15;
	v19 =	vld.idx.msk [tilespmem:v16+s20+$0xFA0 ss:$0x1], $0xffff  }
0x1be: {  	v18 =	vld.idx.msk [tilespmem:v16+s20+$0xFB0 ss:$0x1], $0xffff;
	v0 =	vadd.f32 v40, v0;
	v12 =	vmul.f32 v43, v48;
	v42 =	vmul.f32 v62, v15  }
0x1bf: {  	v55 =	vld.idx.msk [tilespmem:v16+s20+$0xFF0 ss:$0x1], $0xffff;
	v58 =	vmul.f32 v50, v48;
	v1 =	vadd.f32 v44, v1;
	v6 =	vadd.f32 v46, v6  }
0x1c0: {  	v59 =	vmul.f32 v52, v48;
	v4 =	vadd.f32 v13, v4;
	v7 =	vadd.f32 v42, v7  }
0x1c1: {  	v5 =	vadd.f32 v47, v5;
	v10 =	vmul.f32 v45, v48;
	v53 =	vmul.f32 v17, v15;
	v15 =	vld.idx.msk [tilespmem:v16+s20+$0xFE0 ss:$0x1], $0xffff  }
0x1c2: {  	s31 =	sshll.u32 s19, $0x7;
	v2 =	vadd.f32 v49, v2;
	v7 =	vadd.f32 v12, v7;
	v54 =	vmul.f32 v19, v48  }
0x1c3: {  	v0 =	vadd.f32 v51, v0;
	v56 =	vmul.f32 v18, v48;
	v1 =	vadd.f32 v10, v1;
	s20 =	sand.u32 $0x3FFFFF80, s31  }
0x1c4: {  	v62 =	vmul.f32 v55, v48;
	[tilespmem:v57+s20+$0x0 ss:$0x1] =	vst.idx.msk $0xffff, v7;
	v6 =	vadd.f32 v54, v6  }
0x1c5: {  	v3 =	vadd.f32 v41, v3;
	v4 =	vadd.f32 v56, v4;
	[tilespmem:v57+s20+$0x10 ss:$0x1] =	vst.idx.msk $0xffff, v1  }
0x1c6: {  	p1 =	sne.s32 s19, $0x7;
	v60 =	vadd.f32 v58, v5;
	[tilespmem:v57+s20+$0x20 ss:$0x1] =	vst.idx.msk $0xffff, v6;
	v61 =	vmul.f32 v15, v48  }
.Ltmp5:
0x1c7: {  	v2 =	vadd.f32 v59, v2;
	v3 =	vadd.f32 v53, v3;
	[tilespmem:v57+s20+$0x30 ss:$0x1] =	vst.idx.msk $0xffff, v4;
	(pc) =	sbr.rel @p1 .LBB2_4-.Ltmp5, $4  }
0x1c8: {  	[tilespmem:v57+s20+$0x40 ss:$0x1] =	vst.idx.msk $0xffff, v60;
	v0 =	vadd.f32 v61, v0  }
0x1c9: {  	v63 =	vadd.f32 v62, v3;
	[tilespmem:v57+s20+$0x50 ss:$0x1] =	vst.idx.msk $0xffff, v2  }
0x1ca: {  	[tilespmem:v57+s20+$0x60 ss:$0x1] =	vst.idx.msk $0xffff, v0  }
0x1cb: {  	s19 =	sadd.s32 $0x1, s19;
	[tilespmem:v57+s20+$0x70 ss:$0x1] =	vst.idx.msk $0xffff, v63  }
0x1cc: {  	s16 =	smul.u32 $0x2400, s16;
	_ =	sdelay $0x1  }
0x1cd: {  	s16 =	sshrl.u32 s16, $0x3  }
0x1ce: {  	s16 =	sadd.s32 s2, s16  }
0x1cf: {  	[hbm4b:s16+s3] =	stream.linear.scatter [tilespmem:s15], [sflag:$0x2], $0x400, $0x38;
	[tilespmem:$0x1CC80] =	vst v63  }
0x1d0: {  	s17 =	sadd.s32 $0x80, s16  }
0x1d1: {  	[hbm4b:s17+s3] =	stream.linear.scatter [tilespmem:s15], [sflag:$0x2], $0x400, $0x38;
	[tilespmem:$0x1CC80] =	vst v63  }
0x1d2: {  	s25 =	sadd.s32 $0x100, s16  }
0x1d3: {  	[hbm4b:s25+s3] =	stream.linear.scatter [tilespmem:s15], [sflag:$0x2], $0x400, $0x38;
	[tilespmem:$0x1CC80] =	vst v63  }
0x1d4: {  	s26 =	sadd.s32 $0x180, s16  }
0x1d5: {  	[hbm4b:s26+s3] =	stream.linear.scatter [tilespmem:s15], [sflag:$0x2], $0x400, $0x38;
	[tilespmem:$0x1CC80] =	vst v63  }
0x1d6: {  	s28 =	sadd.s32 $0x200, s16  }
0x1d7: {  	[hbm4b:s28+s3] =	stream.linear.scatter [tilespmem:s15], [sflag:$0x2], $0x400, $0x38;
	[tilespmem:$0x1CC80] =	vst v63  }
0x1d8: {  	s29 =	sadd.s32 $0x280, s16  }
0x1d9: {  	[hbm4b:s29+s3] =	stream.linear.scatter [tilespmem:s15], [sflag:$0x2], $0x400, $0x38;
	[tilespmem:$0x1CC80] =	vst v63  }
0x1da: {  	s30 =	sadd.s32 $0x300, s16  }
0x1db: {  	[hbm4b:s30+s3] =	stream.linear.scatter [tilespmem:s15], [sflag:$0x2], $0x400, $0x38;
	[tilespmem:$0x1CC80] =	vst v63  }
.Ltmp6:
0x1dc: {  	_ = 	snop;
	(pc) =	sbr.rel .LBB2_6-.Ltmp6, $4  }
0x1dd: {  	s31 =	sadd.s32 $0x380, s16  }
0x1de: {  	[hbm4b:s31+s3] =	stream.linear.scatter [tilespmem:s15], [sflag:$0x2], $0x400, $0x38;
	[tilespmem:$0x1CC80] =	vst v63  }
0x1df: {  	s16 =	sadd.s32 $0x400, s16  }
0x1e0: {  	[hbm4b:s16+s3] =	stream.linear.scatter [tilespmem:s15], [sflag:$0x2], $0x400, $0x38;
	[tilespmem:$0x1CC80] =	vst v63  }
.LBB2_8:
0x1e1: {  	_ =	sfence.sel $0x180000  }
0x1e2: {  	[bflag:$0x0] =	sbarrier.arrive $0xFFFF  }
0x1e3: {  	_ =	strace $0x90000047  }
0x1e4: {  	s0 =	sadd.s32 @!p0 $0x100000, s0;
	[bflag:$0x2] =	sbarrier.arrive $0xFFFF  }
0x1e5: {  	[sflag:s0] =	ssyncadd.tile.s32 @!p0 $0x1;
	_ =	shalt  }
.Lfunc_end2:
_tile_overlayer_lowered:
.L_overlay_start_2:
0x1e6: {  	(tag) =	ssettag $0x2  }
0x1e7: {  	s0 =	rddreg [dreg:$0x0];
	s2 =	stileid.u32  }
0x1e8: {  	s1 =	rddreg [dreg:$0x1];
	p0 =	sne.s32 s2, $0x0  }
0x1e9: {  	s3 =	rddreg [dreg:$0x2];
	[bflag:$0x3] =	sbarrier.arrive $0xFFFF;
	s2 =	simm.s32 @!p0 $0x1C03  }
0x1ea: {  	[timem:s3], [sflag:s2] =	dma.local @!p0 [hbm:s0], s1  }
0x1eb: {  	s0 =	simm.s32 @!p0 $0x3  }
0x1ec: {  	_ =	swait.ge @!p0 [sflag:s0], s1  }
0x1ed: {  	s1 =	ssub.s32 @!p0 $0x0, s1;
	[sflag:s0] =	ssyncset.done @!p0 $0x0  }
0x1ee: {  	[sflag:s0] =	ssyncadd.s32 @!p0 s1  }
0x1ef: {  	[bflag:$0x3] =	sbarrier.arrive $0xFFFF  }
0x1f0: {  	_ =	shalt  }

</sc_bundles>
